<compile_context>
chip_gen: v7x
topology: tpu7x:2x2x1
jax: 0.10.2.dev20260603
libtpu: 0.0.44.dev20260713+nightly
codegen_flags: <defaults>
</compile_context>

<pallas_src>
import functools

import jax
import jax.numpy as jnp
from jax import lax
from jax.experimental import pallas as pl
from jax.experimental.pallas import tpu as pltpu
from jax.experimental.pallas import tpu_sc as plsc

VOCAB = 100000
DIM = 64
B = 4096
L = 50
N = B * L

NUM_CORES = 2
NUM_SUBCORES = 16
LANES = 16
NW = NUM_CORES * NUM_SUBCORES
PAIRS_PER_WORKER = N // NW
CHUNK = 128
CHUNKS_PER_WORKER = PAIRS_PER_WORKER // CHUNK
GROUPS = CHUNK // LANES
STRIDE17 = LANES + 1
QSTRIDE = STRIDE17 * LANES

_EPS2 = 1e-24


def _rsqrt(x):
    i = plsc.bitcast(x, jnp.int32)
    y = plsc.bitcast(jnp.int32(0x5F3759DF) - (i >> 1), jnp.float32)
    for _ in range(3):
        y = y * (1.5 - 0.5 * x * y * y)
    return y


def _body(idx1_hbm, idx2_hbm, table_hbm, out_hbm,
          idx1_v, idx2_v, r1a, r2a, r1b, r2b, out_v,
          stage, sem_a, sem_b):
    wid = lax.axis_index("s") * NUM_CORES + lax.axis_index("c")
    base = wid * PAIRS_PER_WORKER

    pltpu.sync_copy(idx1_hbm.at[pl.ds(base, PAIRS_PER_WORKER)], idx1_v)
    pltpu.sync_copy(idx2_hbm.at[pl.ds(base, PAIRS_PER_WORKER)], idx2_v)

    lane = lax.iota(jnp.int32, LANES)

    def start(c, d1, d2, sem):
        i1 = idx1_v.at[pl.ds(c * CHUNK, CHUNK)]
        i2 = idx2_v.at[pl.ds(c * CHUNK, CHUNK)]
        pltpu.async_copy(table_hbm.at[i1], d1, sem)
        pltpu.async_copy(table_hbm.at[i2], d2, sem)

    def wait(c, d1, d2, sem):
        i1 = idx1_v.at[pl.ds(c * CHUNK, CHUNK)]
        i2 = idx2_v.at[pl.ds(c * CHUNK, CHUNK)]
        pltpu.make_async_copy(table_hbm.at[i1], d1, sem).wait()
        pltpu.make_async_copy(table_hbm.at[i2], d2, sem).wait()

    lane17 = lane * STRIDE17

    def colsum(qbase):
        idx = lane17 + qbase
        y = plsc.load_gather(stage, [idx])
        for _ in range(1, LANES):
            idx = idx + 1
            y = y + plsc.load_gather(stage, [idx])
        return y

    def compute(c, d1, d2):
        @plsc.parallel_loop(0, GROUPS, unroll=2)
        def group_body(g):
            sbase = g * (3 * QSTRIDE)
            for u in range(LANES):
                p = g * LANES + u
                acc_d = None
                acc_1 = None
                acc_2 = None
                for k in range(DIM // LANES):
                    a = d1[p, pl.ds(k * LANES, LANES)]
                    b = d2[p, pl.ds(k * LANES, LANES)]
                    if acc_d is None:
                        acc_d, acc_1, acc_2 = a * b, a * a, b * b
                    else:
                        acc_d += a * b
                        acc_1 += a * a
                        acc_2 += b * b
                stage[pl.ds(sbase + u * STRIDE17, LANES)] = acc_d
                stage[pl.ds(sbase + QSTRIDE + u * STRIDE17, LANES)] = acc_1
                stage[pl.ds(sbase + 2 * QSTRIDE + u * STRIDE17, LANES)] = acc_2
            vd = colsum(sbase)
            v1 = jnp.maximum(colsum(sbase + QSTRIDE), _EPS2)
            v2 = jnp.maximum(colsum(sbase + 2 * QSTRIDE), _EPS2)
            cos = vd * _rsqrt(v1) * _rsqrt(v2)
            out_v[pl.ds(c * CHUNK + g * LANES, LANES)] = cos

    start(0, r1a, r2a, sem_a)
    start(1, r1b, r2b, sem_b)

    def loop_body(cc, carry):
        c0 = 2 * cc
        wait(c0, r1a, r2a, sem_a)
        compute(c0, r1a, r2a)

        @pl.when(cc < CHUNKS_PER_WORKER // 2 - 1)
        def _():
            start(c0 + 2, r1a, r2a, sem_a)

        wait(c0 + 1, r1b, r2b, sem_b)
        compute(c0 + 1, r1b, r2b)

        @pl.when(cc < CHUNKS_PER_WORKER // 2 - 1)
        def _():
            start(c0 + 3, r1b, r2b, sem_b)

        return carry

    lax.fori_loop(0, CHUNKS_PER_WORKER // 2, loop_body, jnp.int32(0))

    pltpu.sync_copy(out_v, out_hbm.at[pl.ds(base, PAIRS_PER_WORKER)])


@functools.partial(
    pl.kernel,
    out_type=jax.ShapeDtypeStruct((N,), jnp.float32),
    mesh=plsc.VectorSubcoreMesh(core_axis_name="c", subcore_axis_name="s"),
    compiler_params=pltpu.CompilerParams(
        needs_layout_passes=False, use_tc_tiling_on_sc=False
    ),
    scratch_types=[
        pltpu.VMEM((PAIRS_PER_WORKER,), jnp.int32),
        pltpu.VMEM((PAIRS_PER_WORKER,), jnp.int32),
        pltpu.VMEM((CHUNK, DIM), jnp.float32),
        pltpu.VMEM((CHUNK, DIM), jnp.float32),
        pltpu.VMEM((CHUNK, DIM), jnp.float32),
        pltpu.VMEM((CHUNK, DIM), jnp.float32),
        pltpu.VMEM((PAIRS_PER_WORKER,), jnp.float32),
        pltpu.VMEM((GROUPS * 3 * QSTRIDE,), jnp.float32),
        pltpu.SemaphoreType.DMA,
        pltpu.SemaphoreType.DMA,
    ],
)
def _sc_cosine(idx1_hbm, idx2_hbm, table_hbm, out_hbm, *scratch):
    _body(idx1_hbm, idx2_hbm, table_hbm, out_hbm, *scratch)


def kernel(idx1, idx2, table):
    out = _sc_cosine(idx1.reshape(N), idx2.reshape(N), table)
    return out.reshape(B, L)

# --- scband reference (transcript-rebuilt; emitter-appended) ---
"""Pipeline reference for scband-root-embeddings-47296179863614 (READ-ONLY COPY).

The authoritative reference and input builder live on the scoring server;
editing this copy changes nothing except your own understanding.
"""

import jax, jax.numpy as jnp
import numpy as np

VOCAB = 100000
DIM = 64
B = 4096
L = 50

def setup_inputs(seed: int = 0) -> dict:
    key = jax.random.key(seed)
    k1, k2, k3 = jax.random.split(key, 3)
    idx1 = jax.random.randint(k1, (B, L), 0, VOCAB, dtype=jnp.int64 if jax.config.jax_enable_x64 else jnp.int32).astype(jnp.int32)
    idx2 = jax.random.randint(k2, (B, L), 0, VOCAB, dtype=jnp.int32)
    table = jax.random.normal(k3, (VOCAB, DIM), dtype=jnp.float32)
    return {"idx1": idx1, "idx2": idx2, "table": table}

def _normalize(x, eps=1e-12):
    # matches torch.nn.functional.normalize(p=2, dim=-1): x / max(||x||, eps)
    norm = jnp.linalg.norm(x, axis=-1, keepdims=True)
    return x / jnp.maximum(norm, eps)

def reference(idx1, idx2, table):
    emb1 = jnp.take(table, idx1, axis=0)  # [B, L, DIM] gather (embedding lookup)
    emb2 = jnp.take(table, idx2, axis=0)
    e1 = _normalize(emb1)
    e2 = _normalize(emb2)
    return (e1 * e2).sum(axis=-1)  # cosine similarity [B, L]

if __name__ == "__main__":
    import jax
    _d = setup_inputs()
    print(jax.jit(kernel)(*tuple(_d.values())))

</pallas_src>

<mosaic_0001>
#map = affine_map<(d0, d1) -> (0)>
#map1 = affine_map<(d0, d1) -> (0, 0)>
module attributes {stable_mosaic.version = 14 : i64} {
  func.func @_sc_cosine(%arg0: i32, %arg1: i32, %arg2: memref<204800xi32, #tpu.memory_space<hbm>>, %arg3: memref<204800xi32, #tpu.memory_space<hbm>>, %arg4: memref<100000x64xf32, #tpu.memory_space<hbm>>, %arg5: memref<204800xf32, #tpu.memory_space<hbm>>, %arg6: memref<6400xi32, #tpu.memory_space<vmem>>, %arg7: memref<6400xi32, #tpu.memory_space<vmem>>, %arg8: memref<128x64xf32, #tpu.memory_space<vmem>>, %arg9: memref<128x64xf32, #tpu.memory_space<vmem>>, %arg10: memref<128x64xf32, #tpu.memory_space<vmem>>, %arg11: memref<128x64xf32, #tpu.memory_space<vmem>>, %arg12: memref<6400xf32, #tpu.memory_space<vmem>>, %arg13: memref<6528xf32, #tpu.memory_space<vmem>>, %arg14: memref<!tpu.dma_semaphore, #tpu.memory_space<semaphore_mem>>, %arg15: memref<!tpu.dma_semaphore, #tpu.memory_space<semaphore_mem>>) attributes {dimension_semantics = [#tpu.dimension_semantics<core_parallel>, #tpu.dimension_semantics<subcore_parallel>], iteration_bounds = array<i64: 2, 16>, scalar_prefetch = 0 : i64, scratch_operands = 10 : i64, tpu.core_type = #tpu.core_type<sc_vector_subcore>, window_params = [{transform_indices = #map}, {transform_indices = #map}, {transform_indices = #map1}, {transform_indices = #map}]} {
    %mul3A = arith.constant 2 : i32
    %mul3A_0 = arith.muli %arg1, %mul3A : i32
    %add3A = arith.addi %mul3A_0, %arg0 : i32
    %mul3A_1 = arith.constant 6400 : i32
    %mul3A_2 = arith.muli %add3A, %mul3A_1 : i32
    "tpu.region"() ({
      %run_scoped3A = tpu.sem_alloc : memref<!tpu.dma_semaphore, #tpu.memory_space<semaphore_mem>>
      %dma_start3A_30 = tpu.memref_slice %arg2[%mul3A_2] : memref<204800xi32, #tpu.memory_space<hbm>> -> memref<6400xi32, #tpu.memory_space<hbm>>
      %dma_start3A_31 = tpu.memref_slice %arg2[%mul3A_2] : memref<204800xi32, #tpu.memory_space<hbm>> -> memref<6400xi32, #tpu.memory_space<hbm>>
      tpu.enqueue_dma source(%dma_start3A_31 : memref<6400xi32, #tpu.memory_space<hbm>>) target(%arg6 : memref<6400xi32, #tpu.memory_space<vmem>>) target_semaphore(%run_scoped3A : memref<!tpu.dma_semaphore, #tpu.memory_space<semaphore_mem>>)
      %dma_wait3A = tpu.memref_slice %arg2[%mul3A_2] : memref<204800xi32, #tpu.memory_space<hbm>> -> memref<6400xi32, #tpu.memory_space<hbm>>
      %dma_wait3A_32 = tpu.memref_slice %arg2[%mul3A_2] : memref<204800xi32, #tpu.memory_space<hbm>> -> memref<6400xi32, #tpu.memory_space<hbm>>
      tpu.wait_dma2 semaphore(%run_scoped3A : memref<!tpu.dma_semaphore, #tpu.memory_space<semaphore_mem>>) src(%dma_wait3A_32 : memref<6400xi32, #tpu.memory_space<hbm>>) dst(%arg6 : memref<6400xi32, #tpu.memory_space<vmem>>)
      tpu.yield
    }) : () -> ()
    "tpu.region"() ({
      %run_scoped3A = tpu.sem_alloc : memref<!tpu.dma_semaphore, #tpu.memory_space<semaphore_mem>>
      %dma_start3A_30 = tpu.memref_slice %arg3[%mul3A_2] : memref<204800xi32, #tpu.memory_space<hbm>> -> memref<6400xi32, #tpu.memory_space<hbm>>
      %dma_start3A_31 = tpu.memref_slice %arg3[%mul3A_2] : memref<204800xi32, #tpu.memory_space<hbm>> -> memref<6400xi32, #tpu.memory_space<hbm>>
      tpu.enqueue_dma source(%dma_start3A_31 : memref<6400xi32, #tpu.memory_space<hbm>>) target(%arg7 : memref<6400xi32, #tpu.memory_space<vmem>>) target_semaphore(%run_scoped3A : memref<!tpu.dma_semaphore, #tpu.memory_space<semaphore_mem>>)
      %dma_wait3A = tpu.memref_slice %arg3[%mul3A_2] : memref<204800xi32, #tpu.memory_space<hbm>> -> memref<6400xi32, #tpu.memory_space<hbm>>
      %dma_wait3A_32 = tpu.memref_slice %arg3[%mul3A_2] : memref<204800xi32, #tpu.memory_space<hbm>> -> memref<6400xi32, #tpu.memory_space<hbm>>
      tpu.wait_dma2 semaphore(%run_scoped3A : memref<!tpu.dma_semaphore, #tpu.memory_space<semaphore_mem>>) src(%dma_wait3A_32 : memref<6400xi32, #tpu.memory_space<hbm>>) dst(%arg7 : memref<6400xi32, #tpu.memory_space<vmem>>)
      tpu.yield
    }) : () -> ()
    %iota3A = tpu.iota {dimensions = array<i32: 0>} : vector<16xi32>
    %mul3A_3 = arith.constant 17 : i32
    %mul3A_4 = vector.broadcast %mul3A_3 : i32 to vector<16xi32>
    %mul3A_5 = arith.muli %iota3A, %mul3A_4 : vector<16xi32>
    %dma_start3A = arith.constant 0 : i32
    %dma_start3A_6 = tpu.memref_slice %arg6[%dma_start3A] : memref<6400xi32, #tpu.memory_space<vmem>> -> memref<128xi32, #tpu.memory_space<vmem>>
    %dma_start3A_7 = arith.constant 0 : i32
    %dma_start3A_8 = arith.constant 0 : i32
    %dma_start3A_9 = tpu.memref_slice %arg4[%dma_start3A_7, %dma_start3A_8] : memref<100000x64xf32, #tpu.memory_space<hbm>> -> memref<100000x64xf32, #tpu.memory_space<hbm>>
    tpu.enqueue_indirect_dma source(%dma_start3A_9 : memref<100000x64xf32, #tpu.memory_space<hbm>>) target(%arg8 : memref<128x64xf32, #tpu.memory_space<vmem>>) offsets(%dma_start3A_6 : memref<128xi32, #tpu.memory_space<vmem>>) semaphore(%arg14 : memref<!tpu.dma_semaphore, #tpu.memory_space<semaphore_mem>>)
    %dma_start3A_10 = arith.constant 0 : i32
    %dma_start3A_11 = tpu.memref_slice %arg7[%dma_start3A_10] : memref<6400xi32, #tpu.memory_space<vmem>> -> memref<128xi32, #tpu.memory_space<vmem>>
    %dma_start3A_12 = arith.constant 0 : i32
    %dma_start3A_13 = arith.constant 0 : i32
    %dma_start3A_14 = tpu.memref_slice %arg4[%dma_start3A_12, %dma_start3A_13] : memref<100000x64xf32, #tpu.memory_space<hbm>> -> memref<100000x64xf32, #tpu.memory_space<hbm>>
    tpu.enqueue_indirect_dma source(%dma_start3A_14 : memref<100000x64xf32, #tpu.memory_space<hbm>>) target(%arg9 : memref<128x64xf32, #tpu.memory_space<vmem>>) offsets(%dma_start3A_11 : memref<128xi32, #tpu.memory_space<vmem>>) semaphore(%arg14 : memref<!tpu.dma_semaphore, #tpu.memory_space<semaphore_mem>>)
    %dma_start3A_15 = arith.constant 128 : i32
    %dma_start3A_16 = tpu.memref_slice %arg6[%dma_start3A_15] : memref<6400xi32, #tpu.memory_space<vmem>> -> memref<128xi32, #tpu.memory_space<vmem>>
    %dma_start3A_17 = arith.constant 0 : i32
    %dma_start3A_18 = arith.constant 0 : i32
    %dma_start3A_19 = tpu.memref_slice %arg4[%dma_start3A_17, %dma_start3A_18] : memref<100000x64xf32, #tpu.memory_space<hbm>> -> memref<100000x64xf32, #tpu.memory_space<hbm>>
    tpu.enqueue_indirect_dma source(%dma_start3A_19 : memref<100000x64xf32, #tpu.memory_space<hbm>>) target(%arg10 : memref<128x64xf32, #tpu.memory_space<vmem>>) offsets(%dma_start3A_16 : memref<128xi32, #tpu.memory_space<vmem>>) semaphore(%arg15 : memref<!tpu.dma_semaphore, #tpu.memory_space<semaphore_mem>>)
    %dma_start3A_20 = arith.constant 128 : i32
    %dma_start3A_21 = tpu.memref_slice %arg7[%dma_start3A_20] : memref<6400xi32, #tpu.memory_space<vmem>> -> memref<128xi32, #tpu.memory_space<vmem>>
    %dma_start3A_22 = arith.constant 0 : i32
    %dma_start3A_23 = arith.constant 0 : i32
    %dma_start3A_24 = tpu.memref_slice %arg4[%dma_start3A_22, %dma_start3A_23] : memref<100000x64xf32, #tpu.memory_space<hbm>> -> memref<100000x64xf32, #tpu.memory_space<hbm>>
    tpu.enqueue_indirect_dma source(%dma_start3A_24 : memref<100000x64xf32, #tpu.memory_space<hbm>>) target(%arg11 : memref<128x64xf32, #tpu.memory_space<vmem>>) offsets(%dma_start3A_21 : memref<128xi32, #tpu.memory_space<vmem>>) semaphore(%arg15 : memref<!tpu.dma_semaphore, #tpu.memory_space<semaphore_mem>>)
    %scan3A = arith.constant 0 : i32
    %scan3A_25 = arith.constant 0 : i32
    %scan3A_26 = arith.constant 25 : i32
    %scan3A_27 = arith.addi %scan3A_25, %scan3A_26 : i32
    %scan3A_28 = arith.constant 1 : i32
    scf.for %scan3A_30 = %scan3A_25 to %scan3A_27 step %scan3A_28  : i32 {
      %mul3A_31 = arith.constant 2 : i32
      %mul3A_32 = arith.muli %mul3A_31, %scan3A_30 : i32
      %mul3A_33 = arith.constant 128 : i32
      %mul3A_34 = arith.muli %mul3A_32, %mul3A_33 : i32
      %mul3A_35 = arith.constant 128 : i32
      %mul3A_36 = arith.muli %mul3A_32, %mul3A_35 : i32
      %dma_wait3A = tpu.memref_slice %arg6[%mul3A_34] : memref<6400xi32, #tpu.memory_space<vmem>> -> memref<128xi32, #tpu.memory_space<vmem>>
      %dma_wait3A_37 = arith.constant 0 : i32
      %dma_wait3A_38 = arith.constant 0 : i32
      %dma_wait3A_39 = tpu.memref_slice %arg4[%dma_wait3A_37, %dma_wait3A_38] : memref<100000x64xf32, #tpu.memory_space<hbm>> -> memref<100000x64xf32, #tpu.memory_space<hbm>>
      tpu.wait_indirect_dma semaphore(%arg14 : memref<!tpu.dma_semaphore, #tpu.memory_space<semaphore_mem>>) src(%dma_wait3A_39 : memref<100000x64xf32, #tpu.memory_space<hbm>>) dst(%arg8 : memref<128x64xf32, #tpu.memory_space<vmem>>)
      %dma_wait3A_40 = tpu.memref_slice %arg7[%mul3A_36] : memref<6400xi32, #tpu.memory_space<vmem>> -> memref<128xi32, #tpu.memory_space<vmem>>
      %dma_wait3A_41 = arith.constant 0 : i32
      %dma_wait3A_42 = arith.constant 0 : i32
      %dma_wait3A_43 = tpu.memref_slice %arg4[%dma_wait3A_41, %dma_wait3A_42] : memref<100000x64xf32, #tpu.memory_space<hbm>> -> memref<100000x64xf32, #tpu.memory_space<hbm>>
      tpu.wait_indirect_dma semaphore(%arg14 : memref<!tpu.dma_semaphore, #tpu.memory_space<semaphore_mem>>) src(%dma_wait3A_43 : memref<100000x64xf32, #tpu.memory_space<hbm>>) dst(%arg9 : memref<128x64xf32, #tpu.memory_space<vmem>>)
      %parallel_loop3A = arith.constant 0 : i32
      %parallel_loop3A_44 = arith.constant 8 : i32
      %parallel_loop3A_45 = arith.constant 1 : i32
      scf.for %parallel_loop3A_72 = %parallel_loop3A to %parallel_loop3A_44 step %parallel_loop3A_45  : i32 {
        %parallel_loop3A_73 = arith.constant 816 : i32
        %parallel_loop3A_74 = arith.muli %parallel_loop3A_72, %parallel_loop3A_73 : i32
        %parallel_loop3A_75 = arith.constant 16 : i32
        %parallel_loop3A_76 = arith.muli %parallel_loop3A_72, %parallel_loop3A_75 : i32
        %parallel_loop3A_77 = arith.constant 0 : i32
        %parallel_loop3A_78 = arith.addi %parallel_loop3A_76, %parallel_loop3A_77 : i32
        %parallel_loop3A_79 = arith.index_cast %parallel_loop3A_78 : i32 to index
        %parallel_loop3A_80 = arith.constant 0 : index
        %parallel_loop3A_81 = tpu.vector_load %arg8[%parallel_loop3A_79, %parallel_loop3A_80] {strides = array<i32>} : memref<128x64xf32, #tpu.memory_space<vmem>>, vector<16xf32>,
        %parallel_loop3A_82 = arith.index_cast %parallel_loop3A_78 : i32 to index
        %parallel_loop3A_83 = arith.constant 0 : index
        %parallel_loop3A_84 = tpu.vector_load %arg9[%parallel_loop3A_82, %parallel_loop3A_83] {strides = array<i32>} : memref<128x64xf32, #tpu.memory_space<vmem>>, vector<16xf32>,
        %parallel_loop3A_85 = arith.mulf %parallel_loop3A_81, %parallel_loop3A_84 : vector<16xf32>
        %parallel_loop3A_86 = arith.mulf %parallel_loop3A_81, %parallel_loop3A_81 : vector<16xf32>
        %parallel_loop3A_87 = arith.mulf %parallel_loop3A_84, %parallel_loop3A_84 : vector<16xf32>
        %parallel_loop3A_88 = arith.index_cast %parallel_loop3A_78 : i32 to index
        %parallel_loop3A_89 = arith.constant 16 : index
        %parallel_loop3A_90 = tpu.vector_load %arg8[%parallel_loop3A_88, %parallel_loop3A_89] {strides = array<i32>} : memref<128x64xf32, #tpu.memory_space<vmem>>, vector<16xf32>,
        %parallel_loop3A_91 = arith.index_cast %parallel_loop3A_78 : i32 to index
        %parallel_loop3A_92 = arith.constant 16 : index
        %parallel_loop3A_93 = tpu.vector_load %arg9[%parallel_loop3A_91, %parallel_loop3A_92] {strides = array<i32>} : memref<128x64xf32, #tpu.memory_space<vmem>>, vector<16xf32>,
        %parallel_loop3A_94 = arith.mulf %parallel_loop3A_90, %parallel_loop3A_93 : vector<16xf32>
        %parallel_loop3A_95 = arith.addf %parallel_loop3A_85, %parallel_loop3A_94 : vector<16xf32>
        %parallel_loop3A_96 = arith.mulf %parallel_loop3A_90, %parallel_loop3A_90 : vector<16xf32>
        %parallel_loop3A_97 = arith.addf %parallel_loop3A_86, %parallel_loop3A_96 : vector<16xf32>
        %parallel_loop3A_98 = arith.mulf %parallel_loop3A_93, %parallel_loop3A_93 : vector<16xf32>
        %parallel_loop3A_99 = arith.addf %parallel_loop3A_87, %parallel_loop3A_98 : vector<16xf32>
        %parallel_loop3A_100 = arith.index_cast %parallel_loop3A_78 : i32 to index
        %parallel_loop3A_101 = arith.constant 32 : index
        %parallel_loop3A_102 = tpu.vector_load %arg8[%parallel_loop3A_100, %parallel_loop3A_101] {strides = array<i32>} : memref<128x64xf32, #tpu.memory_space<vmem>>, vector<16xf32>,
        %parallel_loop3A_103 = arith.index_cast %parallel_loop3A_78 : i32 to index
        %parallel_loop3A_104 = arith.constant 32 : index
        %parallel_loop3A_105 = tpu.vector_load %arg9[%parallel_loop3A_103, %parallel_loop3A_104] {strides = array<i32>} : memref<128x64xf32, #tpu.memory_space<vmem>>, vector<16xf32>,
        %parallel_loop3A_106 = arith.mulf %parallel_loop3A_102, %parallel_loop3A_105 : vector<16xf32>
        %parallel_loop3A_107 = arith.addf %parallel_loop3A_95, %parallel_loop3A_106 : vector<16xf32>
        %parallel_loop3A_108 = arith.mulf %parallel_loop3A_102, %parallel_loop3A_102 : vector<16xf32>
        %parallel_loop3A_109 = arith.addf %parallel_loop3A_97, %parallel_loop3A_108 : vector<16xf32>
        %parallel_loop3A_110 = arith.mulf %parallel_loop3A_105, %parallel_loop3A_105 : vector<16xf32>
        %parallel_loop3A_111 = arith.addf %parallel_loop3A_99, %parallel_loop3A_110 : vector<16xf32>
        %parallel_loop3A_112 = arith.index_cast %parallel_loop3A_78 : i32 to index
        %parallel_loop3A_113 = arith.constant 48 : index
        %parallel_loop3A_114 = tpu.vector_load %arg8[%parallel_loop3A_112, %parallel_loop3A_113] {strides = array<i32>} : memref<128x64xf32, #tpu.memory_space<vmem>>, vector<16xf32>,
        %parallel_loop3A_115 = arith.index_cast %parallel_loop3A_78 : i32 to index
        %parallel_loop3A_116 = arith.constant 48 : index
        %parallel_loop3A_117 = tpu.vector_load %arg9[%parallel_loop3A_115, %parallel_loop3A_116] {strides = array<i32>} : memref<128x64xf32, #tpu.memory_space<vmem>>, vector<16xf32>,
        %parallel_loop3A_118 = arith.mulf %parallel_loop3A_114, %parallel_loop3A_117 : vector<16xf32>
        %parallel_loop3A_119 = arith.addf %parallel_loop3A_107, %parallel_loop3A_118 : vector<16xf32>
        %parallel_loop3A_120 = arith.mulf %parallel_loop3A_114, %parallel_loop3A_114 : vector<16xf32>
        %parallel_loop3A_121 = arith.addf %parallel_loop3A_109, %parallel_loop3A_120 : vector<16xf32>
        %parallel_loop3A_122 = arith.mulf %parallel_loop3A_117, %parallel_loop3A_117 : vector<16xf32>
        %parallel_loop3A_123 = arith.addf %parallel_loop3A_111, %parallel_loop3A_122 : vector<16xf32>
        %parallel_loop3A_124 = arith.constant 0 : i32
        %parallel_loop3A_125 = arith.addi %parallel_loop3A_74, %parallel_loop3A_124 : i32
        %parallel_loop3A_126 = arith.index_cast %parallel_loop3A_125 : i32 to index
        %parallel_loop3A_127 = tpu.vector_load %arg13[%parallel_loop3A_126] {strides = array<i32>} : memref<6528xf32, #tpu.memory_space<vmem>>, vector<16xf32>,
        tpu.vector_store %arg13[%parallel_loop3A_126], %parallel_loop3A_119 {strides = array<i32>} : memref<6528xf32, #tpu.memory_space<vmem>>, vector<16xf32>,
        %parallel_loop3A_128 = arith.constant 272 : i32
        %parallel_loop3A_129 = arith.addi %parallel_loop3A_74, %parallel_loop3A_128 : i32
        %parallel_loop3A_130 = arith.constant 0 : i32
        %parallel_loop3A_131 = arith.addi %parallel_loop3A_129, %parallel_loop3A_130 : i32
        %parallel_loop3A_132 = arith.index_cast %parallel_loop3A_131 : i32 to index
        %parallel_loop3A_133 = tpu.vector_load %arg13[%parallel_loop3A_132] {strides = array<i32>} : memref<6528xf32, #tpu.memory_space<vmem>>, vector<16xf32>,
        tpu.vector_store %arg13[%parallel_loop3A_132], %parallel_loop3A_121 {strides = array<i32>} : memref<6528xf32, #tpu.memory_space<vmem>>, vector<16xf32>,
        %parallel_loop3A_134 = arith.constant 544 : i32
        %parallel_loop3A_135 = arith.addi %parallel_loop3A_74, %parallel_loop3A_134 : i32
        %parallel_loop3A_136 = arith.constant 0 : i32
        %parallel_loop3A_137 = arith.addi %parallel_loop3A_135, %parallel_loop3A_136 : i32
        %parallel_loop3A_138 = arith.index_cast %parallel_loop3A_137 : i32 to index
        %parallel_loop3A_139 = tpu.vector_load %arg13[%parallel_loop3A_138] {strides = array<i32>} : memref<6528xf32, #tpu.memory_space<vmem>>, vector<16xf32>,
        tpu.vector_store %arg13[%parallel_loop3A_138], %parallel_loop3A_123 {strides = array<i32>} : memref<6528xf32, #tpu.memory_space<vmem>>, vector<16xf32>,
        %parallel_loop3A_140 = arith.constant 16 : i32
        %parallel_loop3A_141 = arith.muli %parallel_loop3A_72, %parallel_loop3A_140 : i32
        %parallel_loop3A_142 = arith.constant 1 : i32
        %parallel_loop3A_143 = arith.addi %parallel_loop3A_141, %parallel_loop3A_142 : i32
        %parallel_loop3A_144 = arith.index_cast %parallel_loop3A_143 : i32 to index
        %parallel_loop3A_145 = arith.constant 0 : index
        %parallel_loop3A_146 = tpu.vector_load %arg8[%parallel_loop3A_144, %parallel_loop3A_145] {strides = array<i32>} : memref<128x64xf32, #tpu.memory_space<vmem>>, vector<16xf32>,
        %parallel_loop3A_147 = arith.index_cast %parallel_loop3A_143 : i32 to index
        %parallel_loop3A_148 = arith.constant 0 : index
        %parallel_loop3A_149 = tpu.vector_load %arg9[%parallel_loop3A_147, %parallel_loop3A_148] {strides = array<i32>} : memref<128x64xf32, #tpu.memory_space<vmem>>, vector<16xf32>,
        %parallel_loop3A_150 = arith.mulf %parallel_loop3A_146, %parallel_loop3A_149 : vector<16xf32>
        %parallel_loop3A_151 = arith.mulf %parallel_loop3A_146, %parallel_loop3A_146 : vector<16xf32>
        %parallel_loop3A_152 = arith.mulf %parallel_loop3A_149, %parallel_loop3A_149 : vector<16xf32>
        %parallel_loop3A_153 = arith.index_cast %parallel_loop3A_143 : i32 to index
        %parallel_loop3A_154 = arith.constant 16 : index
        %parallel_loop3A_155 = tpu.vector_load %arg8[%parallel_loop3A_153, %parallel_loop3A_154] {strides = array<i32>} : memref<128x64xf32, #tpu.memory_space<vmem>>, vector<16xf32>,
        %parallel_loop3A_156 = arith.index_cast %parallel_loop3A_143 : i32 to index
        %parallel_loop3A_157 = arith.constant 16 : index
        %parallel_loop3A_158 = tpu.vector_load %arg9[%parallel_loop3A_156, %parallel_loop3A_157] {strides = array<i32>} : memref<128x64xf32, #tpu.memory_space<vmem>>, vector<16xf32>,
        %parallel_loop3A_159 = arith.mulf %parallel_loop3A_155, %parallel_loop3A_158 : vector<16xf32>
        %parallel_loop3A_160 = arith.addf %parallel_loop3A_150, %parallel_loop3A_159 : vector<16xf32>
        %parallel_loop3A_161 = arith.mulf %parallel_loop3A_155, %parallel_loop3A_155 : vector<16xf32>
        %parallel_loop3A_162 = arith.addf %parallel_loop3A_151, %parallel_loop3A_161 : vector<16xf32>
        %parallel_loop3A_163 = arith.mulf %parallel_loop3A_158, %parallel_loop3A_158 : vector<16xf32>
        %parallel_loop3A_164 = arith.addf %parallel_loop3A_152, %parallel_loop3A_163 : vector<16xf32>
        %parallel_loop3A_165 = arith.index_cast %parallel_loop3A_143 : i32 to index
        %parallel_loop3A_166 = arith.constant 32 : index
        %parallel_loop3A_167 = tpu.vector_load %arg8[%parallel_loop3A_165, %parallel_loop3A_166] {strides = array<i32>} : memref<128x64xf32, #tpu.memory_space<vmem>>, vector<16xf32>,
        %parallel_loop3A_168 = arith.index_cast %parallel_loop3A_143 : i32 to index
        %parallel_loop3A_169 = arith.constant 32 : index
        %parallel_loop3A_170 = tpu.vector_load %arg9[%parallel_loop3A_168, %parallel_loop3A_169] {strides = array<i32>} : memref<128x64xf32, #tpu.memory_space<vmem>>, vector<16xf32>,
        %parallel_loop3A_171 = arith.mulf %parallel_loop3A_167, %parallel_loop3A_170 : vector<16xf32>
        %parallel_loop3A_172 = arith.addf %parallel_loop3A_160, %parallel_loop3A_171 : vector<16xf32>
        %parallel_loop3A_173 = arith.mulf %parallel_loop3A_167, %parallel_loop3A_167 : vector<16xf32>
        %parallel_loop3A_174 = arith.addf %parallel_loop3A_162, %parallel_loop3A_173 : vector<16xf32>
        %parallel_loop3A_175 = arith.mulf %parallel_loop3A_170, %parallel_loop3A_170 : vector<16xf32>
        %parallel_loop3A_176 = arith.addf %parallel_loop3A_164, %parallel_loop3A_175 : vector<16xf32>
        %parallel_loop3A_177 = arith.index_cast %parallel_loop3A_143 : i32 to index
        %parallel_loop3A_178 = arith.constant 48 : index
        %parallel_loop3A_179 = tpu.vector_load %arg8[%parallel_loop3A_177, %parallel_loop3A_178] {strides = array<i32>} : memref<128x64xf32, #tpu.memory_space<vmem>>, vector<16xf32>,
        %parallel_loop3A_180 = arith.index_cast %parallel_loop3A_143 : i32 to index
        %parallel_loop3A_181 = arith.constant 48 : index
        %parallel_loop3A_182 = tpu.vector_load %arg9[%parallel_loop3A_180, %parallel_loop3A_181] {strides = array<i32>} : memref<128x64xf32, #tpu.memory_space<vmem>>, vector<16xf32>,
        %parallel_loop3A_183 = arith.mulf %parallel_loop3A_179, %parallel_loop3A_182 : vector<16xf32>
        %parallel_loop3A_184 = arith.addf %parallel_loop3A_172, %parallel_loop3A_183 : vector<16xf32>
        %parallel_loop3A_185 = arith.mulf %parallel_loop3A_179, %parallel_loop3A_179 : vector<16xf32>
        %parallel_loop3A_186 = arith.addf %parallel_loop3A_174, %parallel_loop3A_185 : vector<16xf32>
        %parallel_loop3A_187 = arith.mulf %parallel_loop3A_182, %parallel_loop3A_182 : vector<16xf32>
        %parallel_loop3A_188 = arith.addf %parallel_loop3A_176, %parallel_loop3A_187 : vector<16xf32>
        %parallel_loop3A_189 = arith.constant 17 : i32
        %parallel_loop3A_190 = arith.addi %parallel_loop3A_74, %parallel_loop3A_189 : i32
        %parallel_loop3A_191 = arith.index_cast %parallel_loop3A_190 : i32 to index
        %parallel_loop3A_192 = tpu.vector_load %arg13[%parallel_loop3A_191] {strides = array<i32>} : memref<6528xf32, #tpu.memory_space<vmem>>, vector<16xf32>,
        tpu.vector_store %arg13[%parallel_loop3A_191], %parallel_loop3A_184 {strides = array<i32>} : memref<6528xf32, #tpu.memory_space<vmem>>, vector<16xf32>,
        %parallel_loop3A_193 = arith.constant 272 : i32
        %parallel_loop3A_194 = arith.addi %parallel_loop3A_74, %parallel_loop3A_193 : i32
        %parallel_loop3A_195 = arith.constant 17 : i32
        %parallel_loop3A_196 = arith.addi %parallel_loop3A_194, %parallel_loop3A_195 : i32
        %parallel_loop3A_197 = arith.index_cast %parallel_loop3A_196 : i32 to index
        %parallel_loop3A_198 = tpu.vector_load %arg13[%parallel_loop3A_197] {strides = array<i32>} : memref<6528xf32, #tpu.memory_space<vmem>>, vector<16xf32>,
        tpu.vector_store %arg13[%parallel_loop3A_197], %parallel_loop3A_186 {strides = array<i32>} : memref<6528xf32, #tpu.memory_space<vmem>>, vector<16xf32>,
        %parallel_loop3A_199 = arith.constant 544 : i32
        %parallel_loop3A_200 = arith.addi %parallel_loop3A_74, %parallel_loop3A_199 : i32
        %parallel_loop3A_201 = arith.constant 17 : i32
        %parallel_loop3A_202 = arith.addi %parallel_loop3A_200, %parallel_loop3A_201 : i32
        %parallel_loop3A_203 = arith.index_cast %parallel_loop3A_202 : i32 to index
        %parallel_loop3A_204 = tpu.vector_load %arg13[%parallel_loop3A_203] {strides = array<i32>} : memref<6528xf32, #tpu.memory_space<vmem>>, vector<16xf32>,
        tpu.vector_store %arg13[%parallel_loop3A_203], %parallel_loop3A_188 {strides = array<i32>} : memref<6528xf32, #tpu.memory_space<vmem>>, vector<16xf32>,
        %parallel_loop3A_205 = arith.constant 16 : i32
        %parallel_loop3A_206 = arith.muli %parallel_loop3A_72, %parallel_loop3A_205 : i32
        %parallel_loop3A_207 = arith.constant 2 : i32
        %parallel_loop3A_208 = arith.addi %parallel_loop3A_206, %parallel_loop3A_207 : i32
        %parallel_loop3A_209 = arith.index_cast %parallel_loop3A_208 : i32 to index
        %parallel_loop3A_210 = arith.constant 0 : index
        %parallel_loop3A_211 = tpu.vector_load %arg8[%parallel_loop3A_209, %parallel_loop3A_210] {strides = array<i32>} : memref<128x64xf32, #tpu.memory_space<vmem>>, vector<16xf32>,
        %parallel_loop3A_212 = arith.index_cast %parallel_loop3A_208 : i32 to index
        %parallel_loop3A_213 = arith.constant 0 : index
        %parallel_loop3A_214 = tpu.vector_load %arg9[%parallel_loop3A_212, %parallel_loop3A_213] {strides = array<i32>} : memref<128x64xf32, #tpu.memory_space<vmem>>, vector<16xf32>,
        %parallel_loop3A_215 = arith.mulf %parallel_loop3A_211, %parallel_loop3A_214 : vector<16xf32>
        %parallel_loop3A_216 = arith.mulf %parallel_loop3A_211, %parallel_loop3A_211 : vector<16xf32>
        %parallel_loop3A_217 = arith.mulf %parallel_loop3A_214, %parallel_loop3A_214 : vector<16xf32>
        %parallel_loop3A_218 = arith.index_cast %parallel_loop3A_208 : i32 to index
        %parallel_loop3A_219 = arith.constant 16 : index
        %parallel_loop3A_220 = tpu.vector_load %arg8[%parallel_loop3A_218, %parallel_loop3A_219] {strides = array<i32>} : memref<128x64xf32, #tpu.memory_space<vmem>>, vector<16xf32>,
        %parallel_loop3A_221 = arith.index_cast %parallel_loop3A_208 : i32 to index
        %parallel_loop3A_222 = arith.constant 16 : index
        %parallel_loop3A_223 = tpu.vector_load %arg9[%parallel_loop3A_221, %parallel_loop3A_222] {strides = array<i32>} : memref<128x64xf32, #tpu.memory_space<vmem>>, vector<16xf32>,
        %parallel_loop3A_224 = arith.mulf %parallel_loop3A_220, %parallel_loop3A_223 : vector<16xf32>
        %parallel_loop3A_225 = arith.addf %parallel_loop3A_215, %parallel_loop3A_224 : vector<16xf32>
        %parallel_loop3A_226 = arith.mulf %parallel_loop3A_220, %parallel_loop3A_220 : vector<16xf32>
        %parallel_loop3A_227 = arith.addf %parallel_loop3A_216, %parallel_loop3A_226 : vector<16xf32>
        %parallel_loop3A_228 = arith.mulf %parallel_loop3A_223, %parallel_loop3A_223 : vector<16xf32>
        %parallel_loop3A_229 = arith.addf %parallel_loop3A_217, %parallel_loop3A_228 : vector<16xf32>
        %parallel_loop3A_230 = arith.index_cast %parallel_loop3A_208 : i32 to index
        %parallel_loop3A_231 = arith.constant 32 : index
        %parallel_loop3A_232 = tpu.vector_load %arg8[%parallel_loop3A_230, %parallel_loop3A_231] {strides = array<i32>} : memref<128x64xf32, #tpu.memory_space<vmem>>, vector<16xf32>,
        %parallel_loop3A_233 = arith.index_cast %parallel_loop3A_208 : i32 to index
        %parallel_loop3A_234 = arith.constant 32 : index
        %parallel_loop3A_235 = tpu.vector_load %arg9[%parallel_loop3A_233, %parallel_loop3A_234] {strides = array<i32>} : memref<128x64xf32, #tpu.memory_space<vmem>>, vector<16xf32>,
        %parallel_loop3A_236 = arith.mulf %parallel_loop3A_232, %parallel_loop3A_235 : vector<16xf32>
        %parallel_loop3A_237 = arith.addf %parallel_loop3A_225, %parallel_loop3A_236 : vector<16xf32>
        %parallel_loop3A_238 = arith.mulf %parallel_loop3A_232, %parallel_loop3A_232 : vector<16xf32>
        %parallel_loop3A_239 = arith.addf %parallel_loop3A_227, %parallel_loop3A_238 : vector<16xf32>
        %parallel_loop3A_240 = arith.mulf %parallel_loop3A_235, %parallel_loop3A_235 : vector<16xf32>
        %parallel_loop3A_241 = arith.addf %parallel_loop3A_229, %parallel_loop3A_240 : vector<16xf32>
        %parallel_loop3A_242 = arith.index_cast %parallel_loop3A_208 : i32 to index
        %parallel_loop3A_243 = arith.constant 48 : index
        %parallel_loop3A_244 = tpu.vector_load %arg8[%parallel_loop3A_242, %parallel_loop3A_243] {strides = array<i32>} : memref<128x64xf32, #tpu.memory_space<vmem>>, vector<16xf32>,
        %parallel_loop3A_245 = arith.index_cast %parallel_loop3A_208 : i32 to index
        %parallel_loop3A_246 = arith.constant 48 : index
        %parallel_loop3A_247 = tpu.vector_load %arg9[%parallel_loop3A_245, %parallel_loop3A_246] {strides = array<i32>} : memref<128x64xf32, #tpu.memory_space<vmem>>, vector<16xf32>,
        %parallel_loop3A_248 = arith.mulf %parallel_loop3A_244, %parallel_loop3A_247 : vector<16xf32>
        %parallel_loop3A_249 = arith.addf %parallel_loop3A_237, %parallel_loop3A_248 : vector<16xf32>
        %parallel_loop3A_250 = arith.mulf %parallel_loop3A_244, %parallel_loop3A_244 : vector<16xf32>
        %parallel_loop3A_251 = arith.addf %parallel_loop3A_239, %parallel_loop3A_250 : vector<16xf32>
        %parallel_loop3A_252 = arith.mulf %parallel_loop3A_247, %parallel_loop3A_247 : vector<16xf32>
        %parallel_loop3A_253 = arith.addf %parallel_loop3A_241, %parallel_loop3A_252 : vector<16xf32>
        %parallel_loop3A_254 = arith.constant 34 : i32
        %parallel_loop3A_255 = arith.addi %parallel_loop3A_74, %parallel_loop3A_254 : i32
        %parallel_loop3A_256 = arith.index_cast %parallel_loop3A_255 : i32 to index
        %parallel_loop3A_257 = tpu.vector_load %arg13[%parallel_loop3A_256] {strides = array<i32>} : memref<6528xf32, #tpu.memory_space<vmem>>, vector<16xf32>,
        tpu.vector_store %arg13[%parallel_loop3A_256], %parallel_loop3A_249 {strides = array<i32>} : memref<6528xf32, #tpu.memory_space<vmem>>, vector<16xf32>,
        %parallel_loop3A_258 = arith.constant 272 : i32
        %parallel_loop3A_259 = arith.addi %parallel_loop3A_74, %parallel_loop3A_258 : i32
        %parallel_loop3A_260 = arith.constant 34 : i32
        %parallel_loop3A_261 = arith.addi %parallel_loop3A_259, %parallel_loop3A_260 : i32
        %parallel_loop3A_262 = arith.index_cast %parallel_loop3A_261 : i32 to index
        %parallel_loop3A_263 = tpu.vector_load %arg13[%parallel_loop3A_262] {strides = array<i32>} : memref<6528xf32, #tpu.memory_space<vmem>>, vector<16xf32>,
        tpu.vector_store %arg13[%parallel_loop3A_262], %parallel_loop3A_251 {strides = array<i32>} : memref<6528xf32, #tpu.memory_space<vmem>>, vector<16xf32>,
        %parallel_loop3A_264 = arith.constant 544 : i32
        %parallel_loop3A_265 = arith.addi %parallel_loop3A_74, %parallel_loop3A_264 : i32
        %parallel_loop3A_266 = arith.constant 34 : i32
        %parallel_loop3A_267 = arith.addi %parallel_loop3A_265, %parallel_loop3A_266 : i32
        %parallel_loop3A_268 = arith.index_cast %parallel_loop3A_267 : i32 to index
        %parallel_loop3A_269 = tpu.vector_load %arg13[%parallel_loop3A_268] {strides = array<i32>} : memref<6528xf32, #tpu.memory_space<vmem>>, vector<16xf32>,
        tpu.vector_store %arg13[%parallel_loop3A_268], %parallel_loop3A_253 {strides = array<i32>} : memref<6528xf32, #tpu.memory_space<vmem>>, vector<16xf32>,
        %parallel_loop3A_270 = arith.constant 16 : i32
        %parallel_loop3A_271 = arith.muli %parallel_loop3A_72, %parallel_loop3A_270 : i32
        %parallel_loop3A_272 = arith.constant 3 : i32
        %parallel_loop3A_273 = arith.addi %parallel_loop3A_271, %parallel_loop3A_272 : i32
        %parallel_loop3A_274 = arith.index_cast %parallel_loop3A_273 : i32 to index
        %parallel_loop3A_275 = arith.constant 0 : index
        %parallel_loop3A_276 = tpu.vector_load %arg8[%parallel_loop3A_274, %parallel_loop3A_275] {strides = array<i32>} : memref<128x64xf32, #tpu.memory_space<vmem>>, vector<16xf32>,
        %parallel_loop3A_277 = arith.index_cast %parallel_loop3A_273 : i32 to index
        %parallel_loop3A_278 = arith.constant 0 : index
        %parallel_loop3A_279 = tpu.vector_load %arg9[%parallel_loop3A_277, %parallel_loop3A_278] {strides = array<i32>} : memref<128x64xf32, #tpu.memory_space<vmem>>, vector<16xf32>,
        %parallel_loop3A_280 = arith.mulf %parallel_loop3A_276, %parallel_loop3A_279 : vector<16xf32>
        %parallel_loop3A_281 = arith.mulf %parallel_loop3A_276, %parallel_loop3A_276 : vector<16xf32>
        %parallel_loop3A_282 = arith.mulf %parallel_loop3A_279, %parallel_loop3A_279 : vector<16xf32>
        %parallel_loop3A_283 = arith.index_cast %parallel_loop3A_273 : i32 to index
        %parallel_loop3A_284 = arith.constant 16 : index
        %parallel_loop3A_285 = tpu.vector_load %arg8[%parallel_loop3A_283, %parallel_loop3A_284] {strides = array<i32>} : memref<128x64xf32, #tpu.memory_space<vmem>>, vector<16xf32>,
        %parallel_loop3A_286 = arith.index_cast %parallel_loop3A_273 : i32 to index
        %parallel_loop3A_287 = arith.constant 16 : index
        %parallel_loop3A_288 = tpu.vector_load %arg9[%parallel_loop3A_286, %parallel_loop3A_287] {strides = array<i32>} : memref<128x64xf32, #tpu.memory_space<vmem>>, vector<16xf32>,
        %parallel_loop3A_289 = arith.mulf %parallel_loop3A_285, %parallel_loop3A_288 : vector<16xf32>
        %parallel_loop3A_290 = arith.addf %parallel_loop3A_280, %parallel_loop3A_289 : vector<16xf32>
        %parallel_loop3A_291 = arith.mulf %parallel_loop3A_285, %parallel_loop3A_285 : vector<16xf32>
        %parallel_loop3A_292 = arith.addf %parallel_loop3A_281, %parallel_loop3A_291 : vector<16xf32>
        %parallel_loop3A_293 = arith.mulf %parallel_loop3A_288, %parallel_loop3A_288 : vector<16xf32>
        %parallel_loop3A_294 = arith.addf %parallel_loop3A_282, %parallel_loop3A_293 : vector<16xf32>
        %parallel_loop3A_295 = arith.index_cast %parallel_loop3A_273 : i32 to index
        %parallel_loop3A_296 = arith.constant 32 : index
        %parallel_loop3A_297 = tpu.vector_load %arg8[%parallel_loop3A_295, %parallel_loop3A_296] {strides = array<i32>} : memref<128x64xf32, #tpu.memory_space<vmem>>, vector<16xf32>,
        %parallel_loop3A_298 = arith.index_cast %parallel_loop3A_273 : i32 to index
        %parallel_loop3A_299 = arith.constant 32 : index
        %parallel_loop3A_300 = tpu.vector_load %arg9[%parallel_loop3A_298, %parallel_loop3A_299] {strides = array<i32>} : memref<128x64xf32, #tpu.memory_space<vmem>>, vector<16xf32>,
        %parallel_loop3A_301 = arith.mulf %parallel_loop3A_297, %parallel_loop3A_300 : vector<16xf32>
        %parallel_loop3A_302 = arith.addf %parallel_loop3A_290, %parallel_loop3A_301 : vector<16xf32>
        %parallel_loop3A_303 = arith.mulf %parallel_loop3A_297, %parallel_loop3A_297 : vector<16xf32>
        %parallel_loop3A_304 = arith.addf %parallel_loop3A_292, %parallel_loop3A_303 : vector<16xf32>
        %parallel_loop3A_305 = arith.mulf %parallel_loop3A_300, %parallel_loop3A_300 : vector<16xf32>
        %parallel_loop3A_306 = arith.addf %parallel_loop3A_294, %parallel_loop3A_305 : vector<16xf32>
        %parallel_loop3A_307 = arith.index_cast %parallel_loop3A_273 : i32 to index
        %parallel_loop3A_308 = arith.constant 48 : index
        %parallel_loop3A_309 = tpu.vector_load %arg8[%parallel_loop3A_307, %parallel_loop3A_308] {strides = array<i32>} : memref<128x64xf32, #tpu.memory_space<vmem>>, vector<16xf32>,
        %parallel_loop3A_310 = arith.index_cast %parallel_loop3A_273 : i32 to index
        %parallel_loop3A_311 = arith.constant 48 : index
        %parallel_loop3A_312 = tpu.vector_load %arg9[%parallel_loop3A_310, %parallel_loop3A_311] {strides = array<i32>} : memref<128x64xf32, #tpu.memory_space<vmem>>, vector<16xf32>,
        %parallel_loop3A_313 = arith.mulf %parallel_loop3A_309, %parallel_loop3A_312 : vector<16xf32>
        %parallel_loop3A_314 = arith.addf %parallel_loop3A_302, %parallel_loop3A_313 : vector<16xf32>
        %parallel_loop3A_315 = arith.mulf %parallel_loop3A_309, %parallel_loop3A_309 : vector<16xf32>
        %parallel_loop3A_316 = arith.addf %parallel_loop3A_304, %parallel_loop3A_315 : vector<16xf32>
        %parallel_loop3A_317 = arith.mulf %parallel_loop3A_312, %parallel_loop3A_312 : vector<16xf32>
        %parallel_loop3A_318 = arith.addf %parallel_loop3A_306, %parallel_loop3A_317 : vector<16xf32>
        %parallel_loop3A_319 = arith.constant 51 : i32
        %parallel_loop3A_320 = arith.addi %parallel_loop3A_74, %parallel_loop3A_319 : i32
        %parallel_loop3A_321 = arith.index_cast %parallel_loop3A_320 : i32 to index
        %parallel_loop3A_322 = tpu.vector_load %arg13[%parallel_loop3A_321] {strides = array<i32>} : memref<6528xf32, #tpu.memory_space<vmem>>, vector<16xf32>,
        tpu.vector_store %arg13[%parallel_loop3A_321], %parallel_loop3A_314 {strides = array<i32>} : memref<6528xf32, #tpu.memory_space<vmem>>, vector<16xf32>,
        %parallel_loop3A_323 = arith.constant 272 : i32
        %parallel_loop3A_324 = arith.addi %parallel_loop3A_74, %parallel_loop3A_323 : i32
        %parallel_loop3A_325 = arith.constant 51 : i32
        %parallel_loop3A_326 = arith.addi %parallel_loop3A_324, %parallel_loop3A_325 : i32
        %parallel_loop3A_327 = arith.index_cast %parallel_loop3A_326 : i32 to index
        %parallel_loop3A_328 = tpu.vector_load %arg13[%parallel_loop3A_327] {strides = array<i32>} : memref<6528xf32, #tpu.memory_space<vmem>>, vector<16xf32>,
        tpu.vector_store %arg13[%parallel_loop3A_327], %parallel_loop3A_316 {strides = array<i32>} : memref<6528xf32, #tpu.memory_space<vmem>>, vector<16xf32>,
        %parallel_loop3A_329 = arith.constant 544 : i32
        %parallel_loop3A_330 = arith.addi %parallel_loop3A_74, %parallel_loop3A_329 : i32
        %parallel_loop3A_331 = arith.constant 51 : i32
        %parallel_loop3A_332 = arith.addi %parallel_loop3A_330, %parallel_loop3A_331 : i32
        %parallel_loop3A_333 = arith.index_cast %parallel_loop3A_332 : i32 to index
        %parallel_loop3A_334 = tpu.vector_load %arg13[%parallel_loop3A_333] {strides = array<i32>} : memref<6528xf32, #tpu.memory_space<vmem>>, vector<16xf32>,
        tpu.vector_store %arg13[%parallel_loop3A_333], %parallel_loop3A_318 {strides = array<i32>} : memref<6528xf32, #tpu.memory_space<vmem>>, vector<16xf32>,
        %parallel_loop3A_335 = arith.constant 16 : i32
        %parallel_loop3A_336 = arith.muli %parallel_loop3A_72, %parallel_loop3A_335 : i32
        %parallel_loop3A_337 = arith.constant 4 : i32
        %parallel_loop3A_338 = arith.addi %parallel_loop3A_336, %parallel_loop3A_337 : i32
        %parallel_loop3A_339 = arith.index_cast %parallel_loop3A_338 : i32 to index
        %parallel_loop3A_340 = arith.constant 0 : index
        %parallel_loop3A_341 = tpu.vector_load %arg8[%parallel_loop3A_339, %parallel_loop3A_340] {strides = array<i32>} : memref<128x64xf32, #tpu.memory_space<vmem>>, vector<16xf32>,
        %parallel_loop3A_342 = arith.index_cast %parallel_loop3A_338 : i32 to index
        %parallel_loop3A_343 = arith.constant 0 : index
        %parallel_loop3A_344 = tpu.vector_load %arg9[%parallel_loop3A_342, %parallel_loop3A_343] {strides = array<i32>} : memref<128x64xf32, #tpu.memory_space<vmem>>, vector<16xf32>,
        %parallel_loop3A_345 = arith.mulf %parallel_loop3A_341, %parallel_loop3A_344 : vector<16xf32>
        %parallel_loop3A_346 = arith.mulf %parallel_loop3A_341, %parallel_loop3A_341 : vector<16xf32>
        %parallel_loop3A_347 = arith.mulf %parallel_loop3A_344, %parallel_loop3A_344 : vector<16xf32>
        %parallel_loop3A_348 = arith.index_cast %parallel_loop3A_338 : i32 to index
        %parallel_loop3A_349 = arith.constant 16 : index
        %parallel_loop3A_350 = tpu.vector_load %arg8[%parallel_loop3A_348, %parallel_loop3A_349] {strides = array<i32>} : memref<128x64xf32, #tpu.memory_space<vmem>>, vector<16xf32>,
        %parallel_loop3A_351 = arith.index_cast %parallel_loop3A_338 : i32 to index
        %parallel_loop3A_352 = arith.constant 16 : index
        %parallel_loop3A_353 = tpu.vector_load %arg9[%parallel_loop3A_351, %parallel_loop3A_352] {strides = array<i32>} : memref<128x64xf32, #tpu.memory_space<vmem>>, vector<16xf32>,
        %parallel_loop3A_354 = arith.mulf %parallel_loop3A_350, %parallel_loop3A_353 : vector<16xf32>
        %parallel_loop3A_355 = arith.addf %parallel_loop3A_345, %parallel_loop3A_354 : vector<16xf32>
        %parallel_loop3A_356 = arith.mulf %parallel_loop3A_350, %parallel_loop3A_350 : vector<16xf32>
        %parallel_loop3A_357 = arith.addf %parallel_loop3A_346, %parallel_loop3A_356 : vector<16xf32>
        %parallel_loop3A_358 = arith.mulf %parallel_loop3A_353, %parallel_loop3A_353 : vector<16xf32>
        %parallel_loop3A_359 = arith.addf %parallel_loop3A_347, %parallel_loop3A_358 : vector<16xf32>
        %parallel_loop3A_360 = arith.index_cast %parallel_loop3A_338 : i32 to index
        %parallel_loop3A_361 = arith.constant 32 : index
        %parallel_loop3A_362 = tpu.vector_load %arg8[%parallel_loop3A_360, %parallel_loop3A_361] {strides = array<i32>} : memref<128x64xf32, #tpu.memory_space<vmem>>, vector<16xf32>,
        %parallel_loop3A_363 = arith.index_cast %parallel_loop3A_338 : i32 to index
        %parallel_loop3A_364 = arith.constant 32 : index
        %parallel_loop3A_365 = tpu.vector_load %arg9[%parallel_loop3A_363, %parallel_loop3A_364] {strides = array<i32>} : memref<128x64xf32, #tpu.memory_space<vmem>>, vector<16xf32>,
        %parallel_loop3A_366 = arith.mulf %parallel_loop3A_362, %parallel_loop3A_365 : vector<16xf32>
        %parallel_loop3A_367 = arith.addf %parallel_loop3A_355, %parallel_loop3A_366 : vector<16xf32>
        %parallel_loop3A_368 = arith.mulf %parallel_loop3A_362, %parallel_loop3A_362 : vector<16xf32>
        %parallel_loop3A_369 = arith.addf %parallel_loop3A_357, %parallel_loop3A_368 : vector<16xf32>
        %parallel_loop3A_370 = arith.mulf %parallel_loop3A_365, %parallel_loop3A_365 : vector<16xf32>
        %parallel_loop3A_371 = arith.addf %parallel_loop3A_359, %parallel_loop3A_370 : vector<16xf32>
        %parallel_loop3A_372 = arith.index_cast %parallel_loop3A_338 : i32 to index
        %parallel_loop3A_373 = arith.constant 48 : index
        %parallel_loop3A_374 = tpu.vector_load %arg8[%parallel_loop3A_372, %parallel_loop3A_373] {strides = array<i32>} : memref<128x64xf32, #tpu.memory_space<vmem>>, vector<16xf32>,
        %parallel_loop3A_375 = arith.index_cast %parallel_loop3A_338 : i32 to index
        %parallel_loop3A_376 = arith.constant 48 : index
        %parallel_loop3A_377 = tpu.vector_load %arg9[%parallel_loop3A_375, %parallel_loop3A_376] {strides = array<i32>} : memref<128x64xf32, #tpu.memory_space<vmem>>, vector<16xf32>,
        %parallel_loop3A_378 = arith.mulf %parallel_loop3A_374, %parallel_loop3A_377 : vector<16xf32>
        %parallel_loop3A_379 = arith.addf %parallel_loop3A_367, %parallel_loop3A_378 : vector<16xf32>
        %parallel_loop3A_380 = arith.mulf %parallel_loop3A_374, %parallel_loop3A_374 : vector<16xf32>
        %parallel_loop3A_381 = arith.addf %parallel_loop3A_369, %parallel_loop3A_380 : vector<16xf32>
        %parallel_loop3A_382 = arith.mulf %parallel_loop3A_377, %parallel_loop3A_377 : vector<16xf32>
        %parallel_loop3A_383 = arith.addf %parallel_loop3A_371, %parallel_loop3A_382 : vector<16xf32>
        %parallel_loop3A_384 = arith.constant 68 : i32
        %parallel_loop3A_385 = arith.addi %parallel_loop3A_74, %parallel_loop3A_384 : i32
        %parallel_loop3A_386 = arith.index_cast %parallel_loop3A_385 : i32 to index
        %parallel_loop3A_387 = tpu.vector_load %arg13[%parallel_loop3A_386] {strides = array<i32>} : memref<6528xf32, #tpu.memory_space<vmem>>, vector<16xf32>,
        tpu.vector_store %arg13[%parallel_loop3A_386], %parallel_loop3A_379 {strides = array<i32>} : memref<6528xf32, #tpu.memory_space<vmem>>, vector<16xf32>,
        %parallel_loop3A_388 = arith.constant 272 : i32
        %parallel_loop3A_389 = arith.addi %parallel_loop3A_74, %parallel_loop3A_388 : i32
        %parallel_loop3A_390 = arith.constant 68 : i32
        %parallel_loop3A_391 = arith.addi %parallel_loop3A_389, %parallel_loop3A_390 : i32
        %parallel_loop3A_392 = arith.index_cast %parallel_loop3A_391 : i32 to index
        %parallel_loop3A_393 = tpu.vector_load %arg13[%parallel_loop3A_392] {strides = array<i32>} : memref<6528xf32, #tpu.memory_space<vmem>>, vector<16xf32>,
        tpu.vector_store %arg13[%parallel_loop3A_392], %parallel_loop3A_381 {strides = array<i32>} : memref<6528xf32, #tpu.memory_space<vmem>>, vector<16xf32>,
        %parallel_loop3A_394 = arith.constant 544 : i32
        %parallel_loop3A_395 = arith.addi %parallel_loop3A_74, %parallel_loop3A_394 : i32
        %parallel_loop3A_396 = arith.constant 68 : i32
        %parallel_loop3A_397 = arith.addi %parallel_loop3A_395, %parallel_loop3A_396 : i32
        %parallel_loop3A_398 = arith.index_cast %parallel_loop3A_397 : i32 to index
        %parallel_loop3A_399 = tpu.vector_load %arg13[%parallel_loop3A_398] {strides = array<i32>} : memref<6528xf32, #tpu.memory_space<vmem>>, vector<16xf32>,
        tpu.vector_store %arg13[%parallel_loop3A_398], %parallel_loop3A_383 {strides = array<i32>} : memref<6528xf32, #tpu.memory_space<vmem>>, vector<16xf32>,
        %parallel_loop3A_400 = arith.constant 16 : i32
        %parallel_loop3A_401 = arith.muli %parallel_loop3A_72, %parallel_loop3A_400 : i32
        %parallel_loop3A_402 = arith.constant 5 : i32
        %parallel_loop3A_403 = arith.addi %parallel_loop3A_401, %parallel_loop3A_402 : i32
        %parallel_loop3A_404 = arith.index_cast %parallel_loop3A_403 : i32 to index
        %parallel_loop3A_405 = arith.constant 0 : index
        %parallel_loop3A_406 = tpu.vector_load %arg8[%parallel_loop3A_404, %parallel_loop3A_405] {strides = array<i32>} : memref<128x64xf32, #tpu.memory_space<vmem>>, vector<16xf32>,
        %parallel_loop3A_407 = arith.index_cast %parallel_loop3A_403 : i32 to index
        %parallel_loop3A_408 = arith.constant 0 : index
        %parallel_loop3A_409 = tpu.vector_load %arg9[%parallel_loop3A_407, %parallel_loop3A_408] {strides = array<i32>} : memref<128x64xf32, #tpu.memory_space<vmem>>, vector<16xf32>,
        %parallel_loop3A_410 = arith.mulf %parallel_loop3A_406, %parallel_loop3A_409 : vector<16xf32>
        %parallel_loop3A_411 = arith.mulf %parallel_loop3A_406, %parallel_loop3A_406 : vector<16xf32>
        %parallel_loop3A_412 = arith.mulf %parallel_loop3A_409, %parallel_loop3A_409 : vector<16xf32>
        %parallel_loop3A_413 = arith.index_cast %parallel_loop3A_403 : i32 to index
        %parallel_loop3A_414 = arith.constant 16 : index
        %parallel_loop3A_415 = tpu.vector_load %arg8[%parallel_loop3A_413, %parallel_loop3A_414] {strides = array<i32>} : memref<128x64xf32, #tpu.memory_space<vmem>>, vector<16xf32>,
        %parallel_loop3A_416 = arith.index_cast %parallel_loop3A_403 : i32 to index
        %parallel_loop3A_417 = arith.constant 16 : index
        %parallel_loop3A_418 = tpu.vector_load %arg9[%parallel_loop3A_416, %parallel_loop3A_417] {strides = array<i32>} : memref<128x64xf32, #tpu.memory_space<vmem>>, vector<16xf32>,
        %parallel_loop3A_419 = arith.mulf %parallel_loop3A_415, %parallel_loop3A_418 : vector<16xf32>
        %parallel_loop3A_420 = arith.addf %parallel_loop3A_410, %parallel_loop3A_419 : vector<16xf32>
        %parallel_loop3A_421 = arith.mulf %parallel_loop3A_415, %parallel_loop3A_415 : vector<16xf32>
        %parallel_loop3A_422 = arith.addf %parallel_loop3A_411, %parallel_loop3A_421 : vector<16xf32>
        %parallel_loop3A_423 = arith.mulf %parallel_loop3A_418, %parallel_loop3A_418 : vector<16xf32>
        %parallel_loop3A_424 = arith.addf %parallel_loop3A_412, %parallel_loop3A_423 : vector<16xf32>
        %parallel_loop3A_425 = arith.index_cast %parallel_loop3A_403 : i32 to index
        %parallel_loop3A_426 = arith.constant 32 : index
        %parallel_loop3A_427 = tpu.vector_load %arg8[%parallel_loop3A_425, %parallel_loop3A_426] {strides = array<i32>} : memref<128x64xf32, #tpu.memory_space<vmem>>, vector<16xf32>,
        %parallel_loop3A_428 = arith.index_cast %parallel_loop3A_403 : i32 to index
        %parallel_loop3A_429 = arith.constant 32 : index
        %parallel_loop3A_430 = tpu.vector_load %arg9[%parallel_loop3A_428, %parallel_loop3A_429] {strides = array<i32>} : memref<128x64xf32, #tpu.memory_space<vmem>>, vector<16xf32>,
        %parallel_loop3A_431 = arith.mulf %parallel_loop3A_427, %parallel_loop3A_430 : vector<16xf32>
        %parallel_loop3A_432 = arith.addf %parallel_loop3A_420, %parallel_loop3A_431 : vector<16xf32>
        %parallel_loop3A_433 = arith.mulf %parallel_loop3A_427, %parallel_loop3A_427 : vector<16xf32>
        %parallel_loop3A_434 = arith.addf %parallel_loop3A_422, %parallel_loop3A_433 : vector<16xf32>
        %parallel_loop3A_435 = arith.mulf %parallel_loop3A_430, %parallel_loop3A_430 : vector<16xf32>
        %parallel_loop3A_436 = arith.addf %parallel_loop3A_424, %parallel_loop3A_435 : vector<16xf32>
        %parallel_loop3A_437 = arith.index_cast %parallel_loop3A_403 : i32 to index
        %parallel_loop3A_438 = arith.constant 48 : index
        %parallel_loop3A_439 = tpu.vector_load %arg8[%parallel_loop3A_437, %parallel_loop3A_438] {strides = array<i32>} : memref<128x64xf32, #tpu.memory_space<vmem>>, vector<16xf32>,
        %parallel_loop3A_440 = arith.index_cast %parallel_loop3A_403 : i32 to index
        %parallel_loop3A_441 = arith.constant 48 : index
        %parallel_loop3A_442 = tpu.vector_load %arg9[%parallel_loop3A_440, %parallel_loop3A_441] {strides = array<i32>} : memref<128x64xf32, #tpu.memory_space<vmem>>, vector<16xf32>,
        %parallel_loop3A_443 = arith.mulf %parallel_loop3A_439, %parallel_loop3A_442 : vector<16xf32>
        %parallel_loop3A_444 = arith.addf %parallel_loop3A_432, %parallel_loop3A_443 : vector<16xf32>
        %parallel_loop3A_445 = arith.mulf %parallel_loop3A_439, %parallel_loop3A_439 : vector<16xf32>
        %parallel_loop3A_446 = arith.addf %parallel_loop3A_434, %parallel_loop3A_445 : vector<16xf32>
        %parallel_loop3A_447 = arith.mulf %parallel_loop3A_442, %parallel_loop3A_442 : vector<16xf32>
        %parallel_loop3A_448 = arith.addf %parallel_loop3A_436, %parallel_loop3A_447 : vector<16xf32>
        %parallel_loop3A_449 = arith.constant 85 : i32
        %parallel_loop3A_450 = arith.addi %parallel_loop3A_74, %parallel_loop3A_449 : i32
        %parallel_loop3A_451 = arith.index_cast %parallel_loop3A_450 : i32 to index
        %parallel_loop3A_452 = tpu.vector_load %arg13[%parallel_loop3A_451] {strides = array<i32>} : memref<6528xf32, #tpu.memory_space<vmem>>, vector<16xf32>,
        tpu.vector_store %arg13[%parallel_loop3A_451], %parallel_loop3A_444 {strides = array<i32>} : memref<6528xf32, #tpu.memory_space<vmem>>, vector<16xf32>,
        %parallel_loop3A_453 = arith.constant 272 : i32
        %parallel_loop3A_454 = arith.addi %parallel_loop3A_74, %parallel_loop3A_453 : i32
        %parallel_loop3A_455 = arith.constant 85 : i32
        %parallel_loop3A_456 = arith.addi %parallel_loop3A_454, %parallel_loop3A_455 : i32
        %parallel_loop3A_457 = arith.index_cast %parallel_loop3A_456 : i32 to index
        %parallel_loop3A_458 = tpu.vector_load %arg13[%parallel_loop3A_457] {strides = array<i32>} : memref<6528xf32, #tpu.memory_space<vmem>>, vector<16xf32>,
        tpu.vector_store %arg13[%parallel_loop3A_457], %parallel_loop3A_446 {strides = array<i32>} : memref<6528xf32, #tpu.memory_space<vmem>>, vector<16xf32>,
        %parallel_loop3A_459 = arith.constant 544 : i32
        %parallel_loop3A_460 = arith.addi %parallel_loop3A_74, %parallel_loop3A_459 : i32
        %parallel_loop3A_461 = arith.constant 85 : i32
        %parallel_loop3A_462 = arith.addi %parallel_loop3A_460, %parallel_loop3A_461 : i32
        %parallel_loop3A_463 = arith.index_cast %parallel_loop3A_462 : i32 to index
        %parallel_loop3A_464 = tpu.vector_load %arg13[%parallel_loop3A_463] {strides = array<i32>} : memref<6528xf32, #tpu.memory_space<vmem>>, vector<16xf32>,
        tpu.vector_store %arg13[%parallel_loop3A_463], %parallel_loop3A_448 {strides = array<i32>} : memref<6528xf32, #tpu.memory_space<vmem>>, vector<16xf32>,
        %parallel_loop3A_465 = arith.constant 16 : i32
        %parallel_loop3A_466 = arith.muli %parallel_loop3A_72, %parallel_loop3A_465 : i32
        %parallel_loop3A_467 = arith.constant 6 : i32
        %parallel_loop3A_468 = arith.addi %parallel_loop3A_466, %parallel_loop3A_467 : i32
        %parallel_loop3A_469 = arith.index_cast %parallel_loop3A_468 : i32 to index
        %parallel_loop3A_470 = arith.constant 0 : index
        %parallel_loop3A_471 = tpu.vector_load %arg8[%parallel_loop3A_469, %parallel_loop3A_470] {strides = array<i32>} : memref<128x64xf32, #tpu.memory_space<vmem>>, vector<16xf32>,
        %parallel_loop3A_472 = arith.index_cast %parallel_loop3A_468 : i32 to index
        %parallel_loop3A_473 = arith.constant 0 : index
        %parallel_loop3A_474 = tpu.vector_load %arg9[%parallel_loop3A_472, %parallel_loop3A_473] {strides = array<i32>} : memref<128x64xf32, #tpu.memory_space<vmem>>, vector<16xf32>,
        %parallel_loop3A_475 = arith.mulf %parallel_loop3A_471, %parallel_loop3A_474 : vector<16xf32>
        %parallel_loop3A_476 = arith.mulf %parallel_loop3A_471, %parallel_loop3A_471 : vector<16xf32>
        %parallel_loop3A_477 = arith.mulf %parallel_loop3A_474, %parallel_loop3A_474 : vector<16xf32>
        %parallel_loop3A_478 = arith.index_cast %parallel_loop3A_468 : i32 to index
        %parallel_loop3A_479 = arith.constant 16 : index
        %parallel_loop3A_480 = tpu.vector_load %arg8[%parallel_loop3A_478, %parallel_loop3A_479] {strides = array<i32>} : memref<128x64xf32, #tpu.memory_space<vmem>>, vector<16xf32>,
        %parallel_loop3A_481 = arith.index_cast %parallel_loop3A_468 : i32 to index
        %parallel_loop3A_482 = arith.constant 16 : index
        %parallel_loop3A_483 = tpu.vector_load %arg9[%parallel_loop3A_481, %parallel_loop3A_482] {strides = array<i32>} : memref<128x64xf32, #tpu.memory_space<vmem>>, vector<16xf32>,
        %parallel_loop3A_484 = arith.mulf %parallel_loop3A_480, %parallel_loop3A_483 : vector<16xf32>
        %parallel_loop3A_485 = arith.addf %parallel_loop3A_475, %parallel_loop3A_484 : vector<16xf32>
        %parallel_loop3A_486 = arith.mulf %parallel_loop3A_480, %parallel_loop3A_480 : vector<16xf32>
        %parallel_loop3A_487 = arith.addf %parallel_loop3A_476, %parallel_loop3A_486 : vector<16xf32>
        %parallel_loop3A_488 = arith.mulf %parallel_loop3A_483, %parallel_loop3A_483 : vector<16xf32>
        %parallel_loop3A_489 = arith.addf %parallel_loop3A_477, %parallel_loop3A_488 : vector<16xf32>
        %parallel_loop3A_490 = arith.index_cast %parallel_loop3A_468 : i32 to index
        %parallel_loop3A_491 = arith.constant 32 : index
        %parallel_loop3A_492 = tpu.vector_load %arg8[%parallel_loop3A_490, %parallel_loop3A_491] {strides = array<i32>} : memref<128x64xf32, #tpu.memory_space<vmem>>, vector<16xf32>,
        %parallel_loop3A_493 = arith.index_cast %parallel_loop3A_468 : i32 to index
        %parallel_loop3A_494 = arith.constant 32 : index
        %parallel_loop3A_495 = tpu.vector_load %arg9[%parallel_loop3A_493, %parallel_loop3A_494] {strides = array<i32>} : memref<128x64xf32, #tpu.memory_space<vmem>>, vector<16xf32>,
        %parallel_loop3A_496 = arith.mulf %parallel_loop3A_492, %parallel_loop3A_495 : vector<16xf32>
        %parallel_loop3A_497 = arith.addf %parallel_loop3A_485, %parallel_loop3A_496 : vector<16xf32>
        %parallel_loop3A_498 = arith.mulf %parallel_loop3A_492, %parallel_loop3A_492 : vector<16xf32>
        %parallel_loop3A_499 = arith.addf %parallel_loop3A_487, %parallel_loop3A_498 : vector<16xf32>
        %parallel_loop3A_500 = arith.mulf %parallel_loop3A_495, %parallel_loop3A_495 : vector<16xf32>
        %parallel_loop3A_501 = arith.addf %parallel_loop3A_489, %parallel_loop3A_500 : vector<16xf32>
        %parallel_loop3A_502 = arith.index_cast %parallel_loop3A_468 : i32 to index
        %parallel_loop3A_503 = arith.constant 48 : index
        %parallel_loop3A_504 = tpu.vector_load %arg8[%parallel_loop3A_502, %parallel_loop3A_503] {strides = array<i32>} : memref<128x64xf32, #tpu.memory_space<vmem>>, vector<16xf32>,
        %parallel_loop3A_505 = arith.index_cast %parallel_loop3A_468 : i32 to index
        %parallel_loop3A_506 = arith.constant 48 : index
        %parallel_loop3A_507 = tpu.vector_load %arg9[%parallel_loop3A_505, %parallel_loop3A_506] {strides = array<i32>} : memref<128x64xf32, #tpu.memory_space<vmem>>, vector<16xf32>,
        %parallel_loop3A_508 = arith.mulf %parallel_loop3A_504, %parallel_loop3A_507 : vector<16xf32>
        %parallel_loop3A_509 = arith.addf %parallel_loop3A_497, %parallel_loop3A_508 : vector<16xf32>
        %parallel_loop3A_510 = arith.mulf %parallel_loop3A_504, %parallel_loop3A_504 : vector<16xf32>
        %parallel_loop3A_511 = arith.addf %parallel_loop3A_499, %parallel_loop3A_510 : vector<16xf32>
        %parallel_loop3A_512 = arith.mulf %parallel_loop3A_507, %parallel_loop3A_507 : vector<16xf32>
        %parallel_loop3A_513 = arith.addf %parallel_loop3A_501, %parallel_loop3A_512 : vector<16xf32>
        %parallel_loop3A_514 = arith.constant 102 : i32
        %parallel_loop3A_515 = arith.addi %parallel_loop3A_74, %parallel_loop3A_514 : i32
        %parallel_loop3A_516 = arith.index_cast %parallel_loop3A_515 : i32 to index
        %parallel_loop3A_517 = tpu.vector_load %arg13[%parallel_loop3A_516] {strides = array<i32>} : memref<6528xf32, #tpu.memory_space<vmem>>, vector<16xf32>,
        tpu.vector_store %arg13[%parallel_loop3A_516], %parallel_loop3A_509 {strides = array<i32>} : memref<6528xf32, #tpu.memory_space<vmem>>, vector<16xf32>,
        %parallel_loop3A_518 = arith.constant 272 : i32
        %parallel_loop3A_519 = arith.addi %parallel_loop3A_74, %parallel_loop3A_518 : i32
        %parallel_loop3A_520 = arith.constant 102 : i32
        %parallel_loop3A_521 = arith.addi %parallel_loop3A_519, %parallel_loop3A_520 : i32
        %parallel_loop3A_522 = arith.index_cast %parallel_loop3A_521 : i32 to index
        %parallel_loop3A_523 = tpu.vector_load %arg13[%parallel_loop3A_522] {strides = array<i32>} : memref<6528xf32, #tpu.memory_space<vmem>>, vector<16xf32>,
        tpu.vector_store %arg13[%parallel_loop3A_522], %parallel_loop3A_511 {strides = array<i32>} : memref<6528xf32, #tpu.memory_space<vmem>>, vector<16xf32>,
        %parallel_loop3A_524 = arith.constant 544 : i32
        %parallel_loop3A_525 = arith.addi %parallel_loop3A_74, %parallel_loop3A_524 : i32
        %parallel_loop3A_526 = arith.constant 102 : i32
        %parallel_loop3A_527 = arith.addi %parallel_loop3A_525, %parallel_loop3A_526 : i32
        %parallel_loop3A_528 = arith.index_cast %parallel_loop3A_527 : i32 to index
        %parallel_loop3A_529 = tpu.vector_load %arg13[%parallel_loop3A_528] {strides = array<i32>} : memref<6528xf32, #tpu.memory_space<vmem>>, vector<16xf32>,
        tpu.vector_store %arg13[%parallel_loop3A_528], %parallel_loop3A_513 {strides = array<i32>} : memref<6528xf32, #tpu.memory_space<vmem>>, vector<16xf32>,
        %parallel_loop3A_530 = arith.constant 16 : i32
        %parallel_loop3A_531 = arith.muli %parallel_loop3A_72, %parallel_loop3A_530 : i32
        %parallel_loop3A_532 = arith.constant 7 : i32
        %parallel_loop3A_533 = arith.addi %parallel_loop3A_531, %parallel_loop3A_532 : i32
        %parallel_loop3A_534 = arith.index_cast %parallel_loop3A_533 : i32 to index
        %parallel_loop3A_535 = arith.constant 0 : index
        %parallel_loop3A_536 = tpu.vector_load %arg8[%parallel_loop3A_534, %parallel_loop3A_535] {strides = array<i32>} : memref<128x64xf32, #tpu.memory_space<vmem>>, vector<16xf32>,
        %parallel_loop3A_537 = arith.index_cast %parallel_loop3A_533 : i32 to index
        %parallel_loop3A_538 = arith.constant 0 : index
        %parallel_loop3A_539 = tpu.vector_load %arg9[%parallel_loop3A_537, %parallel_loop3A_538] {strides = array<i32>} : memref<128x64xf32, #tpu.memory_space<vmem>>, vector<16xf32>,
        %parallel_loop3A_540 = arith.mulf %parallel_loop3A_536, %parallel_loop3A_539 : vector<16xf32>
        %parallel_loop3A_541 = arith.mulf %parallel_loop3A_536, %parallel_loop3A_536 : vector<16xf32>
        %parallel_loop3A_542 = arith.mulf %parallel_loop3A_539, %parallel_loop3A_539 : vector<16xf32>
        %parallel_loop3A_543 = arith.index_cast %parallel_loop3A_533 : i32 to index
        %parallel_loop3A_544 = arith.constant 16 : index
        %parallel_loop3A_545 = tpu.vector_load %arg8[%parallel_loop3A_543, %parallel_loop3A_544] {strides = array<i32>} : memref<128x64xf32, #tpu.memory_space<vmem>>, vector<16xf32>,
        %parallel_loop3A_546 = arith.index_cast %parallel_loop3A_533 : i32 to index
        %parallel_loop3A_547 = arith.constant 16 : index
        %parallel_loop3A_548 = tpu.vector_load %arg9[%parallel_loop3A_546, %parallel_loop3A_547] {strides = array<i32>} : memref<128x64xf32, #tpu.memory_space<vmem>>, vector<16xf32>,
        %parallel_loop3A_549 = arith.mulf %parallel_loop3A_545, %parallel_loop3A_548 : vector<16xf32>
        %parallel_loop3A_550 = arith.addf %parallel_loop3A_540, %parallel_loop3A_549 : vector<16xf32>
        %parallel_loop3A_551 = arith.mulf %parallel_loop3A_545, %parallel_loop3A_545 : vector<16xf32>
        %parallel_loop3A_552 = arith.addf %parallel_loop3A_541, %parallel_loop3A_551 : vector<16xf32>
        %parallel_loop3A_553 = arith.mulf %parallel_loop3A_548, %parallel_loop3A_548 : vector<16xf32>
        %parallel_loop3A_554 = arith.addf %parallel_loop3A_542, %parallel_loop3A_553 : vector<16xf32>
        %parallel_loop3A_555 = arith.index_cast %parallel_loop3A_533 : i32 to index
        %parallel_loop3A_556 = arith.constant 32 : index
        %parallel_loop3A_557 = tpu.vector_load %arg8[%parallel_loop3A_555, %parallel_loop3A_556] {strides = array<i32>} : memref<128x64xf32, #tpu.memory_space<vmem>>, vector<16xf32>,
        %parallel_loop3A_558 = arith.index_cast %parallel_loop3A_533 : i32 to index
        %parallel_loop3A_559 = arith.constant 32 : index
        %parallel_loop3A_560 = tpu.vector_load %arg9[%parallel_loop3A_558, %parallel_loop3A_559] {strides = array<i32>} : memref<128x64xf32, #tpu.memory_space<vmem>>, vector<16xf32>,
        %parallel_loop3A_561 = arith.mulf %parallel_loop3A_557, %parallel_loop3A_560 : vector<16xf32>
        %parallel_loop3A_562 = arith.addf %parallel_loop3A_550, %parallel_loop3A_561 : vector<16xf32>
        %parallel_loop3A_563 = arith.mulf %parallel_loop3A_557, %parallel_loop3A_557 : vector<16xf32>
        %parallel_loop3A_564 = arith.addf %parallel_loop3A_552, %parallel_loop3A_563 : vector<16xf32>
        %parallel_loop3A_565 = arith.mulf %parallel_loop3A_560, %parallel_loop3A_560 : vector<16xf32>
        %parallel_loop3A_566 = arith.addf %parallel_loop3A_554, %parallel_loop3A_565 : vector<16xf32>
        %parallel_loop3A_567 = arith.index_cast %parallel_loop3A_533 : i32 to index
        %parallel_loop3A_568 = arith.constant 48 : index
        %parallel_loop3A_569 = tpu.vector_load %arg8[%parallel_loop3A_567, %parallel_loop3A_568] {strides = array<i32>} : memref<128x64xf32, #tpu.memory_space<vmem>>, vector<16xf32>,
        %parallel_loop3A_570 = arith.index_cast %parallel_loop3A_533 : i32 to index
        %parallel_loop3A_571 = arith.constant 48 : index
        %parallel_loop3A_572 = tpu.vector_load %arg9[%parallel_loop3A_570, %parallel_loop3A_571] {strides = array<i32>} : memref<128x64xf32, #tpu.memory_space<vmem>>, vector<16xf32>,
        %parallel_loop3A_573 = arith.mulf %parallel_loop3A_569, %parallel_loop3A_572 : vector<16xf32>
        %parallel_loop3A_574 = arith.addf %parallel_loop3A_562, %parallel_loop3A_573 : vector<16xf32>
        %parallel_loop3A_575 = arith.mulf %parallel_loop3A_569, %parallel_loop3A_569 : vector<16xf32>
        %parallel_loop3A_576 = arith.addf %parallel_loop3A_564, %parallel_loop3A_575 : vector<16xf32>
        %parallel_loop3A_577 = arith.mulf %parallel_loop3A_572, %parallel_loop3A_572 : vector<16xf32>
        %parallel_loop3A_578 = arith.addf %parallel_loop3A_566, %parallel_loop3A_577 : vector<16xf32>
        %parallel_loop3A_579 = arith.constant 119 : i32
        %parallel_loop3A_580 = arith.addi %parallel_loop3A_74, %parallel_loop3A_579 : i32
        %parallel_loop3A_581 = arith.index_cast %parallel_loop3A_580 : i32 to index
        %parallel_loop3A_582 = tpu.vector_load %arg13[%parallel_loop3A_581] {strides = array<i32>} : memref<6528xf32, #tpu.memory_space<vmem>>, vector<16xf32>,
        tpu.vector_store %arg13[%parallel_loop3A_581], %parallel_loop3A_574 {strides = array<i32>} : memref<6528xf32, #tpu.memory_space<vmem>>, vector<16xf32>,
        %parallel_loop3A_583 = arith.constant 272 : i32
        %parallel_loop3A_584 = arith.addi %parallel_loop3A_74, %parallel_loop3A_583 : i32
        %parallel_loop3A_585 = arith.constant 119 : i32
        %parallel_loop3A_586 = arith.addi %parallel_loop3A_584, %parallel_loop3A_585 : i32
        %parallel_loop3A_587 = arith.index_cast %parallel_loop3A_586 : i32 to index
        %parallel_loop3A_588 = tpu.vector_load %arg13[%parallel_loop3A_587] {strides = array<i32>} : memref<6528xf32, #tpu.memory_space<vmem>>, vector<16xf32>,
        tpu.vector_store %arg13[%parallel_loop3A_587], %parallel_loop3A_576 {strides = array<i32>} : memref<6528xf32, #tpu.memory_space<vmem>>, vector<16xf32>,
        %parallel_loop3A_589 = arith.constant 544 : i32
        %parallel_loop3A_590 = arith.addi %parallel_loop3A_74, %parallel_loop3A_589 : i32
        %parallel_loop3A_591 = arith.constant 119 : i32
        %parallel_loop3A_592 = arith.addi %parallel_loop3A_590, %parallel_loop3A_591 : i32
        %parallel_loop3A_593 = arith.index_cast %parallel_loop3A_592 : i32 to index
        %parallel_loop3A_594 = tpu.vector_load %arg13[%parallel_loop3A_593] {strides = array<i32>} : memref<6528xf32, #tpu.memory_space<vmem>>, vector<16xf32>,
        tpu.vector_store %arg13[%parallel_loop3A_593], %parallel_loop3A_578 {strides = array<i32>} : memref<6528xf32, #tpu.memory_space<vmem>>, vector<16xf32>,
        %parallel_loop3A_595 = arith.constant 16 : i32
        %parallel_loop3A_596 = arith.muli %parallel_loop3A_72, %parallel_loop3A_595 : i32
        %parallel_loop3A_597 = arith.constant 8 : i32
        %parallel_loop3A_598 = arith.addi %parallel_loop3A_596, %parallel_loop3A_597 : i32
        %parallel_loop3A_599 = arith.index_cast %parallel_loop3A_598 : i32 to index
        %parallel_loop3A_600 = arith.constant 0 : index
        %parallel_loop3A_601 = tpu.vector_load %arg8[%parallel_loop3A_599, %parallel_loop3A_600] {strides = array<i32>} : memref<128x64xf32, #tpu.memory_space<vmem>>, vector<16xf32>,
        %parallel_loop3A_602 = arith.index_cast %parallel_loop3A_598 : i32 to index
        %parallel_loop3A_603 = arith.constant 0 : index
        %parallel_loop3A_604 = tpu.vector_load %arg9[%parallel_loop3A_602, %parallel_loop3A_603] {strides = array<i32>} : memref<128x64xf32, #tpu.memory_space<vmem>>, vector<16xf32>,
        %parallel_loop3A_605 = arith.mulf %parallel_loop3A_601, %parallel_loop3A_604 : vector<16xf32>
        %parallel_loop3A_606 = arith.mulf %parallel_loop3A_601, %parallel_loop3A_601 : vector<16xf32>
        %parallel_loop3A_607 = arith.mulf %parallel_loop3A_604, %parallel_loop3A_604 : vector<16xf32>
        %parallel_loop3A_608 = arith.index_cast %parallel_loop3A_598 : i32 to index
        %parallel_loop3A_609 = arith.constant 16 : index
        %parallel_loop3A_610 = tpu.vector_load %arg8[%parallel_loop3A_608, %parallel_loop3A_609] {strides = array<i32>} : memref<128x64xf32, #tpu.memory_space<vmem>>, vector<16xf32>,
        %parallel_loop3A_611 = arith.index_cast %parallel_loop3A_598 : i32 to index
        %parallel_loop3A_612 = arith.constant 16 : index
        %parallel_loop3A_613 = tpu.vector_load %arg9[%parallel_loop3A_611, %parallel_loop3A_612] {strides = array<i32>} : memref<128x64xf32, #tpu.memory_space<vmem>>, vector<16xf32>,
        %parallel_loop3A_614 = arith.mulf %parallel_loop3A_610, %parallel_loop3A_613 : vector<16xf32>
        %parallel_loop3A_615 = arith.addf %parallel_loop3A_605, %parallel_loop3A_614 : vector<16xf32>
        %parallel_loop3A_616 = arith.mulf %parallel_loop3A_610, %parallel_loop3A_610 : vector<16xf32>
        %parallel_loop3A_617 = arith.addf %parallel_loop3A_606, %parallel_loop3A_616 : vector<16xf32>
        %parallel_loop3A_618 = arith.mulf %parallel_loop3A_613, %parallel_loop3A_613 : vector<16xf32>
        %parallel_loop3A_619 = arith.addf %parallel_loop3A_607, %parallel_loop3A_618 : vector<16xf32>
        %parallel_loop3A_620 = arith.index_cast %parallel_loop3A_598 : i32 to index
        %parallel_loop3A_621 = arith.constant 32 : index
        %parallel_loop3A_622 = tpu.vector_load %arg8[%parallel_loop3A_620, %parallel_loop3A_621] {strides = array<i32>} : memref<128x64xf32, #tpu.memory_space<vmem>>, vector<16xf32>,
        %parallel_loop3A_623 = arith.index_cast %parallel_loop3A_598 : i32 to index
        %parallel_loop3A_624 = arith.constant 32 : index
        %parallel_loop3A_625 = tpu.vector_load %arg9[%parallel_loop3A_623, %parallel_loop3A_624] {strides = array<i32>} : memref<128x64xf32, #tpu.memory_space<vmem>>, vector<16xf32>,
        %parallel_loop3A_626 = arith.mulf %parallel_loop3A_622, %parallel_loop3A_625 : vector<16xf32>
        %parallel_loop3A_627 = arith.addf %parallel_loop3A_615, %parallel_loop3A_626 : vector<16xf32>
        %parallel_loop3A_628 = arith.mulf %parallel_loop3A_622, %parallel_loop3A_622 : vector<16xf32>
        %parallel_loop3A_629 = arith.addf %parallel_loop3A_617, %parallel_loop3A_628 : vector<16xf32>
        %parallel_loop3A_630 = arith.mulf %parallel_loop3A_625, %parallel_loop3A_625 : vector<16xf32>
        %parallel_loop3A_631 = arith.addf %parallel_loop3A_619, %parallel_loop3A_630 : vector<16xf32>
        %parallel_loop3A_632 = arith.index_cast %parallel_loop3A_598 : i32 to index
        %parallel_loop3A_633 = arith.constant 48 : index
        %parallel_loop3A_634 = tpu.vector_load %arg8[%parallel_loop3A_632, %parallel_loop3A_633] {strides = array<i32>} : memref<128x64xf32, #tpu.memory_space<vmem>>, vector<16xf32>,
        %parallel_loop3A_635 = arith.index_cast %parallel_loop3A_598 : i32 to index
        %parallel_loop3A_636 = arith.constant 48 : index
        %parallel_loop3A_637 = tpu.vector_load %arg9[%parallel_loop3A_635, %parallel_loop3A_636] {strides = array<i32>} : memref<128x64xf32, #tpu.memory_space<vmem>>, vector<16xf32>,
        %parallel_loop3A_638 = arith.mulf %parallel_loop3A_634, %parallel_loop3A_637 : vector<16xf32>
        %parallel_loop3A_639 = arith.addf %parallel_loop3A_627, %parallel_loop3A_638 : vector<16xf32>
        %parallel_loop3A_640 = arith.mulf %parallel_loop3A_634, %parallel_loop3A_634 : vector<16xf32>
        %parallel_loop3A_641 = arith.addf %parallel_loop3A_629, %parallel_loop3A_640 : vector<16xf32>
        %parallel_loop3A_642 = arith.mulf %parallel_loop3A_637, %parallel_loop3A_637 : vector<16xf32>
        %parallel_loop3A_643 = arith.addf %parallel_loop3A_631, %parallel_loop3A_642 : vector<16xf32>
        %parallel_loop3A_644 = arith.constant 136 : i32
        %parallel_loop3A_645 = arith.addi %parallel_loop3A_74, %parallel_loop3A_644 : i32
        %parallel_loop3A_646 = arith.index_cast %parallel_loop3A_645 : i32 to index
        %parallel_loop3A_647 = tpu.vector_load %arg13[%parallel_loop3A_646] {strides = array<i32>} : memref<6528xf32, #tpu.memory_space<vmem>>, vector<16xf32>,
        tpu.vector_store %arg13[%parallel_loop3A_646], %parallel_loop3A_639 {strides = array<i32>} : memref<6528xf32, #tpu.memory_space<vmem>>, vector<16xf32>,
        %parallel_loop3A_648 = arith.constant 272 : i32
        %parallel_loop3A_649 = arith.addi %parallel_loop3A_74, %parallel_loop3A_648 : i32
        %parallel_loop3A_650 = arith.constant 136 : i32
        %parallel_loop3A_651 = arith.addi %parallel_loop3A_649, %parallel_loop3A_650 : i32
        %parallel_loop3A_652 = arith.index_cast %parallel_loop3A_651 : i32 to index
        %parallel_loop3A_653 = tpu.vector_load %arg13[%parallel_loop3A_652] {strides = array<i32>} : memref<6528xf32, #tpu.memory_space<vmem>>, vector<16xf32>,
        tpu.vector_store %arg13[%parallel_loop3A_652], %parallel_loop3A_641 {strides = array<i32>} : memref<6528xf32, #tpu.memory_space<vmem>>, vector<16xf32>,
        %parallel_loop3A_654 = arith.constant 544 : i32
        %parallel_loop3A_655 = arith.addi %parallel_loop3A_74, %parallel_loop3A_654 : i32
        %parallel_loop3A_656 = arith.constant 136 : i32
        %parallel_loop3A_657 = arith.addi %parallel_loop3A_655, %parallel_loop3A_656 : i32
        %parallel_loop3A_658 = arith.index_cast %parallel_loop3A_657 : i32 to index
        %parallel_loop3A_659 = tpu.vector_load %arg13[%parallel_loop3A_658] {strides = array<i32>} : memref<6528xf32, #tpu.memory_space<vmem>>, vector<16xf32>,
        tpu.vector_store %arg13[%parallel_loop3A_658], %parallel_loop3A_643 {strides = array<i32>} : memref<6528xf32, #tpu.memory_space<vmem>>, vector<16xf32>,
        %parallel_loop3A_660 = arith.constant 16 : i32
        %parallel_loop3A_661 = arith.muli %parallel_loop3A_72, %parallel_loop3A_660 : i32
        %parallel_loop3A_662 = arith.constant 9 : i32
        %parallel_loop3A_663 = arith.addi %parallel_loop3A_661, %parallel_loop3A_662 : i32
        %parallel_loop3A_664 = arith.index_cast %parallel_loop3A_663 : i32 to index
        %parallel_loop3A_665 = arith.constant 0 : index
        %parallel_loop3A_666 = tpu.vector_load %arg8[%parallel_loop3A_664, %parallel_loop3A_665] {strides = array<i32>} : memref<128x64xf32, #tpu.memory_space<vmem>>, vector<16xf32>,
        %parallel_loop3A_667 = arith.index_cast %parallel_loop3A_663 : i32 to index
        %parallel_loop3A_668 = arith.constant 0 : index
        %parallel_loop3A_669 = tpu.vector_load %arg9[%parallel_loop3A_667, %parallel_loop3A_668] {strides = array<i32>} : memref<128x64xf32, #tpu.memory_space<vmem>>, vector<16xf32>,
        %parallel_loop3A_670 = arith.mulf %parallel_loop3A_666, %parallel_loop3A_669 : vector<16xf32>
        %parallel_loop3A_671 = arith.mulf %parallel_loop3A_666, %parallel_loop3A_666 : vector<16xf32>
        %parallel_loop3A_672 = arith.mulf %parallel_loop3A_669, %parallel_loop3A_669 : vector<16xf32>
        %parallel_loop3A_673 = arith.index_cast %parallel_loop3A_663 : i32 to index
        %parallel_loop3A_674 = arith.constant 16 : index
        %parallel_loop3A_675 = tpu.vector_load %arg8[%parallel_loop3A_673, %parallel_loop3A_674] {strides = array<i32>} : memref<128x64xf32, #tpu.memory_space<vmem>>, vector<16xf32>,
        %parallel_loop3A_676 = arith.index_cast %parallel_loop3A_663 : i32 to index
        %parallel_loop3A_677 = arith.constant 16 : index
        %parallel_loop3A_678 = tpu.vector_load %arg9[%parallel_loop3A_676, %parallel_loop3A_677] {strides = array<i32>} : memref<128x64xf32, #tpu.memory_space<vmem>>, vector<16xf32>,
        %parallel_loop3A_679 = arith.mulf %parallel_loop3A_675, %parallel_loop3A_678 : vector<16xf32>
        %parallel_loop3A_680 = arith.addf %parallel_loop3A_670, %parallel_loop3A_679 : vector<16xf32>
        %parallel_loop3A_681 = arith.mulf %parallel_loop3A_675, %parallel_loop3A_675 : vector<16xf32>
        %parallel_loop3A_682 = arith.addf %parallel_loop3A_671, %parallel_loop3A_681 : vector<16xf32>
        %parallel_loop3A_683 = arith.mulf %parallel_loop3A_678, %parallel_loop3A_678 : vector<16xf32>
        %parallel_loop3A_684 = arith.addf %parallel_loop3A_672, %parallel_loop3A_683 : vector<16xf32>
        %parallel_loop3A_685 = arith.index_cast %parallel_loop3A_663 : i32 to index
        %parallel_loop3A_686 = arith.constant 32 : index
        %parallel_loop3A_687 = tpu.vector_load %arg8[%parallel_loop3A_685, %parallel_loop3A_686] {strides = array<i32>} : memref<128x64xf32, #tpu.memory_space<vmem>>, vector<16xf32>,
        %parallel_loop3A_688 = arith.index_cast %parallel_loop3A_663 : i32 to index
        %parallel_loop3A_689 = arith.constant 32 : index
        %parallel_loop3A_690 = tpu.vector_load %arg9[%parallel_loop3A_688, %parallel_loop3A_689] {strides = array<i32>} : memref<128x64xf32, #tpu.memory_space<vmem>>, vector<16xf32>,
        %parallel_loop3A_691 = arith.mulf %parallel_loop3A_687, %parallel_loop3A_690 : vector<16xf32>
        %parallel_loop3A_692 = arith.addf %parallel_loop3A_680, %parallel_loop3A_691 : vector<16xf32>
        %parallel_loop3A_693 = arith.mulf %parallel_loop3A_687, %parallel_loop3A_687 : vector<16xf32>
        %parallel_loop3A_694 = arith.addf %parallel_loop3A_682, %parallel_loop3A_693 : vector<16xf32>
        %parallel_loop3A_695 = arith.mulf %parallel_loop3A_690, %parallel_loop3A_690 : vector<16xf32>
        %parallel_loop3A_696 = arith.addf %parallel_loop3A_684, %parallel_loop3A_695 : vector<16xf32>
        %parallel_loop3A_697 = arith.index_cast %parallel_loop3A_663 : i32 to index
        %parallel_loop3A_698 = arith.constant 48 : index
        %parallel_loop3A_699 = tpu.vector_load %arg8[%parallel_loop3A_697, %parallel_loop3A_698] {strides = array<i32>} : memref<128x64xf32, #tpu.memory_space<vmem>>, vector<16xf32>,
        %parallel_loop3A_700 = arith.index_cast %parallel_loop3A_663 : i32 to index
        %parallel_loop3A_701 = arith.constant 48 : index
        %parallel_loop3A_702 = tpu.vector_load %arg9[%parallel_loop3A_700, %parallel_loop3A_701] {strides = array<i32>} : memref<128x64xf32, #tpu.memory_space<vmem>>, vector<16xf32>,
        %parallel_loop3A_703 = arith.mulf %parallel_loop3A_699, %parallel_loop3A_702 : vector<16xf32>
        %parallel_loop3A_704 = arith.addf %parallel_loop3A_692, %parallel_loop3A_703 : vector<16xf32>
        %parallel_loop3A_705 = arith.mulf %parallel_loop3A_699, %parallel_loop3A_699 : vector<16xf32>
        %parallel_loop3A_706 = arith.addf %parallel_loop3A_694, %parallel_loop3A_705 : vector<16xf32>
        %parallel_loop3A_707 = arith.mulf %parallel_loop3A_702, %parallel_loop3A_702 : vector<16xf32>
        %parallel_loop3A_708 = arith.addf %parallel_loop3A_696, %parallel_loop3A_707 : vector<16xf32>
        %parallel_loop3A_709 = arith.constant 153 : i32
        %parallel_loop3A_710 = arith.addi %parallel_loop3A_74, %parallel_loop3A_709 : i32
        %parallel_loop3A_711 = arith.index_cast %parallel_loop3A_710 : i32 to index
        %parallel_loop3A_712 = tpu.vector_load %arg13[%parallel_loop3A_711] {strides = array<i32>} : memref<6528xf32, #tpu.memory_space<vmem>>, vector<16xf32>,
        tpu.vector_store %arg13[%parallel_loop3A_711], %parallel_loop3A_704 {strides = array<i32>} : memref<6528xf32, #tpu.memory_space<vmem>>, vector<16xf32>,
        %parallel_loop3A_713 = arith.constant 272 : i32
        %parallel_loop3A_714 = arith.addi %parallel_loop3A_74, %parallel_loop3A_713 : i32
        %parallel_loop3A_715 = arith.constant 153 : i32
        %parallel_loop3A_716 = arith.addi %parallel_loop3A_714, %parallel_loop3A_715 : i32
        %parallel_loop3A_717 = arith.index_cast %parallel_loop3A_716 : i32 to index
        %parallel_loop3A_718 = tpu.vector_load %arg13[%parallel_loop3A_717] {strides = array<i32>} : memref<6528xf32, #tpu.memory_space<vmem>>, vector<16xf32>,
        tpu.vector_store %arg13[%parallel_loop3A_717], %parallel_loop3A_706 {strides = array<i32>} : memref<6528xf32, #tpu.memory_space<vmem>>, vector<16xf32>,
        %parallel_loop3A_719 = arith.constant 544 : i32
        %parallel_loop3A_720 = arith.addi %parallel_loop3A_74, %parallel_loop3A_719 : i32
        %parallel_loop3A_721 = arith.constant 153 : i32
        %parallel_loop3A_722 = arith.addi %parallel_loop3A_720, %parallel_loop3A_721 : i32
        %parallel_loop3A_723 = arith.index_cast %parallel_loop3A_722 : i32 to index
        %parallel_loop3A_724 = tpu.vector_load %arg13[%parallel_loop3A_723] {strides = array<i32>} : memref<6528xf32, #tpu.memory_space<vmem>>, vector<16xf32>,
        tpu.vector_store %arg13[%parallel_loop3A_723], %parallel_loop3A_708 {strides = array<i32>} : memref<6528xf32, #tpu.memory_space<vmem>>, vector<16xf32>,
        %parallel_loop3A_725 = arith.constant 16 : i32
        %parallel_loop3A_726 = arith.muli %parallel_loop3A_72, %parallel_loop3A_725 : i32
        %parallel_loop3A_727 = arith.constant 10 : i32
        %parallel_loop3A_728 = arith.addi %parallel_loop3A_726, %parallel_loop3A_727 : i32
        %parallel_loop3A_729 = arith.index_cast %parallel_loop3A_728 : i32 to index
        %parallel_loop3A_730 = arith.constant 0 : index
        %parallel_loop3A_731 = tpu.vector_load %arg8[%parallel_loop3A_729, %parallel_loop3A_730] {strides = array<i32>} : memref<128x64xf32, #tpu.memory_space<vmem>>, vector<16xf32>,
        %parallel_loop3A_732 = arith.index_cast %parallel_loop3A_728 : i32 to index
        %parallel_loop3A_733 = arith.constant 0 : index
        %parallel_loop3A_734 = tpu.vector_load %arg9[%parallel_loop3A_732, %parallel_loop3A_733] {strides = array<i32>} : memref<128x64xf32, #tpu.memory_space<vmem>>, vector<16xf32>,
        %parallel_loop3A_735 = arith.mulf %parallel_loop3A_731, %parallel_loop3A_734 : vector<16xf32>
        %parallel_loop3A_736 = arith.mulf %parallel_loop3A_731, %parallel_loop3A_731 : vector<16xf32>
        %parallel_loop3A_737 = arith.mulf %parallel_loop3A_734, %parallel_loop3A_734 : vector<16xf32>
        %parallel_loop3A_738 = arith.index_cast %parallel_loop3A_728 : i32 to index
        %parallel_loop3A_739 = arith.constant 16 : index
        %parallel_loop3A_740 = tpu.vector_load %arg8[%parallel_loop3A_738, %parallel_loop3A_739] {strides = array<i32>} : memref<128x64xf32, #tpu.memory_space<vmem>>, vector<16xf32>,
        %parallel_loop3A_741 = arith.index_cast %parallel_loop3A_728 : i32 to index
        %parallel_loop3A_742 = arith.constant 16 : index
        %parallel_loop3A_743 = tpu.vector_load %arg9[%parallel_loop3A_741, %parallel_loop3A_742] {strides = array<i32>} : memref<128x64xf32, #tpu.memory_space<vmem>>, vector<16xf32>,
        %parallel_loop3A_744 = arith.mulf %parallel_loop3A_740, %parallel_loop3A_743 : vector<16xf32>
        %parallel_loop3A_745 = arith.addf %parallel_loop3A_735, %parallel_loop3A_744 : vector<16xf32>
        %parallel_loop3A_746 = arith.mulf %parallel_loop3A_740, %parallel_loop3A_740 : vector<16xf32>
        %parallel_loop3A_747 = arith.addf %parallel_loop3A_736, %parallel_loop3A_746 : vector<16xf32>
        %parallel_loop3A_748 = arith.mulf %parallel_loop3A_743, %parallel_loop3A_743 : vector<16xf32>
        %parallel_loop3A_749 = arith.addf %parallel_loop3A_737, %parallel_loop3A_748 : vector<16xf32>
        %parallel_loop3A_750 = arith.index_cast %parallel_loop3A_728 : i32 to index
        %parallel_loop3A_751 = arith.constant 32 : index
        %parallel_loop3A_752 = tpu.vector_load %arg8[%parallel_loop3A_750, %parallel_loop3A_751] {strides = array<i32>} : memref<128x64xf32, #tpu.memory_space<vmem>>, vector<16xf32>,
        %parallel_loop3A_753 = arith.index_cast %parallel_loop3A_728 : i32 to index
        %parallel_loop3A_754 = arith.constant 32 : index
        %parallel_loop3A_755 = tpu.vector_load %arg9[%parallel_loop3A_753, %parallel_loop3A_754] {strides = array<i32>} : memref<128x64xf32, #tpu.memory_space<vmem>>, vector<16xf32>,
        %parallel_loop3A_756 = arith.mulf %parallel_loop3A_752, %parallel_loop3A_755 : vector<16xf32>
        %parallel_loop3A_757 = arith.addf %parallel_loop3A_745, %parallel_loop3A_756 : vector<16xf32>
        %parallel_loop3A_758 = arith.mulf %parallel_loop3A_752, %parallel_loop3A_752 : vector<16xf32>
        %parallel_loop3A_759 = arith.addf %parallel_loop3A_747, %parallel_loop3A_758 : vector<16xf32>
        %parallel_loop3A_760 = arith.mulf %parallel_loop3A_755, %parallel_loop3A_755 : vector<16xf32>
        %parallel_loop3A_761 = arith.addf %parallel_loop3A_749, %parallel_loop3A_760 : vector<16xf32>
        %parallel_loop3A_762 = arith.index_cast %parallel_loop3A_728 : i32 to index
        %parallel_loop3A_763 = arith.constant 48 : index
        %parallel_loop3A_764 = tpu.vector_load %arg8[%parallel_loop3A_762, %parallel_loop3A_763] {strides = array<i32>} : memref<128x64xf32, #tpu.memory_space<vmem>>, vector<16xf32>,
        %parallel_loop3A_765 = arith.index_cast %parallel_loop3A_728 : i32 to index
        %parallel_loop3A_766 = arith.constant 48 : index
        %parallel_loop3A_767 = tpu.vector_load %arg9[%parallel_loop3A_765, %parallel_loop3A_766] {strides = array<i32>} : memref<128x64xf32, #tpu.memory_space<vmem>>, vector<16xf32>,
        %parallel_loop3A_768 = arith.mulf %parallel_loop3A_764, %parallel_loop3A_767 : vector<16xf32>
        %parallel_loop3A_769 = arith.addf %parallel_loop3A_757, %parallel_loop3A_768 : vector<16xf32>
        %parallel_loop3A_770 = arith.mulf %parallel_loop3A_764, %parallel_loop3A_764 : vector<16xf32>
        %parallel_loop3A_771 = arith.addf %parallel_loop3A_759, %parallel_loop3A_770 : vector<16xf32>
        %parallel_loop3A_772 = arith.mulf %parallel_loop3A_767, %parallel_loop3A_767 : vector<16xf32>
        %parallel_loop3A_773 = arith.addf %parallel_loop3A_761, %parallel_loop3A_772 : vector<16xf32>
        %parallel_loop3A_774 = arith.constant 170 : i32
        %parallel_loop3A_775 = arith.addi %parallel_loop3A_74, %parallel_loop3A_774 : i32
        %parallel_loop3A_776 = arith.index_cast %parallel_loop3A_775 : i32 to index
        %parallel_loop3A_777 = tpu.vector_load %arg13[%parallel_loop3A_776] {strides = array<i32>} : memref<6528xf32, #tpu.memory_space<vmem>>, vector<16xf32>,
        tpu.vector_store %arg13[%parallel_loop3A_776], %parallel_loop3A_769 {strides = array<i32>} : memref<6528xf32, #tpu.memory_space<vmem>>, vector<16xf32>,
        %parallel_loop3A_778 = arith.constant 272 : i32
        %parallel_loop3A_779 = arith.addi %parallel_loop3A_74, %parallel_loop3A_778 : i32
        %parallel_loop3A_780 = arith.constant 170 : i32
        %parallel_loop3A_781 = arith.addi %parallel_loop3A_779, %parallel_loop3A_780 : i32
        %parallel_loop3A_782 = arith.index_cast %parallel_loop3A_781 : i32 to index
        %parallel_loop3A_783 = tpu.vector_load %arg13[%parallel_loop3A_782] {strides = array<i32>} : memref<6528xf32, #tpu.memory_space<vmem>>, vector<16xf32>,
        tpu.vector_store %arg13[%parallel_loop3A_782], %parallel_loop3A_771 {strides = array<i32>} : memref<6528xf32, #tpu.memory_space<vmem>>, vector<16xf32>,
        %parallel_loop3A_784 = arith.constant 544 : i32
        %parallel_loop3A_785 = arith.addi %parallel_loop3A_74, %parallel_loop3A_784 : i32
        %parallel_loop3A_786 = arith.constant 170 : i32
        %parallel_loop3A_787 = arith.addi %parallel_loop3A_785, %parallel_loop3A_786 : i32
        %parallel_loop3A_788 = arith.index_cast %parallel_loop3A_787 : i32 to index
        %parallel_loop3A_789 = tpu.vector_load %arg13[%parallel_loop3A_788] {strides = array<i32>} : memref<6528xf32, #tpu.memory_space<vmem>>, vector<16xf32>,
        tpu.vector_store %arg13[%parallel_loop3A_788], %parallel_loop3A_773 {strides = array<i32>} : memref<6528xf32, #tpu.memory_space<vmem>>, vector<16xf32>,
        %parallel_loop3A_790 = arith.constant 16 : i32
        %parallel_loop3A_791 = arith.muli %parallel_loop3A_72, %parallel_loop3A_790 : i32
        %parallel_loop3A_792 = arith.constant 11 : i32
        %parallel_loop3A_793 = arith.addi %parallel_loop3A_791, %parallel_loop3A_792 : i32
        %parallel_loop3A_794 = arith.index_cast %parallel_loop3A_793 : i32 to index
        %parallel_loop3A_795 = arith.constant 0 : index
        %parallel_loop3A_796 = tpu.vector_load %arg8[%parallel_loop3A_794, %parallel_loop3A_795] {strides = array<i32>} : memref<128x64xf32, #tpu.memory_space<vmem>>, vector<16xf32>,
        %parallel_loop3A_797 = arith.index_cast %parallel_loop3A_793 : i32 to index
        %parallel_loop3A_798 = arith.constant 0 : index
        %parallel_loop3A_799 = tpu.vector_load %arg9[%parallel_loop3A_797, %parallel_loop3A_798] {strides = array<i32>} : memref<128x64xf32, #tpu.memory_space<vmem>>, vector<16xf32>,
        %parallel_loop3A_800 = arith.mulf %parallel_loop3A_796, %parallel_loop3A_799 : vector<16xf32>
        %parallel_loop3A_801 = arith.mulf %parallel_loop3A_796, %parallel_loop3A_796 : vector<16xf32>
        %parallel_loop3A_802 = arith.mulf %parallel_loop3A_799, %parallel_loop3A_799 : vector<16xf32>
        %parallel_loop3A_803 = arith.index_cast %parallel_loop3A_793 : i32 to index
        %parallel_loop3A_804 = arith.constant 16 : index
        %parallel_loop3A_805 = tpu.vector_load %arg8[%parallel_loop3A_803, %parallel_loop3A_804] {strides = array<i32>} : memref<128x64xf32, #tpu.memory_space<vmem>>, vector<16xf32>,
        %parallel_loop3A_806 = arith.index_cast %parallel_loop3A_793 : i32 to index
        %parallel_loop3A_807 = arith.constant 16 : index
        %parallel_loop3A_808 = tpu.vector_load %arg9[%parallel_loop3A_806, %parallel_loop3A_807] {strides = array<i32>} : memref<128x64xf32, #tpu.memory_space<vmem>>, vector<16xf32>,
        %parallel_loop3A_809 = arith.mulf %parallel_loop3A_805, %parallel_loop3A_808 : vector<16xf32>
        %parallel_loop3A_810 = arith.addf %parallel_loop3A_800, %parallel_loop3A_809 : vector<16xf32>
        %parallel_loop3A_811 = arith.mulf %parallel_loop3A_805, %parallel_loop3A_805 : vector<16xf32>
        %parallel_loop3A_812 = arith.addf %parallel_loop3A_801, %parallel_loop3A_811 : vector<16xf32>
        %parallel_loop3A_813 = arith.mulf %parallel_loop3A_808, %parallel_loop3A_808 : vector<16xf32>
        %parallel_loop3A_814 = arith.addf %parallel_loop3A_802, %parallel_loop3A_813 : vector<16xf32>
        %parallel_loop3A_815 = arith.index_cast %parallel_loop3A_793 : i32 to index
        %parallel_loop3A_816 = arith.constant 32 : index
        %parallel_loop3A_817 = tpu.vector_load %arg8[%parallel_loop3A_815, %parallel_loop3A_816] {strides = array<i32>} : memref<128x64xf32, #tpu.memory_space<vmem>>, vector<16xf32>,
        %parallel_loop3A_818 = arith.index_cast %parallel_loop3A_793 : i32 to index
        %parallel_loop3A_819 = arith.constant 32 : index
        %parallel_loop3A_820 = tpu.vector_load %arg9[%parallel_loop3A_818, %parallel_loop3A_819] {strides = array<i32>} : memref<128x64xf32, #tpu.memory_space<vmem>>, vector<16xf32>,
        %parallel_loop3A_821 = arith.mulf %parallel_loop3A_817, %parallel_loop3A_820 : vector<16xf32>
        %parallel_loop3A_822 = arith.addf %parallel_loop3A_810, %parallel_loop3A_821 : vector<16xf32>
        %parallel_loop3A_823 = arith.mulf %parallel_loop3A_817, %parallel_loop3A_817 : vector<16xf32>
        %parallel_loop3A_824 = arith.addf %parallel_loop3A_812, %parallel_loop3A_823 : vector<16xf32>
        %parallel_loop3A_825 = arith.mulf %parallel_loop3A_820, %parallel_loop3A_820 : vector<16xf32>
        %parallel_loop3A_826 = arith.addf %parallel_loop3A_814, %parallel_loop3A_825 : vector<16xf32>
        %parallel_loop3A_827 = arith.index_cast %parallel_loop3A_793 : i32 to index
        %parallel_loop3A_828 = arith.constant 48 : index
        %parallel_loop3A_829 = tpu.vector_load %arg8[%parallel_loop3A_827, %parallel_loop3A_828] {strides = array<i32>} : memref<128x64xf32, #tpu.memory_space<vmem>>, vector<16xf32>,
        %parallel_loop3A_830 = arith.index_cast %parallel_loop3A_793 : i32 to index
        %parallel_loop3A_831 = arith.constant 48 : index
        %parallel_loop3A_832 = tpu.vector_load %arg9[%parallel_loop3A_830, %parallel_loop3A_831] {strides = array<i32>} : memref<128x64xf32, #tpu.memory_space<vmem>>, vector<16xf32>,
        %parallel_loop3A_833 = arith.mulf %parallel_loop3A_829, %parallel_loop3A_832 : vector<16xf32>
        %parallel_loop3A_834 = arith.addf %parallel_loop3A_822, %parallel_loop3A_833 : vector<16xf32>
        %parallel_loop3A_835 = arith.mulf %parallel_loop3A_829, %parallel_loop3A_829 : vector<16xf32>
        %parallel_loop3A_836 = arith.addf %parallel_loop3A_824, %parallel_loop3A_835 : vector<16xf32>
        %parallel_loop3A_837 = arith.mulf %parallel_loop3A_832, %parallel_loop3A_832 : vector<16xf32>
        %parallel_loop3A_838 = arith.addf %parallel_loop3A_826, %parallel_loop3A_837 : vector<16xf32>
        %parallel_loop3A_839 = arith.constant 187 : i32
        %parallel_loop3A_840 = arith.addi %parallel_loop3A_74, %parallel_loop3A_839 : i32
        %parallel_loop3A_841 = arith.index_cast %parallel_loop3A_840 : i32 to index
        %parallel_loop3A_842 = tpu.vector_load %arg13[%parallel_loop3A_841] {strides = array<i32>} : memref<6528xf32, #tpu.memory_space<vmem>>, vector<16xf32>,
        tpu.vector_store %arg13[%parallel_loop3A_841], %parallel_loop3A_834 {strides = array<i32>} : memref<6528xf32, #tpu.memory_space<vmem>>, vector<16xf32>,
        %parallel_loop3A_843 = arith.constant 272 : i32
        %parallel_loop3A_844 = arith.addi %parallel_loop3A_74, %parallel_loop3A_843 : i32
        %parallel_loop3A_845 = arith.constant 187 : i32
        %parallel_loop3A_846 = arith.addi %parallel_loop3A_844, %parallel_loop3A_845 : i32
        %parallel_loop3A_847 = arith.index_cast %parallel_loop3A_846 : i32 to index
        %parallel_loop3A_848 = tpu.vector_load %arg13[%parallel_loop3A_847] {strides = array<i32>} : memref<6528xf32, #tpu.memory_space<vmem>>, vector<16xf32>,
        tpu.vector_store %arg13[%parallel_loop3A_847], %parallel_loop3A_836 {strides = array<i32>} : memref<6528xf32, #tpu.memory_space<vmem>>, vector<16xf32>,
        %parallel_loop3A_849 = arith.constant 544 : i32
        %parallel_loop3A_850 = arith.addi %parallel_loop3A_74, %parallel_loop3A_849 : i32
        %parallel_loop3A_851 = arith.constant 187 : i32
        %parallel_loop3A_852 = arith.addi %parallel_loop3A_850, %parallel_loop3A_851 : i32
        %parallel_loop3A_853 = arith.index_cast %parallel_loop3A_852 : i32 to index
        %parallel_loop3A_854 = tpu.vector_load %arg13[%parallel_loop3A_853] {strides = array<i32>} : memref<6528xf32, #tpu.memory_space<vmem>>, vector<16xf32>,
        tpu.vector_store %arg13[%parallel_loop3A_853], %parallel_loop3A_838 {strides = array<i32>} : memref<6528xf32, #tpu.memory_space<vmem>>, vector<16xf32>,
        %parallel_loop3A_855 = arith.constant 16 : i32
        %parallel_loop3A_856 = arith.muli %parallel_loop3A_72, %parallel_loop3A_855 : i32
        %parallel_loop3A_857 = arith.constant 12 : i32
        %parallel_loop3A_858 = arith.addi %parallel_loop3A_856, %parallel_loop3A_857 : i32
        %parallel_loop3A_859 = arith.index_cast %parallel_loop3A_858 : i32 to index
        %parallel_loop3A_860 = arith.constant 0 : index
        %parallel_loop3A_861 = tpu.vector_load %arg8[%parallel_loop3A_859, %parallel_loop3A_860] {strides = array<i32>} : memref<128x64xf32, #tpu.memory_space<vmem>>, vector<16xf32>,
        %parallel_loop3A_862 = arith.index_cast %parallel_loop3A_858 : i32 to index
        %parallel_loop3A_863 = arith.constant 0 : index
        %parallel_loop3A_864 = tpu.vector_load %arg9[%parallel_loop3A_862, %parallel_loop3A_863] {strides = array<i32>} : memref<128x64xf32, #tpu.memory_space<vmem>>, vector<16xf32>,
        %parallel_loop3A_865 = arith.mulf %parallel_loop3A_861, %parallel_loop3A_864 : vector<16xf32>
        %parallel_loop3A_866 = arith.mulf %parallel_loop3A_861, %parallel_loop3A_861 : vector<16xf32>
        %parallel_loop3A_867 = arith.mulf %parallel_loop3A_864, %parallel_loop3A_864 : vector<16xf32>
        %parallel_loop3A_868 = arith.index_cast %parallel_loop3A_858 : i32 to index
        %parallel_loop3A_869 = arith.constant 16 : index
        %parallel_loop3A_870 = tpu.vector_load %arg8[%parallel_loop3A_868, %parallel_loop3A_869] {strides = array<i32>} : memref<128x64xf32, #tpu.memory_space<vmem>>, vector<16xf32>,
        %parallel_loop3A_871 = arith.index_cast %parallel_loop3A_858 : i32 to index
        %parallel_loop3A_872 = arith.constant 16 : index
        %parallel_loop3A_873 = tpu.vector_load %arg9[%parallel_loop3A_871, %parallel_loop3A_872] {strides = array<i32>} : memref<128x64xf32, #tpu.memory_space<vmem>>, vector<16xf32>,
        %parallel_loop3A_874 = arith.mulf %parallel_loop3A_870, %parallel_loop3A_873 : vector<16xf32>
        %parallel_loop3A_875 = arith.addf %parallel_loop3A_865, %parallel_loop3A_874 : vector<16xf32>
        %parallel_loop3A_876 = arith.mulf %parallel_loop3A_870, %parallel_loop3A_870 : vector<16xf32>
        %parallel_loop3A_877 = arith.addf %parallel_loop3A_866, %parallel_loop3A_876 : vector<16xf32>
        %parallel_loop3A_878 = arith.mulf %parallel_loop3A_873, %parallel_loop3A_873 : vector<16xf32>
        %parallel_loop3A_879 = arith.addf %parallel_loop3A_867, %parallel_loop3A_878 : vector<16xf32>
        %parallel_loop3A_880 = arith.index_cast %parallel_loop3A_858 : i32 to index
        %parallel_loop3A_881 = arith.constant 32 : index
        %parallel_loop3A_882 = tpu.vector_load %arg8[%parallel_loop3A_880, %parallel_loop3A_881] {strides = array<i32>} : memref<128x64xf32, #tpu.memory_space<vmem>>, vector<16xf32>,
        %parallel_loop3A_883 = arith.index_cast %parallel_loop3A_858 : i32 to index
        %parallel_loop3A_884 = arith.constant 32 : index
        %parallel_loop3A_885 = tpu.vector_load %arg9[%parallel_loop3A_883, %parallel_loop3A_884] {strides = array<i32>} : memref<128x64xf32, #tpu.memory_space<vmem>>, vector<16xf32>,
        %parallel_loop3A_886 = arith.mulf %parallel_loop3A_882, %parallel_loop3A_885 : vector<16xf32>
        %parallel_loop3A_887 = arith.addf %parallel_loop3A_875, %parallel_loop3A_886 : vector<16xf32>
        %parallel_loop3A_888 = arith.mulf %parallel_loop3A_882, %parallel_loop3A_882 : vector<16xf32>
        %parallel_loop3A_889 = arith.addf %parallel_loop3A_877, %parallel_loop3A_888 : vector<16xf32>
        %parallel_loop3A_890 = arith.mulf %parallel_loop3A_885, %parallel_loop3A_885 : vector<16xf32>
        %parallel_loop3A_891 = arith.addf %parallel_loop3A_879, %parallel_loop3A_890 : vector<16xf32>
        %parallel_loop3A_892 = arith.index_cast %parallel_loop3A_858 : i32 to index
        %parallel_loop3A_893 = arith.constant 48 : index
        %parallel_loop3A_894 = tpu.vector_load %arg8[%parallel_loop3A_892, %parallel_loop3A_893] {strides = array<i32>} : memref<128x64xf32, #tpu.memory_space<vmem>>, vector<16xf32>,
        %parallel_loop3A_895 = arith.index_cast %parallel_loop3A_858 : i32 to index
        %parallel_loop3A_896 = arith.constant 48 : index
        %parallel_loop3A_897 = tpu.vector_load %arg9[%parallel_loop3A_895, %parallel_loop3A_896] {strides = array<i32>} : memref<128x64xf32, #tpu.memory_space<vmem>>, vector<16xf32>,
        %parallel_loop3A_898 = arith.mulf %parallel_loop3A_894, %parallel_loop3A_897 : vector<16xf32>
        %parallel_loop3A_899 = arith.addf %parallel_loop3A_887, %parallel_loop3A_898 : vector<16xf32>
        %parallel_loop3A_900 = arith.mulf %parallel_loop3A_894, %parallel_loop3A_894 : vector<16xf32>
        %parallel_loop3A_901 = arith.addf %parallel_loop3A_889, %parallel_loop3A_900 : vector<16xf32>
        %parallel_loop3A_902 = arith.mulf %parallel_loop3A_897, %parallel_loop3A_897 : vector<16xf32>
        %parallel_loop3A_903 = arith.addf %parallel_loop3A_891, %parallel_loop3A_902 : vector<16xf32>
        %parallel_loop3A_904 = arith.constant 204 : i32
        %parallel_loop3A_905 = arith.addi %parallel_loop3A_74, %parallel_loop3A_904 : i32
        %parallel_loop3A_906 = arith.index_cast %parallel_loop3A_905 : i32 to index
        %parallel_loop3A_907 = tpu.vector_load %arg13[%parallel_loop3A_906] {strides = array<i32>} : memref<6528xf32, #tpu.memory_space<vmem>>, vector<16xf32>,
        tpu.vector_store %arg13[%parallel_loop3A_906], %parallel_loop3A_899 {strides = array<i32>} : memref<6528xf32, #tpu.memory_space<vmem>>, vector<16xf32>,
        %parallel_loop3A_908 = arith.constant 272 : i32
        %parallel_loop3A_909 = arith.addi %parallel_loop3A_74, %parallel_loop3A_908 : i32
        %parallel_loop3A_910 = arith.constant 204 : i32
        %parallel_loop3A_911 = arith.addi %parallel_loop3A_909, %parallel_loop3A_910 : i32
        %parallel_loop3A_912 = arith.index_cast %parallel_loop3A_911 : i32 to index
        %parallel_loop3A_913 = tpu.vector_load %arg13[%parallel_loop3A_912] {strides = array<i32>} : memref<6528xf32, #tpu.memory_space<vmem>>, vector<16xf32>,
        tpu.vector_store %arg13[%parallel_loop3A_912], %parallel_loop3A_901 {strides = array<i32>} : memref<6528xf32, #tpu.memory_space<vmem>>, vector<16xf32>,
        %parallel_loop3A_914 = arith.constant 544 : i32
        %parallel_loop3A_915 = arith.addi %parallel_loop3A_74, %parallel_loop3A_914 : i32
        %parallel_loop3A_916 = arith.constant 204 : i32
        %parallel_loop3A_917 = arith.addi %parallel_loop3A_915, %parallel_loop3A_916 : i32
        %parallel_loop3A_918 = arith.index_cast %parallel_loop3A_917 : i32 to index
        %parallel_loop3A_919 = tpu.vector_load %arg13[%parallel_loop3A_918] {strides = array<i32>} : memref<6528xf32, #tpu.memory_space<vmem>>, vector<16xf32>,
        tpu.vector_store %arg13[%parallel_loop3A_918], %parallel_loop3A_903 {strides = array<i32>} : memref<6528xf32, #tpu.memory_space<vmem>>, vector<16xf32>,
        %parallel_loop3A_920 = arith.constant 16 : i32
        %parallel_loop3A_921 = arith.muli %parallel_loop3A_72, %parallel_loop3A_920 : i32
        %parallel_loop3A_922 = arith.constant 13 : i32
        %parallel_loop3A_923 = arith.addi %parallel_loop3A_921, %parallel_loop3A_922 : i32
        %parallel_loop3A_924 = arith.index_cast %parallel_loop3A_923 : i32 to index
        %parallel_loop3A_925 = arith.constant 0 : index
        %parallel_loop3A_926 = tpu.vector_load %arg8[%parallel_loop3A_924, %parallel_loop3A_925] {strides = array<i32>} : memref<128x64xf32, #tpu.memory_space<vmem>>, vector<16xf32>,
        %parallel_loop3A_927 = arith.index_cast %parallel_loop3A_923 : i32 to index
        %parallel_loop3A_928 = arith.constant 0 : index
        %parallel_loop3A_929 = tpu.vector_load %arg9[%parallel_loop3A_927, %parallel_loop3A_928] {strides = array<i32>} : memref<128x64xf32, #tpu.memory_space<vmem>>, vector<16xf32>,
        %parallel_loop3A_930 = arith.mulf %parallel_loop3A_926, %parallel_loop3A_929 : vector<16xf32>
        %parallel_loop3A_931 = arith.mulf %parallel_loop3A_926, %parallel_loop3A_926 : vector<16xf32>
        %parallel_loop3A_932 = arith.mulf %parallel_loop3A_929, %parallel_loop3A_929 : vector<16xf32>
        %parallel_loop3A_933 = arith.index_cast %parallel_loop3A_923 : i32 to index
        %parallel_loop3A_934 = arith.constant 16 : index
        %parallel_loop3A_935 = tpu.vector_load %arg8[%parallel_loop3A_933, %parallel_loop3A_934] {strides = array<i32>} : memref<128x64xf32, #tpu.memory_space<vmem>>, vector<16xf32>,
        %parallel_loop3A_936 = arith.index_cast %parallel_loop3A_923 : i32 to index
        %parallel_loop3A_937 = arith.constant 16 : index
        %parallel_loop3A_938 = tpu.vector_load %arg9[%parallel_loop3A_936, %parallel_loop3A_937] {strides = array<i32>} : memref<128x64xf32, #tpu.memory_space<vmem>>, vector<16xf32>,
        %parallel_loop3A_939 = arith.mulf %parallel_loop3A_935, %parallel_loop3A_938 : vector<16xf32>
        %parallel_loop3A_940 = arith.addf %parallel_loop3A_930, %parallel_loop3A_939 : vector<16xf32>
        %parallel_loop3A_941 = arith.mulf %parallel_loop3A_935, %parallel_loop3A_935 : vector<16xf32>
        %parallel_loop3A_942 = arith.addf %parallel_loop3A_931, %parallel_loop3A_941 : vector<16xf32>
        %parallel_loop3A_943 = arith.mulf %parallel_loop3A_938, %parallel_loop3A_938 : vector<16xf32>
        %parallel_loop3A_944 = arith.addf %parallel_loop3A_932, %parallel_loop3A_943 : vector<16xf32>
        %parallel_loop3A_945 = arith.index_cast %parallel_loop3A_923 : i32 to index
        %parallel_loop3A_946 = arith.constant 32 : index
        %parallel_loop3A_947 = tpu.vector_load %arg8[%parallel_loop3A_945, %parallel_loop3A_946] {strides = array<i32>} : memref<128x64xf32, #tpu.memory_space<vmem>>, vector<16xf32>,
        %parallel_loop3A_948 = arith.index_cast %parallel_loop3A_923 : i32 to index
        %parallel_loop3A_949 = arith.constant 32 : index
        %parallel_loop3A_950 = tpu.vector_load %arg9[%parallel_loop3A_948, %parallel_loop3A_949] {strides = array<i32>} : memref<128x64xf32, #tpu.memory_space<vmem>>, vector<16xf32>,
        %parallel_loop3A_951 = arith.mulf %parallel_loop3A_947, %parallel_loop3A_950 : vector<16xf32>
        %parallel_loop3A_952 = arith.addf %parallel_loop3A_940, %parallel_loop3A_951 : vector<16xf32>
        %parallel_loop3A_953 = arith.mulf %parallel_loop3A_947, %parallel_loop3A_947 : vector<16xf32>
        %parallel_loop3A_954 = arith.addf %parallel_loop3A_942, %parallel_loop3A_953 : vector<16xf32>
        %parallel_loop3A_955 = arith.mulf %parallel_loop3A_950, %parallel_loop3A_950 : vector<16xf32>
        %parallel_loop3A_956 = arith.addf %parallel_loop3A_944, %parallel_loop3A_955 : vector<16xf32>
        %parallel_loop3A_957 = arith.index_cast %parallel_loop3A_923 : i32 to index
        %parallel_loop3A_958 = arith.constant 48 : index
        %parallel_loop3A_959 = tpu.vector_load %arg8[%parallel_loop3A_957, %parallel_loop3A_958] {strides = array<i32>} : memref<128x64xf32, #tpu.memory_space<vmem>>, vector<16xf32>,
        %parallel_loop3A_960 = arith.index_cast %parallel_loop3A_923 : i32 to index
        %parallel_loop3A_961 = arith.constant 48 : index
        %parallel_loop3A_962 = tpu.vector_load %arg9[%parallel_loop3A_960, %parallel_loop3A_961] {strides = array<i32>} : memref<128x64xf32, #tpu.memory_space<vmem>>, vector<16xf32>,
        %parallel_loop3A_963 = arith.mulf %parallel_loop3A_959, %parallel_loop3A_962 : vector<16xf32>
        %parallel_loop3A_964 = arith.addf %parallel_loop3A_952, %parallel_loop3A_963 : vector<16xf32>
        %parallel_loop3A_965 = arith.mulf %parallel_loop3A_959, %parallel_loop3A_959 : vector<16xf32>
        %parallel_loop3A_966 = arith.addf %parallel_loop3A_954, %parallel_loop3A_965 : vector<16xf32>
        %parallel_loop3A_967 = arith.mulf %parallel_loop3A_962, %parallel_loop3A_962 : vector<16xf32>
        %parallel_loop3A_968 = arith.addf %parallel_loop3A_956, %parallel_loop3A_967 : vector<16xf32>
        %parallel_loop3A_969 = arith.constant 221 : i32
        %parallel_loop3A_970 = arith.addi %parallel_loop3A_74, %parallel_loop3A_969 : i32
        %parallel_loop3A_971 = arith.index_cast %parallel_loop3A_970 : i32 to index
        %parallel_loop3A_972 = tpu.vector_load %arg13[%parallel_loop3A_971] {strides = array<i32>} : memref<6528xf32, #tpu.memory_space<vmem>>, vector<16xf32>,
        tpu.vector_store %arg13[%parallel_loop3A_971], %parallel_loop3A_964 {strides = array<i32>} : memref<6528xf32, #tpu.memory_space<vmem>>, vector<16xf32>,
        %parallel_loop3A_973 = arith.constant 272 : i32
        %parallel_loop3A_974 = arith.addi %parallel_loop3A_74, %parallel_loop3A_973 : i32
        %parallel_loop3A_975 = arith.constant 221 : i32
        %parallel_loop3A_976 = arith.addi %parallel_loop3A_974, %parallel_loop3A_975 : i32
        %parallel_loop3A_977 = arith.index_cast %parallel_loop3A_976 : i32 to index
        %parallel_loop3A_978 = tpu.vector_load %arg13[%parallel_loop3A_977] {strides = array<i32>} : memref<6528xf32, #tpu.memory_space<vmem>>, vector<16xf32>,
        tpu.vector_store %arg13[%parallel_loop3A_977], %parallel_loop3A_966 {strides = array<i32>} : memref<6528xf32, #tpu.memory_space<vmem>>, vector<16xf32>,
        %parallel_loop3A_979 = arith.constant 544 : i32
        %parallel_loop3A_980 = arith.addi %parallel_loop3A_74, %parallel_loop3A_979 : i32
        %parallel_loop3A_981 = arith.constant 221 : i32
        %parallel_loop3A_982 = arith.addi %parallel_loop3A_980, %parallel_loop3A_981 : i32
        %parallel_loop3A_983 = arith.index_cast %parallel_loop3A_982 : i32 to index
        %parallel_loop3A_984 = tpu.vector_load %arg13[%parallel_loop3A_983] {strides = array<i32>} : memref<6528xf32, #tpu.memory_space<vmem>>, vector<16xf32>,
        tpu.vector_store %arg13[%parallel_loop3A_983], %parallel_loop3A_968 {strides = array<i32>} : memref<6528xf32, #tpu.memory_space<vmem>>, vector<16xf32>,
        %parallel_loop3A_985 = arith.constant 16 : i32
        %parallel_loop3A_986 = arith.muli %parallel_loop3A_72, %parallel_loop3A_985 : i32
        %parallel_loop3A_987 = arith.constant 14 : i32
        %parallel_loop3A_988 = arith.addi %parallel_loop3A_986, %parallel_loop3A_987 : i32
        %parallel_loop3A_989 = arith.index_cast %parallel_loop3A_988 : i32 to index
        %parallel_loop3A_990 = arith.constant 0 : index
        %parallel_loop3A_991 = tpu.vector_load %arg8[%parallel_loop3A_989, %parallel_loop3A_990] {strides = array<i32>} : memref<128x64xf32, #tpu.memory_space<vmem>>, vector<16xf32>,
        %parallel_loop3A_992 = arith.index_cast %parallel_loop3A_988 : i32 to index
        %parallel_loop3A_993 = arith.constant 0 : index
        %parallel_loop3A_994 = tpu.vector_load %arg9[%parallel_loop3A_992, %parallel_loop3A_993] {strides = array<i32>} : memref<128x64xf32, #tpu.memory_space<vmem>>, vector<16xf32>,
        %parallel_loop3A_995 = arith.mulf %parallel_loop3A_991, %parallel_loop3A_994 : vector<16xf32>
        %parallel_loop3A_996 = arith.mulf %parallel_loop3A_991, %parallel_loop3A_991 : vector<16xf32>
        %parallel_loop3A_997 = arith.mulf %parallel_loop3A_994, %parallel_loop3A_994 : vector<16xf32>
        %parallel_loop3A_998 = arith.index_cast %parallel_loop3A_988 : i32 to index
        %parallel_loop3A_999 = arith.constant 16 : index
        %parallel_loop3A_1000 = tpu.vector_load %arg8[%parallel_loop3A_998, %parallel_loop3A_999] {strides = array<i32>} : memref<128x64xf32, #tpu.memory_space<vmem>>, vector<16xf32>,
        %parallel_loop3A_1001 = arith.index_cast %parallel_loop3A_988 : i32 to index
        %parallel_loop3A_1002 = arith.constant 16 : index
        %parallel_loop3A_1003 = tpu.vector_load %arg9[%parallel_loop3A_1001, %parallel_loop3A_1002] {strides = array<i32>} : memref<128x64xf32, #tpu.memory_space<vmem>>, vector<16xf32>,
        %parallel_loop3A_1004 = arith.mulf %parallel_loop3A_1000, %parallel_loop3A_1003 : vector<16xf32>
        %parallel_loop3A_1005 = arith.addf %parallel_loop3A_995, %parallel_loop3A_1004 : vector<16xf32>
        %parallel_loop3A_1006 = arith.mulf %parallel_loop3A_1000, %parallel_loop3A_1000 : vector<16xf32>
        %parallel_loop3A_1007 = arith.addf %parallel_loop3A_996, %parallel_loop3A_1006 : vector<16xf32>
        %parallel_loop3A_1008 = arith.mulf %parallel_loop3A_1003, %parallel_loop3A_1003 : vector<16xf32>
        %parallel_loop3A_1009 = arith.addf %parallel_loop3A_997, %parallel_loop3A_1008 : vector<16xf32>
        %parallel_loop3A_1010 = arith.index_cast %parallel_loop3A_988 : i32 to index
        %parallel_loop3A_1011 = arith.constant 32 : index
        %parallel_loop3A_1012 = tpu.vector_load %arg8[%parallel_loop3A_1010, %parallel_loop3A_1011] {strides = array<i32>} : memref<128x64xf32, #tpu.memory_space<vmem>>, vector<16xf32>,
        %parallel_loop3A_1013 = arith.index_cast %parallel_loop3A_988 : i32 to index
        %parallel_loop3A_1014 = arith.constant 32 : index
        %parallel_loop3A_1015 = tpu.vector_load %arg9[%parallel_loop3A_1013, %parallel_loop3A_1014] {strides = array<i32>} : memref<128x64xf32, #tpu.memory_space<vmem>>, vector<16xf32>,
        %parallel_loop3A_1016 = arith.mulf %parallel_loop3A_1012, %parallel_loop3A_1015 : vector<16xf32>
        %parallel_loop3A_1017 = arith.addf %parallel_loop3A_1005, %parallel_loop3A_1016 : vector<16xf32>
        %parallel_loop3A_1018 = arith.mulf %parallel_loop3A_1012, %parallel_loop3A_1012 : vector<16xf32>
        %parallel_loop3A_1019 = arith.addf %parallel_loop3A_1007, %parallel_loop3A_1018 : vector<16xf32>
        %parallel_loop3A_1020 = arith.mulf %parallel_loop3A_1015, %parallel_loop3A_1015 : vector<16xf32>
        %parallel_loop3A_1021 = arith.addf %parallel_loop3A_1009, %parallel_loop3A_1020 : vector<16xf32>
        %parallel_loop3A_1022 = arith.index_cast %parallel_loop3A_988 : i32 to index
        %parallel_loop3A_1023 = arith.constant 48 : index
        %parallel_loop3A_1024 = tpu.vector_load %arg8[%parallel_loop3A_1022, %parallel_loop3A_1023] {strides = array<i32>} : memref<128x64xf32, #tpu.memory_space<vmem>>, vector<16xf32>,
        %parallel_loop3A_1025 = arith.index_cast %parallel_loop3A_988 : i32 to index
        %parallel_loop3A_1026 = arith.constant 48 : index
        %parallel_loop3A_1027 = tpu.vector_load %arg9[%parallel_loop3A_1025, %parallel_loop3A_1026] {strides = array<i32>} : memref<128x64xf32, #tpu.memory_space<vmem>>, vector<16xf32>,
        %parallel_loop3A_1028 = arith.mulf %parallel_loop3A_1024, %parallel_loop3A_1027 : vector<16xf32>
        %parallel_loop3A_1029 = arith.addf %parallel_loop3A_1017, %parallel_loop3A_1028 : vector<16xf32>
        %parallel_loop3A_1030 = arith.mulf %parallel_loop3A_1024, %parallel_loop3A_1024 : vector<16xf32>
        %parallel_loop3A_1031 = arith.addf %parallel_loop3A_1019, %parallel_loop3A_1030 : vector<16xf32>
        %parallel_loop3A_1032 = arith.mulf %parallel_loop3A_1027, %parallel_loop3A_1027 : vector<16xf32>
        %parallel_loop3A_1033 = arith.addf %parallel_loop3A_1021, %parallel_loop3A_1032 : vector<16xf32>
        %parallel_loop3A_1034 = arith.constant 238 : i32
        %parallel_loop3A_1035 = arith.addi %parallel_loop3A_74, %parallel_loop3A_1034 : i32
        %parallel_loop3A_1036 = arith.index_cast %parallel_loop3A_1035 : i32 to index
        %parallel_loop3A_1037 = tpu.vector_load %arg13[%parallel_loop3A_1036] {strides = array<i32>} : memref<6528xf32, #tpu.memory_space<vmem>>, vector<16xf32>,
        tpu.vector_store %arg13[%parallel_loop3A_1036], %parallel_loop3A_1029 {strides = array<i32>} : memref<6528xf32, #tpu.memory_space<vmem>>, vector<16xf32>,
        %parallel_loop3A_1038 = arith.constant 272 : i32
        %parallel_loop3A_1039 = arith.addi %parallel_loop3A_74, %parallel_loop3A_1038 : i32
        %parallel_loop3A_1040 = arith.constant 238 : i32
        %parallel_loop3A_1041 = arith.addi %parallel_loop3A_1039, %parallel_loop3A_1040 : i32
        %parallel_loop3A_1042 = arith.index_cast %parallel_loop3A_1041 : i32 to index
        %parallel_loop3A_1043 = tpu.vector_load %arg13[%parallel_loop3A_1042] {strides = array<i32>} : memref<6528xf32, #tpu.memory_space<vmem>>, vector<16xf32>,
        tpu.vector_store %arg13[%parallel_loop3A_1042], %parallel_loop3A_1031 {strides = array<i32>} : memref<6528xf32, #tpu.memory_space<vmem>>, vector<16xf32>,
        %parallel_loop3A_1044 = arith.constant 544 : i32
        %parallel_loop3A_1045 = arith.addi %parallel_loop3A_74, %parallel_loop3A_1044 : i32
        %parallel_loop3A_1046 = arith.constant 238 : i32
        %parallel_loop3A_1047 = arith.addi %parallel_loop3A_1045, %parallel_loop3A_1046 : i32
        %parallel_loop3A_1048 = arith.index_cast %parallel_loop3A_1047 : i32 to index
        %parallel_loop3A_1049 = tpu.vector_load %arg13[%parallel_loop3A_1048] {strides = array<i32>} : memref<6528xf32, #tpu.memory_space<vmem>>, vector<16xf32>,
        tpu.vector_store %arg13[%parallel_loop3A_1048], %parallel_loop3A_1033 {strides = array<i32>} : memref<6528xf32, #tpu.memory_space<vmem>>, vector<16xf32>,
        %parallel_loop3A_1050 = arith.constant 16 : i32
        %parallel_loop3A_1051 = arith.muli %parallel_loop3A_72, %parallel_loop3A_1050 : i32
        %parallel_loop3A_1052 = arith.constant 15 : i32
        %parallel_loop3A_1053 = arith.addi %parallel_loop3A_1051, %parallel_loop3A_1052 : i32
        %parallel_loop3A_1054 = arith.index_cast %parallel_loop3A_1053 : i32 to index
        %parallel_loop3A_1055 = arith.constant 0 : index
        %parallel_loop3A_1056 = tpu.vector_load %arg8[%parallel_loop3A_1054, %parallel_loop3A_1055] {strides = array<i32>} : memref<128x64xf32, #tpu.memory_space<vmem>>, vector<16xf32>,
        %parallel_loop3A_1057 = arith.index_cast %parallel_loop3A_1053 : i32 to index
        %parallel_loop3A_1058 = arith.constant 0 : index
        %parallel_loop3A_1059 = tpu.vector_load %arg9[%parallel_loop3A_1057, %parallel_loop3A_1058] {strides = array<i32>} : memref<128x64xf32, #tpu.memory_space<vmem>>, vector<16xf32>,
        %parallel_loop3A_1060 = arith.mulf %parallel_loop3A_1056, %parallel_loop3A_1059 : vector<16xf32>
        %parallel_loop3A_1061 = arith.mulf %parallel_loop3A_1056, %parallel_loop3A_1056 : vector<16xf32>
        %parallel_loop3A_1062 = arith.mulf %parallel_loop3A_1059, %parallel_loop3A_1059 : vector<16xf32>
        %parallel_loop3A_1063 = arith.index_cast %parallel_loop3A_1053 : i32 to index
        %parallel_loop3A_1064 = arith.constant 16 : index
        %parallel_loop3A_1065 = tpu.vector_load %arg8[%parallel_loop3A_1063, %parallel_loop3A_1064] {strides = array<i32>} : memref<128x64xf32, #tpu.memory_space<vmem>>, vector<16xf32>,
        %parallel_loop3A_1066 = arith.index_cast %parallel_loop3A_1053 : i32 to index
        %parallel_loop3A_1067 = arith.constant 16 : index
        %parallel_loop3A_1068 = tpu.vector_load %arg9[%parallel_loop3A_1066, %parallel_loop3A_1067] {strides = array<i32>} : memref<128x64xf32, #tpu.memory_space<vmem>>, vector<16xf32>,
        %parallel_loop3A_1069 = arith.mulf %parallel_loop3A_1065, %parallel_loop3A_1068 : vector<16xf32>
        %parallel_loop3A_1070 = arith.addf %parallel_loop3A_1060, %parallel_loop3A_1069 : vector<16xf32>
        %parallel_loop3A_1071 = arith.mulf %parallel_loop3A_1065, %parallel_loop3A_1065 : vector<16xf32>
        %parallel_loop3A_1072 = arith.addf %parallel_loop3A_1061, %parallel_loop3A_1071 : vector<16xf32>
        %parallel_loop3A_1073 = arith.mulf %parallel_loop3A_1068, %parallel_loop3A_1068 : vector<16xf32>
        %parallel_loop3A_1074 = arith.addf %parallel_loop3A_1062, %parallel_loop3A_1073 : vector<16xf32>
        %parallel_loop3A_1075 = arith.index_cast %parallel_loop3A_1053 : i32 to index
        %parallel_loop3A_1076 = arith.constant 32 : index
        %parallel_loop3A_1077 = tpu.vector_load %arg8[%parallel_loop3A_1075, %parallel_loop3A_1076] {strides = array<i32>} : memref<128x64xf32, #tpu.memory_space<vmem>>, vector<16xf32>,
        %parallel_loop3A_1078 = arith.index_cast %parallel_loop3A_1053 : i32 to index
        %parallel_loop3A_1079 = arith.constant 32 : index
        %parallel_loop3A_1080 = tpu.vector_load %arg9[%parallel_loop3A_1078, %parallel_loop3A_1079] {strides = array<i32>} : memref<128x64xf32, #tpu.memory_space<vmem>>, vector<16xf32>,
        %parallel_loop3A_1081 = arith.mulf %parallel_loop3A_1077, %parallel_loop3A_1080 : vector<16xf32>
        %parallel_loop3A_1082 = arith.addf %parallel_loop3A_1070, %parallel_loop3A_1081 : vector<16xf32>
        %parallel_loop3A_1083 = arith.mulf %parallel_loop3A_1077, %parallel_loop3A_1077 : vector<16xf32>
        %parallel_loop3A_1084 = arith.addf %parallel_loop3A_1072, %parallel_loop3A_1083 : vector<16xf32>
        %parallel_loop3A_1085 = arith.mulf %parallel_loop3A_1080, %parallel_loop3A_1080 : vector<16xf32>
        %parallel_loop3A_1086 = arith.addf %parallel_loop3A_1074, %parallel_loop3A_1085 : vector<16xf32>
        %parallel_loop3A_1087 = arith.index_cast %parallel_loop3A_1053 : i32 to index
        %parallel_loop3A_1088 = arith.constant 48 : index
        %parallel_loop3A_1089 = tpu.vector_load %arg8[%parallel_loop3A_1087, %parallel_loop3A_1088] {strides = array<i32>} : memref<128x64xf32, #tpu.memory_space<vmem>>, vector<16xf32>,
        %parallel_loop3A_1090 = arith.index_cast %parallel_loop3A_1053 : i32 to index
        %parallel_loop3A_1091 = arith.constant 48 : index
        %parallel_loop3A_1092 = tpu.vector_load %arg9[%parallel_loop3A_1090, %parallel_loop3A_1091] {strides = array<i32>} : memref<128x64xf32, #tpu.memory_space<vmem>>, vector<16xf32>,
        %parallel_loop3A_1093 = arith.mulf %parallel_loop3A_1089, %parallel_loop3A_1092 : vector<16xf32>
        %parallel_loop3A_1094 = arith.addf %parallel_loop3A_1082, %parallel_loop3A_1093 : vector<16xf32>
        %parallel_loop3A_1095 = arith.mulf %parallel_loop3A_1089, %parallel_loop3A_1089 : vector<16xf32>
        %parallel_loop3A_1096 = arith.addf %parallel_loop3A_1084, %parallel_loop3A_1095 : vector<16xf32>
        %parallel_loop3A_1097 = arith.mulf %parallel_loop3A_1092, %parallel_loop3A_1092 : vector<16xf32>
        %parallel_loop3A_1098 = arith.addf %parallel_loop3A_1086, %parallel_loop3A_1097 : vector<16xf32>
        %parallel_loop3A_1099 = arith.constant 255 : i32
        %parallel_loop3A_1100 = arith.addi %parallel_loop3A_74, %parallel_loop3A_1099 : i32
        %parallel_loop3A_1101 = arith.index_cast %parallel_loop3A_1100 : i32 to index
        %parallel_loop3A_1102 = tpu.vector_load %arg13[%parallel_loop3A_1101] {strides = array<i32>} : memref<6528xf32, #tpu.memory_space<vmem>>, vector<16xf32>,
        tpu.vector_store %arg13[%parallel_loop3A_1101], %parallel_loop3A_1094 {strides = array<i32>} : memref<6528xf32, #tpu.memory_space<vmem>>, vector<16xf32>,
        %parallel_loop3A_1103 = arith.constant 272 : i32
        %parallel_loop3A_1104 = arith.addi %parallel_loop3A_74, %parallel_loop3A_1103 : i32
        %parallel_loop3A_1105 = arith.constant 255 : i32
        %parallel_loop3A_1106 = arith.addi %parallel_loop3A_1104, %parallel_loop3A_1105 : i32
        %parallel_loop3A_1107 = arith.index_cast %parallel_loop3A_1106 : i32 to index
        %parallel_loop3A_1108 = tpu.vector_load %arg13[%parallel_loop3A_1107] {strides = array<i32>} : memref<6528xf32, #tpu.memory_space<vmem>>, vector<16xf32>,
        tpu.vector_store %arg13[%parallel_loop3A_1107], %parallel_loop3A_1096 {strides = array<i32>} : memref<6528xf32, #tpu.memory_space<vmem>>, vector<16xf32>,
        %parallel_loop3A_1109 = arith.constant 544 : i32
        %parallel_loop3A_1110 = arith.addi %parallel_loop3A_74, %parallel_loop3A_1109 : i32
        %parallel_loop3A_1111 = arith.constant 255 : i32
        %parallel_loop3A_1112 = arith.addi %parallel_loop3A_1110, %parallel_loop3A_1111 : i32
        %parallel_loop3A_1113 = arith.index_cast %parallel_loop3A_1112 : i32 to index
        %parallel_loop3A_1114 = tpu.vector_load %arg13[%parallel_loop3A_1113] {strides = array<i32>} : memref<6528xf32, #tpu.memory_space<vmem>>, vector<16xf32>,
        tpu.vector_store %arg13[%parallel_loop3A_1113], %parallel_loop3A_1098 {strides = array<i32>} : memref<6528xf32, #tpu.memory_space<vmem>>, vector<16xf32>,
        %parallel_loop3A_1115 = vector.broadcast %parallel_loop3A_74 : i32 to vector<16xi32>
        %parallel_loop3A_1116 = arith.addi %mul3A_5, %parallel_loop3A_1115 : vector<16xi32>
        %parallel_loop3A_1117 = tpu.vector_load_idx %arg13[%parallel_loop3A_1116] : memref<6528xf32, #tpu.memory_space<vmem>>[vector<16xi32>], vector<16xf32>,
        %parallel_loop3A_1118 = arith.constant 1 : i32
        %parallel_loop3A_1119 = vector.broadcast %parallel_loop3A_1118 : i32 to vector<16xi32>
        %parallel_loop3A_1120 = arith.addi %parallel_loop3A_1116, %parallel_loop3A_1119 : vector<16xi32>
        %parallel_loop3A_1121 = tpu.vector_load_idx %arg13[%parallel_loop3A_1120] : memref<6528xf32, #tpu.memory_space<vmem>>[vector<16xi32>], vector<16xf32>,
        %parallel_loop3A_1122 = arith.addf %parallel_loop3A_1117, %parallel_loop3A_1121 : vector<16xf32>
        %parallel_loop3A_1123 = arith.constant 1 : i32
        %parallel_loop3A_1124 = vector.broadcast %parallel_loop3A_1123 : i32 to vector<16xi32>
        %parallel_loop3A_1125 = arith.addi %parallel_loop3A_1120, %parallel_loop3A_1124 : vector<16xi32>
        %parallel_loop3A_1126 = tpu.vector_load_idx %arg13[%parallel_loop3A_1125] : memref<6528xf32, #tpu.memory_space<vmem>>[vector<16xi32>], vector<16xf32>,
        %parallel_loop3A_1127 = arith.addf %parallel_loop3A_1122, %parallel_loop3A_1126 : vector<16xf32>
        %parallel_loop3A_1128 = arith.constant 1 : i32
        %parallel_loop3A_1129 = vector.broadcast %parallel_loop3A_1128 : i32 to vector<16xi32>
        %parallel_loop3A_1130 = arith.addi %parallel_loop3A_1125, %parallel_loop3A_1129 : vector<16xi32>
        %parallel_loop3A_1131 = tpu.vector_load_idx %arg13[%parallel_loop3A_1130] : memref<6528xf32, #tpu.memory_space<vmem>>[vector<16xi32>], vector<16xf32>,
        %parallel_loop3A_1132 = arith.addf %parallel_loop3A_1127, %parallel_loop3A_1131 : vector<16xf32>
        %parallel_loop3A_1133 = arith.constant 1 : i32
        %parallel_loop3A_1134 = vector.broadcast %parallel_loop3A_1133 : i32 to vector<16xi32>
        %parallel_loop3A_1135 = arith.addi %parallel_loop3A_1130, %parallel_loop3A_1134 : vector<16xi32>
        %parallel_loop3A_1136 = tpu.vector_load_idx %arg13[%parallel_loop3A_1135] : memref<6528xf32, #tpu.memory_space<vmem>>[vector<16xi32>], vector<16xf32>,
        %parallel_loop3A_1137 = arith.addf %parallel_loop3A_1132, %parallel_loop3A_1136 : vector<16xf32>
        %parallel_loop3A_1138 = arith.constant 1 : i32
        %parallel_loop3A_1139 = vector.broadcast %parallel_loop3A_1138 : i32 to vector<16xi32>
        %parallel_loop3A_1140 = arith.addi %parallel_loop3A_1135, %parallel_loop3A_1139 : vector<16xi32>
        %parallel_loop3A_1141 = tpu.vector_load_idx %arg13[%parallel_loop3A_1140] : memref<6528xf32, #tpu.memory_space<vmem>>[vector<16xi32>], vector<16xf32>,
        %parallel_loop3A_1142 = arith.addf %parallel_loop3A_1137, %parallel_loop3A_1141 : vector<16xf32>
        %parallel_loop3A_1143 = arith.constant 1 : i32
        %parallel_loop3A_1144 = vector.broadcast %parallel_loop3A_1143 : i32 to vector<16xi32>
        %parallel_loop3A_1145 = arith.addi %parallel_loop3A_1140, %parallel_loop3A_1144 : vector<16xi32>
        %parallel_loop3A_1146 = tpu.vector_load_idx %arg13[%parallel_loop3A_1145] : memref<6528xf32, #tpu.memory_space<vmem>>[vector<16xi32>], vector<16xf32>,
        %parallel_loop3A_1147 = arith.addf %parallel_loop3A_1142, %parallel_loop3A_1146 : vector<16xf32>
        %parallel_loop3A_1148 = arith.constant 1 : i32
        %parallel_loop3A_1149 = vector.broadcast %parallel_loop3A_1148 : i32 to vector<16xi32>
        %parallel_loop3A_1150 = arith.addi %parallel_loop3A_1145, %parallel_loop3A_1149 : vector<16xi32>
        %parallel_loop3A_1151 = tpu.vector_load_idx %arg13[%parallel_loop3A_1150] : memref<6528xf32, #tpu.memory_space<vmem>>[vector<16xi32>], vector<16xf32>,
        %parallel_loop3A_1152 = arith.addf %parallel_loop3A_1147, %parallel_loop3A_1151 : vector<16xf32>
        %parallel_loop3A_1153 = arith.constant 1 : i32
        %parallel_loop3A_1154 = vector.broadcast %parallel_loop3A_1153 : i32 to vector<16xi32>
        %parallel_loop3A_1155 = arith.addi %parallel_loop3A_1150, %parallel_loop3A_1154 : vector<16xi32>
        %parallel_loop3A_1156 = tpu.vector_load_idx %arg13[%parallel_loop3A_1155] : memref<6528xf32, #tpu.memory_space<vmem>>[vector<16xi32>], vector<16xf32>,
        %parallel_loop3A_1157 = arith.addf %parallel_loop3A_1152, %parallel_loop3A_1156 : vector<16xf32>
        %parallel_loop3A_1158 = arith.constant 1 : i32
        %parallel_loop3A_1159 = vector.broadcast %parallel_loop3A_1158 : i32 to vector<16xi32>
        %parallel_loop3A_1160 = arith.addi %parallel_loop3A_1155, %parallel_loop3A_1159 : vector<16xi32>
        %parallel_loop3A_1161 = tpu.vector_load_idx %arg13[%parallel_loop3A_1160] : memref<6528xf32, #tpu.memory_space<vmem>>[vector<16xi32>], vector<16xf32>,
        %parallel_loop3A_1162 = arith.addf %parallel_loop3A_1157, %parallel_loop3A_1161 : vector<16xf32>
        %parallel_loop3A_1163 = arith.constant 1 : i32
        %parallel_loop3A_1164 = vector.broadcast %parallel_loop3A_1163 : i32 to vector<16xi32>
        %parallel_loop3A_1165 = arith.addi %parallel_loop3A_1160, %parallel_loop3A_1164 : vector<16xi32>
        %parallel_loop3A_1166 = tpu.vector_load_idx %arg13[%parallel_loop3A_1165] : memref<6528xf32, #tpu.memory_space<vmem>>[vector<16xi32>], vector<16xf32>,
        %parallel_loop3A_1167 = arith.addf %parallel_loop3A_1162, %parallel_loop3A_1166 : vector<16xf32>
        %parallel_loop3A_1168 = arith.constant 1 : i32
        %parallel_loop3A_1169 = vector.broadcast %parallel_loop3A_1168 : i32 to vector<16xi32>
        %parallel_loop3A_1170 = arith.addi %parallel_loop3A_1165, %parallel_loop3A_1169 : vector<16xi32>
        %parallel_loop3A_1171 = tpu.vector_load_idx %arg13[%parallel_loop3A_1170] : memref<6528xf32, #tpu.memory_space<vmem>>[vector<16xi32>], vector<16xf32>,
        %parallel_loop3A_1172 = arith.addf %parallel_loop3A_1167, %parallel_loop3A_1171 : vector<16xf32>
        %parallel_loop3A_1173 = arith.constant 1 : i32
        %parallel_loop3A_1174 = vector.broadcast %parallel_loop3A_1173 : i32 to vector<16xi32>
        %parallel_loop3A_1175 = arith.addi %parallel_loop3A_1170, %parallel_loop3A_1174 : vector<16xi32>
        %parallel_loop3A_1176 = tpu.vector_load_idx %arg13[%parallel_loop3A_1175] : memref<6528xf32, #tpu.memory_space<vmem>>[vector<16xi32>], vector<16xf32>,
        %parallel_loop3A_1177 = arith.addf %parallel_loop3A_1172, %parallel_loop3A_1176 : vector<16xf32>
        %parallel_loop3A_1178 = arith.constant 1 : i32
        %parallel_loop3A_1179 = vector.broadcast %parallel_loop3A_1178 : i32 to vector<16xi32>
        %parallel_loop3A_1180 = arith.addi %parallel_loop3A_1175, %parallel_loop3A_1179 : vector<16xi32>
        %parallel_loop3A_1181 = tpu.vector_load_idx %arg13[%parallel_loop3A_1180] : memref<6528xf32, #tpu.memory_space<vmem>>[vector<16xi32>], vector<16xf32>,
        %parallel_loop3A_1182 = arith.addf %parallel_loop3A_1177, %parallel_loop3A_1181 : vector<16xf32>
        %parallel_loop3A_1183 = arith.constant 1 : i32
        %parallel_loop3A_1184 = vector.broadcast %parallel_loop3A_1183 : i32 to vector<16xi32>
        %parallel_loop3A_1185 = arith.addi %parallel_loop3A_1180, %parallel_loop3A_1184 : vector<16xi32>
        %parallel_loop3A_1186 = tpu.vector_load_idx %arg13[%parallel_loop3A_1185] : memref<6528xf32, #tpu.memory_space<vmem>>[vector<16xi32>], vector<16xf32>,
        %parallel_loop3A_1187 = arith.addf %parallel_loop3A_1182, %parallel_loop3A_1186 : vector<16xf32>
        %parallel_loop3A_1188 = arith.constant 1 : i32
        %parallel_loop3A_1189 = vector.broadcast %parallel_loop3A_1188 : i32 to vector<16xi32>
        %parallel_loop3A_1190 = arith.addi %parallel_loop3A_1185, %parallel_loop3A_1189 : vector<16xi32>
        %parallel_loop3A_1191 = tpu.vector_load_idx %arg13[%parallel_loop3A_1190] : memref<6528xf32, #tpu.memory_space<vmem>>[vector<16xi32>], vector<16xf32>,
        %parallel_loop3A_1192 = arith.addf %parallel_loop3A_1187, %parallel_loop3A_1191 : vector<16xf32>
        %parallel_loop3A_1193 = arith.constant 272 : i32
        %parallel_loop3A_1194 = arith.addi %parallel_loop3A_74, %parallel_loop3A_1193 : i32
        %parallel_loop3A_1195 = vector.broadcast %parallel_loop3A_1194 : i32 to vector<16xi32>
        %parallel_loop3A_1196 = arith.addi %mul3A_5, %parallel_loop3A_1195 : vector<16xi32>
        %parallel_loop3A_1197 = tpu.vector_load_idx %arg13[%parallel_loop3A_1196] : memref<6528xf32, #tpu.memory_space<vmem>>[vector<16xi32>], vector<16xf32>,
        %parallel_loop3A_1198 = arith.constant 1 : i32
        %parallel_loop3A_1199 = vector.broadcast %parallel_loop3A_1198 : i32 to vector<16xi32>
        %parallel_loop3A_1200 = arith.addi %parallel_loop3A_1196, %parallel_loop3A_1199 : vector<16xi32>
        %parallel_loop3A_1201 = tpu.vector_load_idx %arg13[%parallel_loop3A_1200] : memref<6528xf32, #tpu.memory_space<vmem>>[vector<16xi32>], vector<16xf32>,
        %parallel_loop3A_1202 = arith.addf %parallel_loop3A_1197, %parallel_loop3A_1201 : vector<16xf32>
        %parallel_loop3A_1203 = arith.constant 1 : i32
        %parallel_loop3A_1204 = vector.broadcast %parallel_loop3A_1203 : i32 to vector<16xi32>
        %parallel_loop3A_1205 = arith.addi %parallel_loop3A_1200, %parallel_loop3A_1204 : vector<16xi32>
        %parallel_loop3A_1206 = tpu.vector_load_idx %arg13[%parallel_loop3A_1205] : memref<6528xf32, #tpu.memory_space<vmem>>[vector<16xi32>], vector<16xf32>,
        %parallel_loop3A_1207 = arith.addf %parallel_loop3A_1202, %parallel_loop3A_1206 : vector<16xf32>
        %parallel_loop3A_1208 = arith.constant 1 : i32
        %parallel_loop3A_1209 = vector.broadcast %parallel_loop3A_1208 : i32 to vector<16xi32>
        %parallel_loop3A_1210 = arith.addi %parallel_loop3A_1205, %parallel_loop3A_1209 : vector<16xi32>
        %parallel_loop3A_1211 = tpu.vector_load_idx %arg13[%parallel_loop3A_1210] : memref<6528xf32, #tpu.memory_space<vmem>>[vector<16xi32>], vector<16xf32>,
        %parallel_loop3A_1212 = arith.addf %parallel_loop3A_1207, %parallel_loop3A_1211 : vector<16xf32>
        %parallel_loop3A_1213 = arith.constant 1 : i32
        %parallel_loop3A_1214 = vector.broadcast %parallel_loop3A_1213 : i32 to vector<16xi32>
        %parallel_loop3A_1215 = arith.addi %parallel_loop3A_1210, %parallel_loop3A_1214 : vector<16xi32>
        %parallel_loop3A_1216 = tpu.vector_load_idx %arg13[%parallel_loop3A_1215] : memref<6528xf32, #tpu.memory_space<vmem>>[vector<16xi32>], vector<16xf32>,
        %parallel_loop3A_1217 = arith.addf %parallel_loop3A_1212, %parallel_loop3A_1216 : vector<16xf32>
        %parallel_loop3A_1218 = arith.constant 1 : i32
        %parallel_loop3A_1219 = vector.broadcast %parallel_loop3A_1218 : i32 to vector<16xi32>
        %parallel_loop3A_1220 = arith.addi %parallel_loop3A_1215, %parallel_loop3A_1219 : vector<16xi32>
        %parallel_loop3A_1221 = tpu.vector_load_idx %arg13[%parallel_loop3A_1220] : memref<6528xf32, #tpu.memory_space<vmem>>[vector<16xi32>], vector<16xf32>,
        %parallel_loop3A_1222 = arith.addf %parallel_loop3A_1217, %parallel_loop3A_1221 : vector<16xf32>
        %parallel_loop3A_1223 = arith.constant 1 : i32
        %parallel_loop3A_1224 = vector.broadcast %parallel_loop3A_1223 : i32 to vector<16xi32>
        %parallel_loop3A_1225 = arith.addi %parallel_loop3A_1220, %parallel_loop3A_1224 : vector<16xi32>
        %parallel_loop3A_1226 = tpu.vector_load_idx %arg13[%parallel_loop3A_1225] : memref<6528xf32, #tpu.memory_space<vmem>>[vector<16xi32>], vector<16xf32>,
        %parallel_loop3A_1227 = arith.addf %parallel_loop3A_1222, %parallel_loop3A_1226 : vector<16xf32>
        %parallel_loop3A_1228 = arith.constant 1 : i32
        %parallel_loop3A_1229 = vector.broadcast %parallel_loop3A_1228 : i32 to vector<16xi32>
        %parallel_loop3A_1230 = arith.addi %parallel_loop3A_1225, %parallel_loop3A_1229 : vector<16xi32>
        %parallel_loop3A_1231 = tpu.vector_load_idx %arg13[%parallel_loop3A_1230] : memref<6528xf32, #tpu.memory_space<vmem>>[vector<16xi32>], vector<16xf32>,
        %parallel_loop3A_1232 = arith.addf %parallel_loop3A_1227, %parallel_loop3A_1231 : vector<16xf32>
        %parallel_loop3A_1233 = arith.constant 1 : i32
        %parallel_loop3A_1234 = vector.broadcast %parallel_loop3A_1233 : i32 to vector<16xi32>
        %parallel_loop3A_1235 = arith.addi %parallel_loop3A_1230, %parallel_loop3A_1234 : vector<16xi32>
        %parallel_loop3A_1236 = tpu.vector_load_idx %arg13[%parallel_loop3A_1235] : memref<6528xf32, #tpu.memory_space<vmem>>[vector<16xi32>], vector<16xf32>,
        %parallel_loop3A_1237 = arith.addf %parallel_loop3A_1232, %parallel_loop3A_1236 : vector<16xf32>
        %parallel_loop3A_1238 = arith.constant 1 : i32
        %parallel_loop3A_1239 = vector.broadcast %parallel_loop3A_1238 : i32 to vector<16xi32>
        %parallel_loop3A_1240 = arith.addi %parallel_loop3A_1235, %parallel_loop3A_1239 : vector<16xi32>
        %parallel_loop3A_1241 = tpu.vector_load_idx %arg13[%parallel_loop3A_1240] : memref<6528xf32, #tpu.memory_space<vmem>>[vector<16xi32>], vector<16xf32>,
        %parallel_loop3A_1242 = arith.addf %parallel_loop3A_1237, %parallel_loop3A_1241 : vector<16xf32>
        %parallel_loop3A_1243 = arith.constant 1 : i32
        %parallel_loop3A_1244 = vector.broadcast %parallel_loop3A_1243 : i32 to vector<16xi32>
        %parallel_loop3A_1245 = arith.addi %parallel_loop3A_1240, %parallel_loop3A_1244 : vector<16xi32>
        %parallel_loop3A_1246 = tpu.vector_load_idx %arg13[%parallel_loop3A_1245] : memref<6528xf32, #tpu.memory_space<vmem>>[vector<16xi32>], vector<16xf32>,
        %parallel_loop3A_1247 = arith.addf %parallel_loop3A_1242, %parallel_loop3A_1246 : vector<16xf32>
        %parallel_loop3A_1248 = arith.constant 1 : i32
        %parallel_loop3A_1249 = vector.broadcast %parallel_loop3A_1248 : i32 to vector<16xi32>
        %parallel_loop3A_1250 = arith.addi %parallel_loop3A_1245, %parallel_loop3A_1249 : vector<16xi32>
        %parallel_loop3A_1251 = tpu.vector_load_idx %arg13[%parallel_loop3A_1250] : memref<6528xf32, #tpu.memory_space<vmem>>[vector<16xi32>], vector<16xf32>,
        %parallel_loop3A_1252 = arith.addf %parallel_loop3A_1247, %parallel_loop3A_1251 : vector<16xf32>
        %parallel_loop3A_1253 = arith.constant 1 : i32
        %parallel_loop3A_1254 = vector.broadcast %parallel_loop3A_1253 : i32 to vector<16xi32>
        %parallel_loop3A_1255 = arith.addi %parallel_loop3A_1250, %parallel_loop3A_1254 : vector<16xi32>
        %parallel_loop3A_1256 = tpu.vector_load_idx %arg13[%parallel_loop3A_1255] : memref<6528xf32, #tpu.memory_space<vmem>>[vector<16xi32>], vector<16xf32>,
        %parallel_loop3A_1257 = arith.addf %parallel_loop3A_1252, %parallel_loop3A_1256 : vector<16xf32>
        %parallel_loop3A_1258 = arith.constant 1 : i32
        %parallel_loop3A_1259 = vector.broadcast %parallel_loop3A_1258 : i32 to vector<16xi32>
        %parallel_loop3A_1260 = arith.addi %parallel_loop3A_1255, %parallel_loop3A_1259 : vector<16xi32>
        %parallel_loop3A_1261 = tpu.vector_load_idx %arg13[%parallel_loop3A_1260] : memref<6528xf32, #tpu.memory_space<vmem>>[vector<16xi32>], vector<16xf32>,
        %parallel_loop3A_1262 = arith.addf %parallel_loop3A_1257, %parallel_loop3A_1261 : vector<16xf32>
        %parallel_loop3A_1263 = arith.constant 1 : i32
        %parallel_loop3A_1264 = vector.broadcast %parallel_loop3A_1263 : i32 to vector<16xi32>
        %parallel_loop3A_1265 = arith.addi %parallel_loop3A_1260, %parallel_loop3A_1264 : vector<16xi32>
        %parallel_loop3A_1266 = tpu.vector_load_idx %arg13[%parallel_loop3A_1265] : memref<6528xf32, #tpu.memory_space<vmem>>[vector<16xi32>], vector<16xf32>,
        %parallel_loop3A_1267 = arith.addf %parallel_loop3A_1262, %parallel_loop3A_1266 : vector<16xf32>
        %parallel_loop3A_1268 = arith.constant 1 : i32
        %parallel_loop3A_1269 = vector.broadcast %parallel_loop3A_1268 : i32 to vector<16xi32>
        %parallel_loop3A_1270 = arith.addi %parallel_loop3A_1265, %parallel_loop3A_1269 : vector<16xi32>
        %parallel_loop3A_1271 = tpu.vector_load_idx %arg13[%parallel_loop3A_1270] : memref<6528xf32, #tpu.memory_space<vmem>>[vector<16xi32>], vector<16xf32>,
        %parallel_loop3A_1272 = arith.addf %parallel_loop3A_1267, %parallel_loop3A_1271 : vector<16xf32>
        %parallel_loop3A_1273 = arith.constant 1.000000e-24 : f32
        %parallel_loop3A_1274 = vector.broadcast %parallel_loop3A_1273 : f32 to vector<16xf32>
        %parallel_loop3A_1275 = arith.maximumf %parallel_loop3A_1272, %parallel_loop3A_1274 : vector<16xf32>
        %parallel_loop3A_1276 = arith.constant 544 : i32
        %parallel_loop3A_1277 = arith.addi %parallel_loop3A_74, %parallel_loop3A_1276 : i32
        %parallel_loop3A_1278 = vector.broadcast %parallel_loop3A_1277 : i32 to vector<16xi32>
        %parallel_loop3A_1279 = arith.addi %mul3A_5, %parallel_loop3A_1278 : vector<16xi32>
        %parallel_loop3A_1280 = tpu.vector_load_idx %arg13[%parallel_loop3A_1279] : memref<6528xf32, #tpu.memory_space<vmem>>[vector<16xi32>], vector<16xf32>,
        %parallel_loop3A_1281 = arith.constant 1 : i32
        %parallel_loop3A_1282 = vector.broadcast %parallel_loop3A_1281 : i32 to vector<16xi32>
        %parallel_loop3A_1283 = arith.addi %parallel_loop3A_1279, %parallel_loop3A_1282 : vector<16xi32>
        %parallel_loop3A_1284 = tpu.vector_load_idx %arg13[%parallel_loop3A_1283] : memref<6528xf32, #tpu.memory_space<vmem>>[vector<16xi32>], vector<16xf32>,
        %parallel_loop3A_1285 = arith.addf %parallel_loop3A_1280, %parallel_loop3A_1284 : vector<16xf32>
        %parallel_loop3A_1286 = arith.constant 1 : i32
        %parallel_loop3A_1287 = vector.broadcast %parallel_loop3A_1286 : i32 to vector<16xi32>
        %parallel_loop3A_1288 = arith.addi %parallel_loop3A_1283, %parallel_loop3A_1287 : vector<16xi32>
        %parallel_loop3A_1289 = tpu.vector_load_idx %arg13[%parallel_loop3A_1288] : memref<6528xf32, #tpu.memory_space<vmem>>[vector<16xi32>], vector<16xf32>,
        %parallel_loop3A_1290 = arith.addf %parallel_loop3A_1285, %parallel_loop3A_1289 : vector<16xf32>
        %parallel_loop3A_1291 = arith.constant 1 : i32
        %parallel_loop3A_1292 = vector.broadcast %parallel_loop3A_1291 : i32 to vector<16xi32>
        %parallel_loop3A_1293 = arith.addi %parallel_loop3A_1288, %parallel_loop3A_1292 : vector<16xi32>
        %parallel_loop3A_1294 = tpu.vector_load_idx %arg13[%parallel_loop3A_1293] : memref<6528xf32, #tpu.memory_space<vmem>>[vector<16xi32>], vector<16xf32>,
        %parallel_loop3A_1295 = arith.addf %parallel_loop3A_1290, %parallel_loop3A_1294 : vector<16xf32>
        %parallel_loop3A_1296 = arith.constant 1 : i32
        %parallel_loop3A_1297 = vector.broadcast %parallel_loop3A_1296 : i32 to vector<16xi32>
        %parallel_loop3A_1298 = arith.addi %parallel_loop3A_1293, %parallel_loop3A_1297 : vector<16xi32>
        %parallel_loop3A_1299 = tpu.vector_load_idx %arg13[%parallel_loop3A_1298] : memref<6528xf32, #tpu.memory_space<vmem>>[vector<16xi32>], vector<16xf32>,
        %parallel_loop3A_1300 = arith.addf %parallel_loop3A_1295, %parallel_loop3A_1299 : vector<16xf32>
        %parallel_loop3A_1301 = arith.constant 1 : i32
        %parallel_loop3A_1302 = vector.broadcast %parallel_loop3A_1301 : i32 to vector<16xi32>
        %parallel_loop3A_1303 = arith.addi %parallel_loop3A_1298, %parallel_loop3A_1302 : vector<16xi32>
        %parallel_loop3A_1304 = tpu.vector_load_idx %arg13[%parallel_loop3A_1303] : memref<6528xf32, #tpu.memory_space<vmem>>[vector<16xi32>], vector<16xf32>,
        %parallel_loop3A_1305 = arith.addf %parallel_loop3A_1300, %parallel_loop3A_1304 : vector<16xf32>
        %parallel_loop3A_1306 = arith.constant 1 : i32
        %parallel_loop3A_1307 = vector.broadcast %parallel_loop3A_1306 : i32 to vector<16xi32>
        %parallel_loop3A_1308 = arith.addi %parallel_loop3A_1303, %parallel_loop3A_1307 : vector<16xi32>
        %parallel_loop3A_1309 = tpu.vector_load_idx %arg13[%parallel_loop3A_1308] : memref<6528xf32, #tpu.memory_space<vmem>>[vector<16xi32>], vector<16xf32>,
        %parallel_loop3A_1310 = arith.addf %parallel_loop3A_1305, %parallel_loop3A_1309 : vector<16xf32>
        %parallel_loop3A_1311 = arith.constant 1 : i32
        %parallel_loop3A_1312 = vector.broadcast %parallel_loop3A_1311 : i32 to vector<16xi32>
        %parallel_loop3A_1313 = arith.addi %parallel_loop3A_1308, %parallel_loop3A_1312 : vector<16xi32>
        %parallel_loop3A_1314 = tpu.vector_load_idx %arg13[%parallel_loop3A_1313] : memref<6528xf32, #tpu.memory_space<vmem>>[vector<16xi32>], vector<16xf32>,
        %parallel_loop3A_1315 = arith.addf %parallel_loop3A_1310, %parallel_loop3A_1314 : vector<16xf32>
        %parallel_loop3A_1316 = arith.constant 1 : i32
        %parallel_loop3A_1317 = vector.broadcast %parallel_loop3A_1316 : i32 to vector<16xi32>
        %parallel_loop3A_1318 = arith.addi %parallel_loop3A_1313, %parallel_loop3A_1317 : vector<16xi32>
        %parallel_loop3A_1319 = tpu.vector_load_idx %arg13[%parallel_loop3A_1318] : memref<6528xf32, #tpu.memory_space<vmem>>[vector<16xi32>], vector<16xf32>,
        %parallel_loop3A_1320 = arith.addf %parallel_loop3A_1315, %parallel_loop3A_1319 : vector<16xf32>
        %parallel_loop3A_1321 = arith.constant 1 : i32
        %parallel_loop3A_1322 = vector.broadcast %parallel_loop3A_1321 : i32 to vector<16xi32>
        %parallel_loop3A_1323 = arith.addi %parallel_loop3A_1318, %parallel_loop3A_1322 : vector<16xi32>
        %parallel_loop3A_1324 = tpu.vector_load_idx %arg13[%parallel_loop3A_1323] : memref<6528xf32, #tpu.memory_space<vmem>>[vector<16xi32>], vector<16xf32>,
        %parallel_loop3A_1325 = arith.addf %parallel_loop3A_1320, %parallel_loop3A_1324 : vector<16xf32>
        %parallel_loop3A_1326 = arith.constant 1 : i32
        %parallel_loop3A_1327 = vector.broadcast %parallel_loop3A_1326 : i32 to vector<16xi32>
        %parallel_loop3A_1328 = arith.addi %parallel_loop3A_1323, %parallel_loop3A_1327 : vector<16xi32>
        %parallel_loop3A_1329 = tpu.vector_load_idx %arg13[%parallel_loop3A_1328] : memref<6528xf32, #tpu.memory_space<vmem>>[vector<16xi32>], vector<16xf32>,
        %parallel_loop3A_1330 = arith.addf %parallel_loop3A_1325, %parallel_loop3A_1329 : vector<16xf32>
        %parallel_loop3A_1331 = arith.constant 1 : i32
        %parallel_loop3A_1332 = vector.broadcast %parallel_loop3A_1331 : i32 to vector<16xi32>
        %parallel_loop3A_1333 = arith.addi %parallel_loop3A_1328, %parallel_loop3A_1332 : vector<16xi32>
        %parallel_loop3A_1334 = tpu.vector_load_idx %arg13[%parallel_loop3A_1333] : memref<6528xf32, #tpu.memory_space<vmem>>[vector<16xi32>], vector<16xf32>,
        %parallel_loop3A_1335 = arith.addf %parallel_loop3A_1330, %parallel_loop3A_1334 : vector<16xf32>
        %parallel_loop3A_1336 = arith.constant 1 : i32
        %parallel_loop3A_1337 = vector.broadcast %parallel_loop3A_1336 : i32 to vector<16xi32>
        %parallel_loop3A_1338 = arith.addi %parallel_loop3A_1333, %parallel_loop3A_1337 : vector<16xi32>
        %parallel_loop3A_1339 = tpu.vector_load_idx %arg13[%parallel_loop3A_1338] : memref<6528xf32, #tpu.memory_space<vmem>>[vector<16xi32>], vector<16xf32>,
        %parallel_loop3A_1340 = arith.addf %parallel_loop3A_1335, %parallel_loop3A_1339 : vector<16xf32>
        %parallel_loop3A_1341 = arith.constant 1 : i32
        %parallel_loop3A_1342 = vector.broadcast %parallel_loop3A_1341 : i32 to vector<16xi32>
        %parallel_loop3A_1343 = arith.addi %parallel_loop3A_1338, %parallel_loop3A_1342 : vector<16xi32>
        %parallel_loop3A_1344 = tpu.vector_load_idx %arg13[%parallel_loop3A_1343] : memref<6528xf32, #tpu.memory_space<vmem>>[vector<16xi32>], vector<16xf32>,
        %parallel_loop3A_1345 = arith.addf %parallel_loop3A_1340, %parallel_loop3A_1344 : vector<16xf32>
        %parallel_loop3A_1346 = arith.constant 1 : i32
        %parallel_loop3A_1347 = vector.broadcast %parallel_loop3A_1346 : i32 to vector<16xi32>
        %parallel_loop3A_1348 = arith.addi %parallel_loop3A_1343, %parallel_loop3A_1347 : vector<16xi32>
        %parallel_loop3A_1349 = tpu.vector_load_idx %arg13[%parallel_loop3A_1348] : memref<6528xf32, #tpu.memory_space<vmem>>[vector<16xi32>], vector<16xf32>,
        %parallel_loop3A_1350 = arith.addf %parallel_loop3A_1345, %parallel_loop3A_1349 : vector<16xf32>
        %parallel_loop3A_1351 = arith.constant 1 : i32
        %parallel_loop3A_1352 = vector.broadcast %parallel_loop3A_1351 : i32 to vector<16xi32>
        %parallel_loop3A_1353 = arith.addi %parallel_loop3A_1348, %parallel_loop3A_1352 : vector<16xi32>
        %parallel_loop3A_1354 = tpu.vector_load_idx %arg13[%parallel_loop3A_1353] : memref<6528xf32, #tpu.memory_space<vmem>>[vector<16xi32>], vector<16xf32>,
        %parallel_loop3A_1355 = arith.addf %parallel_loop3A_1350, %parallel_loop3A_1354 : vector<16xf32>
        %parallel_loop3A_1356 = arith.constant 1.000000e-24 : f32
        %parallel_loop3A_1357 = vector.broadcast %parallel_loop3A_1356 : f32 to vector<16xf32>
        %parallel_loop3A_1358 = arith.maximumf %parallel_loop3A_1355, %parallel_loop3A_1357 : vector<16xf32>
        %parallel_loop3A_1359 = vector.bitcast %parallel_loop3A_1275 : vector<16xf32> to vector<16xi32>
        %parallel_loop3A_1360 = arith.constant 1 : i32
        %parallel_loop3A_1361 = vector.broadcast %parallel_loop3A_1360 : i32 to vector<16xi32>
        %parallel_loop3A_1362 = arith.shrsi %parallel_loop3A_1359, %parallel_loop3A_1361 : vector<16xi32>
        %parallel_loop3A_1363 = arith.constant 1597463007 : i32
        %parallel_loop3A_1364 = vector.broadcast %parallel_loop3A_1363 : i32 to vector<16xi32>
        %parallel_loop3A_1365 = arith.subi %parallel_loop3A_1364, %parallel_loop3A_1362 : vector<16xi32>
        %parallel_loop3A_1366 = vector.bitcast %parallel_loop3A_1365 : vector<16xi32> to vector<16xf32>
        %parallel_loop3A_1367 = arith.constant 5.000000e-01 : f32
        %parallel_loop3A_1368 = vector.broadcast %parallel_loop3A_1367 : f32 to vector<16xf32>
        %parallel_loop3A_1369 = arith.mulf %parallel_loop3A_1368, %parallel_loop3A_1275 : vector<16xf32>
        %parallel_loop3A_1370 = arith.mulf %parallel_loop3A_1369, %parallel_loop3A_1366 : vector<16xf32>
        %parallel_loop3A_1371 = arith.mulf %parallel_loop3A_1370, %parallel_loop3A_1366 : vector<16xf32>
        %parallel_loop3A_1372 = arith.constant 1.500000e+00 : f32
        %parallel_loop3A_1373 = vector.broadcast %parallel_loop3A_1372 : f32 to vector<16xf32>
        %parallel_loop3A_1374 = arith.subf %parallel_loop3A_1373, %parallel_loop3A_1371 : vector<16xf32>
        %parallel_loop3A_1375 = arith.mulf %parallel_loop3A_1366, %parallel_loop3A_1374 : vector<16xf32>
        %parallel_loop3A_1376 = arith.constant 5.000000e-01 : f32
        %parallel_loop3A_1377 = vector.broadcast %parallel_loop3A_1376 : f32 to vector<16xf32>
        %parallel_loop3A_1378 = arith.mulf %parallel_loop3A_1377, %parallel_loop3A_1275 : vector<16xf32>
        %parallel_loop3A_1379 = arith.mulf %parallel_loop3A_1378, %parallel_loop3A_1375 : vector<16xf32>
        %parallel_loop3A_1380 = arith.mulf %parallel_loop3A_1379, %parallel_loop3A_1375 : vector<16xf32>
        %parallel_loop3A_1381 = arith.constant 1.500000e+00 : f32
        %parallel_loop3A_1382 = vector.broadcast %parallel_loop3A_1381 : f32 to vector<16xf32>
        %parallel_loop3A_1383 = arith.subf %parallel_loop3A_1382, %parallel_loop3A_1380 : vector<16xf32>
        %parallel_loop3A_1384 = arith.mulf %parallel_loop3A_1375, %parallel_loop3A_1383 : vector<16xf32>
        %parallel_loop3A_1385 = arith.constant 5.000000e-01 : f32
        %parallel_loop3A_1386 = vector.broadcast %parallel_loop3A_1385 : f32 to vector<16xf32>
        %parallel_loop3A_1387 = arith.mulf %parallel_loop3A_1386, %parallel_loop3A_1275 : vector<16xf32>
        %parallel_loop3A_1388 = arith.mulf %parallel_loop3A_1387, %parallel_loop3A_1384 : vector<16xf32>
        %parallel_loop3A_1389 = arith.mulf %parallel_loop3A_1388, %parallel_loop3A_1384 : vector<16xf32>
        %parallel_loop3A_1390 = arith.constant 1.500000e+00 : f32
        %parallel_loop3A_1391 = vector.broadcast %parallel_loop3A_1390 : f32 to vector<16xf32>
        %parallel_loop3A_1392 = arith.subf %parallel_loop3A_1391, %parallel_loop3A_1389 : vector<16xf32>
        %parallel_loop3A_1393 = arith.mulf %parallel_loop3A_1384, %parallel_loop3A_1392 : vector<16xf32>
        %parallel_loop3A_1394 = arith.mulf %parallel_loop3A_1192, %parallel_loop3A_1393 : vector<16xf32>
        %parallel_loop3A_1395 = vector.bitcast %parallel_loop3A_1358 : vector<16xf32> to vector<16xi32>
        %parallel_loop3A_1396 = arith.constant 1 : i32
        %parallel_loop3A_1397 = vector.broadcast %parallel_loop3A_1396 : i32 to vector<16xi32>
        %parallel_loop3A_1398 = arith.shrsi %parallel_loop3A_1395, %parallel_loop3A_1397 : vector<16xi32>
        %parallel_loop3A_1399 = arith.constant 1597463007 : i32
        %parallel_loop3A_1400 = vector.broadcast %parallel_loop3A_1399 : i32 to vector<16xi32>
        %parallel_loop3A_1401 = arith.subi %parallel_loop3A_1400, %parallel_loop3A_1398 : vector<16xi32>
        %parallel_loop3A_1402 = vector.bitcast %parallel_loop3A_1401 : vector<16xi32> to vector<16xf32>
        %parallel_loop3A_1403 = arith.constant 5.000000e-01 : f32
        %parallel_loop3A_1404 = vector.broadcast %parallel_loop3A_1403 : f32 to vector<16xf32>
        %parallel_loop3A_1405 = arith.mulf %parallel_loop3A_1404, %parallel_loop3A_1358 : vector<16xf32>
        %parallel_loop3A_1406 = arith.mulf %parallel_loop3A_1405, %parallel_loop3A_1402 : vector<16xf32>
        %parallel_loop3A_1407 = arith.mulf %parallel_loop3A_1406, %parallel_loop3A_1402 : vector<16xf32>
        %parallel_loop3A_1408 = arith.constant 1.500000e+00 : f32
        %parallel_loop3A_1409 = vector.broadcast %parallel_loop3A_1408 : f32 to vector<16xf32>
        %parallel_loop3A_1410 = arith.subf %parallel_loop3A_1409, %parallel_loop3A_1407 : vector<16xf32>
        %parallel_loop3A_1411 = arith.mulf %parallel_loop3A_1402, %parallel_loop3A_1410 : vector<16xf32>
        %parallel_loop3A_1412 = arith.constant 5.000000e-01 : f32
        %parallel_loop3A_1413 = vector.broadcast %parallel_loop3A_1412 : f32 to vector<16xf32>
        %parallel_loop3A_1414 = arith.mulf %parallel_loop3A_1413, %parallel_loop3A_1358 : vector<16xf32>
        %parallel_loop3A_1415 = arith.mulf %parallel_loop3A_1414, %parallel_loop3A_1411 : vector<16xf32>
        %parallel_loop3A_1416 = arith.mulf %parallel_loop3A_1415, %parallel_loop3A_1411 : vector<16xf32>
        %parallel_loop3A_1417 = arith.constant 1.500000e+00 : f32
        %parallel_loop3A_1418 = vector.broadcast %parallel_loop3A_1417 : f32 to vector<16xf32>
        %parallel_loop3A_1419 = arith.subf %parallel_loop3A_1418, %parallel_loop3A_1416 : vector<16xf32>
        %parallel_loop3A_1420 = arith.mulf %parallel_loop3A_1411, %parallel_loop3A_1419 : vector<16xf32>
        %parallel_loop3A_1421 = arith.constant 5.000000e-01 : f32
        %parallel_loop3A_1422 = vector.broadcast %parallel_loop3A_1421 : f32 to vector<16xf32>
        %parallel_loop3A_1423 = arith.mulf %parallel_loop3A_1422, %parallel_loop3A_1358 : vector<16xf32>
        %parallel_loop3A_1424 = arith.mulf %parallel_loop3A_1423, %parallel_loop3A_1420 : vector<16xf32>
        %parallel_loop3A_1425 = arith.mulf %parallel_loop3A_1424, %parallel_loop3A_1420 : vector<16xf32>
        %parallel_loop3A_1426 = arith.constant 1.500000e+00 : f32
        %parallel_loop3A_1427 = vector.broadcast %parallel_loop3A_1426 : f32 to vector<16xf32>
        %parallel_loop3A_1428 = arith.subf %parallel_loop3A_1427, %parallel_loop3A_1425 : vector<16xf32>
        %parallel_loop3A_1429 = arith.mulf %parallel_loop3A_1420, %parallel_loop3A_1428 : vector<16xf32>
        %parallel_loop3A_1430 = arith.mulf %parallel_loop3A_1394, %parallel_loop3A_1429 : vector<16xf32>
        %parallel_loop3A_1431 = arith.constant 128 : i32
        %parallel_loop3A_1432 = arith.muli %mul3A_32, %parallel_loop3A_1431 : i32
        %parallel_loop3A_1433 = arith.constant 16 : i32
        %parallel_loop3A_1434 = arith.muli %parallel_loop3A_72, %parallel_loop3A_1433 : i32
        %parallel_loop3A_1435 = arith.addi %parallel_loop3A_1432, %parallel_loop3A_1434 : i32
        %parallel_loop3A_1436 = arith.index_cast %parallel_loop3A_1435 : i32 to index
        %parallel_loop3A_1437 = tpu.vector_load %arg12[%parallel_loop3A_1436] {strides = array<i32>} : memref<6400xf32, #tpu.memory_space<vmem>>, vector<16xf32>,
        tpu.vector_store %arg12[%parallel_loop3A_1436], %parallel_loop3A_1430 {strides = array<i32>} : memref<6400xf32, #tpu.memory_space<vmem>>, vector<16xf32>,
      } {sc.loop_unroll_factor = 2 : i64, sc.parallel_access}
      %lt3A = arith.constant 24 : i32
      %lt3A_46 = arith.cmpi slt, %scan3A_30, %lt3A : i32
      %convert_element_type3A = arith.extui %lt3A_46 : i1 to i32
      %cond3A = arith.constant 0 : i32
      %cond3A_47 = arith.cmpi ne, %convert_element_type3A, %cond3A : i32
      scf.if %cond3A_47 {
        %add3A_72 = arith.constant 2 : i32
        %add3A_73 = arith.addi %mul3A_32, %add3A_72 : i32
        %mul3A_74 = arith.constant 128 : i32
        %mul3A_75 = arith.muli %add3A_73, %mul3A_74 : i32
        %mul3A_76 = arith.constant 128 : i32
        %mul3A_77 = arith.muli %add3A_73, %mul3A_76 : i32
        %dma_start3A_78 = tpu.memref_slice %arg6[%mul3A_75] : memref<6400xi32, #tpu.memory_space<vmem>> -> memref<128xi32, #tpu.memory_space<vmem>>
        %dma_start3A_79 = arith.constant 0 : i32
        %dma_start3A_80 = arith.constant 0 : i32
        %dma_start3A_81 = tpu.memref_slice %arg4[%dma_start3A_79, %dma_start3A_80] : memref<100000x64xf32, #tpu.memory_space<hbm>> -> memref<100000x64xf32, #tpu.memory_space<hbm>>
        tpu.enqueue_indirect_dma source(%dma_start3A_81 : memref<100000x64xf32, #tpu.memory_space<hbm>>) target(%arg8 : memref<128x64xf32, #tpu.memory_space<vmem>>) offsets(%dma_start3A_78 : memref<128xi32, #tpu.memory_space<vmem>>) semaphore(%arg14 : memref<!tpu.dma_semaphore, #tpu.memory_space<semaphore_mem>>)
        %dma_start3A_82 = tpu.memref_slice %arg7[%mul3A_77] : memref<6400xi32, #tpu.memory_space<vmem>> -> memref<128xi32, #tpu.memory_space<vmem>>
        %dma_start3A_83 = arith.constant 0 : i32
        %dma_start3A_84 = arith.constant 0 : i32
        %dma_start3A_85 = tpu.memref_slice %arg4[%dma_start3A_83, %dma_start3A_84] : memref<100000x64xf32, #tpu.memory_space<hbm>> -> memref<100000x64xf32, #tpu.memory_space<hbm>>
        tpu.enqueue_indirect_dma source(%dma_start3A_85 : memref<100000x64xf32, #tpu.memory_space<hbm>>) target(%arg9 : memref<128x64xf32, #tpu.memory_space<vmem>>) offsets(%dma_start3A_82 : memref<128xi32, #tpu.memory_space<vmem>>) semaphore(%arg14 : memref<!tpu.dma_semaphore, #tpu.memory_space<semaphore_mem>>)
      } else {
      }
      %add3A_48 = arith.constant 1 : i32
      %add3A_49 = arith.addi %mul3A_32, %add3A_48 : i32
      %mul3A_50 = arith.constant 128 : i32
      %mul3A_51 = arith.muli %add3A_49, %mul3A_50 : i32
      %mul3A_52 = arith.constant 128 : i32
      %mul3A_53 = arith.muli %add3A_49, %mul3A_52 : i32
      %dma_wait3A_54 = tpu.memref_slice %arg6[%mul3A_51] : memref<6400xi32, #tpu.memory_space<vmem>> -> memref<128xi32, #tpu.memory_space<vmem>>
      %dma_wait3A_55 = arith.constant 0 : i32
      %dma_wait3A_56 = arith.constant 0 : i32
      %dma_wait3A_57 = tpu.memref_slice %arg4[%dma_wait3A_55, %dma_wait3A_56] : memref<100000x64xf32, #tpu.memory_space<hbm>> -> memref<100000x64xf32, #tpu.memory_space<hbm>>
      tpu.wait_indirect_dma semaphore(%arg15 : memref<!tpu.dma_semaphore, #tpu.memory_space<semaphore_mem>>) src(%dma_wait3A_57 : memref<100000x64xf32, #tpu.memory_space<hbm>>) dst(%arg10 : memref<128x64xf32, #tpu.memory_space<vmem>>)
      %dma_wait3A_58 = tpu.memref_slice %arg7[%mul3A_53] : memref<6400xi32, #tpu.memory_space<vmem>> -> memref<128xi32, #tpu.memory_space<vmem>>
      %dma_wait3A_59 = arith.constant 0 : i32
      %dma_wait3A_60 = arith.constant 0 : i32
      %dma_wait3A_61 = tpu.memref_slice %arg4[%dma_wait3A_59, %dma_wait3A_60] : memref<100000x64xf32, #tpu.memory_space<hbm>> -> memref<100000x64xf32, #tpu.memory_space<hbm>>
      tpu.wait_indirect_dma semaphore(%arg15 : memref<!tpu.dma_semaphore, #tpu.memory_space<semaphore_mem>>) src(%dma_wait3A_61 : memref<100000x64xf32, #tpu.memory_space<hbm>>) dst(%arg11 : memref<128x64xf32, #tpu.memory_space<vmem>>)
      %add3A_62 = arith.constant 1 : i32
      %add3A_63 = arith.addi %mul3A_32, %add3A_62 : i32
      %parallel_loop3A_64 = arith.constant 0 : i32
      %parallel_loop3A_65 = arith.constant 8 : i32
      %parallel_loop3A_66 = arith.constant 1 : i32
      scf.for %parallel_loop3A_72 = %parallel_loop3A_64 to %parallel_loop3A_65 step %parallel_loop3A_66  : i32 {
        %parallel_loop3A_73 = arith.constant 816 : i32
        %parallel_loop3A_74 = arith.muli %parallel_loop3A_72, %parallel_loop3A_73 : i32
        %parallel_loop3A_75 = arith.constant 16 : i32
        %parallel_loop3A_76 = arith.muli %parallel_loop3A_72, %parallel_loop3A_75 : i32
        %parallel_loop3A_77 = arith.constant 0 : i32
        %parallel_loop3A_78 = arith.addi %parallel_loop3A_76, %parallel_loop3A_77 : i32
        %parallel_loop3A_79 = arith.index_cast %parallel_loop3A_78 : i32 to index
        %parallel_loop3A_80 = arith.constant 0 : index
        %parallel_loop3A_81 = tpu.vector_load %arg10[%parallel_loop3A_79, %parallel_loop3A_80] {strides = array<i32>} : memref<128x64xf32, #tpu.memory_space<vmem>>, vector<16xf32>,
        %parallel_loop3A_82 = arith.index_cast %parallel_loop3A_78 : i32 to index
        %parallel_loop3A_83 = arith.constant 0 : index
        %parallel_loop3A_84 = tpu.vector_load %arg11[%parallel_loop3A_82, %parallel_loop3A_83] {strides = array<i32>} : memref<128x64xf32, #tpu.memory_space<vmem>>, vector<16xf32>,
        %parallel_loop3A_85 = arith.mulf %parallel_loop3A_81, %parallel_loop3A_84 : vector<16xf32>
        %parallel_loop3A_86 = arith.mulf %parallel_loop3A_81, %parallel_loop3A_81 : vector<16xf32>
        %parallel_loop3A_87 = arith.mulf %parallel_loop3A_84, %parallel_loop3A_84 : vector<16xf32>
        %parallel_loop3A_88 = arith.index_cast %parallel_loop3A_78 : i32 to index
        %parallel_loop3A_89 = arith.constant 16 : index
        %parallel_loop3A_90 = tpu.vector_load %arg10[%parallel_loop3A_88, %parallel_loop3A_89] {strides = array<i32>} : memref<128x64xf32, #tpu.memory_space<vmem>>, vector<16xf32>,
        %parallel_loop3A_91 = arith.index_cast %parallel_loop3A_78 : i32 to index
        %parallel_loop3A_92 = arith.constant 16 : index
        %parallel_loop3A_93 = tpu.vector_load %arg11[%parallel_loop3A_91, %parallel_loop3A_92] {strides = array<i32>} : memref<128x64xf32, #tpu.memory_space<vmem>>, vector<16xf32>,
        %parallel_loop3A_94 = arith.mulf %parallel_loop3A_90, %parallel_loop3A_93 : vector<16xf32>
        %parallel_loop3A_95 = arith.addf %parallel_loop3A_85, %parallel_loop3A_94 : vector<16xf32>
        %parallel_loop3A_96 = arith.mulf %parallel_loop3A_90, %parallel_loop3A_90 : vector<16xf32>
        %parallel_loop3A_97 = arith.addf %parallel_loop3A_86, %parallel_loop3A_96 : vector<16xf32>
        %parallel_loop3A_98 = arith.mulf %parallel_loop3A_93, %parallel_loop3A_93 : vector<16xf32>
        %parallel_loop3A_99 = arith.addf %parallel_loop3A_87, %parallel_loop3A_98 : vector<16xf32>
        %parallel_loop3A_100 = arith.index_cast %parallel_loop3A_78 : i32 to index
        %parallel_loop3A_101 = arith.constant 32 : index
        %parallel_loop3A_102 = tpu.vector_load %arg10[%parallel_loop3A_100, %parallel_loop3A_101] {strides = array<i32>} : memref<128x64xf32, #tpu.memory_space<vmem>>, vector<16xf32>,
        %parallel_loop3A_103 = arith.index_cast %parallel_loop3A_78 : i32 to index
        %parallel_loop3A_104 = arith.constant 32 : index
        %parallel_loop3A_105 = tpu.vector_load %arg11[%parallel_loop3A_103, %parallel_loop3A_104] {strides = array<i32>} : memref<128x64xf32, #tpu.memory_space<vmem>>, vector<16xf32>,
        %parallel_loop3A_106 = arith.mulf %parallel_loop3A_102, %parallel_loop3A_105 : vector<16xf32>
        %parallel_loop3A_107 = arith.addf %parallel_loop3A_95, %parallel_loop3A_106 : vector<16xf32>
        %parallel_loop3A_108 = arith.mulf %parallel_loop3A_102, %parallel_loop3A_102 : vector<16xf32>
        %parallel_loop3A_109 = arith.addf %parallel_loop3A_97, %parallel_loop3A_108 : vector<16xf32>
        %parallel_loop3A_110 = arith.mulf %parallel_loop3A_105, %parallel_loop3A_105 : vector<16xf32>
        %parallel_loop3A_111 = arith.addf %parallel_loop3A_99, %parallel_loop3A_110 : vector<16xf32>
        %parallel_loop3A_112 = arith.index_cast %parallel_loop3A_78 : i32 to index
        %parallel_loop3A_113 = arith.constant 48 : index
        %parallel_loop3A_114 = tpu.vector_load %arg10[%parallel_loop3A_112, %parallel_loop3A_113] {strides = array<i32>} : memref<128x64xf32, #tpu.memory_space<vmem>>, vector<16xf32>,
        %parallel_loop3A_115 = arith.index_cast %parallel_loop3A_78 : i32 to index
        %parallel_loop3A_116 = arith.constant 48 : index
        %parallel_loop3A_117 = tpu.vector_load %arg11[%parallel_loop3A_115, %parallel_loop3A_116] {strides = array<i32>} : memref<128x64xf32, #tpu.memory_space<vmem>>, vector<16xf32>,
        %parallel_loop3A_118 = arith.mulf %parallel_loop3A_114, %parallel_loop3A_117 : vector<16xf32>
        %parallel_loop3A_119 = arith.addf %parallel_loop3A_107, %parallel_loop3A_118 : vector<16xf32>
        %parallel_loop3A_120 = arith.mulf %parallel_loop3A_114, %parallel_loop3A_114 : vector<16xf32>
        %parallel_loop3A_121 = arith.addf %parallel_loop3A_109, %parallel_loop3A_120 : vector<16xf32>
        %parallel_loop3A_122 = arith.mulf %parallel_loop3A_117, %parallel_loop3A_117 : vector<16xf32>
        %parallel_loop3A_123 = arith.addf %parallel_loop3A_111, %parallel_loop3A_122 : vector<16xf32>
        %parallel_loop3A_124 = arith.constant 0 : i32
        %parallel_loop3A_125 = arith.addi %parallel_loop3A_74, %parallel_loop3A_124 : i32
        %parallel_loop3A_126 = arith.index_cast %parallel_loop3A_125 : i32 to index
        %parallel_loop3A_127 = tpu.vector_load %arg13[%parallel_loop3A_126] {strides = array<i32>} : memref<6528xf32, #tpu.memory_space<vmem>>, vector<16xf32>,
        tpu.vector_store %arg13[%parallel_loop3A_126], %parallel_loop3A_119 {strides = array<i32>} : memref<6528xf32, #tpu.memory_space<vmem>>, vector<16xf32>,
        %parallel_loop3A_128 = arith.constant 272 : i32
        %parallel_loop3A_129 = arith.addi %parallel_loop3A_74, %parallel_loop3A_128 : i32
        %parallel_loop3A_130 = arith.constant 0 : i32
        %parallel_loop3A_131 = arith.addi %parallel_loop3A_129, %parallel_loop3A_130 : i32
        %parallel_loop3A_132 = arith.index_cast %parallel_loop3A_131 : i32 to index
        %parallel_loop3A_133 = tpu.vector_load %arg13[%parallel_loop3A_132] {strides = array<i32>} : memref<6528xf32, #tpu.memory_space<vmem>>, vector<16xf32>,
        tpu.vector_store %arg13[%parallel_loop3A_132], %parallel_loop3A_121 {strides = array<i32>} : memref<6528xf32, #tpu.memory_space<vmem>>, vector<16xf32>,
        %parallel_loop3A_134 = arith.constant 544 : i32
        %parallel_loop3A_135 = arith.addi %parallel_loop3A_74, %parallel_loop3A_134 : i32
        %parallel_loop3A_136 = arith.constant 0 : i32
        %parallel_loop3A_137 = arith.addi %parallel_loop3A_135, %parallel_loop3A_136 : i32
        %parallel_loop3A_138 = arith.index_cast %parallel_loop3A_137 : i32 to index
        %parallel_loop3A_139 = tpu.vector_load %arg13[%parallel_loop3A_138] {strides = array<i32>} : memref<6528xf32, #tpu.memory_space<vmem>>, vector<16xf32>,
        tpu.vector_store %arg13[%parallel_loop3A_138], %parallel_loop3A_123 {strides = array<i32>} : memref<6528xf32, #tpu.memory_space<vmem>>, vector<16xf32>,
        %parallel_loop3A_140 = arith.constant 16 : i32
        %parallel_loop3A_141 = arith.muli %parallel_loop3A_72, %parallel_loop3A_140 : i32
        %parallel_loop3A_142 = arith.constant 1 : i32
        %parallel_loop3A_143 = arith.addi %parallel_loop3A_141, %parallel_loop3A_142 : i32
        %parallel_loop3A_144 = arith.index_cast %parallel_loop3A_143 : i32 to index
        %parallel_loop3A_145 = arith.constant 0 : index
        %parallel_loop3A_146 = tpu.vector_load %arg10[%parallel_loop3A_144, %parallel_loop3A_145] {strides = array<i32>} : memref<128x64xf32, #tpu.memory_space<vmem>>, vector<16xf32>,
        %parallel_loop3A_147 = arith.index_cast %parallel_loop3A_143 : i32 to index
        %parallel_loop3A_148 = arith.constant 0 : index
        %parallel_loop3A_149 = tpu.vector_load %arg11[%parallel_loop3A_147, %parallel_loop3A_148] {strides = array<i32>} : memref<128x64xf32, #tpu.memory_space<vmem>>, vector<16xf32>,
        %parallel_loop3A_150 = arith.mulf %parallel_loop3A_146, %parallel_loop3A_149 : vector<16xf32>
        %parallel_loop3A_151 = arith.mulf %parallel_loop3A_146, %parallel_loop3A_146 : vector<16xf32>
        %parallel_loop3A_152 = arith.mulf %parallel_loop3A_149, %parallel_loop3A_149 : vector<16xf32>
        %parallel_loop3A_153 = arith.index_cast %parallel_loop3A_143 : i32 to index
        %parallel_loop3A_154 = arith.constant 16 : index
        %parallel_loop3A_155 = tpu.vector_load %arg10[%parallel_loop3A_153, %parallel_loop3A_154] {strides = array<i32>} : memref<128x64xf32, #tpu.memory_space<vmem>>, vector<16xf32>,
        %parallel_loop3A_156 = arith.index_cast %parallel_loop3A_143 : i32 to index
        %parallel_loop3A_157 = arith.constant 16 : index
        %parallel_loop3A_158 = tpu.vector_load %arg11[%parallel_loop3A_156, %parallel_loop3A_157] {strides = array<i32>} : memref<128x64xf32, #tpu.memory_space<vmem>>, vector<16xf32>,
        %parallel_loop3A_159 = arith.mulf %parallel_loop3A_155, %parallel_loop3A_158 : vector<16xf32>
        %parallel_loop3A_160 = arith.addf %parallel_loop3A_150, %parallel_loop3A_159 : vector<16xf32>
        %parallel_loop3A_161 = arith.mulf %parallel_loop3A_155, %parallel_loop3A_155 : vector<16xf32>
        %parallel_loop3A_162 = arith.addf %parallel_loop3A_151, %parallel_loop3A_161 : vector<16xf32>
        %parallel_loop3A_163 = arith.mulf %parallel_loop3A_158, %parallel_loop3A_158 : vector<16xf32>
        %parallel_loop3A_164 = arith.addf %parallel_loop3A_152, %parallel_loop3A_163 : vector<16xf32>
        %parallel_loop3A_165 = arith.index_cast %parallel_loop3A_143 : i32 to index
        %parallel_loop3A_166 = arith.constant 32 : index
        %parallel_loop3A_167 = tpu.vector_load %arg10[%parallel_loop3A_165, %parallel_loop3A_166] {strides = array<i32>} : memref<128x64xf32, #tpu.memory_space<vmem>>, vector<16xf32>,
        %parallel_loop3A_168 = arith.index_cast %parallel_loop3A_143 : i32 to index
        %parallel_loop3A_169 = arith.constant 32 : index
        %parallel_loop3A_170 = tpu.vector_load %arg11[%parallel_loop3A_168, %parallel_loop3A_169] {strides = array<i32>} : memref<128x64xf32, #tpu.memory_space<vmem>>, vector<16xf32>,
        %parallel_loop3A_171 = arith.mulf %parallel_loop3A_167, %parallel_loop3A_170 : vector<16xf32>
        %parallel_loop3A_172 = arith.addf %parallel_loop3A_160, %parallel_loop3A_171 : vector<16xf32>
        %parallel_loop3A_173 = arith.mulf %parallel_loop3A_167, %parallel_loop3A_167 : vector<16xf32>
        %parallel_loop3A_174 = arith.addf %parallel_loop3A_162, %parallel_loop3A_173 : vector<16xf32>
        %parallel_loop3A_175 = arith.mulf %parallel_loop3A_170, %parallel_loop3A_170 : vector<16xf32>
        %parallel_loop3A_176 = arith.addf %parallel_loop3A_164, %parallel_loop3A_175 : vector<16xf32>
        %parallel_loop3A_177 = arith.index_cast %parallel_loop3A_143 : i32 to index
        %parallel_loop3A_178 = arith.constant 48 : index
        %parallel_loop3A_179 = tpu.vector_load %arg10[%parallel_loop3A_177, %parallel_loop3A_178] {strides = array<i32>} : memref<128x64xf32, #tpu.memory_space<vmem>>, vector<16xf32>,
        %parallel_loop3A_180 = arith.index_cast %parallel_loop3A_143 : i32 to index
        %parallel_loop3A_181 = arith.constant 48 : index
        %parallel_loop3A_182 = tpu.vector_load %arg11[%parallel_loop3A_180, %parallel_loop3A_181] {strides = array<i32>} : memref<128x64xf32, #tpu.memory_space<vmem>>, vector<16xf32>,
        %parallel_loop3A_183 = arith.mulf %parallel_loop3A_179, %parallel_loop3A_182 : vector<16xf32>
        %parallel_loop3A_184 = arith.addf %parallel_loop3A_172, %parallel_loop3A_183 : vector<16xf32>
        %parallel_loop3A_185 = arith.mulf %parallel_loop3A_179, %parallel_loop3A_179 : vector<16xf32>
        %parallel_loop3A_186 = arith.addf %parallel_loop3A_174, %parallel_loop3A_185 : vector<16xf32>
        %parallel_loop3A_187 = arith.mulf %parallel_loop3A_182, %parallel_loop3A_182 : vector<16xf32>
        %parallel_loop3A_188 = arith.addf %parallel_loop3A_176, %parallel_loop3A_187 : vector<16xf32>
        %parallel_loop3A_189 = arith.constant 17 : i32
        %parallel_loop3A_190 = arith.addi %parallel_loop3A_74, %parallel_loop3A_189 : i32
        %parallel_loop3A_191 = arith.index_cast %parallel_loop3A_190 : i32 to index
        %parallel_loop3A_192 = tpu.vector_load %arg13[%parallel_loop3A_191] {strides = array<i32>} : memref<6528xf32, #tpu.memory_space<vmem>>, vector<16xf32>,
        tpu.vector_store %arg13[%parallel_loop3A_191], %parallel_loop3A_184 {strides = array<i32>} : memref<6528xf32, #tpu.memory_space<vmem>>, vector<16xf32>,
        %parallel_loop3A_193 = arith.constant 272 : i32
        %parallel_loop3A_194 = arith.addi %parallel_loop3A_74, %parallel_loop3A_193 : i32
        %parallel_loop3A_195 = arith.constant 17 : i32
        %parallel_loop3A_196 = arith.addi %parallel_loop3A_194, %parallel_loop3A_195 : i32
        %parallel_loop3A_197 = arith.index_cast %parallel_loop3A_196 : i32 to index
        %parallel_loop3A_198 = tpu.vector_load %arg13[%parallel_loop3A_197] {strides = array<i32>} : memref<6528xf32, #tpu.memory_space<vmem>>, vector<16xf32>,
        tpu.vector_store %arg13[%parallel_loop3A_197], %parallel_loop3A_186 {strides = array<i32>} : memref<6528xf32, #tpu.memory_space<vmem>>, vector<16xf32>,
        %parallel_loop3A_199 = arith.constant 544 : i32
        %parallel_loop3A_200 = arith.addi %parallel_loop3A_74, %parallel_loop3A_199 : i32
        %parallel_loop3A_201 = arith.constant 17 : i32
        %parallel_loop3A_202 = arith.addi %parallel_loop3A_200, %parallel_loop3A_201 : i32
        %parallel_loop3A_203 = arith.index_cast %parallel_loop3A_202 : i32 to index
        %parallel_loop3A_204 = tpu.vector_load %arg13[%parallel_loop3A_203] {strides = array<i32>} : memref<6528xf32, #tpu.memory_space<vmem>>, vector<16xf32>,
        tpu.vector_store %arg13[%parallel_loop3A_203], %parallel_loop3A_188 {strides = array<i32>} : memref<6528xf32, #tpu.memory_space<vmem>>, vector<16xf32>,
        %parallel_loop3A_205 = arith.constant 16 : i32
        %parallel_loop3A_206 = arith.muli %parallel_loop3A_72, %parallel_loop3A_205 : i32
        %parallel_loop3A_207 = arith.constant 2 : i32
        %parallel_loop3A_208 = arith.addi %parallel_loop3A_206, %parallel_loop3A_207 : i32
        %parallel_loop3A_209 = arith.index_cast %parallel_loop3A_208 : i32 to index
        %parallel_loop3A_210 = arith.constant 0 : index
        %parallel_loop3A_211 = tpu.vector_load %arg10[%parallel_loop3A_209, %parallel_loop3A_210] {strides = array<i32>} : memref<128x64xf32, #tpu.memory_space<vmem>>, vector<16xf32>,
        %parallel_loop3A_212 = arith.index_cast %parallel_loop3A_208 : i32 to index
        %parallel_loop3A_213 = arith.constant 0 : index
        %parallel_loop3A_214 = tpu.vector_load %arg11[%parallel_loop3A_212, %parallel_loop3A_213] {strides = array<i32>} : memref<128x64xf32, #tpu.memory_space<vmem>>, vector<16xf32>,
        %parallel_loop3A_215 = arith.mulf %parallel_loop3A_211, %parallel_loop3A_214 : vector<16xf32>
        %parallel_loop3A_216 = arith.mulf %parallel_loop3A_211, %parallel_loop3A_211 : vector<16xf32>
        %parallel_loop3A_217 = arith.mulf %parallel_loop3A_214, %parallel_loop3A_214 : vector<16xf32>
        %parallel_loop3A_218 = arith.index_cast %parallel_loop3A_208 : i32 to index
        %parallel_loop3A_219 = arith.constant 16 : index
        %parallel_loop3A_220 = tpu.vector_load %arg10[%parallel_loop3A_218, %parallel_loop3A_219] {strides = array<i32>} : memref<128x64xf32, #tpu.memory_space<vmem>>, vector<16xf32>,
        %parallel_loop3A_221 = arith.index_cast %parallel_loop3A_208 : i32 to index
        %parallel_loop3A_222 = arith.constant 16 : index
        %parallel_loop3A_223 = tpu.vector_load %arg11[%parallel_loop3A_221, %parallel_loop3A_222] {strides = array<i32>} : memref<128x64xf32, #tpu.memory_space<vmem>>, vector<16xf32>,
        %parallel_loop3A_224 = arith.mulf %parallel_loop3A_220, %parallel_loop3A_223 : vector<16xf32>
        %parallel_loop3A_225 = arith.addf %parallel_loop3A_215, %parallel_loop3A_224 : vector<16xf32>
        %parallel_loop3A_226 = arith.mulf %parallel_loop3A_220, %parallel_loop3A_220 : vector<16xf32>
        %parallel_loop3A_227 = arith.addf %parallel_loop3A_216, %parallel_loop3A_226 : vector<16xf32>
        %parallel_loop3A_228 = arith.mulf %parallel_loop3A_223, %parallel_loop3A_223 : vector<16xf32>
        %parallel_loop3A_229 = arith.addf %parallel_loop3A_217, %parallel_loop3A_228 : vector<16xf32>
        %parallel_loop3A_230 = arith.index_cast %parallel_loop3A_208 : i32 to index
        %parallel_loop3A_231 = arith.constant 32 : index
        %parallel_loop3A_232 = tpu.vector_load %arg10[%parallel_loop3A_230, %parallel_loop3A_231] {strides = array<i32>} : memref<128x64xf32, #tpu.memory_space<vmem>>, vector<16xf32>,
        %parallel_loop3A_233 = arith.index_cast %parallel_loop3A_208 : i32 to index
        %parallel_loop3A_234 = arith.constant 32 : index
        %parallel_loop3A_235 = tpu.vector_load %arg11[%parallel_loop3A_233, %parallel_loop3A_234] {strides = array<i32>} : memref<128x64xf32, #tpu.memory_space<vmem>>, vector<16xf32>,
        %parallel_loop3A_236 = arith.mulf %parallel_loop3A_232, %parallel_loop3A_235 : vector<16xf32>
        %parallel_loop3A_237 = arith.addf %parallel_loop3A_225, %parallel_loop3A_236 : vector<16xf32>
        %parallel_loop3A_238 = arith.mulf %parallel_loop3A_232, %parallel_loop3A_232 : vector<16xf32>
        %parallel_loop3A_239 = arith.addf %parallel_loop3A_227, %parallel_loop3A_238 : vector<16xf32>
        %parallel_loop3A_240 = arith.mulf %parallel_loop3A_235, %parallel_loop3A_235 : vector<16xf32>
        %parallel_loop3A_241 = arith.addf %parallel_loop3A_229, %parallel_loop3A_240 : vector<16xf32>
        %parallel_loop3A_242 = arith.index_cast %parallel_loop3A_208 : i32 to index
        %parallel_loop3A_243 = arith.constant 48 : index
        %parallel_loop3A_244 = tpu.vector_load %arg10[%parallel_loop3A_242, %parallel_loop3A_243] {strides = array<i32>} : memref<128x64xf32, #tpu.memory_space<vmem>>, vector<16xf32>,
        %parallel_loop3A_245 = arith.index_cast %parallel_loop3A_208 : i32 to index
        %parallel_loop3A_246 = arith.constant 48 : index
        %parallel_loop3A_247 = tpu.vector_load %arg11[%parallel_loop3A_245, %parallel_loop3A_246] {strides = array<i32>} : memref<128x64xf32, #tpu.memory_space<vmem>>, vector<16xf32>,
        %parallel_loop3A_248 = arith.mulf %parallel_loop3A_244, %parallel_loop3A_247 : vector<16xf32>
        %parallel_loop3A_249 = arith.addf %parallel_loop3A_237, %parallel_loop3A_248 : vector<16xf32>
        %parallel_loop3A_250 = arith.mulf %parallel_loop3A_244, %parallel_loop3A_244 : vector<16xf32>
        %parallel_loop3A_251 = arith.addf %parallel_loop3A_239, %parallel_loop3A_250 : vector<16xf32>
        %parallel_loop3A_252 = arith.mulf %parallel_loop3A_247, %parallel_loop3A_247 : vector<16xf32>
        %parallel_loop3A_253 = arith.addf %parallel_loop3A_241, %parallel_loop3A_252 : vector<16xf32>
        %parallel_loop3A_254 = arith.constant 34 : i32
        %parallel_loop3A_255 = arith.addi %parallel_loop3A_74, %parallel_loop3A_254 : i32
        %parallel_loop3A_256 = arith.index_cast %parallel_loop3A_255 : i32 to index
        %parallel_loop3A_257 = tpu.vector_load %arg13[%parallel_loop3A_256] {strides = array<i32>} : memref<6528xf32, #tpu.memory_space<vmem>>, vector<16xf32>,
        tpu.vector_store %arg13[%parallel_loop3A_256], %parallel_loop3A_249 {strides = array<i32>} : memref<6528xf32, #tpu.memory_space<vmem>>, vector<16xf32>,
        %parallel_loop3A_258 = arith.constant 272 : i32
        %parallel_loop3A_259 = arith.addi %parallel_loop3A_74, %parallel_loop3A_258 : i32
        %parallel_loop3A_260 = arith.constant 34 : i32
        %parallel_loop3A_261 = arith.addi %parallel_loop3A_259, %parallel_loop3A_260 : i32
        %parallel_loop3A_262 = arith.index_cast %parallel_loop3A_261 : i32 to index
        %parallel_loop3A_263 = tpu.vector_load %arg13[%parallel_loop3A_262] {strides = array<i32>} : memref<6528xf32, #tpu.memory_space<vmem>>, vector<16xf32>,
        tpu.vector_store %arg13[%parallel_loop3A_262], %parallel_loop3A_251 {strides = array<i32>} : memref<6528xf32, #tpu.memory_space<vmem>>, vector<16xf32>,
        %parallel_loop3A_264 = arith.constant 544 : i32
        %parallel_loop3A_265 = arith.addi %parallel_loop3A_74, %parallel_loop3A_264 : i32
        %parallel_loop3A_266 = arith.constant 34 : i32
        %parallel_loop3A_267 = arith.addi %parallel_loop3A_265, %parallel_loop3A_266 : i32
        %parallel_loop3A_268 = arith.index_cast %parallel_loop3A_267 : i32 to index
        %parallel_loop3A_269 = tpu.vector_load %arg13[%parallel_loop3A_268] {strides = array<i32>} : memref<6528xf32, #tpu.memory_space<vmem>>, vector<16xf32>,
        tpu.vector_store %arg13[%parallel_loop3A_268], %parallel_loop3A_253 {strides = array<i32>} : memref<6528xf32, #tpu.memory_space<vmem>>, vector<16xf32>,
        %parallel_loop3A_270 = arith.constant 16 : i32
        %parallel_loop3A_271 = arith.muli %parallel_loop3A_72, %parallel_loop3A_270 : i32
        %parallel_loop3A_272 = arith.constant 3 : i32
        %parallel_loop3A_273 = arith.addi %parallel_loop3A_271, %parallel_loop3A_272 : i32
        %parallel_loop3A_274 = arith.index_cast %parallel_loop3A_273 : i32 to index
        %parallel_loop3A_275 = arith.constant 0 : index
        %parallel_loop3A_276 = tpu.vector_load %arg10[%parallel_loop3A_274, %parallel_loop3A_275] {strides = array<i32>} : memref<128x64xf32, #tpu.memory_space<vmem>>, vector<16xf32>,
        %parallel_loop3A_277 = arith.index_cast %parallel_loop3A_273 : i32 to index
        %parallel_loop3A_278 = arith.constant 0 : index
        %parallel_loop3A_279 = tpu.vector_load %arg11[%parallel_loop3A_277, %parallel_loop3A_278] {strides = array<i32>} : memref<128x64xf32, #tpu.memory_space<vmem>>, vector<16xf32>,
        %parallel_loop3A_280 = arith.mulf %parallel_loop3A_276, %parallel_loop3A_279 : vector<16xf32>
        %parallel_loop3A_281 = arith.mulf %parallel_loop3A_276, %parallel_loop3A_276 : vector<16xf32>
        %parallel_loop3A_282 = arith.mulf %parallel_loop3A_279, %parallel_loop3A_279 : vector<16xf32>
        %parallel_loop3A_283 = arith.index_cast %parallel_loop3A_273 : i32 to index
        %parallel_loop3A_284 = arith.constant 16 : index
        %parallel_loop3A_285 = tpu.vector_load %arg10[%parallel_loop3A_283, %parallel_loop3A_284] {strides = array<i32>} : memref<128x64xf32, #tpu.memory_space<vmem>>, vector<16xf32>,
        %parallel_loop3A_286 = arith.index_cast %parallel_loop3A_273 : i32 to index
        %parallel_loop3A_287 = arith.constant 16 : index
        %parallel_loop3A_288 = tpu.vector_load %arg11[%parallel_loop3A_286, %parallel_loop3A_287] {strides = array<i32>} : memref<128x64xf32, #tpu.memory_space<vmem>>, vector<16xf32>,
        %parallel_loop3A_289 = arith.mulf %parallel_loop3A_285, %parallel_loop3A_288 : vector<16xf32>
        %parallel_loop3A_290 = arith.addf %parallel_loop3A_280, %parallel_loop3A_289 : vector<16xf32>
        %parallel_loop3A_291 = arith.mulf %parallel_loop3A_285, %parallel_loop3A_285 : vector<16xf32>
        %parallel_loop3A_292 = arith.addf %parallel_loop3A_281, %parallel_loop3A_291 : vector<16xf32>
        %parallel_loop3A_293 = arith.mulf %parallel_loop3A_288, %parallel_loop3A_288 : vector<16xf32>
        %parallel_loop3A_294 = arith.addf %parallel_loop3A_282, %parallel_loop3A_293 : vector<16xf32>
        %parallel_loop3A_295 = arith.index_cast %parallel_loop3A_273 : i32 to index
        %parallel_loop3A_296 = arith.constant 32 : index
        %parallel_loop3A_297 = tpu.vector_load %arg10[%parallel_loop3A_295, %parallel_loop3A_296] {strides = array<i32>} : memref<128x64xf32, #tpu.memory_space<vmem>>, vector<16xf32>,
        %parallel_loop3A_298 = arith.index_cast %parallel_loop3A_273 : i32 to index
        %parallel_loop3A_299 = arith.constant 32 : index
        %parallel_loop3A_300 = tpu.vector_load %arg11[%parallel_loop3A_298, %parallel_loop3A_299] {strides = array<i32>} : memref<128x64xf32, #tpu.memory_space<vmem>>, vector<16xf32>,
        %parallel_loop3A_301 = arith.mulf %parallel_loop3A_297, %parallel_loop3A_300 : vector<16xf32>
        %parallel_loop3A_302 = arith.addf %parallel_loop3A_290, %parallel_loop3A_301 : vector<16xf32>
        %parallel_loop3A_303 = arith.mulf %parallel_loop3A_297, %parallel_loop3A_297 : vector<16xf32>
        %parallel_loop3A_304 = arith.addf %parallel_loop3A_292, %parallel_loop3A_303 : vector<16xf32>
        %parallel_loop3A_305 = arith.mulf %parallel_loop3A_300, %parallel_loop3A_300 : vector<16xf32>
        %parallel_loop3A_306 = arith.addf %parallel_loop3A_294, %parallel_loop3A_305 : vector<16xf32>
        %parallel_loop3A_307 = arith.index_cast %parallel_loop3A_273 : i32 to index
        %parallel_loop3A_308 = arith.constant 48 : index
        %parallel_loop3A_309 = tpu.vector_load %arg10[%parallel_loop3A_307, %parallel_loop3A_308] {strides = array<i32>} : memref<128x64xf32, #tpu.memory_space<vmem>>, vector<16xf32>,
        %parallel_loop3A_310 = arith.index_cast %parallel_loop3A_273 : i32 to index
        %parallel_loop3A_311 = arith.constant 48 : index
        %parallel_loop3A_312 = tpu.vector_load %arg11[%parallel_loop3A_310, %parallel_loop3A_311] {strides = array<i32>} : memref<128x64xf32, #tpu.memory_space<vmem>>, vector<16xf32>,
        %parallel_loop3A_313 = arith.mulf %parallel_loop3A_309, %parallel_loop3A_312 : vector<16xf32>
        %parallel_loop3A_314 = arith.addf %parallel_loop3A_302, %parallel_loop3A_313 : vector<16xf32>
        %parallel_loop3A_315 = arith.mulf %parallel_loop3A_309, %parallel_loop3A_309 : vector<16xf32>
        %parallel_loop3A_316 = arith.addf %parallel_loop3A_304, %parallel_loop3A_315 : vector<16xf32>
        %parallel_loop3A_317 = arith.mulf %parallel_loop3A_312, %parallel_loop3A_312 : vector<16xf32>
        %parallel_loop3A_318 = arith.addf %parallel_loop3A_306, %parallel_loop3A_317 : vector<16xf32>
        %parallel_loop3A_319 = arith.constant 51 : i32
        %parallel_loop3A_320 = arith.addi %parallel_loop3A_74, %parallel_loop3A_319 : i32
        %parallel_loop3A_321 = arith.index_cast %parallel_loop3A_320 : i32 to index
        %parallel_loop3A_322 = tpu.vector_load %arg13[%parallel_loop3A_321] {strides = array<i32>} : memref<6528xf32, #tpu.memory_space<vmem>>, vector<16xf32>,
        tpu.vector_store %arg13[%parallel_loop3A_321], %parallel_loop3A_314 {strides = array<i32>} : memref<6528xf32, #tpu.memory_space<vmem>>, vector<16xf32>,
        %parallel_loop3A_323 = arith.constant 272 : i32
        %parallel_loop3A_324 = arith.addi %parallel_loop3A_74, %parallel_loop3A_323 : i32
        %parallel_loop3A_325 = arith.constant 51 : i32
        %parallel_loop3A_326 = arith.addi %parallel_loop3A_324, %parallel_loop3A_325 : i32
        %parallel_loop3A_327 = arith.index_cast %parallel_loop3A_326 : i32 to index
        %parallel_loop3A_328 = tpu.vector_load %arg13[%parallel_loop3A_327] {strides = array<i32>} : memref<6528xf32, #tpu.memory_space<vmem>>, vector<16xf32>,
        tpu.vector_store %arg13[%parallel_loop3A_327], %parallel_loop3A_316 {strides = array<i32>} : memref<6528xf32, #tpu.memory_space<vmem>>, vector<16xf32>,
        %parallel_loop3A_329 = arith.constant 544 : i32
        %parallel_loop3A_330 = arith.addi %parallel_loop3A_74, %parallel_loop3A_329 : i32
        %parallel_loop3A_331 = arith.constant 51 : i32
        %parallel_loop3A_332 = arith.addi %parallel_loop3A_330, %parallel_loop3A_331 : i32
        %parallel_loop3A_333 = arith.index_cast %parallel_loop3A_332 : i32 to index
        %parallel_loop3A_334 = tpu.vector_load %arg13[%parallel_loop3A_333] {strides = array<i32>} : memref<6528xf32, #tpu.memory_space<vmem>>, vector<16xf32>,
        tpu.vector_store %arg13[%parallel_loop3A_333], %parallel_loop3A_318 {strides = array<i32>} : memref<6528xf32, #tpu.memory_space<vmem>>, vector<16xf32>,
        %parallel_loop3A_335 = arith.constant 16 : i32
        %parallel_loop3A_336 = arith.muli %parallel_loop3A_72, %parallel_loop3A_335 : i32
        %parallel_loop3A_337 = arith.constant 4 : i32
        %parallel_loop3A_338 = arith.addi %parallel_loop3A_336, %parallel_loop3A_337 : i32
        %parallel_loop3A_339 = arith.index_cast %parallel_loop3A_338 : i32 to index
        %parallel_loop3A_340 = arith.constant 0 : index
        %parallel_loop3A_341 = tpu.vector_load %arg10[%parallel_loop3A_339, %parallel_loop3A_340] {strides = array<i32>} : memref<128x64xf32, #tpu.memory_space<vmem>>, vector<16xf32>,
        %parallel_loop3A_342 = arith.index_cast %parallel_loop3A_338 : i32 to index
        %parallel_loop3A_343 = arith.constant 0 : index
        %parallel_loop3A_344 = tpu.vector_load %arg11[%parallel_loop3A_342, %parallel_loop3A_343] {strides = array<i32>} : memref<128x64xf32, #tpu.memory_space<vmem>>, vector<16xf32>,
        %parallel_loop3A_345 = arith.mulf %parallel_loop3A_341, %parallel_loop3A_344 : vector<16xf32>
        %parallel_loop3A_346 = arith.mulf %parallel_loop3A_341, %parallel_loop3A_341 : vector<16xf32>
        %parallel_loop3A_347 = arith.mulf %parallel_loop3A_344, %parallel_loop3A_344 : vector<16xf32>
        %parallel_loop3A_348 = arith.index_cast %parallel_loop3A_338 : i32 to index
        %parallel_loop3A_349 = arith.constant 16 : index
        %parallel_loop3A_350 = tpu.vector_load %arg10[%parallel_loop3A_348, %parallel_loop3A_349] {strides = array<i32>} : memref<128x64xf32, #tpu.memory_space<vmem>>, vector<16xf32>,
        %parallel_loop3A_351 = arith.index_cast %parallel_loop3A_338 : i32 to index
        %parallel_loop3A_352 = arith.constant 16 : index
        %parallel_loop3A_353 = tpu.vector_load %arg11[%parallel_loop3A_351, %parallel_loop3A_352] {strides = array<i32>} : memref<128x64xf32, #tpu.memory_space<vmem>>, vector<16xf32>,
        %parallel_loop3A_354 = arith.mulf %parallel_loop3A_350, %parallel_loop3A_353 : vector<16xf32>
        %parallel_loop3A_355 = arith.addf %parallel_loop3A_345, %parallel_loop3A_354 : vector<16xf32>
        %parallel_loop3A_356 = arith.mulf %parallel_loop3A_350, %parallel_loop3A_350 : vector<16xf32>
        %parallel_loop3A_357 = arith.addf %parallel_loop3A_346, %parallel_loop3A_356 : vector<16xf32>
        %parallel_loop3A_358 = arith.mulf %parallel_loop3A_353, %parallel_loop3A_353 : vector<16xf32>
        %parallel_loop3A_359 = arith.addf %parallel_loop3A_347, %parallel_loop3A_358 : vector<16xf32>
        %parallel_loop3A_360 = arith.index_cast %parallel_loop3A_338 : i32 to index
        %parallel_loop3A_361 = arith.constant 32 : index
        %parallel_loop3A_362 = tpu.vector_load %arg10[%parallel_loop3A_360, %parallel_loop3A_361] {strides = array<i32>} : memref<128x64xf32, #tpu.memory_space<vmem>>, vector<16xf32>,
        %parallel_loop3A_363 = arith.index_cast %parallel_loop3A_338 : i32 to index
        %parallel_loop3A_364 = arith.constant 32 : index
        %parallel_loop3A_365 = tpu.vector_load %arg11[%parallel_loop3A_363, %parallel_loop3A_364] {strides = array<i32>} : memref<128x64xf32, #tpu.memory_space<vmem>>, vector<16xf32>,
        %parallel_loop3A_366 = arith.mulf %parallel_loop3A_362, %parallel_loop3A_365 : vector<16xf32>
        %parallel_loop3A_367 = arith.addf %parallel_loop3A_355, %parallel_loop3A_366 : vector<16xf32>
        %parallel_loop3A_368 = arith.mulf %parallel_loop3A_362, %parallel_loop3A_362 : vector<16xf32>
        %parallel_loop3A_369 = arith.addf %parallel_loop3A_357, %parallel_loop3A_368 : vector<16xf32>
        %parallel_loop3A_370 = arith.mulf %parallel_loop3A_365, %parallel_loop3A_365 : vector<16xf32>
        %parallel_loop3A_371 = arith.addf %parallel_loop3A_359, %parallel_loop3A_370 : vector<16xf32>
        %parallel_loop3A_372 = arith.index_cast %parallel_loop3A_338 : i32 to index
        %parallel_loop3A_373 = arith.constant 48 : index
        %parallel_loop3A_374 = tpu.vector_load %arg10[%parallel_loop3A_372, %parallel_loop3A_373] {strides = array<i32>} : memref<128x64xf32, #tpu.memory_space<vmem>>, vector<16xf32>,
        %parallel_loop3A_375 = arith.index_cast %parallel_loop3A_338 : i32 to index
        %parallel_loop3A_376 = arith.constant 48 : index
        %parallel_loop3A_377 = tpu.vector_load %arg11[%parallel_loop3A_375, %parallel_loop3A_376] {strides = array<i32>} : memref<128x64xf32, #tpu.memory_space<vmem>>, vector<16xf32>,
        %parallel_loop3A_378 = arith.mulf %parallel_loop3A_374, %parallel_loop3A_377 : vector<16xf32>
        %parallel_loop3A_379 = arith.addf %parallel_loop3A_367, %parallel_loop3A_378 : vector<16xf32>
        %parallel_loop3A_380 = arith.mulf %parallel_loop3A_374, %parallel_loop3A_374 : vector<16xf32>
        %parallel_loop3A_381 = arith.addf %parallel_loop3A_369, %parallel_loop3A_380 : vector<16xf32>
        %parallel_loop3A_382 = arith.mulf %parallel_loop3A_377, %parallel_loop3A_377 : vector<16xf32>
        %parallel_loop3A_383 = arith.addf %parallel_loop3A_371, %parallel_loop3A_382 : vector<16xf32>
        %parallel_loop3A_384 = arith.constant 68 : i32
        %parallel_loop3A_385 = arith.addi %parallel_loop3A_74, %parallel_loop3A_384 : i32
        %parallel_loop3A_386 = arith.index_cast %parallel_loop3A_385 : i32 to index
        %parallel_loop3A_387 = tpu.vector_load %arg13[%parallel_loop3A_386] {strides = array<i32>} : memref<6528xf32, #tpu.memory_space<vmem>>, vector<16xf32>,
        tpu.vector_store %arg13[%parallel_loop3A_386], %parallel_loop3A_379 {strides = array<i32>} : memref<6528xf32, #tpu.memory_space<vmem>>, vector<16xf32>,
        %parallel_loop3A_388 = arith.constant 272 : i32
        %parallel_loop3A_389 = arith.addi %parallel_loop3A_74, %parallel_loop3A_388 : i32
        %parallel_loop3A_390 = arith.constant 68 : i32
        %parallel_loop3A_391 = arith.addi %parallel_loop3A_389, %parallel_loop3A_390 : i32
        %parallel_loop3A_392 = arith.index_cast %parallel_loop3A_391 : i32 to index
        %parallel_loop3A_393 = tpu.vector_load %arg13[%parallel_loop3A_392] {strides = array<i32>} : memref<6528xf32, #tpu.memory_space<vmem>>, vector<16xf32>,
        tpu.vector_store %arg13[%parallel_loop3A_392], %parallel_loop3A_381 {strides = array<i32>} : memref<6528xf32, #tpu.memory_space<vmem>>, vector<16xf32>,
        %parallel_loop3A_394 = arith.constant 544 : i32
        %parallel_loop3A_395 = arith.addi %parallel_loop3A_74, %parallel_loop3A_394 : i32
        %parallel_loop3A_396 = arith.constant 68 : i32
        %parallel_loop3A_397 = arith.addi %parallel_loop3A_395, %parallel_loop3A_396 : i32
        %parallel_loop3A_398 = arith.index_cast %parallel_loop3A_397 : i32 to index
        %parallel_loop3A_399 = tpu.vector_load %arg13[%parallel_loop3A_398] {strides = array<i32>} : memref<6528xf32, #tpu.memory_space<vmem>>, vector<16xf32>,
        tpu.vector_store %arg13[%parallel_loop3A_398], %parallel_loop3A_383 {strides = array<i32>} : memref<6528xf32, #tpu.memory_space<vmem>>, vector<16xf32>,
        %parallel_loop3A_400 = arith.constant 16 : i32
        %parallel_loop3A_401 = arith.muli %parallel_loop3A_72, %parallel_loop3A_400 : i32
        %parallel_loop3A_402 = arith.constant 5 : i32
        %parallel_loop3A_403 = arith.addi %parallel_loop3A_401, %parallel_loop3A_402 : i32
        %parallel_loop3A_404 = arith.index_cast %parallel_loop3A_403 : i32 to index
        %parallel_loop3A_405 = arith.constant 0 : index
        %parallel_loop3A_406 = tpu.vector_load %arg10[%parallel_loop3A_404, %parallel_loop3A_405] {strides = array<i32>} : memref<128x64xf32, #tpu.memory_space<vmem>>, vector<16xf32>,
        %parallel_loop3A_407 = arith.index_cast %parallel_loop3A_403 : i32 to index
        %parallel_loop3A_408 = arith.constant 0 : index
        %parallel_loop3A_409 = tpu.vector_load %arg11[%parallel_loop3A_407, %parallel_loop3A_408] {strides = array<i32>} : memref<128x64xf32, #tpu.memory_space<vmem>>, vector<16xf32>,
        %parallel_loop3A_410 = arith.mulf %parallel_loop3A_406, %parallel_loop3A_409 : vector<16xf32>
        %parallel_loop3A_411 = arith.mulf %parallel_loop3A_406, %parallel_loop3A_406 : vector<16xf32>
        %parallel_loop3A_412 = arith.mulf %parallel_loop3A_409, %parallel_loop3A_409 : vector<16xf32>
        %parallel_loop3A_413 = arith.index_cast %parallel_loop3A_403 : i32 to index
        %parallel_loop3A_414 = arith.constant 16 : index
        %parallel_loop3A_415 = tpu.vector_load %arg10[%parallel_loop3A_413, %parallel_loop3A_414] {strides = array<i32>} : memref<128x64xf32, #tpu.memory_space<vmem>>, vector<16xf32>,
        %parallel_loop3A_416 = arith.index_cast %parallel_loop3A_403 : i32 to index
        %parallel_loop3A_417 = arith.constant 16 : index
        %parallel_loop3A_418 = tpu.vector_load %arg11[%parallel_loop3A_416, %parallel_loop3A_417] {strides = array<i32>} : memref<128x64xf32, #tpu.memory_space<vmem>>, vector<16xf32>,
        %parallel_loop3A_419 = arith.mulf %parallel_loop3A_415, %parallel_loop3A_418 : vector<16xf32>
        %parallel_loop3A_420 = arith.addf %parallel_loop3A_410, %parallel_loop3A_419 : vector<16xf32>
        %parallel_loop3A_421 = arith.mulf %parallel_loop3A_415, %parallel_loop3A_415 : vector<16xf32>
        %parallel_loop3A_422 = arith.addf %parallel_loop3A_411, %parallel_loop3A_421 : vector<16xf32>
        %parallel_loop3A_423 = arith.mulf %parallel_loop3A_418, %parallel_loop3A_418 : vector<16xf32>
        %parallel_loop3A_424 = arith.addf %parallel_loop3A_412, %parallel_loop3A_423 : vector<16xf32>
        %parallel_loop3A_425 = arith.index_cast %parallel_loop3A_403 : i32 to index
        %parallel_loop3A_426 = arith.constant 32 : index
        %parallel_loop3A_427 = tpu.vector_load %arg10[%parallel_loop3A_425, %parallel_loop3A_426] {strides = array<i32>} : memref<128x64xf32, #tpu.memory_space<vmem>>, vector<16xf32>,
        %parallel_loop3A_428 = arith.index_cast %parallel_loop3A_403 : i32 to index
        %parallel_loop3A_429 = arith.constant 32 : index
        %parallel_loop3A_430 = tpu.vector_load %arg11[%parallel_loop3A_428, %parallel_loop3A_429] {strides = array<i32>} : memref<128x64xf32, #tpu.memory_space<vmem>>, vector<16xf32>,
        %parallel_loop3A_431 = arith.mulf %parallel_loop3A_427, %parallel_loop3A_430 : vector<16xf32>
        %parallel_loop3A_432 = arith.addf %parallel_loop3A_420, %parallel_loop3A_431 : vector<16xf32>
        %parallel_loop3A_433 = arith.mulf %parallel_loop3A_427, %parallel_loop3A_427 : vector<16xf32>
        %parallel_loop3A_434 = arith.addf %parallel_loop3A_422, %parallel_loop3A_433 : vector<16xf32>
        %parallel_loop3A_435 = arith.mulf %parallel_loop3A_430, %parallel_loop3A_430 : vector<16xf32>
        %parallel_loop3A_436 = arith.addf %parallel_loop3A_424, %parallel_loop3A_435 : vector<16xf32>
        %parallel_loop3A_437 = arith.index_cast %parallel_loop3A_403 : i32 to index
        %parallel_loop3A_438 = arith.constant 48 : index
        %parallel_loop3A_439 = tpu.vector_load %arg10[%parallel_loop3A_437, %parallel_loop3A_438] {strides = array<i32>} : memref<128x64xf32, #tpu.memory_space<vmem>>, vector<16xf32>,
        %parallel_loop3A_440 = arith.index_cast %parallel_loop3A_403 : i32 to index
        %parallel_loop3A_441 = arith.constant 48 : index
        %parallel_loop3A_442 = tpu.vector_load %arg11[%parallel_loop3A_440, %parallel_loop3A_441] {strides = array<i32>} : memref<128x64xf32, #tpu.memory_space<vmem>>, vector<16xf32>,
        %parallel_loop3A_443 = arith.mulf %parallel_loop3A_439, %parallel_loop3A_442 : vector<16xf32>
        %parallel_loop3A_444 = arith.addf %parallel_loop3A_432, %parallel_loop3A_443 : vector<16xf32>
        %parallel_loop3A_445 = arith.mulf %parallel_loop3A_439, %parallel_loop3A_439 : vector<16xf32>
        %parallel_loop3A_446 = arith.addf %parallel_loop3A_434, %parallel_loop3A_445 : vector<16xf32>
        %parallel_loop3A_447 = arith.mulf %parallel_loop3A_442, %parallel_loop3A_442 : vector<16xf32>
        %parallel_loop3A_448 = arith.addf %parallel_loop3A_436, %parallel_loop3A_447 : vector<16xf32>
        %parallel_loop3A_449 = arith.constant 85 : i32
        %parallel_loop3A_450 = arith.addi %parallel_loop3A_74, %parallel_loop3A_449 : i32
        %parallel_loop3A_451 = arith.index_cast %parallel_loop3A_450 : i32 to index
        %parallel_loop3A_452 = tpu.vector_load %arg13[%parallel_loop3A_451] {strides = array<i32>} : memref<6528xf32, #tpu.memory_space<vmem>>, vector<16xf32>,
        tpu.vector_store %arg13[%parallel_loop3A_451], %parallel_loop3A_444 {strides = array<i32>} : memref<6528xf32, #tpu.memory_space<vmem>>, vector<16xf32>,
        %parallel_loop3A_453 = arith.constant 272 : i32
        %parallel_loop3A_454 = arith.addi %parallel_loop3A_74, %parallel_loop3A_453 : i32
        %parallel_loop3A_455 = arith.constant 85 : i32
        %parallel_loop3A_456 = arith.addi %parallel_loop3A_454, %parallel_loop3A_455 : i32
        %parallel_loop3A_457 = arith.index_cast %parallel_loop3A_456 : i32 to index
        %parallel_loop3A_458 = tpu.vector_load %arg13[%parallel_loop3A_457] {strides = array<i32>} : memref<6528xf32, #tpu.memory_space<vmem>>, vector<16xf32>,
        tpu.vector_store %arg13[%parallel_loop3A_457], %parallel_loop3A_446 {strides = array<i32>} : memref<6528xf32, #tpu.memory_space<vmem>>, vector<16xf32>,
        %parallel_loop3A_459 = arith.constant 544 : i32
        %parallel_loop3A_460 = arith.addi %parallel_loop3A_74, %parallel_loop3A_459 : i32
        %parallel_loop3A_461 = arith.constant 85 : i32
        %parallel_loop3A_462 = arith.addi %parallel_loop3A_460, %parallel_loop3A_461 : i32
        %parallel_loop3A_463 = arith.index_cast %parallel_loop3A_462 : i32 to index
        %parallel_loop3A_464 = tpu.vector_load %arg13[%parallel_loop3A_463] {strides = array<i32>} : memref<6528xf32, #tpu.memory_space<vmem>>, vector<16xf32>,
        tpu.vector_store %arg13[%parallel_loop3A_463], %parallel_loop3A_448 {strides = array<i32>} : memref<6528xf32, #tpu.memory_space<vmem>>, vector<16xf32>,
        %parallel_loop3A_465 = arith.constant 16 : i32
        %parallel_loop3A_466 = arith.muli %parallel_loop3A_72, %parallel_loop3A_465 : i32
        %parallel_loop3A_467 = arith.constant 6 : i32
        %parallel_loop3A_468 = arith.addi %parallel_loop3A_466, %parallel_loop3A_467 : i32
        %parallel_loop3A_469 = arith.index_cast %parallel_loop3A_468 : i32 to index
        %parallel_loop3A_470 = arith.constant 0 : index
        %parallel_loop3A_471 = tpu.vector_load %arg10[%parallel_loop3A_469, %parallel_loop3A_470] {strides = array<i32>} : memref<128x64xf32, #tpu.memory_space<vmem>>, vector<16xf32>,
        %parallel_loop3A_472 = arith.index_cast %parallel_loop3A_468 : i32 to index
        %parallel_loop3A_473 = arith.constant 0 : index
        %parallel_loop3A_474 = tpu.vector_load %arg11[%parallel_loop3A_472, %parallel_loop3A_473] {strides = array<i32>} : memref<128x64xf32, #tpu.memory_space<vmem>>, vector<16xf32>,
        %parallel_loop3A_475 = arith.mulf %parallel_loop3A_471, %parallel_loop3A_474 : vector<16xf32>
        %parallel_loop3A_476 = arith.mulf %parallel_loop3A_471, %parallel_loop3A_471 : vector<16xf32>
        %parallel_loop3A_477 = arith.mulf %parallel_loop3A_474, %parallel_loop3A_474 : vector<16xf32>
        %parallel_loop3A_478 = arith.index_cast %parallel_loop3A_468 : i32 to index
        %parallel_loop3A_479 = arith.constant 16 : index
        %parallel_loop3A_480 = tpu.vector_load %arg10[%parallel_loop3A_478, %parallel_loop3A_479] {strides = array<i32>} : memref<128x64xf32, #tpu.memory_space<vmem>>, vector<16xf32>,
        %parallel_loop3A_481 = arith.index_cast %parallel_loop3A_468 : i32 to index
        %parallel_loop3A_482 = arith.constant 16 : index
        %parallel_loop3A_483 = tpu.vector_load %arg11[%parallel_loop3A_481, %parallel_loop3A_482] {strides = array<i32>} : memref<128x64xf32, #tpu.memory_space<vmem>>, vector<16xf32>,
        %parallel_loop3A_484 = arith.mulf %parallel_loop3A_480, %parallel_loop3A_483 : vector<16xf32>
        %parallel_loop3A_485 = arith.addf %parallel_loop3A_475, %parallel_loop3A_484 : vector<16xf32>
        %parallel_loop3A_486 = arith.mulf %parallel_loop3A_480, %parallel_loop3A_480 : vector<16xf32>
        %parallel_loop3A_487 = arith.addf %parallel_loop3A_476, %parallel_loop3A_486 : vector<16xf32>
        %parallel_loop3A_488 = arith.mulf %parallel_loop3A_483, %parallel_loop3A_483 : vector<16xf32>
        %parallel_loop3A_489 = arith.addf %parallel_loop3A_477, %parallel_loop3A_488 : vector<16xf32>
        %parallel_loop3A_490 = arith.index_cast %parallel_loop3A_468 : i32 to index
        %parallel_loop3A_491 = arith.constant 32 : index
        %parallel_loop3A_492 = tpu.vector_load %arg10[%parallel_loop3A_490, %parallel_loop3A_491] {strides = array<i32>} : memref<128x64xf32, #tpu.memory_space<vmem>>, vector<16xf32>,
        %parallel_loop3A_493 = arith.index_cast %parallel_loop3A_468 : i32 to index
        %parallel_loop3A_494 = arith.constant 32 : index
        %parallel_loop3A_495 = tpu.vector_load %arg11[%parallel_loop3A_493, %parallel_loop3A_494] {strides = array<i32>} : memref<128x64xf32, #tpu.memory_space<vmem>>, vector<16xf32>,
        %parallel_loop3A_496 = arith.mulf %parallel_loop3A_492, %parallel_loop3A_495 : vector<16xf32>
        %parallel_loop3A_497 = arith.addf %parallel_loop3A_485, %parallel_loop3A_496 : vector<16xf32>
        %parallel_loop3A_498 = arith.mulf %parallel_loop3A_492, %parallel_loop3A_492 : vector<16xf32>
        %parallel_loop3A_499 = arith.addf %parallel_loop3A_487, %parallel_loop3A_498 : vector<16xf32>
        %parallel_loop3A_500 = arith.mulf %parallel_loop3A_495, %parallel_loop3A_495 : vector<16xf32>
        %parallel_loop3A_501 = arith.addf %parallel_loop3A_489, %parallel_loop3A_500 : vector<16xf32>
        %parallel_loop3A_502 = arith.index_cast %parallel_loop3A_468 : i32 to index
        %parallel_loop3A_503 = arith.constant 48 : index
        %parallel_loop3A_504 = tpu.vector_load %arg10[%parallel_loop3A_502, %parallel_loop3A_503] {strides = array<i32>} : memref<128x64xf32, #tpu.memory_space<vmem>>, vector<16xf32>,
        %parallel_loop3A_505 = arith.index_cast %parallel_loop3A_468 : i32 to index
        %parallel_loop3A_506 = arith.constant 48 : index
        %parallel_loop3A_507 = tpu.vector_load %arg11[%parallel_loop3A_505, %parallel_loop3A_506] {strides = array<i32>} : memref<128x64xf32, #tpu.memory_space<vmem>>, vector<16xf32>,
        %parallel_loop3A_508 = arith.mulf %parallel_loop3A_504, %parallel_loop3A_507 : vector<16xf32>
        %parallel_loop3A_509 = arith.addf %parallel_loop3A_497, %parallel_loop3A_508 : vector<16xf32>
        %parallel_loop3A_510 = arith.mulf %parallel_loop3A_504, %parallel_loop3A_504 : vector<16xf32>
        %parallel_loop3A_511 = arith.addf %parallel_loop3A_499, %parallel_loop3A_510 : vector<16xf32>
        %parallel_loop3A_512 = arith.mulf %parallel_loop3A_507, %parallel_loop3A_507 : vector<16xf32>
        %parallel_loop3A_513 = arith.addf %parallel_loop3A_501, %parallel_loop3A_512 : vector<16xf32>
        %parallel_loop3A_514 = arith.constant 102 : i32
        %parallel_loop3A_515 = arith.addi %parallel_loop3A_74, %parallel_loop3A_514 : i32
        %parallel_loop3A_516 = arith.index_cast %parallel_loop3A_515 : i32 to index
        %parallel_loop3A_517 = tpu.vector_load %arg13[%parallel_loop3A_516] {strides = array<i32>} : memref<6528xf32, #tpu.memory_space<vmem>>, vector<16xf32>,
        tpu.vector_store %arg13[%parallel_loop3A_516], %parallel_loop3A_509 {strides = array<i32>} : memref<6528xf32, #tpu.memory_space<vmem>>, vector<16xf32>,
        %parallel_loop3A_518 = arith.constant 272 : i32
        %parallel_loop3A_519 = arith.addi %parallel_loop3A_74, %parallel_loop3A_518 : i32
        %parallel_loop3A_520 = arith.constant 102 : i32
        %parallel_loop3A_521 = arith.addi %parallel_loop3A_519, %parallel_loop3A_520 : i32
        %parallel_loop3A_522 = arith.index_cast %parallel_loop3A_521 : i32 to index
        %parallel_loop3A_523 = tpu.vector_load %arg13[%parallel_loop3A_522] {strides = array<i32>} : memref<6528xf32, #tpu.memory_space<vmem>>, vector<16xf32>,
        tpu.vector_store %arg13[%parallel_loop3A_522], %parallel_loop3A_511 {strides = array<i32>} : memref<6528xf32, #tpu.memory_space<vmem>>, vector<16xf32>,
        %parallel_loop3A_524 = arith.constant 544 : i32
        %parallel_loop3A_525 = arith.addi %parallel_loop3A_74, %parallel_loop3A_524 : i32
        %parallel_loop3A_526 = arith.constant 102 : i32
        %parallel_loop3A_527 = arith.addi %parallel_loop3A_525, %parallel_loop3A_526 : i32
        %parallel_loop3A_528 = arith.index_cast %parallel_loop3A_527 : i32 to index
        %parallel_loop3A_529 = tpu.vector_load %arg13[%parallel_loop3A_528] {strides = array<i32>} : memref<6528xf32, #tpu.memory_space<vmem>>, vector<16xf32>,
        tpu.vector_store %arg13[%parallel_loop3A_528], %parallel_loop3A_513 {strides = array<i32>} : memref<6528xf32, #tpu.memory_space<vmem>>, vector<16xf32>,
        %parallel_loop3A_530 = arith.constant 16 : i32
        %parallel_loop3A_531 = arith.muli %parallel_loop3A_72, %parallel_loop3A_530 : i32
        %parallel_loop3A_532 = arith.constant 7 : i32
        %parallel_loop3A_533 = arith.addi %parallel_loop3A_531, %parallel_loop3A_532 : i32
        %parallel_loop3A_534 = arith.index_cast %parallel_loop3A_533 : i32 to index
        %parallel_loop3A_535 = arith.constant 0 : index
        %parallel_loop3A_536 = tpu.vector_load %arg10[%parallel_loop3A_534, %parallel_loop3A_535] {strides = array<i32>} : memref<128x64xf32, #tpu.memory_space<vmem>>, vector<16xf32>,
        %parallel_loop3A_537 = arith.index_cast %parallel_loop3A_533 : i32 to index
        %parallel_loop3A_538 = arith.constant 0 : index
        %parallel_loop3A_539 = tpu.vector_load %arg11[%parallel_loop3A_537, %parallel_loop3A_538] {strides = array<i32>} : memref<128x64xf32, #tpu.memory_space<vmem>>, vector<16xf32>,
        %parallel_loop3A_540 = arith.mulf %parallel_loop3A_536, %parallel_loop3A_539 : vector<16xf32>
        %parallel_loop3A_541 = arith.mulf %parallel_loop3A_536, %parallel_loop3A_536 : vector<16xf32>
        %parallel_loop3A_542 = arith.mulf %parallel_loop3A_539, %parallel_loop3A_539 : vector<16xf32>
        %parallel_loop3A_543 = arith.index_cast %parallel_loop3A_533 : i32 to index
        %parallel_loop3A_544 = arith.constant 16 : index
        %parallel_loop3A_545 = tpu.vector_load %arg10[%parallel_loop3A_543, %parallel_loop3A_544] {strides = array<i32>} : memref<128x64xf32, #tpu.memory_space<vmem>>, vector<16xf32>,
        %parallel_loop3A_546 = arith.index_cast %parallel_loop3A_533 : i32 to index
        %parallel_loop3A_547 = arith.constant 16 : index
        %parallel_loop3A_548 = tpu.vector_load %arg11[%parallel_loop3A_546, %parallel_loop3A_547] {strides = array<i32>} : memref<128x64xf32, #tpu.memory_space<vmem>>, vector<16xf32>,
        %parallel_loop3A_549 = arith.mulf %parallel_loop3A_545, %parallel_loop3A_548 : vector<16xf32>
        %parallel_loop3A_550 = arith.addf %parallel_loop3A_540, %parallel_loop3A_549 : vector<16xf32>
        %parallel_loop3A_551 = arith.mulf %parallel_loop3A_545, %parallel_loop3A_545 : vector<16xf32>
        %parallel_loop3A_552 = arith.addf %parallel_loop3A_541, %parallel_loop3A_551 : vector<16xf32>
        %parallel_loop3A_553 = arith.mulf %parallel_loop3A_548, %parallel_loop3A_548 : vector<16xf32>
        %parallel_loop3A_554 = arith.addf %parallel_loop3A_542, %parallel_loop3A_553 : vector<16xf32>
        %parallel_loop3A_555 = arith.index_cast %parallel_loop3A_533 : i32 to index
        %parallel_loop3A_556 = arith.constant 32 : index
        %parallel_loop3A_557 = tpu.vector_load %arg10[%parallel_loop3A_555, %parallel_loop3A_556] {strides = array<i32>} : memref<128x64xf32, #tpu.memory_space<vmem>>, vector<16xf32>,
        %parallel_loop3A_558 = arith.index_cast %parallel_loop3A_533 : i32 to index
        %parallel_loop3A_559 = arith.constant 32 : index
        %parallel_loop3A_560 = tpu.vector_load %arg11[%parallel_loop3A_558, %parallel_loop3A_559] {strides = array<i32>} : memref<128x64xf32, #tpu.memory_space<vmem>>, vector<16xf32>,
        %parallel_loop3A_561 = arith.mulf %parallel_loop3A_557, %parallel_loop3A_560 : vector<16xf32>
        %parallel_loop3A_562 = arith.addf %parallel_loop3A_550, %parallel_loop3A_561 : vector<16xf32>
        %parallel_loop3A_563 = arith.mulf %parallel_loop3A_557, %parallel_loop3A_557 : vector<16xf32>
        %parallel_loop3A_564 = arith.addf %parallel_loop3A_552, %parallel_loop3A_563 : vector<16xf32>
        %parallel_loop3A_565 = arith.mulf %parallel_loop3A_560, %parallel_loop3A_560 : vector<16xf32>
        %parallel_loop3A_566 = arith.addf %parallel_loop3A_554, %parallel_loop3A_565 : vector<16xf32>
        %parallel_loop3A_567 = arith.index_cast %parallel_loop3A_533 : i32 to index
        %parallel_loop3A_568 = arith.constant 48 : index
        %parallel_loop3A_569 = tpu.vector_load %arg10[%parallel_loop3A_567, %parallel_loop3A_568] {strides = array<i32>} : memref<128x64xf32, #tpu.memory_space<vmem>>, vector<16xf32>,
        %parallel_loop3A_570 = arith.index_cast %parallel_loop3A_533 : i32 to index
        %parallel_loop3A_571 = arith.constant 48 : index
        %parallel_loop3A_572 = tpu.vector_load %arg11[%parallel_loop3A_570, %parallel_loop3A_571] {strides = array<i32>} : memref<128x64xf32, #tpu.memory_space<vmem>>, vector<16xf32>,
        %parallel_loop3A_573 = arith.mulf %parallel_loop3A_569, %parallel_loop3A_572 : vector<16xf32>
        %parallel_loop3A_574 = arith.addf %parallel_loop3A_562, %parallel_loop3A_573 : vector<16xf32>
        %parallel_loop3A_575 = arith.mulf %parallel_loop3A_569, %parallel_loop3A_569 : vector<16xf32>
        %parallel_loop3A_576 = arith.addf %parallel_loop3A_564, %parallel_loop3A_575 : vector<16xf32>
        %parallel_loop3A_577 = arith.mulf %parallel_loop3A_572, %parallel_loop3A_572 : vector<16xf32>
        %parallel_loop3A_578 = arith.addf %parallel_loop3A_566, %parallel_loop3A_577 : vector<16xf32>
        %parallel_loop3A_579 = arith.constant 119 : i32
        %parallel_loop3A_580 = arith.addi %parallel_loop3A_74, %parallel_loop3A_579 : i32
        %parallel_loop3A_581 = arith.index_cast %parallel_loop3A_580 : i32 to index
        %parallel_loop3A_582 = tpu.vector_load %arg13[%parallel_loop3A_581] {strides = array<i32>} : memref<6528xf32, #tpu.memory_space<vmem>>, vector<16xf32>,
        tpu.vector_store %arg13[%parallel_loop3A_581], %parallel_loop3A_574 {strides = array<i32>} : memref<6528xf32, #tpu.memory_space<vmem>>, vector<16xf32>,
        %parallel_loop3A_583 = arith.constant 272 : i32
        %parallel_loop3A_584 = arith.addi %parallel_loop3A_74, %parallel_loop3A_583 : i32
        %parallel_loop3A_585 = arith.constant 119 : i32
        %parallel_loop3A_586 = arith.addi %parallel_loop3A_584, %parallel_loop3A_585 : i32
        %parallel_loop3A_587 = arith.index_cast %parallel_loop3A_586 : i32 to index
        %parallel_loop3A_588 = tpu.vector_load %arg13[%parallel_loop3A_587] {strides = array<i32>} : memref<6528xf32, #tpu.memory_space<vmem>>, vector<16xf32>,
        tpu.vector_store %arg13[%parallel_loop3A_587], %parallel_loop3A_576 {strides = array<i32>} : memref<6528xf32, #tpu.memory_space<vmem>>, vector<16xf32>,
        %parallel_loop3A_589 = arith.constant 544 : i32
        %parallel_loop3A_590 = arith.addi %parallel_loop3A_74, %parallel_loop3A_589 : i32
        %parallel_loop3A_591 = arith.constant 119 : i32
        %parallel_loop3A_592 = arith.addi %parallel_loop3A_590, %parallel_loop3A_591 : i32
        %parallel_loop3A_593 = arith.index_cast %parallel_loop3A_592 : i32 to index
        %parallel_loop3A_594 = tpu.vector_load %arg13[%parallel_loop3A_593] {strides = array<i32>} : memref<6528xf32, #tpu.memory_space<vmem>>, vector<16xf32>,
        tpu.vector_store %arg13[%parallel_loop3A_593], %parallel_loop3A_578 {strides = array<i32>} : memref<6528xf32, #tpu.memory_space<vmem>>, vector<16xf32>,
        %parallel_loop3A_595 = arith.constant 16 : i32
        %parallel_loop3A_596 = arith.muli %parallel_loop3A_72, %parallel_loop3A_595 : i32
        %parallel_loop3A_597 = arith.constant 8 : i32
        %parallel_loop3A_598 = arith.addi %parallel_loop3A_596, %parallel_loop3A_597 : i32
        %parallel_loop3A_599 = arith.index_cast %parallel_loop3A_598 : i32 to index
        %parallel_loop3A_600 = arith.constant 0 : index
        %parallel_loop3A_601 = tpu.vector_load %arg10[%parallel_loop3A_599, %parallel_loop3A_600] {strides = array<i32>} : memref<128x64xf32, #tpu.memory_space<vmem>>, vector<16xf32>,
        %parallel_loop3A_602 = arith.index_cast %parallel_loop3A_598 : i32 to index
        %parallel_loop3A_603 = arith.constant 0 : index
        %parallel_loop3A_604 = tpu.vector_load %arg11[%parallel_loop3A_602, %parallel_loop3A_603] {strides = array<i32>} : memref<128x64xf32, #tpu.memory_space<vmem>>, vector<16xf32>,
        %parallel_loop3A_605 = arith.mulf %parallel_loop3A_601, %parallel_loop3A_604 : vector<16xf32>
        %parallel_loop3A_606 = arith.mulf %parallel_loop3A_601, %parallel_loop3A_601 : vector<16xf32>
        %parallel_loop3A_607 = arith.mulf %parallel_loop3A_604, %parallel_loop3A_604 : vector<16xf32>
        %parallel_loop3A_608 = arith.index_cast %parallel_loop3A_598 : i32 to index
        %parallel_loop3A_609 = arith.constant 16 : index
        %parallel_loop3A_610 = tpu.vector_load %arg10[%parallel_loop3A_608, %parallel_loop3A_609] {strides = array<i32>} : memref<128x64xf32, #tpu.memory_space<vmem>>, vector<16xf32>,
        %parallel_loop3A_611 = arith.index_cast %parallel_loop3A_598 : i32 to index
        %parallel_loop3A_612 = arith.constant 16 : index
        %parallel_loop3A_613 = tpu.vector_load %arg11[%parallel_loop3A_611, %parallel_loop3A_612] {strides = array<i32>} : memref<128x64xf32, #tpu.memory_space<vmem>>, vector<16xf32>,
        %parallel_loop3A_614 = arith.mulf %parallel_loop3A_610, %parallel_loop3A_613 : vector<16xf32>
        %parallel_loop3A_615 = arith.addf %parallel_loop3A_605, %parallel_loop3A_614 : vector<16xf32>
        %parallel_loop3A_616 = arith.mulf %parallel_loop3A_610, %parallel_loop3A_610 : vector<16xf32>
        %parallel_loop3A_617 = arith.addf %parallel_loop3A_606, %parallel_loop3A_616 : vector<16xf32>
        %parallel_loop3A_618 = arith.mulf %parallel_loop3A_613, %parallel_loop3A_613 : vector<16xf32>
        %parallel_loop3A_619 = arith.addf %parallel_loop3A_607, %parallel_loop3A_618 : vector<16xf32>
        %parallel_loop3A_620 = arith.index_cast %parallel_loop3A_598 : i32 to index
        %parallel_loop3A_621 = arith.constant 32 : index
        %parallel_loop3A_622 = tpu.vector_load %arg10[%parallel_loop3A_620, %parallel_loop3A_621] {strides = array<i32>} : memref<128x64xf32, #tpu.memory_space<vmem>>, vector<16xf32>,
        %parallel_loop3A_623 = arith.index_cast %parallel_loop3A_598 : i32 to index
        %parallel_loop3A_624 = arith.constant 32 : index
        %parallel_loop3A_625 = tpu.vector_load %arg11[%parallel_loop3A_623, %parallel_loop3A_624] {strides = array<i32>} : memref<128x64xf32, #tpu.memory_space<vmem>>, vector<16xf32>,
        %parallel_loop3A_626 = arith.mulf %parallel_loop3A_622, %parallel_loop3A_625 : vector<16xf32>
        %parallel_loop3A_627 = arith.addf %parallel_loop3A_615, %parallel_loop3A_626 : vector<16xf32>
        %parallel_loop3A_628 = arith.mulf %parallel_loop3A_622, %parallel_loop3A_622 : vector<16xf32>
        %parallel_loop3A_629 = arith.addf %parallel_loop3A_617, %parallel_loop3A_628 : vector<16xf32>
        %parallel_loop3A_630 = arith.mulf %parallel_loop3A_625, %parallel_loop3A_625 : vector<16xf32>
        %parallel_loop3A_631 = arith.addf %parallel_loop3A_619, %parallel_loop3A_630 : vector<16xf32>
        %parallel_loop3A_632 = arith.index_cast %parallel_loop3A_598 : i32 to index
        %parallel_loop3A_633 = arith.constant 48 : index
        %parallel_loop3A_634 = tpu.vector_load %arg10[%parallel_loop3A_632, %parallel_loop3A_633] {strides = array<i32>} : memref<128x64xf32, #tpu.memory_space<vmem>>, vector<16xf32>,
        %parallel_loop3A_635 = arith.index_cast %parallel_loop3A_598 : i32 to index
        %parallel_loop3A_636 = arith.constant 48 : index
        %parallel_loop3A_637 = tpu.vector_load %arg11[%parallel_loop3A_635, %parallel_loop3A_636] {strides = array<i32>} : memref<128x64xf32, #tpu.memory_space<vmem>>, vector<16xf32>,
        %parallel_loop3A_638 = arith.mulf %parallel_loop3A_634, %parallel_loop3A_637 : vector<16xf32>
        %parallel_loop3A_639 = arith.addf %parallel_loop3A_627, %parallel_loop3A_638 : vector<16xf32>
        %parallel_loop3A_640 = arith.mulf %parallel_loop3A_634, %parallel_loop3A_634 : vector<16xf32>
        %parallel_loop3A_641 = arith.addf %parallel_loop3A_629, %parallel_loop3A_640 : vector<16xf32>
        %parallel_loop3A_642 = arith.mulf %parallel_loop3A_637, %parallel_loop3A_637 : vector<16xf32>
        %parallel_loop3A_643 = arith.addf %parallel_loop3A_631, %parallel_loop3A_642 : vector<16xf32>
        %parallel_loop3A_644 = arith.constant 136 : i32
        %parallel_loop3A_645 = arith.addi %parallel_loop3A_74, %parallel_loop3A_644 : i32
        %parallel_loop3A_646 = arith.index_cast %parallel_loop3A_645 : i32 to index
        %parallel_loop3A_647 = tpu.vector_load %arg13[%parallel_loop3A_646] {strides = array<i32>} : memref<6528xf32, #tpu.memory_space<vmem>>, vector<16xf32>,
        tpu.vector_store %arg13[%parallel_loop3A_646], %parallel_loop3A_639 {strides = array<i32>} : memref<6528xf32, #tpu.memory_space<vmem>>, vector<16xf32>,
        %parallel_loop3A_648 = arith.constant 272 : i32
        %parallel_loop3A_649 = arith.addi %parallel_loop3A_74, %parallel_loop3A_648 : i32
        %parallel_loop3A_650 = arith.constant 136 : i32
        %parallel_loop3A_651 = arith.addi %parallel_loop3A_649, %parallel_loop3A_650 : i32
        %parallel_loop3A_652 = arith.index_cast %parallel_loop3A_651 : i32 to index
        %parallel_loop3A_653 = tpu.vector_load %arg13[%parallel_loop3A_652] {strides = array<i32>} : memref<6528xf32, #tpu.memory_space<vmem>>, vector<16xf32>,
        tpu.vector_store %arg13[%parallel_loop3A_652], %parallel_loop3A_641 {strides = array<i32>} : memref<6528xf32, #tpu.memory_space<vmem>>, vector<16xf32>,
        %parallel_loop3A_654 = arith.constant 544 : i32
        %parallel_loop3A_655 = arith.addi %parallel_loop3A_74, %parallel_loop3A_654 : i32
        %parallel_loop3A_656 = arith.constant 136 : i32
        %parallel_loop3A_657 = arith.addi %parallel_loop3A_655, %parallel_loop3A_656 : i32
        %parallel_loop3A_658 = arith.index_cast %parallel_loop3A_657 : i32 to index
        %parallel_loop3A_659 = tpu.vector_load %arg13[%parallel_loop3A_658] {strides = array<i32>} : memref<6528xf32, #tpu.memory_space<vmem>>, vector<16xf32>,
        tpu.vector_store %arg13[%parallel_loop3A_658], %parallel_loop3A_643 {strides = array<i32>} : memref<6528xf32, #tpu.memory_space<vmem>>, vector<16xf32>,
        %parallel_loop3A_660 = arith.constant 16 : i32
        %parallel_loop3A_661 = arith.muli %parallel_loop3A_72, %parallel_loop3A_660 : i32
        %parallel_loop3A_662 = arith.constant 9 : i32
        %parallel_loop3A_663 = arith.addi %parallel_loop3A_661, %parallel_loop3A_662 : i32
        %parallel_loop3A_664 = arith.index_cast %parallel_loop3A_663 : i32 to index
        %parallel_loop3A_665 = arith.constant 0 : index
        %parallel_loop3A_666 = tpu.vector_load %arg10[%parallel_loop3A_664, %parallel_loop3A_665] {strides = array<i32>} : memref<128x64xf32, #tpu.memory_space<vmem>>, vector<16xf32>,
        %parallel_loop3A_667 = arith.index_cast %parallel_loop3A_663 : i32 to index
        %parallel_loop3A_668 = arith.constant 0 : index
        %parallel_loop3A_669 = tpu.vector_load %arg11[%parallel_loop3A_667, %parallel_loop3A_668] {strides = array<i32>} : memref<128x64xf32, #tpu.memory_space<vmem>>, vector<16xf32>,
        %parallel_loop3A_670 = arith.mulf %parallel_loop3A_666, %parallel_loop3A_669 : vector<16xf32>
        %parallel_loop3A_671 = arith.mulf %parallel_loop3A_666, %parallel_loop3A_666 : vector<16xf32>
        %parallel_loop3A_672 = arith.mulf %parallel_loop3A_669, %parallel_loop3A_669 : vector<16xf32>
        %parallel_loop3A_673 = arith.index_cast %parallel_loop3A_663 : i32 to index
        %parallel_loop3A_674 = arith.constant 16 : index
        %parallel_loop3A_675 = tpu.vector_load %arg10[%parallel_loop3A_673, %parallel_loop3A_674] {strides = array<i32>} : memref<128x64xf32, #tpu.memory_space<vmem>>, vector<16xf32>,
        %parallel_loop3A_676 = arith.index_cast %parallel_loop3A_663 : i32 to index
        %parallel_loop3A_677 = arith.constant 16 : index
        %parallel_loop3A_678 = tpu.vector_load %arg11[%parallel_loop3A_676, %parallel_loop3A_677] {strides = array<i32>} : memref<128x64xf32, #tpu.memory_space<vmem>>, vector<16xf32>,
        %parallel_loop3A_679 = arith.mulf %parallel_loop3A_675, %parallel_loop3A_678 : vector<16xf32>
        %parallel_loop3A_680 = arith.addf %parallel_loop3A_670, %parallel_loop3A_679 : vector<16xf32>
        %parallel_loop3A_681 = arith.mulf %parallel_loop3A_675, %parallel_loop3A_675 : vector<16xf32>
        %parallel_loop3A_682 = arith.addf %parallel_loop3A_671, %parallel_loop3A_681 : vector<16xf32>
        %parallel_loop3A_683 = arith.mulf %parallel_loop3A_678, %parallel_loop3A_678 : vector<16xf32>
        %parallel_loop3A_684 = arith.addf %parallel_loop3A_672, %parallel_loop3A_683 : vector<16xf32>
        %parallel_loop3A_685 = arith.index_cast %parallel_loop3A_663 : i32 to index
        %parallel_loop3A_686 = arith.constant 32 : index
        %parallel_loop3A_687 = tpu.vector_load %arg10[%parallel_loop3A_685, %parallel_loop3A_686] {strides = array<i32>} : memref<128x64xf32, #tpu.memory_space<vmem>>, vector<16xf32>,
        %parallel_loop3A_688 = arith.index_cast %parallel_loop3A_663 : i32 to index
        %parallel_loop3A_689 = arith.constant 32 : index
        %parallel_loop3A_690 = tpu.vector_load %arg11[%parallel_loop3A_688, %parallel_loop3A_689] {strides = array<i32>} : memref<128x64xf32, #tpu.memory_space<vmem>>, vector<16xf32>,
        %parallel_loop3A_691 = arith.mulf %parallel_loop3A_687, %parallel_loop3A_690 : vector<16xf32>
        %parallel_loop3A_692 = arith.addf %parallel_loop3A_680, %parallel_loop3A_691 : vector<16xf32>
        %parallel_loop3A_693 = arith.mulf %parallel_loop3A_687, %parallel_loop3A_687 : vector<16xf32>
        %parallel_loop3A_694 = arith.addf %parallel_loop3A_682, %parallel_loop3A_693 : vector<16xf32>
        %parallel_loop3A_695 = arith.mulf %parallel_loop3A_690, %parallel_loop3A_690 : vector<16xf32>
        %parallel_loop3A_696 = arith.addf %parallel_loop3A_684, %parallel_loop3A_695 : vector<16xf32>
        %parallel_loop3A_697 = arith.index_cast %parallel_loop3A_663 : i32 to index
        %parallel_loop3A_698 = arith.constant 48 : index
        %parallel_loop3A_699 = tpu.vector_load %arg10[%parallel_loop3A_697, %parallel_loop3A_698] {strides = array<i32>} : memref<128x64xf32, #tpu.memory_space<vmem>>, vector<16xf32>,
        %parallel_loop3A_700 = arith.index_cast %parallel_loop3A_663 : i32 to index
        %parallel_loop3A_701 = arith.constant 48 : index
        %parallel_loop3A_702 = tpu.vector_load %arg11[%parallel_loop3A_700, %parallel_loop3A_701] {strides = array<i32>} : memref<128x64xf32, #tpu.memory_space<vmem>>, vector<16xf32>,
        %parallel_loop3A_703 = arith.mulf %parallel_loop3A_699, %parallel_loop3A_702 : vector<16xf32>
        %parallel_loop3A_704 = arith.addf %parallel_loop3A_692, %parallel_loop3A_703 : vector<16xf32>
        %parallel_loop3A_705 = arith.mulf %parallel_loop3A_699, %parallel_loop3A_699 : vector<16xf32>
        %parallel_loop3A_706 = arith.addf %parallel_loop3A_694, %parallel_loop3A_705 : vector<16xf32>
        %parallel_loop3A_707 = arith.mulf %parallel_loop3A_702, %parallel_loop3A_702 : vector<16xf32>
        %parallel_loop3A_708 = arith.addf %parallel_loop3A_696, %parallel_loop3A_707 : vector<16xf32>
        %parallel_loop3A_709 = arith.constant 153 : i32
        %parallel_loop3A_710 = arith.addi %parallel_loop3A_74, %parallel_loop3A_709 : i32
        %parallel_loop3A_711 = arith.index_cast %parallel_loop3A_710 : i32 to index
        %parallel_loop3A_712 = tpu.vector_load %arg13[%parallel_loop3A_711] {strides = array<i32>} : memref<6528xf32, #tpu.memory_space<vmem>>, vector<16xf32>,
        tpu.vector_store %arg13[%parallel_loop3A_711], %parallel_loop3A_704 {strides = array<i32>} : memref<6528xf32, #tpu.memory_space<vmem>>, vector<16xf32>,
        %parallel_loop3A_713 = arith.constant 272 : i32
        %parallel_loop3A_714 = arith.addi %parallel_loop3A_74, %parallel_loop3A_713 : i32
        %parallel_loop3A_715 = arith.constant 153 : i32
        %parallel_loop3A_716 = arith.addi %parallel_loop3A_714, %parallel_loop3A_715 : i32
        %parallel_loop3A_717 = arith.index_cast %parallel_loop3A_716 : i32 to index
        %parallel_loop3A_718 = tpu.vector_load %arg13[%parallel_loop3A_717] {strides = array<i32>} : memref<6528xf32, #tpu.memory_space<vmem>>, vector<16xf32>,
        tpu.vector_store %arg13[%parallel_loop3A_717], %parallel_loop3A_706 {strides = array<i32>} : memref<6528xf32, #tpu.memory_space<vmem>>, vector<16xf32>,
        %parallel_loop3A_719 = arith.constant 544 : i32
        %parallel_loop3A_720 = arith.addi %parallel_loop3A_74, %parallel_loop3A_719 : i32
        %parallel_loop3A_721 = arith.constant 153 : i32
        %parallel_loop3A_722 = arith.addi %parallel_loop3A_720, %parallel_loop3A_721 : i32
        %parallel_loop3A_723 = arith.index_cast %parallel_loop3A_722 : i32 to index
        %parallel_loop3A_724 = tpu.vector_load %arg13[%parallel_loop3A_723] {strides = array<i32>} : memref<6528xf32, #tpu.memory_space<vmem>>, vector<16xf32>,
        tpu.vector_store %arg13[%parallel_loop3A_723], %parallel_loop3A_708 {strides = array<i32>} : memref<6528xf32, #tpu.memory_space<vmem>>, vector<16xf32>,
        %parallel_loop3A_725 = arith.constant 16 : i32
        %parallel_loop3A_726 = arith.muli %parallel_loop3A_72, %parallel_loop3A_725 : i32
        %parallel_loop3A_727 = arith.constant 10 : i32
        %parallel_loop3A_728 = arith.addi %parallel_loop3A_726, %parallel_loop3A_727 : i32
        %parallel_loop3A_729 = arith.index_cast %parallel_loop3A_728 : i32 to index
        %parallel_loop3A_730 = arith.constant 0 : index
        %parallel_loop3A_731 = tpu.vector_load %arg10[%parallel_loop3A_729, %parallel_loop3A_730] {strides = array<i32>} : memref<128x64xf32, #tpu.memory_space<vmem>>, vector<16xf32>,
        %parallel_loop3A_732 = arith.index_cast %parallel_loop3A_728 : i32 to index
        %parallel_loop3A_733 = arith.constant 0 : index
        %parallel_loop3A_734 = tpu.vector_load %arg11[%parallel_loop3A_732, %parallel_loop3A_733] {strides = array<i32>} : memref<128x64xf32, #tpu.memory_space<vmem>>, vector<16xf32>,
        %parallel_loop3A_735 = arith.mulf %parallel_loop3A_731, %parallel_loop3A_734 : vector<16xf32>
        %parallel_loop3A_736 = arith.mulf %parallel_loop3A_731, %parallel_loop3A_731 : vector<16xf32>
        %parallel_loop3A_737 = arith.mulf %parallel_loop3A_734, %parallel_loop3A_734 : vector<16xf32>
        %parallel_loop3A_738 = arith.index_cast %parallel_loop3A_728 : i32 to index
        %parallel_loop3A_739 = arith.constant 16 : index
        %parallel_loop3A_740 = tpu.vector_load %arg10[%parallel_loop3A_738, %parallel_loop3A_739] {strides = array<i32>} : memref<128x64xf32, #tpu.memory_space<vmem>>, vector<16xf32>,
        %parallel_loop3A_741 = arith.index_cast %parallel_loop3A_728 : i32 to index
        %parallel_loop3A_742 = arith.constant 16 : index
        %parallel_loop3A_743 = tpu.vector_load %arg11[%parallel_loop3A_741, %parallel_loop3A_742] {strides = array<i32>} : memref<128x64xf32, #tpu.memory_space<vmem>>, vector<16xf32>,
        %parallel_loop3A_744 = arith.mulf %parallel_loop3A_740, %parallel_loop3A_743 : vector<16xf32>
        %parallel_loop3A_745 = arith.addf %parallel_loop3A_735, %parallel_loop3A_744 : vector<16xf32>
        %parallel_loop3A_746 = arith.mulf %parallel_loop3A_740, %parallel_loop3A_740 : vector<16xf32>
        %parallel_loop3A_747 = arith.addf %parallel_loop3A_736, %parallel_loop3A_746 : vector<16xf32>
        %parallel_loop3A_748 = arith.mulf %parallel_loop3A_743, %parallel_loop3A_743 : vector<16xf32>
        %parallel_loop3A_749 = arith.addf %parallel_loop3A_737, %parallel_loop3A_748 : vector<16xf32>
        %parallel_loop3A_750 = arith.index_cast %parallel_loop3A_728 : i32 to index
        %parallel_loop3A_751 = arith.constant 32 : index
        %parallel_loop3A_752 = tpu.vector_load %arg10[%parallel_loop3A_750, %parallel_loop3A_751] {strides = array<i32>} : memref<128x64xf32, #tpu.memory_space<vmem>>, vector<16xf32>,
        %parallel_loop3A_753 = arith.index_cast %parallel_loop3A_728 : i32 to index
        %parallel_loop3A_754 = arith.constant 32 : index
        %parallel_loop3A_755 = tpu.vector_load %arg11[%parallel_loop3A_753, %parallel_loop3A_754] {strides = array<i32>} : memref<128x64xf32, #tpu.memory_space<vmem>>, vector<16xf32>,
        %parallel_loop3A_756 = arith.mulf %parallel_loop3A_752, %parallel_loop3A_755 : vector<16xf32>
        %parallel_loop3A_757 = arith.addf %parallel_loop3A_745, %parallel_loop3A_756 : vector<16xf32>
        %parallel_loop3A_758 = arith.mulf %parallel_loop3A_752, %parallel_loop3A_752 : vector<16xf32>
        %parallel_loop3A_759 = arith.addf %parallel_loop3A_747, %parallel_loop3A_758 : vector<16xf32>
        %parallel_loop3A_760 = arith.mulf %parallel_loop3A_755, %parallel_loop3A_755 : vector<16xf32>
        %parallel_loop3A_761 = arith.addf %parallel_loop3A_749, %parallel_loop3A_760 : vector<16xf32>
        %parallel_loop3A_762 = arith.index_cast %parallel_loop3A_728 : i32 to index
        %parallel_loop3A_763 = arith.constant 48 : index
        %parallel_loop3A_764 = tpu.vector_load %arg10[%parallel_loop3A_762, %parallel_loop3A_763] {strides = array<i32>} : memref<128x64xf32, #tpu.memory_space<vmem>>, vector<16xf32>,
        %parallel_loop3A_765 = arith.index_cast %parallel_loop3A_728 : i32 to index
        %parallel_loop3A_766 = arith.constant 48 : index
        %parallel_loop3A_767 = tpu.vector_load %arg11[%parallel_loop3A_765, %parallel_loop3A_766] {strides = array<i32>} : memref<128x64xf32, #tpu.memory_space<vmem>>, vector<16xf32>,
        %parallel_loop3A_768 = arith.mulf %parallel_loop3A_764, %parallel_loop3A_767 : vector<16xf32>
        %parallel_loop3A_769 = arith.addf %parallel_loop3A_757, %parallel_loop3A_768 : vector<16xf32>
        %parallel_loop3A_770 = arith.mulf %parallel_loop3A_764, %parallel_loop3A_764 : vector<16xf32>
        %parallel_loop3A_771 = arith.addf %parallel_loop3A_759, %parallel_loop3A_770 : vector<16xf32>
        %parallel_loop3A_772 = arith.mulf %parallel_loop3A_767, %parallel_loop3A_767 : vector<16xf32>
        %parallel_loop3A_773 = arith.addf %parallel_loop3A_761, %parallel_loop3A_772 : vector<16xf32>
        %parallel_loop3A_774 = arith.constant 170 : i32
        %parallel_loop3A_775 = arith.addi %parallel_loop3A_74, %parallel_loop3A_774 : i32
        %parallel_loop3A_776 = arith.index_cast %parallel_loop3A_775 : i32 to index
        %parallel_loop3A_777 = tpu.vector_load %arg13[%parallel_loop3A_776] {strides = array<i32>} : memref<6528xf32, #tpu.memory_space<vmem>>, vector<16xf32>,
        tpu.vector_store %arg13[%parallel_loop3A_776], %parallel_loop3A_769 {strides = array<i32>} : memref<6528xf32, #tpu.memory_space<vmem>>, vector<16xf32>,
        %parallel_loop3A_778 = arith.constant 272 : i32
        %parallel_loop3A_779 = arith.addi %parallel_loop3A_74, %parallel_loop3A_778 : i32
        %parallel_loop3A_780 = arith.constant 170 : i32
        %parallel_loop3A_781 = arith.addi %parallel_loop3A_779, %parallel_loop3A_780 : i32
        %parallel_loop3A_782 = arith.index_cast %parallel_loop3A_781 : i32 to index
        %parallel_loop3A_783 = tpu.vector_load %arg13[%parallel_loop3A_782] {strides = array<i32>} : memref<6528xf32, #tpu.memory_space<vmem>>, vector<16xf32>,
        tpu.vector_store %arg13[%parallel_loop3A_782], %parallel_loop3A_771 {strides = array<i32>} : memref<6528xf32, #tpu.memory_space<vmem>>, vector<16xf32>,
        %parallel_loop3A_784 = arith.constant 544 : i32
        %parallel_loop3A_785 = arith.addi %parallel_loop3A_74, %parallel_loop3A_784 : i32
        %parallel_loop3A_786 = arith.constant 170 : i32
        %parallel_loop3A_787 = arith.addi %parallel_loop3A_785, %parallel_loop3A_786 : i32
        %parallel_loop3A_788 = arith.index_cast %parallel_loop3A_787 : i32 to index
        %parallel_loop3A_789 = tpu.vector_load %arg13[%parallel_loop3A_788] {strides = array<i32>} : memref<6528xf32, #tpu.memory_space<vmem>>, vector<16xf32>,
        tpu.vector_store %arg13[%parallel_loop3A_788], %parallel_loop3A_773 {strides = array<i32>} : memref<6528xf32, #tpu.memory_space<vmem>>, vector<16xf32>,
        %parallel_loop3A_790 = arith.constant 16 : i32
        %parallel_loop3A_791 = arith.muli %parallel_loop3A_72, %parallel_loop3A_790 : i32
        %parallel_loop3A_792 = arith.constant 11 : i32
        %parallel_loop3A_793 = arith.addi %parallel_loop3A_791, %parallel_loop3A_792 : i32
        %parallel_loop3A_794 = arith.index_cast %parallel_loop3A_793 : i32 to index
        %parallel_loop3A_795 = arith.constant 0 : index
        %parallel_loop3A_796 = tpu.vector_load %arg10[%parallel_loop3A_794, %parallel_loop3A_795] {strides = array<i32>} : memref<128x64xf32, #tpu.memory_space<vmem>>, vector<16xf32>,
        %parallel_loop3A_797 = arith.index_cast %parallel_loop3A_793 : i32 to index
        %parallel_loop3A_798 = arith.constant 0 : index
        %parallel_loop3A_799 = tpu.vector_load %arg11[%parallel_loop3A_797, %parallel_loop3A_798] {strides = array<i32>} : memref<128x64xf32, #tpu.memory_space<vmem>>, vector<16xf32>,
        %parallel_loop3A_800 = arith.mulf %parallel_loop3A_796, %parallel_loop3A_799 : vector<16xf32>
        %parallel_loop3A_801 = arith.mulf %parallel_loop3A_796, %parallel_loop3A_796 : vector<16xf32>
        %parallel_loop3A_802 = arith.mulf %parallel_loop3A_799, %parallel_loop3A_799 : vector<16xf32>
        %parallel_loop3A_803 = arith.index_cast %parallel_loop3A_793 : i32 to index
        %parallel_loop3A_804 = arith.constant 16 : index
        %parallel_loop3A_805 = tpu.vector_load %arg10[%parallel_loop3A_803, %parallel_loop3A_804] {strides = array<i32>} : memref<128x64xf32, #tpu.memory_space<vmem>>, vector<16xf32>,
        %parallel_loop3A_806 = arith.index_cast %parallel_loop3A_793 : i32 to index
        %parallel_loop3A_807 = arith.constant 16 : index
        %parallel_loop3A_808 = tpu.vector_load %arg11[%parallel_loop3A_806, %parallel_loop3A_807] {strides = array<i32>} : memref<128x64xf32, #tpu.memory_space<vmem>>, vector<16xf32>,
        %parallel_loop3A_809 = arith.mulf %parallel_loop3A_805, %parallel_loop3A_808 : vector<16xf32>
        %parallel_loop3A_810 = arith.addf %parallel_loop3A_800, %parallel_loop3A_809 : vector<16xf32>
        %parallel_loop3A_811 = arith.mulf %parallel_loop3A_805, %parallel_loop3A_805 : vector<16xf32>
        %parallel_loop3A_812 = arith.addf %parallel_loop3A_801, %parallel_loop3A_811 : vector<16xf32>
        %parallel_loop3A_813 = arith.mulf %parallel_loop3A_808, %parallel_loop3A_808 : vector<16xf32>
        %parallel_loop3A_814 = arith.addf %parallel_loop3A_802, %parallel_loop3A_813 : vector<16xf32>
        %parallel_loop3A_815 = arith.index_cast %parallel_loop3A_793 : i32 to index
        %parallel_loop3A_816 = arith.constant 32 : index
        %parallel_loop3A_817 = tpu.vector_load %arg10[%parallel_loop3A_815, %parallel_loop3A_816] {strides = array<i32>} : memref<128x64xf32, #tpu.memory_space<vmem>>, vector<16xf32>,
        %parallel_loop3A_818 = arith.index_cast %parallel_loop3A_793 : i32 to index
        %parallel_loop3A_819 = arith.constant 32 : index
        %parallel_loop3A_820 = tpu.vector_load %arg11[%parallel_loop3A_818, %parallel_loop3A_819] {strides = array<i32>} : memref<128x64xf32, #tpu.memory_space<vmem>>, vector<16xf32>,
        %parallel_loop3A_821 = arith.mulf %parallel_loop3A_817, %parallel_loop3A_820 : vector<16xf32>
        %parallel_loop3A_822 = arith.addf %parallel_loop3A_810, %parallel_loop3A_821 : vector<16xf32>
        %parallel_loop3A_823 = arith.mulf %parallel_loop3A_817, %parallel_loop3A_817 : vector<16xf32>
        %parallel_loop3A_824 = arith.addf %parallel_loop3A_812, %parallel_loop3A_823 : vector<16xf32>
        %parallel_loop3A_825 = arith.mulf %parallel_loop3A_820, %parallel_loop3A_820 : vector<16xf32>
        %parallel_loop3A_826 = arith.addf %parallel_loop3A_814, %parallel_loop3A_825 : vector<16xf32>
        %parallel_loop3A_827 = arith.index_cast %parallel_loop3A_793 : i32 to index
        %parallel_loop3A_828 = arith.constant 48 : index
        %parallel_loop3A_829 = tpu.vector_load %arg10[%parallel_loop3A_827, %parallel_loop3A_828] {strides = array<i32>} : memref<128x64xf32, #tpu.memory_space<vmem>>, vector<16xf32>,
        %parallel_loop3A_830 = arith.index_cast %parallel_loop3A_793 : i32 to index
        %parallel_loop3A_831 = arith.constant 48 : index
        %parallel_loop3A_832 = tpu.vector_load %arg11[%parallel_loop3A_830, %parallel_loop3A_831] {strides = array<i32>} : memref<128x64xf32, #tpu.memory_space<vmem>>, vector<16xf32>,
        %parallel_loop3A_833 = arith.mulf %parallel_loop3A_829, %parallel_loop3A_832 : vector<16xf32>
        %parallel_loop3A_834 = arith.addf %parallel_loop3A_822, %parallel_loop3A_833 : vector<16xf32>
        %parallel_loop3A_835 = arith.mulf %parallel_loop3A_829, %parallel_loop3A_829 : vector<16xf32>
        %parallel_loop3A_836 = arith.addf %parallel_loop3A_824, %parallel_loop3A_835 : vector<16xf32>
        %parallel_loop3A_837 = arith.mulf %parallel_loop3A_832, %parallel_loop3A_832 : vector<16xf32>
        %parallel_loop3A_838 = arith.addf %parallel_loop3A_826, %parallel_loop3A_837 : vector<16xf32>
        %parallel_loop3A_839 = arith.constant 187 : i32
        %parallel_loop3A_840 = arith.addi %parallel_loop3A_74, %parallel_loop3A_839 : i32
        %parallel_loop3A_841 = arith.index_cast %parallel_loop3A_840 : i32 to index
        %parallel_loop3A_842 = tpu.vector_load %arg13[%parallel_loop3A_841] {strides = array<i32>} : memref<6528xf32, #tpu.memory_space<vmem>>, vector<16xf32>,
        tpu.vector_store %arg13[%parallel_loop3A_841], %parallel_loop3A_834 {strides = array<i32>} : memref<6528xf32, #tpu.memory_space<vmem>>, vector<16xf32>,
        %parallel_loop3A_843 = arith.constant 272 : i32
        %parallel_loop3A_844 = arith.addi %parallel_loop3A_74, %parallel_loop3A_843 : i32
        %parallel_loop3A_845 = arith.constant 187 : i32
        %parallel_loop3A_846 = arith.addi %parallel_loop3A_844, %parallel_loop3A_845 : i32
        %parallel_loop3A_847 = arith.index_cast %parallel_loop3A_846 : i32 to index
        %parallel_loop3A_848 = tpu.vector_load %arg13[%parallel_loop3A_847] {strides = array<i32>} : memref<6528xf32, #tpu.memory_space<vmem>>, vector<16xf32>,
        tpu.vector_store %arg13[%parallel_loop3A_847], %parallel_loop3A_836 {strides = array<i32>} : memref<6528xf32, #tpu.memory_space<vmem>>, vector<16xf32>,
        %parallel_loop3A_849 = arith.constant 544 : i32
        %parallel_loop3A_850 = arith.addi %parallel_loop3A_74, %parallel_loop3A_849 : i32
        %parallel_loop3A_851 = arith.constant 187 : i32
        %parallel_loop3A_852 = arith.addi %parallel_loop3A_850, %parallel_loop3A_851 : i32
        %parallel_loop3A_853 = arith.index_cast %parallel_loop3A_852 : i32 to index
        %parallel_loop3A_854 = tpu.vector_load %arg13[%parallel_loop3A_853] {strides = array<i32>} : memref<6528xf32, #tpu.memory_space<vmem>>, vector<16xf32>,
        tpu.vector_store %arg13[%parallel_loop3A_853], %parallel_loop3A_838 {strides = array<i32>} : memref<6528xf32, #tpu.memory_space<vmem>>, vector<16xf32>,
        %parallel_loop3A_855 = arith.constant 16 : i32
        %parallel_loop3A_856 = arith.muli %parallel_loop3A_72, %parallel_loop3A_855 : i32
        %parallel_loop3A_857 = arith.constant 12 : i32
        %parallel_loop3A_858 = arith.addi %parallel_loop3A_856, %parallel_loop3A_857 : i32
        %parallel_loop3A_859 = arith.index_cast %parallel_loop3A_858 : i32 to index
        %parallel_loop3A_860 = arith.constant 0 : index
        %parallel_loop3A_861 = tpu.vector_load %arg10[%parallel_loop3A_859, %parallel_loop3A_860] {strides = array<i32>} : memref<128x64xf32, #tpu.memory_space<vmem>>, vector<16xf32>,
        %parallel_loop3A_862 = arith.index_cast %parallel_loop3A_858 : i32 to index
        %parallel_loop3A_863 = arith.constant 0 : index
        %parallel_loop3A_864 = tpu.vector_load %arg11[%parallel_loop3A_862, %parallel_loop3A_863] {strides = array<i32>} : memref<128x64xf32, #tpu.memory_space<vmem>>, vector<16xf32>,
        %parallel_loop3A_865 = arith.mulf %parallel_loop3A_861, %parallel_loop3A_864 : vector<16xf32>
        %parallel_loop3A_866 = arith.mulf %parallel_loop3A_861, %parallel_loop3A_861 : vector<16xf32>
        %parallel_loop3A_867 = arith.mulf %parallel_loop3A_864, %parallel_loop3A_864 : vector<16xf32>
        %parallel_loop3A_868 = arith.index_cast %parallel_loop3A_858 : i32 to index
        %parallel_loop3A_869 = arith.constant 16 : index
        %parallel_loop3A_870 = tpu.vector_load %arg10[%parallel_loop3A_868, %parallel_loop3A_869] {strides = array<i32>} : memref<128x64xf32, #tpu.memory_space<vmem>>, vector<16xf32>,
        %parallel_loop3A_871 = arith.index_cast %parallel_loop3A_858 : i32 to index
        %parallel_loop3A_872 = arith.constant 16 : index
        %parallel_loop3A_873 = tpu.vector_load %arg11[%parallel_loop3A_871, %parallel_loop3A_872] {strides = array<i32>} : memref<128x64xf32, #tpu.memory_space<vmem>>, vector<16xf32>,
        %parallel_loop3A_874 = arith.mulf %parallel_loop3A_870, %parallel_loop3A_873 : vector<16xf32>
        %parallel_loop3A_875 = arith.addf %parallel_loop3A_865, %parallel_loop3A_874 : vector<16xf32>
        %parallel_loop3A_876 = arith.mulf %parallel_loop3A_870, %parallel_loop3A_870 : vector<16xf32>
        %parallel_loop3A_877 = arith.addf %parallel_loop3A_866, %parallel_loop3A_876 : vector<16xf32>
        %parallel_loop3A_878 = arith.mulf %parallel_loop3A_873, %parallel_loop3A_873 : vector<16xf32>
        %parallel_loop3A_879 = arith.addf %parallel_loop3A_867, %parallel_loop3A_878 : vector<16xf32>
        %parallel_loop3A_880 = arith.index_cast %parallel_loop3A_858 : i32 to index
        %parallel_loop3A_881 = arith.constant 32 : index
        %parallel_loop3A_882 = tpu.vector_load %arg10[%parallel_loop3A_880, %parallel_loop3A_881] {strides = array<i32>} : memref<128x64xf32, #tpu.memory_space<vmem>>, vector<16xf32>,
        %parallel_loop3A_883 = arith.index_cast %parallel_loop3A_858 : i32 to index
        %parallel_loop3A_884 = arith.constant 32 : index
        %parallel_loop3A_885 = tpu.vector_load %arg11[%parallel_loop3A_883, %parallel_loop3A_884] {strides = array<i32>} : memref<128x64xf32, #tpu.memory_space<vmem>>, vector<16xf32>,
        %parallel_loop3A_886 = arith.mulf %parallel_loop3A_882, %parallel_loop3A_885 : vector<16xf32>
        %parallel_loop3A_887 = arith.addf %parallel_loop3A_875, %parallel_loop3A_886 : vector<16xf32>
        %parallel_loop3A_888 = arith.mulf %parallel_loop3A_882, %parallel_loop3A_882 : vector<16xf32>
        %parallel_loop3A_889 = arith.addf %parallel_loop3A_877, %parallel_loop3A_888 : vector<16xf32>
        %parallel_loop3A_890 = arith.mulf %parallel_loop3A_885, %parallel_loop3A_885 : vector<16xf32>
        %parallel_loop3A_891 = arith.addf %parallel_loop3A_879, %parallel_loop3A_890 : vector<16xf32>
        %parallel_loop3A_892 = arith.index_cast %parallel_loop3A_858 : i32 to index
        %parallel_loop3A_893 = arith.constant 48 : index
        %parallel_loop3A_894 = tpu.vector_load %arg10[%parallel_loop3A_892, %parallel_loop3A_893] {strides = array<i32>} : memref<128x64xf32, #tpu.memory_space<vmem>>, vector<16xf32>,
        %parallel_loop3A_895 = arith.index_cast %parallel_loop3A_858 : i32 to index
        %parallel_loop3A_896 = arith.constant 48 : index
        %parallel_loop3A_897 = tpu.vector_load %arg11[%parallel_loop3A_895, %parallel_loop3A_896] {strides = array<i32>} : memref<128x64xf32, #tpu.memory_space<vmem>>, vector<16xf32>,
        %parallel_loop3A_898 = arith.mulf %parallel_loop3A_894, %parallel_loop3A_897 : vector<16xf32>
        %parallel_loop3A_899 = arith.addf %parallel_loop3A_887, %parallel_loop3A_898 : vector<16xf32>
        %parallel_loop3A_900 = arith.mulf %parallel_loop3A_894, %parallel_loop3A_894 : vector<16xf32>
        %parallel_loop3A_901 = arith.addf %parallel_loop3A_889, %parallel_loop3A_900 : vector<16xf32>
        %parallel_loop3A_902 = arith.mulf %parallel_loop3A_897, %parallel_loop3A_897 : vector<16xf32>
        %parallel_loop3A_903 = arith.addf %parallel_loop3A_891, %parallel_loop3A_902 : vector<16xf32>
        %parallel_loop3A_904 = arith.constant 204 : i32
        %parallel_loop3A_905 = arith.addi %parallel_loop3A_74, %parallel_loop3A_904 : i32
        %parallel_loop3A_906 = arith.index_cast %parallel_loop3A_905 : i32 to index
        %parallel_loop3A_907 = tpu.vector_load %arg13[%parallel_loop3A_906] {strides = array<i32>} : memref<6528xf32, #tpu.memory_space<vmem>>, vector<16xf32>,
        tpu.vector_store %arg13[%parallel_loop3A_906], %parallel_loop3A_899 {strides = array<i32>} : memref<6528xf32, #tpu.memory_space<vmem>>, vector<16xf32>,
        %parallel_loop3A_908 = arith.constant 272 : i32
        %parallel_loop3A_909 = arith.addi %parallel_loop3A_74, %parallel_loop3A_908 : i32
        %parallel_loop3A_910 = arith.constant 204 : i32
        %parallel_loop3A_911 = arith.addi %parallel_loop3A_909, %parallel_loop3A_910 : i32
        %parallel_loop3A_912 = arith.index_cast %parallel_loop3A_911 : i32 to index
        %parallel_loop3A_913 = tpu.vector_load %arg13[%parallel_loop3A_912] {strides = array<i32>} : memref<6528xf32, #tpu.memory_space<vmem>>, vector<16xf32>,
        tpu.vector_store %arg13[%parallel_loop3A_912], %parallel_loop3A_901 {strides = array<i32>} : memref<6528xf32, #tpu.memory_space<vmem>>, vector<16xf32>,
        %parallel_loop3A_914 = arith.constant 544 : i32
        %parallel_loop3A_915 = arith.addi %parallel_loop3A_74, %parallel_loop3A_914 : i32
        %parallel_loop3A_916 = arith.constant 204 : i32
        %parallel_loop3A_917 = arith.addi %parallel_loop3A_915, %parallel_loop3A_916 : i32
        %parallel_loop3A_918 = arith.index_cast %parallel_loop3A_917 : i32 to index
        %parallel_loop3A_919 = tpu.vector_load %arg13[%parallel_loop3A_918] {strides = array<i32>} : memref<6528xf32, #tpu.memory_space<vmem>>, vector<16xf32>,
        tpu.vector_store %arg13[%parallel_loop3A_918], %parallel_loop3A_903 {strides = array<i32>} : memref<6528xf32, #tpu.memory_space<vmem>>, vector<16xf32>,
        %parallel_loop3A_920 = arith.constant 16 : i32
        %parallel_loop3A_921 = arith.muli %parallel_loop3A_72, %parallel_loop3A_920 : i32
        %parallel_loop3A_922 = arith.constant 13 : i32
        %parallel_loop3A_923 = arith.addi %parallel_loop3A_921, %parallel_loop3A_922 : i32
        %parallel_loop3A_924 = arith.index_cast %parallel_loop3A_923 : i32 to index
        %parallel_loop3A_925 = arith.constant 0 : index
        %parallel_loop3A_926 = tpu.vector_load %arg10[%parallel_loop3A_924, %parallel_loop3A_925] {strides = array<i32>} : memref<128x64xf32, #tpu.memory_space<vmem>>, vector<16xf32>,
        %parallel_loop3A_927 = arith.index_cast %parallel_loop3A_923 : i32 to index
        %parallel_loop3A_928 = arith.constant 0 : index
        %parallel_loop3A_929 = tpu.vector_load %arg11[%parallel_loop3A_927, %parallel_loop3A_928] {strides = array<i32>} : memref<128x64xf32, #tpu.memory_space<vmem>>, vector<16xf32>,
        %parallel_loop3A_930 = arith.mulf %parallel_loop3A_926, %parallel_loop3A_929 : vector<16xf32>
        %parallel_loop3A_931 = arith.mulf %parallel_loop3A_926, %parallel_loop3A_926 : vector<16xf32>
        %parallel_loop3A_932 = arith.mulf %parallel_loop3A_929, %parallel_loop3A_929 : vector<16xf32>
        %parallel_loop3A_933 = arith.index_cast %parallel_loop3A_923 : i32 to index
        %parallel_loop3A_934 = arith.constant 16 : index
        %parallel_loop3A_935 = tpu.vector_load %arg10[%parallel_loop3A_933, %parallel_loop3A_934] {strides = array<i32>} : memref<128x64xf32, #tpu.memory_space<vmem>>, vector<16xf32>,
        %parallel_loop3A_936 = arith.index_cast %parallel_loop3A_923 : i32 to index
        %parallel_loop3A_937 = arith.constant 16 : index
        %parallel_loop3A_938 = tpu.vector_load %arg11[%parallel_loop3A_936, %parallel_loop3A_937] {strides = array<i32>} : memref<128x64xf32, #tpu.memory_space<vmem>>, vector<16xf32>,
        %parallel_loop3A_939 = arith.mulf %parallel_loop3A_935, %parallel_loop3A_938 : vector<16xf32>
        %parallel_loop3A_940 = arith.addf %parallel_loop3A_930, %parallel_loop3A_939 : vector<16xf32>
        %parallel_loop3A_941 = arith.mulf %parallel_loop3A_935, %parallel_loop3A_935 : vector<16xf32>
        %parallel_loop3A_942 = arith.addf %parallel_loop3A_931, %parallel_loop3A_941 : vector<16xf32>
        %parallel_loop3A_943 = arith.mulf %parallel_loop3A_938, %parallel_loop3A_938 : vector<16xf32>
        %parallel_loop3A_944 = arith.addf %parallel_loop3A_932, %parallel_loop3A_943 : vector<16xf32>
        %parallel_loop3A_945 = arith.index_cast %parallel_loop3A_923 : i32 to index
        %parallel_loop3A_946 = arith.constant 32 : index
        %parallel_loop3A_947 = tpu.vector_load %arg10[%parallel_loop3A_945, %parallel_loop3A_946] {strides = array<i32>} : memref<128x64xf32, #tpu.memory_space<vmem>>, vector<16xf32>,
        %parallel_loop3A_948 = arith.index_cast %parallel_loop3A_923 : i32 to index
        %parallel_loop3A_949 = arith.constant 32 : index
        %parallel_loop3A_950 = tpu.vector_load %arg11[%parallel_loop3A_948, %parallel_loop3A_949] {strides = array<i32>} : memref<128x64xf32, #tpu.memory_space<vmem>>, vector<16xf32>,
        %parallel_loop3A_951 = arith.mulf %parallel_loop3A_947, %parallel_loop3A_950 : vector<16xf32>
        %parallel_loop3A_952 = arith.addf %parallel_loop3A_940, %parallel_loop3A_951 : vector<16xf32>
        %parallel_loop3A_953 = arith.mulf %parallel_loop3A_947, %parallel_loop3A_947 : vector<16xf32>
        %parallel_loop3A_954 = arith.addf %parallel_loop3A_942, %parallel_loop3A_953 : vector<16xf32>
        %parallel_loop3A_955 = arith.mulf %parallel_loop3A_950, %parallel_loop3A_950 : vector<16xf32>
        %parallel_loop3A_956 = arith.addf %parallel_loop3A_944, %parallel_loop3A_955 : vector<16xf32>
        %parallel_loop3A_957 = arith.index_cast %parallel_loop3A_923 : i32 to index
        %parallel_loop3A_958 = arith.constant 48 : index
        %parallel_loop3A_959 = tpu.vector_load %arg10[%parallel_loop3A_957, %parallel_loop3A_958] {strides = array<i32>} : memref<128x64xf32, #tpu.memory_space<vmem>>, vector<16xf32>,
        %parallel_loop3A_960 = arith.index_cast %parallel_loop3A_923 : i32 to index
        %parallel_loop3A_961 = arith.constant 48 : index
        %parallel_loop3A_962 = tpu.vector_load %arg11[%parallel_loop3A_960, %parallel_loop3A_961] {strides = array<i32>} : memref<128x64xf32, #tpu.memory_space<vmem>>, vector<16xf32>,
        %parallel_loop3A_963 = arith.mulf %parallel_loop3A_959, %parallel_loop3A_962 : vector<16xf32>
        %parallel_loop3A_964 = arith.addf %parallel_loop3A_952, %parallel_loop3A_963 : vector<16xf32>
        %parallel_loop3A_965 = arith.mulf %parallel_loop3A_959, %parallel_loop3A_959 : vector<16xf32>
        %parallel_loop3A_966 = arith.addf %parallel_loop3A_954, %parallel_loop3A_965 : vector<16xf32>
        %parallel_loop3A_967 = arith.mulf %parallel_loop3A_962, %parallel_loop3A_962 : vector<16xf32>
        %parallel_loop3A_968 = arith.addf %parallel_loop3A_956, %parallel_loop3A_967 : vector<16xf32>
        %parallel_loop3A_969 = arith.constant 221 : i32
        %parallel_loop3A_970 = arith.addi %parallel_loop3A_74, %parallel_loop3A_969 : i32
        %parallel_loop3A_971 = arith.index_cast %parallel_loop3A_970 : i32 to index
        %parallel_loop3A_972 = tpu.vector_load %arg13[%parallel_loop3A_971] {strides = array<i32>} : memref<6528xf32, #tpu.memory_space<vmem>>, vector<16xf32>,
        tpu.vector_store %arg13[%parallel_loop3A_971], %parallel_loop3A_964 {strides = array<i32>} : memref<6528xf32, #tpu.memory_space<vmem>>, vector<16xf32>,
        %parallel_loop3A_973 = arith.constant 272 : i32
        %parallel_loop3A_974 = arith.addi %parallel_loop3A_74, %parallel_loop3A_973 : i32
        %parallel_loop3A_975 = arith.constant 221 : i32
        %parallel_loop3A_976 = arith.addi %parallel_loop3A_974, %parallel_loop3A_975 : i32
        %parallel_loop3A_977 = arith.index_cast %parallel_loop3A_976 : i32 to index
        %parallel_loop3A_978 = tpu.vector_load %arg13[%parallel_loop3A_977] {strides = array<i32>} : memref<6528xf32, #tpu.memory_space<vmem>>, vector<16xf32>,
        tpu.vector_store %arg13[%parallel_loop3A_977], %parallel_loop3A_966 {strides = array<i32>} : memref<6528xf32, #tpu.memory_space<vmem>>, vector<16xf32>,
        %parallel_loop3A_979 = arith.constant 544 : i32
        %parallel_loop3A_980 = arith.addi %parallel_loop3A_74, %parallel_loop3A_979 : i32
        %parallel_loop3A_981 = arith.constant 221 : i32
        %parallel_loop3A_982 = arith.addi %parallel_loop3A_980, %parallel_loop3A_981 : i32
        %parallel_loop3A_983 = arith.index_cast %parallel_loop3A_982 : i32 to index
        %parallel_loop3A_984 = tpu.vector_load %arg13[%parallel_loop3A_983] {strides = array<i32>} : memref<6528xf32, #tpu.memory_space<vmem>>, vector<16xf32>,
        tpu.vector_store %arg13[%parallel_loop3A_983], %parallel_loop3A_968 {strides = array<i32>} : memref<6528xf32, #tpu.memory_space<vmem>>, vector<16xf32>,
        %parallel_loop3A_985 = arith.constant 16 : i32
        %parallel_loop3A_986 = arith.muli %parallel_loop3A_72, %parallel_loop3A_985 : i32
        %parallel_loop3A_987 = arith.constant 14 : i32
        %parallel_loop3A_988 = arith.addi %parallel_loop3A_986, %parallel_loop3A_987 : i32
        %parallel_loop3A_989 = arith.index_cast %parallel_loop3A_988 : i32 to index
        %parallel_loop3A_990 = arith.constant 0 : index
        %parallel_loop3A_991 = tpu.vector_load %arg10[%parallel_loop3A_989, %parallel_loop3A_990] {strides = array<i32>} : memref<128x64xf32, #tpu.memory_space<vmem>>, vector<16xf32>,
        %parallel_loop3A_992 = arith.index_cast %parallel_loop3A_988 : i32 to index
        %parallel_loop3A_993 = arith.constant 0 : index
        %parallel_loop3A_994 = tpu.vector_load %arg11[%parallel_loop3A_992, %parallel_loop3A_993] {strides = array<i32>} : memref<128x64xf32, #tpu.memory_space<vmem>>, vector<16xf32>,
        %parallel_loop3A_995 = arith.mulf %parallel_loop3A_991, %parallel_loop3A_994 : vector<16xf32>
        %parallel_loop3A_996 = arith.mulf %parallel_loop3A_991, %parallel_loop3A_991 : vector<16xf32>
        %parallel_loop3A_997 = arith.mulf %parallel_loop3A_994, %parallel_loop3A_994 : vector<16xf32>
        %parallel_loop3A_998 = arith.index_cast %parallel_loop3A_988 : i32 to index
        %parallel_loop3A_999 = arith.constant 16 : index
        %parallel_loop3A_1000 = tpu.vector_load %arg10[%parallel_loop3A_998, %parallel_loop3A_999] {strides = array<i32>} : memref<128x64xf32, #tpu.memory_space<vmem>>, vector<16xf32>,
        %parallel_loop3A_1001 = arith.index_cast %parallel_loop3A_988 : i32 to index
        %parallel_loop3A_1002 = arith.constant 16 : index
        %parallel_loop3A_1003 = tpu.vector_load %arg11[%parallel_loop3A_1001, %parallel_loop3A_1002] {strides = array<i32>} : memref<128x64xf32, #tpu.memory_space<vmem>>, vector<16xf32>,
        %parallel_loop3A_1004 = arith.mulf %parallel_loop3A_1000, %parallel_loop3A_1003 : vector<16xf32>
        %parallel_loop3A_1005 = arith.addf %parallel_loop3A_995, %parallel_loop3A_1004 : vector<16xf32>
        %parallel_loop3A_1006 = arith.mulf %parallel_loop3A_1000, %parallel_loop3A_1000 : vector<16xf32>
        %parallel_loop3A_1007 = arith.addf %parallel_loop3A_996, %parallel_loop3A_1006 : vector<16xf32>
        %parallel_loop3A_1008 = arith.mulf %parallel_loop3A_1003, %parallel_loop3A_1003 : vector<16xf32>
        %parallel_loop3A_1009 = arith.addf %parallel_loop3A_997, %parallel_loop3A_1008 : vector<16xf32>
        %parallel_loop3A_1010 = arith.index_cast %parallel_loop3A_988 : i32 to index
        %parallel_loop3A_1011 = arith.constant 32 : index
        %parallel_loop3A_1012 = tpu.vector_load %arg10[%parallel_loop3A_1010, %parallel_loop3A_1011] {strides = array<i32>} : memref<128x64xf32, #tpu.memory_space<vmem>>, vector<16xf32>,
        %parallel_loop3A_1013 = arith.index_cast %parallel_loop3A_988 : i32 to index
        %parallel_loop3A_1014 = arith.constant 32 : index
        %parallel_loop3A_1015 = tpu.vector_load %arg11[%parallel_loop3A_1013, %parallel_loop3A_1014] {strides = array<i32>} : memref<128x64xf32, #tpu.memory_space<vmem>>, vector<16xf32>,
        %parallel_loop3A_1016 = arith.mulf %parallel_loop3A_1012, %parallel_loop3A_1015 : vector<16xf32>
        %parallel_loop3A_1017 = arith.addf %parallel_loop3A_1005, %parallel_loop3A_1016 : vector<16xf32>
        %parallel_loop3A_1018 = arith.mulf %parallel_loop3A_1012, %parallel_loop3A_1012 : vector<16xf32>
        %parallel_loop3A_1019 = arith.addf %parallel_loop3A_1007, %parallel_loop3A_1018 : vector<16xf32>
        %parallel_loop3A_1020 = arith.mulf %parallel_loop3A_1015, %parallel_loop3A_1015 : vector<16xf32>
        %parallel_loop3A_1021 = arith.addf %parallel_loop3A_1009, %parallel_loop3A_1020 : vector<16xf32>
        %parallel_loop3A_1022 = arith.index_cast %parallel_loop3A_988 : i32 to index
        %parallel_loop3A_1023 = arith.constant 48 : index
        %parallel_loop3A_1024 = tpu.vector_load %arg10[%parallel_loop3A_1022, %parallel_loop3A_1023] {strides = array<i32>} : memref<128x64xf32, #tpu.memory_space<vmem>>, vector<16xf32>,
        %parallel_loop3A_1025 = arith.index_cast %parallel_loop3A_988 : i32 to index
        %parallel_loop3A_1026 = arith.constant 48 : index
        %parallel_loop3A_1027 = tpu.vector_load %arg11[%parallel_loop3A_1025, %parallel_loop3A_1026] {strides = array<i32>} : memref<128x64xf32, #tpu.memory_space<vmem>>, vector<16xf32>,
        %parallel_loop3A_1028 = arith.mulf %parallel_loop3A_1024, %parallel_loop3A_1027 : vector<16xf32>
        %parallel_loop3A_1029 = arith.addf %parallel_loop3A_1017, %parallel_loop3A_1028 : vector<16xf32>
        %parallel_loop3A_1030 = arith.mulf %parallel_loop3A_1024, %parallel_loop3A_1024 : vector<16xf32>
        %parallel_loop3A_1031 = arith.addf %parallel_loop3A_1019, %parallel_loop3A_1030 : vector<16xf32>
        %parallel_loop3A_1032 = arith.mulf %parallel_loop3A_1027, %parallel_loop3A_1027 : vector<16xf32>
        %parallel_loop3A_1033 = arith.addf %parallel_loop3A_1021, %parallel_loop3A_1032 : vector<16xf32>
        %parallel_loop3A_1034 = arith.constant 238 : i32
        %parallel_loop3A_1035 = arith.addi %parallel_loop3A_74, %parallel_loop3A_1034 : i32
        %parallel_loop3A_1036 = arith.index_cast %parallel_loop3A_1035 : i32 to index
        %parallel_loop3A_1037 = tpu.vector_load %arg13[%parallel_loop3A_1036] {strides = array<i32>} : memref<6528xf32, #tpu.memory_space<vmem>>, vector<16xf32>,
        tpu.vector_store %arg13[%parallel_loop3A_1036], %parallel_loop3A_1029 {strides = array<i32>} : memref<6528xf32, #tpu.memory_space<vmem>>, vector<16xf32>,
        %parallel_loop3A_1038 = arith.constant 272 : i32
        %parallel_loop3A_1039 = arith.addi %parallel_loop3A_74, %parallel_loop3A_1038 : i32
        %parallel_loop3A_1040 = arith.constant 238 : i32
        %parallel_loop3A_1041 = arith.addi %parallel_loop3A_1039, %parallel_loop3A_1040 : i32
        %parallel_loop3A_1042 = arith.index_cast %parallel_loop3A_1041 : i32 to index
        %parallel_loop3A_1043 = tpu.vector_load %arg13[%parallel_loop3A_1042] {strides = array<i32>} : memref<6528xf32, #tpu.memory_space<vmem>>, vector<16xf32>,
        tpu.vector_store %arg13[%parallel_loop3A_1042], %parallel_loop3A_1031 {strides = array<i32>} : memref<6528xf32, #tpu.memory_space<vmem>>, vector<16xf32>,
        %parallel_loop3A_1044 = arith.constant 544 : i32
        %parallel_loop3A_1045 = arith.addi %parallel_loop3A_74, %parallel_loop3A_1044 : i32
        %parallel_loop3A_1046 = arith.constant 238 : i32
        %parallel_loop3A_1047 = arith.addi %parallel_loop3A_1045, %parallel_loop3A_1046 : i32
        %parallel_loop3A_1048 = arith.index_cast %parallel_loop3A_1047 : i32 to index
        %parallel_loop3A_1049 = tpu.vector_load %arg13[%parallel_loop3A_1048] {strides = array<i32>} : memref<6528xf32, #tpu.memory_space<vmem>>, vector<16xf32>,
        tpu.vector_store %arg13[%parallel_loop3A_1048], %parallel_loop3A_1033 {strides = array<i32>} : memref<6528xf32, #tpu.memory_space<vmem>>, vector<16xf32>,
        %parallel_loop3A_1050 = arith.constant 16 : i32
        %parallel_loop3A_1051 = arith.muli %parallel_loop3A_72, %parallel_loop3A_1050 : i32
        %parallel_loop3A_1052 = arith.constant 15 : i32
        %parallel_loop3A_1053 = arith.addi %parallel_loop3A_1051, %parallel_loop3A_1052 : i32
        %parallel_loop3A_1054 = arith.index_cast %parallel_loop3A_1053 : i32 to index
        %parallel_loop3A_1055 = arith.constant 0 : index
        %parallel_loop3A_1056 = tpu.vector_load %arg10[%parallel_loop3A_1054, %parallel_loop3A_1055] {strides = array<i32>} : memref<128x64xf32, #tpu.memory_space<vmem>>, vector<16xf32>,
        %parallel_loop3A_1057 = arith.index_cast %parallel_loop3A_1053 : i32 to index
        %parallel_loop3A_1058 = arith.constant 0 : index
        %parallel_loop3A_1059 = tpu.vector_load %arg11[%parallel_loop3A_1057, %parallel_loop3A_1058] {strides = array<i32>} : memref<128x64xf32, #tpu.memory_space<vmem>>, vector<16xf32>,
        %parallel_loop3A_1060 = arith.mulf %parallel_loop3A_1056, %parallel_loop3A_1059 : vector<16xf32>
        %parallel_loop3A_1061 = arith.mulf %parallel_loop3A_1056, %parallel_loop3A_1056 : vector<16xf32>
        %parallel_loop3A_1062 = arith.mulf %parallel_loop3A_1059, %parallel_loop3A_1059 : vector<16xf32>
        %parallel_loop3A_1063 = arith.index_cast %parallel_loop3A_1053 : i32 to index
        %parallel_loop3A_1064 = arith.constant 16 : index
        %parallel_loop3A_1065 = tpu.vector_load %arg10[%parallel_loop3A_1063, %parallel_loop3A_1064] {strides = array<i32>} : memref<128x64xf32, #tpu.memory_space<vmem>>, vector<16xf32>,
        %parallel_loop3A_1066 = arith.index_cast %parallel_loop3A_1053 : i32 to index
        %parallel_loop3A_1067 = arith.constant 16 : index
        %parallel_loop3A_1068 = tpu.vector_load %arg11[%parallel_loop3A_1066, %parallel_loop3A_1067] {strides = array<i32>} : memref<128x64xf32, #tpu.memory_space<vmem>>, vector<16xf32>,
        %parallel_loop3A_1069 = arith.mulf %parallel_loop3A_1065, %parallel_loop3A_1068 : vector<16xf32>
        %parallel_loop3A_1070 = arith.addf %parallel_loop3A_1060, %parallel_loop3A_1069 : vector<16xf32>
        %parallel_loop3A_1071 = arith.mulf %parallel_loop3A_1065, %parallel_loop3A_1065 : vector<16xf32>
        %parallel_loop3A_1072 = arith.addf %parallel_loop3A_1061, %parallel_loop3A_1071 : vector<16xf32>
        %parallel_loop3A_1073 = arith.mulf %parallel_loop3A_1068, %parallel_loop3A_1068 : vector<16xf32>
        %parallel_loop3A_1074 = arith.addf %parallel_loop3A_1062, %parallel_loop3A_1073 : vector<16xf32>
        %parallel_loop3A_1075 = arith.index_cast %parallel_loop3A_1053 : i32 to index
        %parallel_loop3A_1076 = arith.constant 32 : index
        %parallel_loop3A_1077 = tpu.vector_load %arg10[%parallel_loop3A_1075, %parallel_loop3A_1076] {strides = array<i32>} : memref<128x64xf32, #tpu.memory_space<vmem>>, vector<16xf32>,
        %parallel_loop3A_1078 = arith.index_cast %parallel_loop3A_1053 : i32 to index
        %parallel_loop3A_1079 = arith.constant 32 : index
        %parallel_loop3A_1080 = tpu.vector_load %arg11[%parallel_loop3A_1078, %parallel_loop3A_1079] {strides = array<i32>} : memref<128x64xf32, #tpu.memory_space<vmem>>, vector<16xf32>,
        %parallel_loop3A_1081 = arith.mulf %parallel_loop3A_1077, %parallel_loop3A_1080 : vector<16xf32>
        %parallel_loop3A_1082 = arith.addf %parallel_loop3A_1070, %parallel_loop3A_1081 : vector<16xf32>
        %parallel_loop3A_1083 = arith.mulf %parallel_loop3A_1077, %parallel_loop3A_1077 : vector<16xf32>
        %parallel_loop3A_1084 = arith.addf %parallel_loop3A_1072, %parallel_loop3A_1083 : vector<16xf32>
        %parallel_loop3A_1085 = arith.mulf %parallel_loop3A_1080, %parallel_loop3A_1080 : vector<16xf32>
        %parallel_loop3A_1086 = arith.addf %parallel_loop3A_1074, %parallel_loop3A_1085 : vector<16xf32>
        %parallel_loop3A_1087 = arith.index_cast %parallel_loop3A_1053 : i32 to index
        %parallel_loop3A_1088 = arith.constant 48 : index
        %parallel_loop3A_1089 = tpu.vector_load %arg10[%parallel_loop3A_1087, %parallel_loop3A_1088] {strides = array<i32>} : memref<128x64xf32, #tpu.memory_space<vmem>>, vector<16xf32>,
        %parallel_loop3A_1090 = arith.index_cast %parallel_loop3A_1053 : i32 to index
        %parallel_loop3A_1091 = arith.constant 48 : index
        %parallel_loop3A_1092 = tpu.vector_load %arg11[%parallel_loop3A_1090, %parallel_loop3A_1091] {strides = array<i32>} : memref<128x64xf32, #tpu.memory_space<vmem>>, vector<16xf32>,
        %parallel_loop3A_1093 = arith.mulf %parallel_loop3A_1089, %parallel_loop3A_1092 : vector<16xf32>
        %parallel_loop3A_1094 = arith.addf %parallel_loop3A_1082, %parallel_loop3A_1093 : vector<16xf32>
        %parallel_loop3A_1095 = arith.mulf %parallel_loop3A_1089, %parallel_loop3A_1089 : vector<16xf32>
        %parallel_loop3A_1096 = arith.addf %parallel_loop3A_1084, %parallel_loop3A_1095 : vector<16xf32>
        %parallel_loop3A_1097 = arith.mulf %parallel_loop3A_1092, %parallel_loop3A_1092 : vector<16xf32>
        %parallel_loop3A_1098 = arith.addf %parallel_loop3A_1086, %parallel_loop3A_1097 : vector<16xf32>
        %parallel_loop3A_1099 = arith.constant 255 : i32
        %parallel_loop3A_1100 = arith.addi %parallel_loop3A_74, %parallel_loop3A_1099 : i32
        %parallel_loop3A_1101 = arith.index_cast %parallel_loop3A_1100 : i32 to index
        %parallel_loop3A_1102 = tpu.vector_load %arg13[%parallel_loop3A_1101] {strides = array<i32>} : memref<6528xf32, #tpu.memory_space<vmem>>, vector<16xf32>,
        tpu.vector_store %arg13[%parallel_loop3A_1101], %parallel_loop3A_1094 {strides = array<i32>} : memref<6528xf32, #tpu.memory_space<vmem>>, vector<16xf32>,
        %parallel_loop3A_1103 = arith.constant 272 : i32
        %parallel_loop3A_1104 = arith.addi %parallel_loop3A_74, %parallel_loop3A_1103 : i32
        %parallel_loop3A_1105 = arith.constant 255 : i32
        %parallel_loop3A_1106 = arith.addi %parallel_loop3A_1104, %parallel_loop3A_1105 : i32
        %parallel_loop3A_1107 = arith.index_cast %parallel_loop3A_1106 : i32 to index
        %parallel_loop3A_1108 = tpu.vector_load %arg13[%parallel_loop3A_1107] {strides = array<i32>} : memref<6528xf32, #tpu.memory_space<vmem>>, vector<16xf32>,
        tpu.vector_store %arg13[%parallel_loop3A_1107], %parallel_loop3A_1096 {strides = array<i32>} : memref<6528xf32, #tpu.memory_space<vmem>>, vector<16xf32>,
        %parallel_loop3A_1109 = arith.constant 544 : i32
        %parallel_loop3A_1110 = arith.addi %parallel_loop3A_74, %parallel_loop3A_1109 : i32
        %parallel_loop3A_1111 = arith.constant 255 : i32
        %parallel_loop3A_1112 = arith.addi %parallel_loop3A_1110, %parallel_loop3A_1111 : i32
        %parallel_loop3A_1113 = arith.index_cast %parallel_loop3A_1112 : i32 to index
        %parallel_loop3A_1114 = tpu.vector_load %arg13[%parallel_loop3A_1113] {strides = array<i32>} : memref<6528xf32, #tpu.memory_space<vmem>>, vector<16xf32>,
        tpu.vector_store %arg13[%parallel_loop3A_1113], %parallel_loop3A_1098 {strides = array<i32>} : memref<6528xf32, #tpu.memory_space<vmem>>, vector<16xf32>,
        %parallel_loop3A_1115 = vector.broadcast %parallel_loop3A_74 : i32 to vector<16xi32>
        %parallel_loop3A_1116 = arith.addi %mul3A_5, %parallel_loop3A_1115 : vector<16xi32>
        %parallel_loop3A_1117 = tpu.vector_load_idx %arg13[%parallel_loop3A_1116] : memref<6528xf32, #tpu.memory_space<vmem>>[vector<16xi32>], vector<16xf32>,
        %parallel_loop3A_1118 = arith.constant 1 : i32
        %parallel_loop3A_1119 = vector.broadcast %parallel_loop3A_1118 : i32 to vector<16xi32>
        %parallel_loop3A_1120 = arith.addi %parallel_loop3A_1116, %parallel_loop3A_1119 : vector<16xi32>
        %parallel_loop3A_1121 = tpu.vector_load_idx %arg13[%parallel_loop3A_1120] : memref<6528xf32, #tpu.memory_space<vmem>>[vector<16xi32>], vector<16xf32>,
        %parallel_loop3A_1122 = arith.addf %parallel_loop3A_1117, %parallel_loop3A_1121 : vector<16xf32>
        %parallel_loop3A_1123 = arith.constant 1 : i32
        %parallel_loop3A_1124 = vector.broadcast %parallel_loop3A_1123 : i32 to vector<16xi32>
        %parallel_loop3A_1125 = arith.addi %parallel_loop3A_1120, %parallel_loop3A_1124 : vector<16xi32>
        %parallel_loop3A_1126 = tpu.vector_load_idx %arg13[%parallel_loop3A_1125] : memref<6528xf32, #tpu.memory_space<vmem>>[vector<16xi32>], vector<16xf32>,
        %parallel_loop3A_1127 = arith.addf %parallel_loop3A_1122, %parallel_loop3A_1126 : vector<16xf32>
        %parallel_loop3A_1128 = arith.constant 1 : i32
        %parallel_loop3A_1129 = vector.broadcast %parallel_loop3A_1128 : i32 to vector<16xi32>
        %parallel_loop3A_1130 = arith.addi %parallel_loop3A_1125, %parallel_loop3A_1129 : vector<16xi32>
        %parallel_loop3A_1131 = tpu.vector_load_idx %arg13[%parallel_loop3A_1130] : memref<6528xf32, #tpu.memory_space<vmem>>[vector<16xi32>], vector<16xf32>,
        %parallel_loop3A_1132 = arith.addf %parallel_loop3A_1127, %parallel_loop3A_1131 : vector<16xf32>
        %parallel_loop3A_1133 = arith.constant 1 : i32
        %parallel_loop3A_1134 = vector.broadcast %parallel_loop3A_1133 : i32 to vector<16xi32>
        %parallel_loop3A_1135 = arith.addi %parallel_loop3A_1130, %parallel_loop3A_1134 : vector<16xi32>
        %parallel_loop3A_1136 = tpu.vector_load_idx %arg13[%parallel_loop3A_1135] : memref<6528xf32, #tpu.memory_space<vmem>>[vector<16xi32>], vector<16xf32>,
        %parallel_loop3A_1137 = arith.addf %parallel_loop3A_1132, %parallel_loop3A_1136 : vector<16xf32>
        %parallel_loop3A_1138 = arith.constant 1 : i32
        %parallel_loop3A_1139 = vector.broadcast %parallel_loop3A_1138 : i32 to vector<16xi32>
        %parallel_loop3A_1140 = arith.addi %parallel_loop3A_1135, %parallel_loop3A_1139 : vector<16xi32>
        %parallel_loop3A_1141 = tpu.vector_load_idx %arg13[%parallel_loop3A_1140] : memref<6528xf32, #tpu.memory_space<vmem>>[vector<16xi32>], vector<16xf32>,
        %parallel_loop3A_1142 = arith.addf %parallel_loop3A_1137, %parallel_loop3A_1141 : vector<16xf32>
        %parallel_loop3A_1143 = arith.constant 1 : i32
        %parallel_loop3A_1144 = vector.broadcast %parallel_loop3A_1143 : i32 to vector<16xi32>
        %parallel_loop3A_1145 = arith.addi %parallel_loop3A_1140, %parallel_loop3A_1144 : vector<16xi32>
        %parallel_loop3A_1146 = tpu.vector_load_idx %arg13[%parallel_loop3A_1145] : memref<6528xf32, #tpu.memory_space<vmem>>[vector<16xi32>], vector<16xf32>,
        %parallel_loop3A_1147 = arith.addf %parallel_loop3A_1142, %parallel_loop3A_1146 : vector<16xf32>
        %parallel_loop3A_1148 = arith.constant 1 : i32
        %parallel_loop3A_1149 = vector.broadcast %parallel_loop3A_1148 : i32 to vector<16xi32>
        %parallel_loop3A_1150 = arith.addi %parallel_loop3A_1145, %parallel_loop3A_1149 : vector<16xi32>
        %parallel_loop3A_1151 = tpu.vector_load_idx %arg13[%parallel_loop3A_1150] : memref<6528xf32, #tpu.memory_space<vmem>>[vector<16xi32>], vector<16xf32>,
        %parallel_loop3A_1152 = arith.addf %parallel_loop3A_1147, %parallel_loop3A_1151 : vector<16xf32>
        %parallel_loop3A_1153 = arith.constant 1 : i32
        %parallel_loop3A_1154 = vector.broadcast %parallel_loop3A_1153 : i32 to vector<16xi32>
        %parallel_loop3A_1155 = arith.addi %parallel_loop3A_1150, %parallel_loop3A_1154 : vector<16xi32>
        %parallel_loop3A_1156 = tpu.vector_load_idx %arg13[%parallel_loop3A_1155] : memref<6528xf32, #tpu.memory_space<vmem>>[vector<16xi32>], vector<16xf32>,
        %parallel_loop3A_1157 = arith.addf %parallel_loop3A_1152, %parallel_loop3A_1156 : vector<16xf32>
        %parallel_loop3A_1158 = arith.constant 1 : i32
        %parallel_loop3A_1159 = vector.broadcast %parallel_loop3A_1158 : i32 to vector<16xi32>
        %parallel_loop3A_1160 = arith.addi %parallel_loop3A_1155, %parallel_loop3A_1159 : vector<16xi32>
        %parallel_loop3A_1161 = tpu.vector_load_idx %arg13[%parallel_loop3A_1160] : memref<6528xf32, #tpu.memory_space<vmem>>[vector<16xi32>], vector<16xf32>,
        %parallel_loop3A_1162 = arith.addf %parallel_loop3A_1157, %parallel_loop3A_1161 : vector<16xf32>
        %parallel_loop3A_1163 = arith.constant 1 : i32
        %parallel_loop3A_1164 = vector.broadcast %parallel_loop3A_1163 : i32 to vector<16xi32>
        %parallel_loop3A_1165 = arith.addi %parallel_loop3A_1160, %parallel_loop3A_1164 : vector<16xi32>
        %parallel_loop3A_1166 = tpu.vector_load_idx %arg13[%parallel_loop3A_1165] : memref<6528xf32, #tpu.memory_space<vmem>>[vector<16xi32>], vector<16xf32>,
        %parallel_loop3A_1167 = arith.addf %parallel_loop3A_1162, %parallel_loop3A_1166 : vector<16xf32>
        %parallel_loop3A_1168 = arith.constant 1 : i32
        %parallel_loop3A_1169 = vector.broadcast %parallel_loop3A_1168 : i32 to vector<16xi32>
        %parallel_loop3A_1170 = arith.addi %parallel_loop3A_1165, %parallel_loop3A_1169 : vector<16xi32>
        %parallel_loop3A_1171 = tpu.vector_load_idx %arg13[%parallel_loop3A_1170] : memref<6528xf32, #tpu.memory_space<vmem>>[vector<16xi32>], vector<16xf32>,
        %parallel_loop3A_1172 = arith.addf %parallel_loop3A_1167, %parallel_loop3A_1171 : vector<16xf32>
        %parallel_loop3A_1173 = arith.constant 1 : i32
        %parallel_loop3A_1174 = vector.broadcast %parallel_loop3A_1173 : i32 to vector<16xi32>
        %parallel_loop3A_1175 = arith.addi %parallel_loop3A_1170, %parallel_loop3A_1174 : vector<16xi32>
        %parallel_loop3A_1176 = tpu.vector_load_idx %arg13[%parallel_loop3A_1175] : memref<6528xf32, #tpu.memory_space<vmem>>[vector<16xi32>], vector<16xf32>,
        %parallel_loop3A_1177 = arith.addf %parallel_loop3A_1172, %parallel_loop3A_1176 : vector<16xf32>
        %parallel_loop3A_1178 = arith.constant 1 : i32
        %parallel_loop3A_1179 = vector.broadcast %parallel_loop3A_1178 : i32 to vector<16xi32>
        %parallel_loop3A_1180 = arith.addi %parallel_loop3A_1175, %parallel_loop3A_1179 : vector<16xi32>
        %parallel_loop3A_1181 = tpu.vector_load_idx %arg13[%parallel_loop3A_1180] : memref<6528xf32, #tpu.memory_space<vmem>>[vector<16xi32>], vector<16xf32>,
        %parallel_loop3A_1182 = arith.addf %parallel_loop3A_1177, %parallel_loop3A_1181 : vector<16xf32>
        %parallel_loop3A_1183 = arith.constant 1 : i32
        %parallel_loop3A_1184 = vector.broadcast %parallel_loop3A_1183 : i32 to vector<16xi32>
        %parallel_loop3A_1185 = arith.addi %parallel_loop3A_1180, %parallel_loop3A_1184 : vector<16xi32>
        %parallel_loop3A_1186 = tpu.vector_load_idx %arg13[%parallel_loop3A_1185] : memref<6528xf32, #tpu.memory_space<vmem>>[vector<16xi32>], vector<16xf32>,
        %parallel_loop3A_1187 = arith.addf %parallel_loop3A_1182, %parallel_loop3A_1186 : vector<16xf32>
        %parallel_loop3A_1188 = arith.constant 1 : i32
        %parallel_loop3A_1189 = vector.broadcast %parallel_loop3A_1188 : i32 to vector<16xi32>
        %parallel_loop3A_1190 = arith.addi %parallel_loop3A_1185, %parallel_loop3A_1189 : vector<16xi32>
        %parallel_loop3A_1191 = tpu.vector_load_idx %arg13[%parallel_loop3A_1190] : memref<6528xf32, #tpu.memory_space<vmem>>[vector<16xi32>], vector<16xf32>,
        %parallel_loop3A_1192 = arith.addf %parallel_loop3A_1187, %parallel_loop3A_1191 : vector<16xf32>
        %parallel_loop3A_1193 = arith.constant 272 : i32
        %parallel_loop3A_1194 = arith.addi %parallel_loop3A_74, %parallel_loop3A_1193 : i32
        %parallel_loop3A_1195 = vector.broadcast %parallel_loop3A_1194 : i32 to vector<16xi32>
        %parallel_loop3A_1196 = arith.addi %mul3A_5, %parallel_loop3A_1195 : vector<16xi32>
        %parallel_loop3A_1197 = tpu.vector_load_idx %arg13[%parallel_loop3A_1196] : memref<6528xf32, #tpu.memory_space<vmem>>[vector<16xi32>], vector<16xf32>,
        %parallel_loop3A_1198 = arith.constant 1 : i32
        %parallel_loop3A_1199 = vector.broadcast %parallel_loop3A_1198 : i32 to vector<16xi32>
        %parallel_loop3A_1200 = arith.addi %parallel_loop3A_1196, %parallel_loop3A_1199 : vector<16xi32>
        %parallel_loop3A_1201 = tpu.vector_load_idx %arg13[%parallel_loop3A_1200] : memref<6528xf32, #tpu.memory_space<vmem>>[vector<16xi32>], vector<16xf32>,
        %parallel_loop3A_1202 = arith.addf %parallel_loop3A_1197, %parallel_loop3A_1201 : vector<16xf32>
        %parallel_loop3A_1203 = arith.constant 1 : i32
        %parallel_loop3A_1204 = vector.broadcast %parallel_loop3A_1203 : i32 to vector<16xi32>
        %parallel_loop3A_1205 = arith.addi %parallel_loop3A_1200, %parallel_loop3A_1204 : vector<16xi32>
        %parallel_loop3A_1206 = tpu.vector_load_idx %arg13[%parallel_loop3A_1205] : memref<6528xf32, #tpu.memory_space<vmem>>[vector<16xi32>], vector<16xf32>,
        %parallel_loop3A_1207 = arith.addf %parallel_loop3A_1202, %parallel_loop3A_1206 : vector<16xf32>
        %parallel_loop3A_1208 = arith.constant 1 : i32
        %parallel_loop3A_1209 = vector.broadcast %parallel_loop3A_1208 : i32 to vector<16xi32>
        %parallel_loop3A_1210 = arith.addi %parallel_loop3A_1205, %parallel_loop3A_1209 : vector<16xi32>
        %parallel_loop3A_1211 = tpu.vector_load_idx %arg13[%parallel_loop3A_1210] : memref<6528xf32, #tpu.memory_space<vmem>>[vector<16xi32>], vector<16xf32>,
        %parallel_loop3A_1212 = arith.addf %parallel_loop3A_1207, %parallel_loop3A_1211 : vector<16xf32>
        %parallel_loop3A_1213 = arith.constant 1 : i32
        %parallel_loop3A_1214 = vector.broadcast %parallel_loop3A_1213 : i32 to vector<16xi32>
        %parallel_loop3A_1215 = arith.addi %parallel_loop3A_1210, %parallel_loop3A_1214 : vector<16xi32>
        %parallel_loop3A_1216 = tpu.vector_load_idx %arg13[%parallel_loop3A_1215] : memref<6528xf32, #tpu.memory_space<vmem>>[vector<16xi32>], vector<16xf32>,
        %parallel_loop3A_1217 = arith.addf %parallel_loop3A_1212, %parallel_loop3A_1216 : vector<16xf32>
        %parallel_loop3A_1218 = arith.constant 1 : i32
        %parallel_loop3A_1219 = vector.broadcast %parallel_loop3A_1218 : i32 to vector<16xi32>
        %parallel_loop3A_1220 = arith.addi %parallel_loop3A_1215, %parallel_loop3A_1219 : vector<16xi32>
        %parallel_loop3A_1221 = tpu.vector_load_idx %arg13[%parallel_loop3A_1220] : memref<6528xf32, #tpu.memory_space<vmem>>[vector<16xi32>], vector<16xf32>,
        %parallel_loop3A_1222 = arith.addf %parallel_loop3A_1217, %parallel_loop3A_1221 : vector<16xf32>
        %parallel_loop3A_1223 = arith.constant 1 : i32
        %parallel_loop3A_1224 = vector.broadcast %parallel_loop3A_1223 : i32 to vector<16xi32>
        %parallel_loop3A_1225 = arith.addi %parallel_loop3A_1220, %parallel_loop3A_1224 : vector<16xi32>
        %parallel_loop3A_1226 = tpu.vector_load_idx %arg13[%parallel_loop3A_1225] : memref<6528xf32, #tpu.memory_space<vmem>>[vector<16xi32>], vector<16xf32>,
        %parallel_loop3A_1227 = arith.addf %parallel_loop3A_1222, %parallel_loop3A_1226 : vector<16xf32>
        %parallel_loop3A_1228 = arith.constant 1 : i32
        %parallel_loop3A_1229 = vector.broadcast %parallel_loop3A_1228 : i32 to vector<16xi32>
        %parallel_loop3A_1230 = arith.addi %parallel_loop3A_1225, %parallel_loop3A_1229 : vector<16xi32>
        %parallel_loop3A_1231 = tpu.vector_load_idx %arg13[%parallel_loop3A_1230] : memref<6528xf32, #tpu.memory_space<vmem>>[vector<16xi32>], vector<16xf32>,
        %parallel_loop3A_1232 = arith.addf %parallel_loop3A_1227, %parallel_loop3A_1231 : vector<16xf32>
        %parallel_loop3A_1233 = arith.constant 1 : i32
        %parallel_loop3A_1234 = vector.broadcast %parallel_loop3A_1233 : i32 to vector<16xi32>
        %parallel_loop3A_1235 = arith.addi %parallel_loop3A_1230, %parallel_loop3A_1234 : vector<16xi32>
        %parallel_loop3A_1236 = tpu.vector_load_idx %arg13[%parallel_loop3A_1235] : memref<6528xf32, #tpu.memory_space<vmem>>[vector<16xi32>], vector<16xf32>,
        %parallel_loop3A_1237 = arith.addf %parallel_loop3A_1232, %parallel_loop3A_1236 : vector<16xf32>
        %parallel_loop3A_1238 = arith.constant 1 : i32
        %parallel_loop3A_1239 = vector.broadcast %parallel_loop3A_1238 : i32 to vector<16xi32>
        %parallel_loop3A_1240 = arith.addi %parallel_loop3A_1235, %parallel_loop3A_1239 : vector<16xi32>
        %parallel_loop3A_1241 = tpu.vector_load_idx %arg13[%parallel_loop3A_1240] : memref<6528xf32, #tpu.memory_space<vmem>>[vector<16xi32>], vector<16xf32>,
        %parallel_loop3A_1242 = arith.addf %parallel_loop3A_1237, %parallel_loop3A_1241 : vector<16xf32>
        %parallel_loop3A_1243 = arith.constant 1 : i32
        %parallel_loop3A_1244 = vector.broadcast %parallel_loop3A_1243 : i32 to vector<16xi32>
        %parallel_loop3A_1245 = arith.addi %parallel_loop3A_1240, %parallel_loop3A_1244 : vector<16xi32>
        %parallel_loop3A_1246 = tpu.vector_load_idx %arg13[%parallel_loop3A_1245] : memref<6528xf32, #tpu.memory_space<vmem>>[vector<16xi32>], vector<16xf32>,
        %parallel_loop3A_1247 = arith.addf %parallel_loop3A_1242, %parallel_loop3A_1246 : vector<16xf32>
        %parallel_loop3A_1248 = arith.constant 1 : i32
        %parallel_loop3A_1249 = vector.broadcast %parallel_loop3A_1248 : i32 to vector<16xi32>
        %parallel_loop3A_1250 = arith.addi %parallel_loop3A_1245, %parallel_loop3A_1249 : vector<16xi32>
        %parallel_loop3A_1251 = tpu.vector_load_idx %arg13[%parallel_loop3A_1250] : memref<6528xf32, #tpu.memory_space<vmem>>[vector<16xi32>], vector<16xf32>,
        %parallel_loop3A_1252 = arith.addf %parallel_loop3A_1247, %parallel_loop3A_1251 : vector<16xf32>
        %parallel_loop3A_1253 = arith.constant 1 : i32
        %parallel_loop3A_1254 = vector.broadcast %parallel_loop3A_1253 : i32 to vector<16xi32>
        %parallel_loop3A_1255 = arith.addi %parallel_loop3A_1250, %parallel_loop3A_1254 : vector<16xi32>
        %parallel_loop3A_1256 = tpu.vector_load_idx %arg13[%parallel_loop3A_1255] : memref<6528xf32, #tpu.memory_space<vmem>>[vector<16xi32>], vector<16xf32>,
        %parallel_loop3A_1257 = arith.addf %parallel_loop3A_1252, %parallel_loop3A_1256 : vector<16xf32>
        %parallel_loop3A_1258 = arith.constant 1 : i32
        %parallel_loop3A_1259 = vector.broadcast %parallel_loop3A_1258 : i32 to vector<16xi32>
        %parallel_loop3A_1260 = arith.addi %parallel_loop3A_1255, %parallel_loop3A_1259 : vector<16xi32>
        %parallel_loop3A_1261 = tpu.vector_load_idx %arg13[%parallel_loop3A_1260] : memref<6528xf32, #tpu.memory_space<vmem>>[vector<16xi32>], vector<16xf32>,
        %parallel_loop3A_1262 = arith.addf %parallel_loop3A_1257, %parallel_loop3A_1261 : vector<16xf32>
        %parallel_loop3A_1263 = arith.constant 1 : i32
        %parallel_loop3A_1264 = vector.broadcast %parallel_loop3A_1263 : i32 to vector<16xi32>
        %parallel_loop3A_1265 = arith.addi %parallel_loop3A_1260, %parallel_loop3A_1264 : vector<16xi32>
        %parallel_loop3A_1266 = tpu.vector_load_idx %arg13[%parallel_loop3A_1265] : memref<6528xf32, #tpu.memory_space<vmem>>[vector<16xi32>], vector<16xf32>,
        %parallel_loop3A_1267 = arith.addf %parallel_loop3A_1262, %parallel_loop3A_1266 : vector<16xf32>
        %parallel_loop3A_1268 = arith.constant 1 : i32
        %parallel_loop3A_1269 = vector.broadcast %parallel_loop3A_1268 : i32 to vector<16xi32>
        %parallel_loop3A_1270 = arith.addi %parallel_loop3A_1265, %parallel_loop3A_1269 : vector<16xi32>
        %parallel_loop3A_1271 = tpu.vector_load_idx %arg13[%parallel_loop3A_1270] : memref<6528xf32, #tpu.memory_space<vmem>>[vector<16xi32>], vector<16xf32>,
        %parallel_loop3A_1272 = arith.addf %parallel_loop3A_1267, %parallel_loop3A_1271 : vector<16xf32>
        %parallel_loop3A_1273 = arith.constant 1.000000e-24 : f32
        %parallel_loop3A_1274 = vector.broadcast %parallel_loop3A_1273 : f32 to vector<16xf32>
        %parallel_loop3A_1275 = arith.maximumf %parallel_loop3A_1272, %parallel_loop3A_1274 : vector<16xf32>
        %parallel_loop3A_1276 = arith.constant 544 : i32
        %parallel_loop3A_1277 = arith.addi %parallel_loop3A_74, %parallel_loop3A_1276 : i32
        %parallel_loop3A_1278 = vector.broadcast %parallel_loop3A_1277 : i32 to vector<16xi32>
        %parallel_loop3A_1279 = arith.addi %mul3A_5, %parallel_loop3A_1278 : vector<16xi32>
        %parallel_loop3A_1280 = tpu.vector_load_idx %arg13[%parallel_loop3A_1279] : memref<6528xf32, #tpu.memory_space<vmem>>[vector<16xi32>], vector<16xf32>,
        %parallel_loop3A_1281 = arith.constant 1 : i32
        %parallel_loop3A_1282 = vector.broadcast %parallel_loop3A_1281 : i32 to vector<16xi32>
        %parallel_loop3A_1283 = arith.addi %parallel_loop3A_1279, %parallel_loop3A_1282 : vector<16xi32>
        %parallel_loop3A_1284 = tpu.vector_load_idx %arg13[%parallel_loop3A_1283] : memref<6528xf32, #tpu.memory_space<vmem>>[vector<16xi32>], vector<16xf32>,
        %parallel_loop3A_1285 = arith.addf %parallel_loop3A_1280, %parallel_loop3A_1284 : vector<16xf32>
        %parallel_loop3A_1286 = arith.constant 1 : i32
        %parallel_loop3A_1287 = vector.broadcast %parallel_loop3A_1286 : i32 to vector<16xi32>
        %parallel_loop3A_1288 = arith.addi %parallel_loop3A_1283, %parallel_loop3A_1287 : vector<16xi32>
        %parallel_loop3A_1289 = tpu.vector_load_idx %arg13[%parallel_loop3A_1288] : memref<6528xf32, #tpu.memory_space<vmem>>[vector<16xi32>], vector<16xf32>,
        %parallel_loop3A_1290 = arith.addf %parallel_loop3A_1285, %parallel_loop3A_1289 : vector<16xf32>
        %parallel_loop3A_1291 = arith.constant 1 : i32
        %parallel_loop3A_1292 = vector.broadcast %parallel_loop3A_1291 : i32 to vector<16xi32>
        %parallel_loop3A_1293 = arith.addi %parallel_loop3A_1288, %parallel_loop3A_1292 : vector<16xi32>
        %parallel_loop3A_1294 = tpu.vector_load_idx %arg13[%parallel_loop3A_1293] : memref<6528xf32, #tpu.memory_space<vmem>>[vector<16xi32>], vector<16xf32>,
        %parallel_loop3A_1295 = arith.addf %parallel_loop3A_1290, %parallel_loop3A_1294 : vector<16xf32>
        %parallel_loop3A_1296 = arith.constant 1 : i32
        %parallel_loop3A_1297 = vector.broadcast %parallel_loop3A_1296 : i32 to vector<16xi32>
        %parallel_loop3A_1298 = arith.addi %parallel_loop3A_1293, %parallel_loop3A_1297 : vector<16xi32>
        %parallel_loop3A_1299 = tpu.vector_load_idx %arg13[%parallel_loop3A_1298] : memref<6528xf32, #tpu.memory_space<vmem>>[vector<16xi32>], vector<16xf32>,
        %parallel_loop3A_1300 = arith.addf %parallel_loop3A_1295, %parallel_loop3A_1299 : vector<16xf32>
        %parallel_loop3A_1301 = arith.constant 1 : i32
        %parallel_loop3A_1302 = vector.broadcast %parallel_loop3A_1301 : i32 to vector<16xi32>
        %parallel_loop3A_1303 = arith.addi %parallel_loop3A_1298, %parallel_loop3A_1302 : vector<16xi32>
        %parallel_loop3A_1304 = tpu.vector_load_idx %arg13[%parallel_loop3A_1303] : memref<6528xf32, #tpu.memory_space<vmem>>[vector<16xi32>], vector<16xf32>,
        %parallel_loop3A_1305 = arith.addf %parallel_loop3A_1300, %parallel_loop3A_1304 : vector<16xf32>
        %parallel_loop3A_1306 = arith.constant 1 : i32
        %parallel_loop3A_1307 = vector.broadcast %parallel_loop3A_1306 : i32 to vector<16xi32>
        %parallel_loop3A_1308 = arith.addi %parallel_loop3A_1303, %parallel_loop3A_1307 : vector<16xi32>
        %parallel_loop3A_1309 = tpu.vector_load_idx %arg13[%parallel_loop3A_1308] : memref<6528xf32, #tpu.memory_space<vmem>>[vector<16xi32>], vector<16xf32>,
        %parallel_loop3A_1310 = arith.addf %parallel_loop3A_1305, %parallel_loop3A_1309 : vector<16xf32>
        %parallel_loop3A_1311 = arith.constant 1 : i32
        %parallel_loop3A_1312 = vector.broadcast %parallel_loop3A_1311 : i32 to vector<16xi32>
        %parallel_loop3A_1313 = arith.addi %parallel_loop3A_1308, %parallel_loop3A_1312 : vector<16xi32>
        %parallel_loop3A_1314 = tpu.vector_load_idx %arg13[%parallel_loop3A_1313] : memref<6528xf32, #tpu.memory_space<vmem>>[vector<16xi32>], vector<16xf32>,
        %parallel_loop3A_1315 = arith.addf %parallel_loop3A_1310, %parallel_loop3A_1314 : vector<16xf32>
        %parallel_loop3A_1316 = arith.constant 1 : i32
        %parallel_loop3A_1317 = vector.broadcast %parallel_loop3A_1316 : i32 to vector<16xi32>
        %parallel_loop3A_1318 = arith.addi %parallel_loop3A_1313, %parallel_loop3A_1317 : vector<16xi32>
        %parallel_loop3A_1319 = tpu.vector_load_idx %arg13[%parallel_loop3A_1318] : memref<6528xf32, #tpu.memory_space<vmem>>[vector<16xi32>], vector<16xf32>,
        %parallel_loop3A_1320 = arith.addf %parallel_loop3A_1315, %parallel_loop3A_1319 : vector<16xf32>
        %parallel_loop3A_1321 = arith.constant 1 : i32
        %parallel_loop3A_1322 = vector.broadcast %parallel_loop3A_1321 : i32 to vector<16xi32>
        %parallel_loop3A_1323 = arith.addi %parallel_loop3A_1318, %parallel_loop3A_1322 : vector<16xi32>
        %parallel_loop3A_1324 = tpu.vector_load_idx %arg13[%parallel_loop3A_1323] : memref<6528xf32, #tpu.memory_space<vmem>>[vector<16xi32>], vector<16xf32>,
        %parallel_loop3A_1325 = arith.addf %parallel_loop3A_1320, %parallel_loop3A_1324 : vector<16xf32>
        %parallel_loop3A_1326 = arith.constant 1 : i32
        %parallel_loop3A_1327 = vector.broadcast %parallel_loop3A_1326 : i32 to vector<16xi32>
        %parallel_loop3A_1328 = arith.addi %parallel_loop3A_1323, %parallel_loop3A_1327 : vector<16xi32>
        %parallel_loop3A_1329 = tpu.vector_load_idx %arg13[%parallel_loop3A_1328] : memref<6528xf32, #tpu.memory_space<vmem>>[vector<16xi32>], vector<16xf32>,
        %parallel_loop3A_1330 = arith.addf %parallel_loop3A_1325, %parallel_loop3A_1329 : vector<16xf32>
        %parallel_loop3A_1331 = arith.constant 1 : i32
        %parallel_loop3A_1332 = vector.broadcast %parallel_loop3A_1331 : i32 to vector<16xi32>
        %parallel_loop3A_1333 = arith.addi %parallel_loop3A_1328, %parallel_loop3A_1332 : vector<16xi32>
        %parallel_loop3A_1334 = tpu.vector_load_idx %arg13[%parallel_loop3A_1333] : memref<6528xf32, #tpu.memory_space<vmem>>[vector<16xi32>], vector<16xf32>,
        %parallel_loop3A_1335 = arith.addf %parallel_loop3A_1330, %parallel_loop3A_1334 : vector<16xf32>
        %parallel_loop3A_1336 = arith.constant 1 : i32
        %parallel_loop3A_1337 = vector.broadcast %parallel_loop3A_1336 : i32 to vector<16xi32>
        %parallel_loop3A_1338 = arith.addi %parallel_loop3A_1333, %parallel_loop3A_1337 : vector<16xi32>
        %parallel_loop3A_1339 = tpu.vector_load_idx %arg13[%parallel_loop3A_1338] : memref<6528xf32, #tpu.memory_space<vmem>>[vector<16xi32>], vector<16xf32>,
        %parallel_loop3A_1340 = arith.addf %parallel_loop3A_1335, %parallel_loop3A_1339 : vector<16xf32>
        %parallel_loop3A_1341 = arith.constant 1 : i32
        %parallel_loop3A_1342 = vector.broadcast %parallel_loop3A_1341 : i32 to vector<16xi32>
        %parallel_loop3A_1343 = arith.addi %parallel_loop3A_1338, %parallel_loop3A_1342 : vector<16xi32>
        %parallel_loop3A_1344 = tpu.vector_load_idx %arg13[%parallel_loop3A_1343] : memref<6528xf32, #tpu.memory_space<vmem>>[vector<16xi32>], vector<16xf32>,
        %parallel_loop3A_1345 = arith.addf %parallel_loop3A_1340, %parallel_loop3A_1344 : vector<16xf32>
        %parallel_loop3A_1346 = arith.constant 1 : i32
        %parallel_loop3A_1347 = vector.broadcast %parallel_loop3A_1346 : i32 to vector<16xi32>
        %parallel_loop3A_1348 = arith.addi %parallel_loop3A_1343, %parallel_loop3A_1347 : vector<16xi32>
        %parallel_loop3A_1349 = tpu.vector_load_idx %arg13[%parallel_loop3A_1348] : memref<6528xf32, #tpu.memory_space<vmem>>[vector<16xi32>], vector<16xf32>,
        %parallel_loop3A_1350 = arith.addf %parallel_loop3A_1345, %parallel_loop3A_1349 : vector<16xf32>
        %parallel_loop3A_1351 = arith.constant 1 : i32
        %parallel_loop3A_1352 = vector.broadcast %parallel_loop3A_1351 : i32 to vector<16xi32>
        %parallel_loop3A_1353 = arith.addi %parallel_loop3A_1348, %parallel_loop3A_1352 : vector<16xi32>
        %parallel_loop3A_1354 = tpu.vector_load_idx %arg13[%parallel_loop3A_1353] : memref<6528xf32, #tpu.memory_space<vmem>>[vector<16xi32>], vector<16xf32>,
        %parallel_loop3A_1355 = arith.addf %parallel_loop3A_1350, %parallel_loop3A_1354 : vector<16xf32>
        %parallel_loop3A_1356 = arith.constant 1.000000e-24 : f32
        %parallel_loop3A_1357 = vector.broadcast %parallel_loop3A_1356 : f32 to vector<16xf32>
        %parallel_loop3A_1358 = arith.maximumf %parallel_loop3A_1355, %parallel_loop3A_1357 : vector<16xf32>
        %parallel_loop3A_1359 = vector.bitcast %parallel_loop3A_1275 : vector<16xf32> to vector<16xi32>
        %parallel_loop3A_1360 = arith.constant 1 : i32
        %parallel_loop3A_1361 = vector.broadcast %parallel_loop3A_1360 : i32 to vector<16xi32>
        %parallel_loop3A_1362 = arith.shrsi %parallel_loop3A_1359, %parallel_loop3A_1361 : vector<16xi32>
        %parallel_loop3A_1363 = arith.constant 1597463007 : i32
        %parallel_loop3A_1364 = vector.broadcast %parallel_loop3A_1363 : i32 to vector<16xi32>
        %parallel_loop3A_1365 = arith.subi %parallel_loop3A_1364, %parallel_loop3A_1362 : vector<16xi32>
        %parallel_loop3A_1366 = vector.bitcast %parallel_loop3A_1365 : vector<16xi32> to vector<16xf32>
        %parallel_loop3A_1367 = arith.constant 5.000000e-01 : f32
        %parallel_loop3A_1368 = vector.broadcast %parallel_loop3A_1367 : f32 to vector<16xf32>
        %parallel_loop3A_1369 = arith.mulf %parallel_loop3A_1368, %parallel_loop3A_1275 : vector<16xf32>
        %parallel_loop3A_1370 = arith.mulf %parallel_loop3A_1369, %parallel_loop3A_1366 : vector<16xf32>
        %parallel_loop3A_1371 = arith.mulf %parallel_loop3A_1370, %parallel_loop3A_1366 : vector<16xf32>
        %parallel_loop3A_1372 = arith.constant 1.500000e+00 : f32
        %parallel_loop3A_1373 = vector.broadcast %parallel_loop3A_1372 : f32 to vector<16xf32>
        %parallel_loop3A_1374 = arith.subf %parallel_loop3A_1373, %parallel_loop3A_1371 : vector<16xf32>
        %parallel_loop3A_1375 = arith.mulf %parallel_loop3A_1366, %parallel_loop3A_1374 : vector<16xf32>
        %parallel_loop3A_1376 = arith.constant 5.000000e-01 : f32
        %parallel_loop3A_1377 = vector.broadcast %parallel_loop3A_1376 : f32 to vector<16xf32>
        %parallel_loop3A_1378 = arith.mulf %parallel_loop3A_1377, %parallel_loop3A_1275 : vector<16xf32>
        %parallel_loop3A_1379 = arith.mulf %parallel_loop3A_1378, %parallel_loop3A_1375 : vector<16xf32>
        %parallel_loop3A_1380 = arith.mulf %parallel_loop3A_1379, %parallel_loop3A_1375 : vector<16xf32>
        %parallel_loop3A_1381 = arith.constant 1.500000e+00 : f32
        %parallel_loop3A_1382 = vector.broadcast %parallel_loop3A_1381 : f32 to vector<16xf32>
        %parallel_loop3A_1383 = arith.subf %parallel_loop3A_1382, %parallel_loop3A_1380 : vector<16xf32>
        %parallel_loop3A_1384 = arith.mulf %parallel_loop3A_1375, %parallel_loop3A_1383 : vector<16xf32>
        %parallel_loop3A_1385 = arith.constant 5.000000e-01 : f32
        %parallel_loop3A_1386 = vector.broadcast %parallel_loop3A_1385 : f32 to vector<16xf32>
        %parallel_loop3A_1387 = arith.mulf %parallel_loop3A_1386, %parallel_loop3A_1275 : vector<16xf32>
        %parallel_loop3A_1388 = arith.mulf %parallel_loop3A_1387, %parallel_loop3A_1384 : vector<16xf32>
        %parallel_loop3A_1389 = arith.mulf %parallel_loop3A_1388, %parallel_loop3A_1384 : vector<16xf32>
        %parallel_loop3A_1390 = arith.constant 1.500000e+00 : f32
        %parallel_loop3A_1391 = vector.broadcast %parallel_loop3A_1390 : f32 to vector<16xf32>
        %parallel_loop3A_1392 = arith.subf %parallel_loop3A_1391, %parallel_loop3A_1389 : vector<16xf32>
        %parallel_loop3A_1393 = arith.mulf %parallel_loop3A_1384, %parallel_loop3A_1392 : vector<16xf32>
        %parallel_loop3A_1394 = arith.mulf %parallel_loop3A_1192, %parallel_loop3A_1393 : vector<16xf32>
        %parallel_loop3A_1395 = vector.bitcast %parallel_loop3A_1358 : vector<16xf32> to vector<16xi32>
        %parallel_loop3A_1396 = arith.constant 1 : i32
        %parallel_loop3A_1397 = vector.broadcast %parallel_loop3A_1396 : i32 to vector<16xi32>
        %parallel_loop3A_1398 = arith.shrsi %parallel_loop3A_1395, %parallel_loop3A_1397 : vector<16xi32>
        %parallel_loop3A_1399 = arith.constant 1597463007 : i32
        %parallel_loop3A_1400 = vector.broadcast %parallel_loop3A_1399 : i32 to vector<16xi32>
        %parallel_loop3A_1401 = arith.subi %parallel_loop3A_1400, %parallel_loop3A_1398 : vector<16xi32>
        %parallel_loop3A_1402 = vector.bitcast %parallel_loop3A_1401 : vector<16xi32> to vector<16xf32>
        %parallel_loop3A_1403 = arith.constant 5.000000e-01 : f32
        %parallel_loop3A_1404 = vector.broadcast %parallel_loop3A_1403 : f32 to vector<16xf32>
        %parallel_loop3A_1405 = arith.mulf %parallel_loop3A_1404, %parallel_loop3A_1358 : vector<16xf32>
        %parallel_loop3A_1406 = arith.mulf %parallel_loop3A_1405, %parallel_loop3A_1402 : vector<16xf32>
        %parallel_loop3A_1407 = arith.mulf %parallel_loop3A_1406, %parallel_loop3A_1402 : vector<16xf32>
        %parallel_loop3A_1408 = arith.constant 1.500000e+00 : f32
        %parallel_loop3A_1409 = vector.broadcast %parallel_loop3A_1408 : f32 to vector<16xf32>
        %parallel_loop3A_1410 = arith.subf %parallel_loop3A_1409, %parallel_loop3A_1407 : vector<16xf32>
        %parallel_loop3A_1411 = arith.mulf %parallel_loop3A_1402, %parallel_loop3A_1410 : vector<16xf32>
        %parallel_loop3A_1412 = arith.constant 5.000000e-01 : f32
        %parallel_loop3A_1413 = vector.broadcast %parallel_loop3A_1412 : f32 to vector<16xf32>
        %parallel_loop3A_1414 = arith.mulf %parallel_loop3A_1413, %parallel_loop3A_1358 : vector<16xf32>
        %parallel_loop3A_1415 = arith.mulf %parallel_loop3A_1414, %parallel_loop3A_1411 : vector<16xf32>
        %parallel_loop3A_1416 = arith.mulf %parallel_loop3A_1415, %parallel_loop3A_1411 : vector<16xf32>
        %parallel_loop3A_1417 = arith.constant 1.500000e+00 : f32
        %parallel_loop3A_1418 = vector.broadcast %parallel_loop3A_1417 : f32 to vector<16xf32>
        %parallel_loop3A_1419 = arith.subf %parallel_loop3A_1418, %parallel_loop3A_1416 : vector<16xf32>
        %parallel_loop3A_1420 = arith.mulf %parallel_loop3A_1411, %parallel_loop3A_1419 : vector<16xf32>
        %parallel_loop3A_1421 = arith.constant 5.000000e-01 : f32
        %parallel_loop3A_1422 = vector.broadcast %parallel_loop3A_1421 : f32 to vector<16xf32>
        %parallel_loop3A_1423 = arith.mulf %parallel_loop3A_1422, %parallel_loop3A_1358 : vector<16xf32>
        %parallel_loop3A_1424 = arith.mulf %parallel_loop3A_1423, %parallel_loop3A_1420 : vector<16xf32>
        %parallel_loop3A_1425 = arith.mulf %parallel_loop3A_1424, %parallel_loop3A_1420 : vector<16xf32>
        %parallel_loop3A_1426 = arith.constant 1.500000e+00 : f32
        %parallel_loop3A_1427 = vector.broadcast %parallel_loop3A_1426 : f32 to vector<16xf32>
        %parallel_loop3A_1428 = arith.subf %parallel_loop3A_1427, %parallel_loop3A_1425 : vector<16xf32>
        %parallel_loop3A_1429 = arith.mulf %parallel_loop3A_1420, %parallel_loop3A_1428 : vector<16xf32>
        %parallel_loop3A_1430 = arith.mulf %parallel_loop3A_1394, %parallel_loop3A_1429 : vector<16xf32>
        %parallel_loop3A_1431 = arith.constant 128 : i32
        %parallel_loop3A_1432 = arith.muli %add3A_63, %parallel_loop3A_1431 : i32
        %parallel_loop3A_1433 = arith.constant 16 : i32
        %parallel_loop3A_1434 = arith.muli %parallel_loop3A_72, %parallel_loop3A_1433 : i32
        %parallel_loop3A_1435 = arith.addi %parallel_loop3A_1432, %parallel_loop3A_1434 : i32
        %parallel_loop3A_1436 = arith.index_cast %parallel_loop3A_1435 : i32 to index
        %parallel_loop3A_1437 = tpu.vector_load %arg12[%parallel_loop3A_1436] {strides = array<i32>} : memref<6400xf32, #tpu.memory_space<vmem>>, vector<16xf32>,
        tpu.vector_store %arg12[%parallel_loop3A_1436], %parallel_loop3A_1430 {strides = array<i32>} : memref<6400xf32, #tpu.memory_space<vmem>>, vector<16xf32>,
      } {sc.loop_unroll_factor = 2 : i64, sc.parallel_access}
      %lt3A_67 = arith.constant 24 : i32
      %lt3A_68 = arith.cmpi slt, %scan3A_30, %lt3A_67 : i32
      %convert_element_type3A_69 = arith.extui %lt3A_68 : i1 to i32
      %cond3A_70 = arith.constant 0 : i32
      %cond3A_71 = arith.cmpi ne, %convert_element_type3A_69, %cond3A_70 : i32
      scf.if %cond3A_71 {
        %add3A_72 = arith.constant 3 : i32
        %add3A_73 = arith.addi %mul3A_32, %add3A_72 : i32
        %mul3A_74 = arith.constant 128 : i32
        %mul3A_75 = arith.muli %add3A_73, %mul3A_74 : i32
        %mul3A_76 = arith.constant 128 : i32
        %mul3A_77 = arith.muli %add3A_73, %mul3A_76 : i32
        %dma_start3A_78 = tpu.memref_slice %arg6[%mul3A_75] : memref<6400xi32, #tpu.memory_space<vmem>> -> memref<128xi32, #tpu.memory_space<vmem>>
        %dma_start3A_79 = arith.constant 0 : i32
        %dma_start3A_80 = arith.constant 0 : i32
        %dma_start3A_81 = tpu.memref_slice %arg4[%dma_start3A_79, %dma_start3A_80] : memref<100000x64xf32, #tpu.memory_space<hbm>> -> memref<100000x64xf32, #tpu.memory_space<hbm>>
        tpu.enqueue_indirect_dma source(%dma_start3A_81 : memref<100000x64xf32, #tpu.memory_space<hbm>>) target(%arg10 : memref<128x64xf32, #tpu.memory_space<vmem>>) offsets(%dma_start3A_78 : memref<128xi32, #tpu.memory_space<vmem>>) semaphore(%arg15 : memref<!tpu.dma_semaphore, #tpu.memory_space<semaphore_mem>>)
        %dma_start3A_82 = tpu.memref_slice %arg7[%mul3A_77] : memref<6400xi32, #tpu.memory_space<vmem>> -> memref<128xi32, #tpu.memory_space<vmem>>
        %dma_start3A_83 = arith.constant 0 : i32
        %dma_start3A_84 = arith.constant 0 : i32
        %dma_start3A_85 = tpu.memref_slice %arg4[%dma_start3A_83, %dma_start3A_84] : memref<100000x64xf32, #tpu.memory_space<hbm>> -> memref<100000x64xf32, #tpu.memory_space<hbm>>
        tpu.enqueue_indirect_dma source(%dma_start3A_85 : memref<100000x64xf32, #tpu.memory_space<hbm>>) target(%arg11 : memref<128x64xf32, #tpu.memory_space<vmem>>) offsets(%dma_start3A_82 : memref<128xi32, #tpu.memory_space<vmem>>) semaphore(%arg15 : memref<!tpu.dma_semaphore, #tpu.memory_space<semaphore_mem>>)
      } else {
      }
    }
    %scan3A_29 = arith.constant 25 : i32
    "tpu.region"() ({
      %run_scoped3A = tpu.sem_alloc : memref<!tpu.dma_semaphore, #tpu.memory_space<semaphore_mem>>
      %dma_start3A_30 = tpu.memref_slice %arg5[%mul3A_2] : memref<204800xf32, #tpu.memory_space<hbm>> -> memref<6400xf32, #tpu.memory_space<hbm>>
      %dma_start3A_31 = tpu.memref_slice %arg5[%mul3A_2] : memref<204800xf32, #tpu.memory_space<hbm>> -> memref<6400xf32, #tpu.memory_space<hbm>>
      tpu.enqueue_dma source(%arg12 : memref<6400xf32, #tpu.memory_space<vmem>>) target(%dma_start3A_31 : memref<6400xf32, #tpu.memory_space<hbm>>) target_semaphore(%run_scoped3A : memref<!tpu.dma_semaphore, #tpu.memory_space<semaphore_mem>>)
      %dma_wait3A = tpu.memref_slice %arg5[%mul3A_2] : memref<204800xf32, #tpu.memory_space<hbm>> -> memref<6400xf32, #tpu.memory_space<hbm>>
      %dma_wait3A_32 = tpu.memref_slice %arg5[%mul3A_2] : memref<204800xf32, #tpu.memory_space<hbm>> -> memref<6400xf32, #tpu.memory_space<hbm>>
      tpu.wait_dma2 semaphore(%run_scoped3A : memref<!tpu.dma_semaphore, #tpu.memory_space<semaphore_mem>>) src(%arg12 : memref<6400xf32, #tpu.memory_space<vmem>>) dst(%dma_wait3A_32 : memref<6400xf32, #tpu.memory_space<hbm>>)
      tpu.yield
    }) : () -> ()
    return
  }
}

</mosaic_0001>

<sc_bundles>
// kernel: kernel.3.cloned.1.call-start
scs
__scs_entry_jumppad:
0x0: {  	(pc) =	sbr.rel $0x88, $3  }
0x1: {  	(tag) =	ssettag $0x0;
	lr =	simm.s32 $0x1  }
0x2: {  	[smem:$0x3F9E] =	sst lr;
	_ =	strace $0xD0000000  }
0x3: {  	_ = 	snop  }
0x4: {  	_ = 	snop  }
0x5: {  	_ = 	snop  }
0x6: {  	_ = 	snop  }
0x7: {  	_ = 	snop  }
__scs_overlays_trampoline_lowered:
0x8: {  	[smem:$0x3FAD] =	sst s0  }
0x9: {  	[smem:$0x3FAE] =	sst s1  }
0xa: {  	[smem:$0x3FAF] =	sst s2  }
0xb: {  	[smem:$0x3FB0] =	sst s3  }
0xc: {  	[smem:$0x3FB1] =	sst s4  }
0xd: {  	[smem:$0x3FB2] =	sst s5  }
0xe: {  	[smem:$0x3FB3] =	sst s6  }
0xf: {  	[smem:$0x3FB4] =	sst s7  }
0x10: {  	[smem:$0x3FB5] =	sst s8  }
0x11: {  	[smem:$0x3FB6] =	sst s9;
	s0 =	simm.s32 @!p0 $0x0  }
0x12: {  	s1 =	sld [smem:$0x3F9C];
	s0 =	simm.s32 @p0 $0x1  }
0x13: {  	[smem:$0x3FB7] =	sst s0;
	s0 =	simm.s32 @!p1 $0x0  }
0x14: {  	s2 =	sld [smem:$0x3F9B];
	s0 =	simm.s32 @p1 $0x1  }
0x15: {  	[smem:$0x3FB8] =	sst s0;
	s0 =	simm.s32 @!p2 $0x0  }
0x16: {  	s3 =	sld [smem:$0x3FDB];
	s0 =	simm.s32 @p2 $0x1  }
0x17: {  	s4 =	simm.s32 $0x1BF5;
	[smem:$0x3FBA] =	sst s0  }
0x18: {  	s0 =	sld [smem:$0x3F9D];
	_ =	swait.ge [sflag:s4], $0x0  }
0x19: {  	s7 =	sld [smem:$0x3F9E]  }
0x1a: {  	s8 =	sadd.s32 $0xFFFFE003, lr  }
0x1b: {  	s9 =	sadd.s32 $0xFFFFFEF7, lr;
	s5 =	simm.s32 $0xFFFFFFFF;
	p2 =	slt.u32 s8, $0xFFFFF086  }
0x1c: {  	p1 =	slt.u32 s9, $0xF7A;
	s5 =	simm.s32 @!p2 $0x0  }
0x1d: {  	s5 =	simm.s32 @p1 $0x1;
	p0 =	seq.s32 s7, s2  }
0x1e: {  	s7 =	smul.u32 @!p0 $0xF7A, s2;
	p2 =	seq.s32 @!p0 s5, $0x0  }
0x1f: {  	s9 =	smul.u32 $0xF7A, s1;
	s8 =	simm.s32 @!p0 $0x1BF5;
	p2 =	por !p2, p0  }
0x20: {  	[sflag:s8] =	ssyncset.s32 @!p0 $0xFFFFF086;
	s6 =	sadd.s32 @!p0 s3, s7;
	s7 =	simm.s32 @!p0 $0x108  }
0x21: {  	s3 =	sadd.s32 s3, s9;
	s6 =	sadd.s32 @!p0 $0x88, s6;
	s7 =	simm.s32 @p2 $0x1082  }
0x22: {  	[simem:s7], [sflag:s8] =	dma.local @!p0 [hbm:s6], $0xF7A  }
0x23: {  	s9 =	sor.u32 $0xD0000000, s2;
	s6 =	simm.s32 $0x108;
	_ =	swait.ge @!p0 [sflag:s8], $0x0  }
0x24: {  	s3 =	sadd.s32 $0x88, s3;
	s6 =	simm.s32 @!p1 $0x1082;
	[sflag:s4] =	ssyncset.s32 $0xFFFFF086  }
0x25: {  	[simem:s6], [sflag:s4] =	dma.local [hbm:s3], $0xF7A  }
0x26: {  	[smem:$0x3F9E] =	sst s1;
	(tag) =	ssettag s2;
	_ =	strace s9  }
0x27: {  	s1 =	sld [smem:$0x3FAE]  }
0x28: {  	s2 =	sld [smem:$0x3FAF]  }
0x29: {  	s4 =	sld [smem:$0x3FB1]  }
0x2a: {  	p0 =	seq.s32 s5, $0x0;
	s5 =	sld [smem:$0x3FB2]  }
0x2b: {  	s6 =	sld [smem:$0x3FB3]  }
0x2c: {  	s7 =	sld [smem:$0x3FB4]  }
0x2d: {  	s3 =	simm.s32 $0x108;
	s8 =	sld [smem:$0x3FB5]  }
0x2e: {  	s3 =	simm.s32 @!p0 $0x1082;
	s9 =	sld [smem:$0x3FB6]  }
0x2f: {  	lr =	sadd.s32 s0, s3;
	s0 =	sld [smem:$0x3FAD]  }
0x30: {  	s3 =	sld [smem:$0x3FB0]  }
0x31: {  	[smem:$0x3FB9] =	sst s10  }
0x32: {  	s10 =	sld [smem:$0x3FB7];
	_ =	sdelay $0x3  }
0x33: {  	p0 =	seq.s32 s10, $0x1;
	s10 =	sld [smem:$0x3FB9];
	_ =	sdelay $0x3  }
0x34: {  	[smem:$0x3FB9] =	sst s10  }
0x35: {  	s10 =	sld [smem:$0x3FB8];
	_ =	sdelay $0x3  }
0x36: {  	p1 =	seq.s32 s10, $0x1;
	s10 =	sld [smem:$0x3FB9];
	_ =	sdelay $0x3  }
0x37: {  	[smem:$0x3FB9] =	sst s10  }
0x38: {  	s10 =	sld [smem:$0x3FBA]  }
0x39: {  	_ = 	snop;
	(pc) =	sbr.ind lr, $3  }
0x3a: {  	_ = 	snop  }
0x3b: {  	_ = 	snop  }
0x3c: {  	p2 =	seq.s32 s10, $0x1;
	s10 =	sld [smem:$0x3FB9]  }
0x3d: {  	_ =	shalt  }
0x3e: {  	_ =	shalt  }
0x3f: {  	_ =	shalt  }
0x40: {  	_ =	shalt  }
0x41: {  	_ =	shalt  }
0x42: {  	_ =	shalt  }
0x43: {  	_ =	shalt  }
0x44: {  	_ =	shalt  }
0x45: {  	_ =	shalt  }
0x46: {  	_ =	shalt  }
0x47: {  	_ =	shalt  }
0x48: {  	_ =	shalt  }
0x49: {  	_ =	shalt  }
0x4a: {  	_ =	shalt  }
0x4b: {  	_ =	shalt  }
0x4c: {  	_ =	shalt  }
0x4d: {  	_ =	shalt  }
0x4e: {  	_ =	shalt  }
0x4f: {  	_ =	shalt  }
0x50: {  	_ =	shalt  }
0x51: {  	_ =	shalt  }
0x52: {  	_ =	shalt  }
0x53: {  	_ =	shalt  }
0x54: {  	_ =	shalt  }
0x55: {  	_ =	shalt  }
0x56: {  	_ =	shalt  }
0x57: {  	_ =	shalt  }
0x58: {  	_ =	shalt  }
0x59: {  	_ =	shalt  }
0x5a: {  	_ =	shalt  }
0x5b: {  	_ =	shalt  }
0x5c: {  	_ =	shalt  }
0x5d: {  	_ =	shalt  }
0x5e: {  	_ =	shalt  }
0x5f: {  	_ =	shalt  }
0x60: {  	_ =	shalt  }
0x61: {  	_ =	shalt  }
0x62: {  	_ =	shalt  }
0x63: {  	_ =	shalt  }
0x64: {  	_ =	shalt  }
0x65: {  	_ =	shalt  }
0x66: {  	_ =	shalt  }
0x67: {  	_ =	shalt  }
0x68: {  	_ =	shalt  }
0x69: {  	_ =	shalt  }
0x6a: {  	_ =	shalt  }
0x6b: {  	_ =	shalt  }
0x6c: {  	_ =	shalt  }
0x6d: {  	_ =	shalt  }
0x6e: {  	_ =	shalt  }
0x6f: {  	_ =	shalt  }
0x70: {  	_ =	shalt  }
0x71: {  	_ =	shalt  }
0x72: {  	_ =	shalt  }
0x73: {  	_ =	shalt  }
0x74: {  	_ =	shalt  }
0x75: {  	_ =	shalt  }
0x76: {  	_ =	shalt  }
0x77: {  	_ =	shalt  }
0x78: {  	_ =	shalt  }
0x79: {  	_ =	shalt  }
0x7a: {  	_ =	shalt  }
0x7b: {  	_ =	shalt  }
0x7c: {  	_ =	shalt  }
0x7d: {  	_ =	shalt  }
0x7e: {  	_ =	shalt  }
0x7f: {  	_ =	shalt  }
0x80: {  	_ =	shalt  }
0x81: {  	_ =	shalt  }
0x82: {  	_ =	shalt  }
0x83: {  	_ =	shalt  }
0x84: {  	_ =	shalt  }
0x85: {  	_ =	shalt  }
0x86: {  	_ =	shalt  }
0x87: {  	_ =	shalt  }
.Lfunc_end0:
.L_simem_size_0:
called_computation_lowered:
.L_overlay_start_0:
0x88: {  	s2 =	sld [smem:$0x3FD9]  }
0x89: {  	s3 =	sld [smem:$0x3FFE];
	_ =	sdelay $0x1  }
0x8a: {  	s1 =	srdreg.scid  }
0x8b: {  	s0 =	sand.u32 $0x1, s1  }
0x8c: {  	s17 =	sshll.u32 s0, $0xA;
	s2 =	sadd.s32 s3, s2  }
0x8d: {  	s2 =	sadd.s32 s2, s17  }
0x8e: {  	[smem:$0x3FC5] =	sst s2  }
0x8f: {  	_ = 	snop  }
0x90: {  	s2 =	sld [smem:$0x3FD0];
	(tm) =	ssettm $0x1  }
0x91: {  	s18 =	sld [smem:$0x3FFB];
	_ =	sdelay $0x3  }
0x92: {  	_ =	strace s18  }
0x93: {  	s3 =	sld [smem:$0x3FFC];
	_ =	sdelay $0x3  }
0x94: {  	_ =	strace s3  }
0x95: {  	s3 =	sld [smem:$0x3FFD];
	_ =	sdelay $0x3  }
0x96: {  	_ =	strace s3  }
0x97: {  	_ =	strace $0x8FFFFFFF  }
0x98: {  	s19 =	sld [smem:$0x3FDB];
	_ =	sdelay $0x1  }
0x99: {  	s4 =	simm.s32 $_scs_section_size  }
0x9a: {  	s5 =	simm.s32 $_size__tile_overlayer_lowered;
	s6 =	simm.s32 $_tile_overlayer_lowered  }
0x9b: {  	s22 =	simm.s32 $0x1BFF;
	s21 =	sshll.u32 s6, $0x1;
	s3 =	sadd.s32 s4, s19  }
0x9c: {  	s7 =	simm.s32 $0x0;
	s20 =	sshll.u32 s5, $0x1;
	s5 =	sadd.s32 s21, s3  }
0x9d: {  	[timem:s7], [sflag:s22] =	dma.local [hbm:s5], s20  }
0x9e: {  	_ =	swait.ge [sflag:s22], s20  }
0x9f: {  	s4 =	ssub.s32 $0x0, s20;
	[sflag:s22] =	ssyncset.done $0x0  }
0xa0: {  	[sflag:s22] =	ssyncadd.s32 s4;
	_ =	sdelay $0x1  }
0xa1: {  	s23 =	simm.s32 $0x1B8B  }
0xa2: {  	_ =	swait.ge [sflag:s23], $0x1  }
0xa3: {  	[sflag:s23] =	ssyncset.done $0x0  }
0xa4: {  	s25 =	simm.s32 $0x1B8E;
	s24 =	sld [smem:$0x3FFE];
	[sflag:s23] =	ssyncadd.s32 $0xFFFFFFFF  }
0xa5: {  	s26 =	simm.s32 $execute0_lowered;
	[smem:$0x3FD2] =	sst s25  }
0xa6: {  	s5 =	sshll.u32 s26, $0x1;
	_ =	strace $0x80000046;
	[dreg:$0x1] =	wrdreg $0xFFFFFFFF  }
0xa7: {  	s28 =	simm.s32 $_size_execute0_lowered;
	s3 =	sadd.s32 s3, s5;
	[dreg:$0x0] =	wrdreg $0x0  }
0xa8: {  	s5 =	sshll.u32 s28, $0x1;
	[dreg:$0x2] =	wrdreg s3  }
0xa9: {  	[dreg:$0x3] =	wrdreg s5  }
0xaa: {  	[dreg:$0x4] =	wrdreg $0xC0  }
0xab: {  	_ =	task [dreg:s7], $0x5FFFF  }
0xac: {  	[dreg:$0x1] =	wrdreg $0xFFFFFFFF  }
0xad: {  	[dreg:$0x0] =	wrdreg $0x60  }
0xae: {  	[dreg:$0x2] =	wrdreg s2  }
0xaf: {  	[dreg:$0x3] =	wrdreg s24  }
0xb0: {  	[dreg:$0x4] =	wrdreg $0x9  }
0xb1: {  	_ =	task.clear_ibuf [dreg:s7], $0x5FFFF;
	_ =	strace $0x90000046  }
0xb2: {  	s29 =	simm.s32 $0x9;
	_ =	strace $0x80000048  }
0xb3: {  	_ =	swait.ge [sflag:s29], $0x1  }
0xb4: {  	[sflag:s29] =	ssyncadd.s32 $0xFFFFFFFF  }
0xb5: {  	_ =	strace $0x90000048  }
0xb6: {  	_ =	sfence  }
0xb7: {  	s30 =	sld [smem:$0x0];
	_ =	sdelay $0x2  }
0xb8: {  	s31 =	sshll.u32 s1, $0xD;
	s1 =	sshrl.u32 s1, $0x2  }
0xb9: {  	s3 =	sand.u32 $0x4000, s31;
	s1 =	sadd.s32 s1, s30  }
0xba: {  	s0 =	sor.u32 s3, s0;
	s1 =	sshll.u32 s1, $0x11  }
0xbb: {  	s0 =	sor.u32 s1, s0  }
0xbc: {  	s0 =	sadd.s32 $0x8F2B, s0  }
0xbd: {  	[sflag:s0] =	ssyncadd.remote.s32 $0x1  }
0xbe: {  	_ =	sfence.sel $0xFFFF  }
0xbf: {  	[dreg:$0x0] =	wrdreg $0xFFFFFFFF;
	(pc) =	sbr.abs _section_cstart, $3  }
0xc0: {  	[dreg:$0x1] =	wrdreg $0xFFFFFFFF  }
0xc1: {  	_ =	task.clear_ibuf [dreg:s7], $0x2FFFF;
	_ =	strace $0x9FFFFFFF  }
0xc2: {  	(tm) =	ssettm $0x7FFFFFFF  }
0xc3: {  	_ =	shalt  }
tec
execute0_lowered:
.L_overlay_start_1:
0x0: {  	(tag) =	ssettag $0x1  }
0x1: {  	v1 =	vlaneseq.u32;
	v2 =	vimm.s32 $0x7654321;
	v4 =	vimm.s32 $0x10765432  }
0x2: {  	s4 =	rddreg [dreg:$0x0];
	s1 =	srdreg.scid;
	v6 =	vimm.s32 $0x21076543;
	v8 =	vimm.s32 $0x32107654;
	v10 =	vimm.s32 $0x43210765  }
0x3: {  	s0 =	stileid.u32;
	s5 =	rddreg [dreg:$0x1];
	s2 =	simm.s32 $0x0;
	v12 =	vimm.s32 $0x65432107;
	v0 =	vmul.u32 $0x11, v1;
	v1 =	vand.u32 $0x7, v1  }
0x4: {  	s9 =	simm.s32 $0x1900;
	s10 =	simm.s32 $0x80;
	s11 =	simm.s32 $0x3200;
	v3 =	vunpack.c.l.s4.s8 v2;
	v5 =	vunpack.c.l.s4.s8 v4;
	v7 =	vunpack.c.l.s4.s8 v6  }
0x5: {  	s12 =	simm.s32 $0x5200;
	s13 =	simm.s32 $0x7200;
	s14 =	simm.s32 $0x1980;
	v9 =	vunpack.c.l.s4.s8 v8;
	v11 =	vunpack.c.l.s4.s8 v10;
	v10 =	vimm.s32 $0x54321076  }
0x6: {  	s15 =	simm.s32 $0x9200;
	s16 =	simm.s32 $0x1;
	s17 =	simm.s32 $0xCB00;
	v15 =	vunpack.c.l.s4.s8 v12;
	v13 =	vunpack.c.l.s4.s8 v10;
	v2 =	vadd.s32 $0x1, v0  }
0x7: {  	s18 =	simm.s32 $0x2;
	s19 =	simm.s32 $0xB200;
	s20 =	simm.s32 $0x0;
	v3 =	vunpack.c.0.s8.s32 v3;
	v4 =	vadd.s32 $0x2, v0;
	v5 =	vunpack.c.0.s8.s32 v5  }
0x8: {  	s3 =	sand.u32 $0x1, s1;
	s6 =	sshll.u32 s0, $0x1;
	s1 =	rddreg [dreg:$0x2];
	v6 =	vadd.s32 $0x3, v0;
	v7 =	vunpack.c.0.s8.s32 v7;
	v8 =	vadd.s32 $0x4, v0  }
.Ltmp0:
0x9: {  	s6 =	sor.u32 s3, s6;
	s7 =	ssub.s32 $0x2, s3;
	v9 =	vunpack.c.0.s8.s32 v9;
	v10 =	vadd.s32 $0x5, v0;
	v11 =	vunpack.c.0.s8.s32 v11;
	(pc) =	sbr.rel .LBB2_1-.Ltmp0, $4  }
0xa: {  	[smem:$0x7FF] =	sst s2;
	s6 =	smul.u32 $0x320, s6;
	s31 =	sshrl.u32 s7, $0x1;
	v12 =	vadd.s32 $0x6, v0;
	v14 =	vadd.s32 $0x7, v0;
	v15 =	vunpack.c.0.s8.s32 v15  }
0xb: {  	_ =	strace $0x80000047;
	s3 =	sadd.s32 $0x187200, s5;
	v16 =	vadd.s32 $0x8, v0;
	v17 =	vadd.s32 $0x9, v0;
	v18 =	vadd.s32 $0xA, v0;
	s7 =	ssub.s32 s7, s31  }
0xc: {  	v19 =	vadd.s32 $0xB, v0;
	v20 =	vadd.s32 $0xC, v0;
	v21 =	vadd.s32 $0xD, v0;
	s8 =	sadd.s32 s6, s5;
	s4 =	sadd.s32 s4, s6;
	s7 =	smax.u32 s7, $0x1  }
0xd: {  	v22 =	vadd.s32 $0xE, v0;
	v23 =	vadd.s32 $0xF, v0;
	v13 =	vunpack.c.0.s8.s32 v13;
	s5 =	sadd.s32 $0x800, s8;
	s6 =	sadd.s32 $0x6C00, s8;
	s8 =	simm.s32 $0x3  }
.LBB2_8:
0xe: {  	s20 =	sadd.s32 $0x1, s20  }
0xf: {  	p0 =	sne.s32 s20, s7  }
.Ltmp1:
0x10: {  	_ = 	snop;
	(pc) =	sbr.rel @!p0 .LBB2_9-.Ltmp1, $4  }
0x11: {  	[hbm4b:s6+s2] =	stream.linear.scatter [tilespmem:s19], [sflag:$0x3], $0x1900, $0x38;
	[tilespmem:$0xE480] =	vst v63  }
0x12: {  	_ =	swait.ge [sflag:s8], $0x1900  }
0x13: {  	[sflag:s8] =	ssyncset.done $0x0  }
0x14: {  	[sflag:s8] =	ssyncadd.s32 $0xFFFFE700  }
.LBB2_1:
0x15: {  	[tilespmem:s2], [sflag:$0x3] =	stream.linear.gather [hbm4b:s4+s2], $0x1900, $0x38;
	[tilespmem:$0xE480] =	vst v63  }
0x16: {  	_ =	swait.ge [sflag:s8], $0x1900  }
0x17: {  	[sflag:s8] =	ssyncset.done $0x0  }
0x18: {  	[sflag:s8] =	ssyncadd.s32 $0xFFFFE700  }
0x19: {  	[tilespmem:s9], [sflag:$0x3] =	stream.linear.gather [hbm4b:s5+s2], $0x1900, $0x38;
	[tilespmem:$0xE480] =	vst v63  }
0x1a: {  	_ =	swait.ge [sflag:s8], $0x1900  }
0x1b: {  	[sflag:s8] =	ssyncset.done $0x0  }
0x1c: {  	[sflag:s8] =	ssyncadd.s32 $0xFFFFE700  }
0x1d: {  	[tilespmem:s11], [sflag:$0x1] =	stream.indirect.gather [hbm4b:s3+s10], $0x40, s2, s10, $0xb8;
	[tilespmem:$0xE480] =	vst v63  }
0x1e: {  	_ = 	snop  }
0x1f: {  	[tilespmem:s12], [sflag:$0x1] =	stream.indirect.gather [hbm4b:s3+s10], $0x40, s9, s10, $0xb8;
	[tilespmem:$0xE480] =	vst v63  }
0x20: {  	_ = 	snop  }
0x21: {  	[tilespmem:s13], [sflag:$0x2] =	stream.indirect.gather [hbm4b:s3+s10], $0x40, s10, s10, $0xb8;
	[tilespmem:$0xE480] =	vst v63  }
0x22: {  	s21 =	simm.s32 $0x0  }
0x23: {  	[tilespmem:s15], [sflag:$0x2] =	stream.indirect.gather [hbm4b:s3+s10], $0x40, s14, s10, $0xb8;
	[tilespmem:$0xE480] =	vst v63  }
.LBB2_2:
0x24: {  	_ =	swait.ge [sflag:s16], $0x2000  }
0x25: {  	[sflag:s16] =	ssyncset.done $0x0  }
0x26: {  	[sflag:s16] =	ssyncadd.s32 $0xFFFFE000  }
0x27: {  	s22 =	sshll.u32 s21, $0x8;
	_ =	swait.ge [sflag:s16], $0x2000  }
0x28: {  	s24 =	sadd.s32 $0xB200, s22;
	[sflag:s16] =	ssyncset.done $0x0  }
0x29: {  	s23 =	simm.s32 $0x0;
	v24 =	vmov s24;
	[sflag:s16] =	ssyncadd.s32 $0xFFFFE000  }
.LBB2_3:
0x2a: {  	s29 =	sshll.u32 s23, $0xA  }
0x2b: {  	v25 =	vld [tilespmem:s29+$0x3200]  }
0x2c: {  	v26 =	vld [tilespmem:s29+$0x5200]  }
0x2d: {  	v27 =	vld [tilespmem:s29+$0x3210]  }
0x2e: {  	v28 =	vld [tilespmem:s29+$0x5210]  }
0x2f: {  	v29 =	vld [tilespmem:s29+$0x3220]  }
0x30: {  	v30 =	vld [tilespmem:s29+$0x5220]  }
0x31: {  	v31 =	vld [tilespmem:s29+$0x3230]  }
0x32: {  	v33 =	vld [tilespmem:s29+$0x5230];
	v32 =	vmul.f32 v26, v25  }
0x33: {  	v25 =	vmul.f32 v25, v25;
	v34 =	vmul.f32 v28, v27  }
0x34: {  	v26 =	vmul.f32 v26, v26;
	v27 =	vmul.f32 v27, v27  }
0x35: {  	v28 =	vmul.f32 v28, v28;
	v56 =	vmul.f32 v30, v29;
	v32 =	vadd.f32 v34, v32  }
0x36: {  	v58 =	vmul.f32 v30, v30;
	v25 =	vadd.f32 v27, v25;
	v27 =	vmul.f32 v29, v29  }
0x37: {  	v59 =	vmul.f32 v33, v31;
	v26 =	vadd.f32 v28, v26;
	v57 =	vadd.f32 v56, v32  }
0x38: {  	v25 =	vadd.f32 v27, v25;
	v27 =	vmul.f32 v31, v31  }
0x39: {  	s26 =	smul.u32 $0x330, s23;
	v60 =	vmul.f32 v33, v33;
	v26 =	vadd.f32 v58, v26;
	v28 =	vadd.f32 v59, v57  }
0x3a: {  	v25 =	vadd.f32 v27, v25  }
0x3b: {  	v26 =	vadd.f32 v60, v26;
	[tilespmem:s26+$0xCB00] =	vst v28  }
0x3c: {  	[tilespmem:s26+$0xCC10] =	vst v25  }
0x3d: {  	[tilespmem:s26+$0xCD20] =	vst v26  }
0x3e: {  	v25 =	vld [tilespmem:s29+$0x3240]  }
0x3f: {  	v26 =	vld [tilespmem:s29+$0x5240]  }
0x40: {  	v27 =	vld [tilespmem:s29+$0x3250]  }
0x41: {  	v28 =	vld [tilespmem:s29+$0x5250]  }
0x42: {  	v61 =	vld [tilespmem:s29+$0x3260]  }
0x43: {  	v62 =	vld [tilespmem:s29+$0x5260]  }
0x44: {  	v63 =	vld [tilespmem:s29+$0x3270]  }
0x45: {  	v37 =	vld [tilespmem:s29+$0x5270];
	v36 =	vmul.f32 v26, v25  }
0x46: {  	v25 =	vmul.f32 v25, v25;
	v38 =	vmul.f32 v28, v27  }
0x47: {  	v26 =	vmul.f32 v26, v26;
	v27 =	vmul.f32 v27, v27  }
0x48: {  	v28 =	vmul.f32 v28, v28;
	v39 =	vmul.f32 v62, v61;
	v32 =	vadd.f32 v38, v36  }
0x49: {  	v41 =	vmul.f32 v62, v62;
	v25 =	vadd.f32 v27, v25;
	v27 =	vmul.f32 v61, v61  }
0x4a: {  	v42 =	vmul.f32 v37, v63;
	v26 =	vadd.f32 v28, v26;
	v40 =	vadd.f32 v39, v32  }
0x4b: {  	v25 =	vadd.f32 v27, v25;
	v27 =	vmul.f32 v63, v63  }
0x4c: {  	v43 =	vmul.f32 v37, v37;
	v26 =	vadd.f32 v41, v26;
	v28 =	vadd.f32 v42, v40  }
0x4d: {  	v25 =	vadd.f32 v27, v25  }
0x4e: {  	v26 =	vadd.f32 v43, v26;
	[tilespmem:s26+$0xCB11] =	vst v28  }
0x4f: {  	[tilespmem:s26+$0xCC21] =	vst v25  }
0x50: {  	[tilespmem:s26+$0xCD31] =	vst v26  }
0x51: {  	v25 =	vld [tilespmem:s29+$0x3280]  }
0x52: {  	v26 =	vld [tilespmem:s29+$0x5280]  }
0x53: {  	v27 =	vld [tilespmem:s29+$0x3290]  }
0x54: {  	v28 =	vld [tilespmem:s29+$0x5290]  }
0x55: {  	v44 =	vld [tilespmem:s29+$0x32A0]  }
0x56: {  	v45 =	vld [tilespmem:s29+$0x52A0]  }
0x57: {  	v46 =	vld [tilespmem:s29+$0x32B0]  }
0x58: {  	v48 =	vld [tilespmem:s29+$0x52B0];
	v47 =	vmul.f32 v26, v25  }
0x59: {  	v25 =	vmul.f32 v25, v25;
	v49 =	vmul.f32 v28, v27  }
0x5a: {  	v26 =	vmul.f32 v26, v26;
	v27 =	vmul.f32 v27, v27  }
0x5b: {  	v28 =	vmul.f32 v28, v28;
	v50 =	vmul.f32 v45, v44;
	v32 =	vadd.f32 v49, v47  }
0x5c: {  	v52 =	vmul.f32 v45, v45;
	v25 =	vadd.f32 v27, v25;
	v27 =	vmul.f32 v44, v44  }
0x5d: {  	v53 =	vmul.f32 v48, v46;
	v26 =	vadd.f32 v28, v26;
	v51 =	vadd.f32 v50, v32  }
0x5e: {  	v25 =	vadd.f32 v27, v25;
	v27 =	vmul.f32 v46, v46  }
0x5f: {  	v54 =	vmul.f32 v48, v48;
	v26 =	vadd.f32 v52, v26;
	v28 =	vadd.f32 v53, v51  }
0x60: {  	v25 =	vadd.f32 v27, v25  }
0x61: {  	v26 =	vadd.f32 v54, v26;
	[tilespmem:s26+$0xCB22] =	vst v28  }
0x62: {  	[tilespmem:s26+$0xCC32] =	vst v25  }
0x63: {  	[tilespmem:s26+$0xCD42] =	vst v26  }
0x64: {  	v25 =	vld [tilespmem:s29+$0x32C0]  }
0x65: {  	v26 =	vld [tilespmem:s29+$0x52C0]  }
0x66: {  	v27 =	vld [tilespmem:s29+$0x32D0]  }
0x67: {  	v28 =	vld [tilespmem:s29+$0x52D0]  }
0x68: {  	v55 =	vld [tilespmem:s29+$0x32E0]  }
0x69: {  	v56 =	vld [tilespmem:s29+$0x52E0]  }
0x6a: {  	v57 =	vld [tilespmem:s29+$0x32F0]  }
0x6b: {  	v59 =	vld [tilespmem:s29+$0x52F0];
	v58 =	vmul.f32 v26, v25  }
0x6c: {  	v25 =	vmul.f32 v25, v25;
	v60 =	vmul.f32 v28, v27  }
0x6d: {  	v26 =	vmul.f32 v26, v26;
	v27 =	vmul.f32 v27, v27  }
0x6e: {  	v28 =	vmul.f32 v28, v28;
	v61 =	vmul.f32 v56, v55;
	v32 =	vadd.f32 v60, v58  }
0x6f: {  	v63 =	vmul.f32 v56, v56;
	v25 =	vadd.f32 v27, v25;
	v27 =	vmul.f32 v55, v55  }
0x70: {  	v34 =	vmul.f32 v59, v57;
	v26 =	vadd.f32 v28, v26;
	v62 =	vadd.f32 v61, v32  }
0x71: {  	v25 =	vadd.f32 v27, v25;
	v27 =	vmul.f32 v57, v57  }
0x72: {  	v35 =	vmul.f32 v59, v59;
	v26 =	vadd.f32 v63, v26;
	v28 =	vadd.f32 v34, v62  }
0x73: {  	v25 =	vadd.f32 v27, v25  }
0x74: {  	v26 =	vadd.f32 v35, v26;
	[tilespmem:s26+$0xCB33] =	vst v28  }
0x75: {  	[tilespmem:s26+$0xCC43] =	vst v25  }
0x76: {  	[tilespmem:s26+$0xCD53] =	vst v26  }
0x77: {  	v25 =	vld [tilespmem:s29+$0x3300]  }
0x78: {  	v26 =	vld [tilespmem:s29+$0x5300]  }
0x79: {  	v27 =	vld [tilespmem:s29+$0x3310]  }
0x7a: {  	v28 =	vld [tilespmem:s29+$0x5310]  }
0x7b: {  	v36 =	vld [tilespmem:s29+$0x3320]  }
0x7c: {  	v37 =	vld [tilespmem:s29+$0x5320]  }
0x7d: {  	v38 =	vld [tilespmem:s29+$0x3330]  }
0x7e: {  	v40 =	vld [tilespmem:s29+$0x5330];
	v39 =	vmul.f32 v26, v25  }
0x7f: {  	v25 =	vmul.f32 v25, v25;
	v41 =	vmul.f32 v28, v27  }
0x80: {  	v26 =	vmul.f32 v26, v26;
	v27 =	vmul.f32 v27, v27  }
0x81: {  	v28 =	vmul.f32 v28, v28;
	v42 =	vmul.f32 v37, v36;
	v32 =	vadd.f32 v41, v39  }
0x82: {  	v44 =	vmul.f32 v37, v37;
	v25 =	vadd.f32 v27, v25;
	v27 =	vmul.f32 v36, v36  }
0x83: {  	v45 =	vmul.f32 v40, v38;
	v26 =	vadd.f32 v28, v26;
	v43 =	vadd.f32 v42, v32  }
0x84: {  	v25 =	vadd.f32 v27, v25;
	v27 =	vmul.f32 v38, v38  }
0x85: {  	v46 =	vmul.f32 v40, v40;
	v26 =	vadd.f32 v44, v26;
	v28 =	vadd.f32 v45, v43  }
0x86: {  	v25 =	vadd.f32 v27, v25  }
0x87: {  	s24 =	sor.u32 $0x1, s23;
	v26 =	vadd.f32 v46, v26;
	[tilespmem:s26+$0xCB44] =	vst v28  }
0x88: {  	s28 =	sshll.u32 s24, $0xA;
	[tilespmem:s26+$0xCC54] =	vst v25  }
0x89: {  	v54 =	vld [tilespmem:s28+$0x5210];
	[tilespmem:s26+$0xCD64] =	vst v26  }
0x8a: {  	v25 =	vld [tilespmem:s29+$0x3340]  }
0x8b: {  	v26 =	vld [tilespmem:s29+$0x5340]  }
0x8c: {  	v27 =	vld [tilespmem:s29+$0x3350]  }
0x8d: {  	v28 =	vld [tilespmem:s29+$0x5350]  }
0x8e: {  	v47 =	vld [tilespmem:s29+$0x3360]  }
0x8f: {  	v48 =	vld [tilespmem:s29+$0x5360]  }
0x90: {  	v49 =	vld [tilespmem:s29+$0x3370]  }
0x91: {  	v51 =	vld [tilespmem:s29+$0x5370];
	v50 =	vmul.f32 v26, v25  }
0x92: {  	v58 =	vld [tilespmem:s28+$0x5220];
	v25 =	vmul.f32 v25, v25;
	v52 =	vmul.f32 v28, v27  }
0x93: {  	v35 =	vld [tilespmem:s28+$0x3200];
	v26 =	vmul.f32 v26, v26;
	v27 =	vmul.f32 v27, v27  }
0x94: {  	v36 =	vld [tilespmem:s28+$0x5200];
	v28 =	vmul.f32 v28, v28;
	v53 =	vmul.f32 v48, v47;
	v32 =	vadd.f32 v52, v50  }
0x95: {  	v37 =	vld [tilespmem:s28+$0x3210];
	v30 =	vmul.f32 v48, v48;
	v25 =	vadd.f32 v27, v25;
	v27 =	vmul.f32 v47, v47  }
0x96: {  	v60 =	vld [tilespmem:s28+$0x3230];
	v56 =	vmul.f32 v51, v49;
	v26 =	vadd.f32 v28, v26;
	v55 =	vadd.f32 v53, v32  }
0x97: {  	v57 =	vld [tilespmem:s28+$0x3220];
	v25 =	vadd.f32 v27, v25;
	v27 =	vmul.f32 v49, v49  }
0x98: {  	v62 =	vld [tilespmem:s28+$0x5230];
	v59 =	vmul.f32 v51, v51;
	v26 =	vadd.f32 v30, v26;
	v29 =	vadd.f32 v56, v55  }
0x99: {  	v63 =	vmul.f32 v36, v36;
	v25 =	vadd.f32 v27, v25  }
0x9a: {  	v27 =	vmul.f32 v36, v35;
	v26 =	vadd.f32 v59, v26;
	v36 =	vmul.f32 v54, v37;
	[tilespmem:s26+$0xCB55] =	vst v29  }
0x9b: {  	v61 =	vmul.f32 v35, v35;
	[tilespmem:s26+$0xCC65] =	vst v25;
	v25 =	vmul.f32 v37, v37  }
0x9c: {  	v28 =	vmul.f32 v54, v54;
	[tilespmem:s26+$0xCD75] =	vst v26;
	v26 =	vadd.f32 v36, v27;
	v27 =	vmul.f32 v58, v57  }
0x9d: {  	v39 =	vmul.f32 v57, v57;
	v41 =	vmul.f32 v62, v60;
	v38 =	vld [tilespmem:s29+$0x3380];
	v25 =	vadd.f32 v25, v61  }
0x9e: {  	v28 =	vadd.f32 v28, v63;
	v42 =	vld [tilespmem:s29+$0x3390];
	v26 =	vadd.f32 v27, v26;
	v27 =	vmul.f32 v58, v58  }
0x9f: {  	v43 =	vmul.f32 v60, v60;
	v44 =	vld [tilespmem:s29+$0x5390];
	v25 =	vadd.f32 v39, v25  }
0xa0: {  	s25 =	smul.u32 $0x330, s24;
	v45 =	vmul.f32 v62, v62;
	v40 =	vld [tilespmem:s29+$0x5380];
	v27 =	vadd.f32 v27, v28;
	v26 =	vadd.f32 v41, v26  }
0xa1: {  	v46 =	vld [tilespmem:s29+$0x33A0];
	v25 =	vadd.f32 v43, v25  }
0xa2: {  	v47 =	vld [tilespmem:s29+$0x53A0];
	v27 =	vadd.f32 v45, v27;
	[tilespmem:s25+$0xCB00] =	vst v26  }
0xa3: {  	v49 =	vld [tilespmem:s29+$0x53B0];
	[tilespmem:s25+$0xCC10] =	vst v25  }
0xa4: {  	v26 =	vld [tilespmem:s29+$0x33B0];
	v48 =	vmul.f32 v38, v38;
	v50 =	vmul.f32 v44, v42;
	[tilespmem:s25+$0xCD20] =	vst v27  }
0xa5: {  	v34 =	vmul.f32 v42, v42;
	v32 =	vmul.f32 v44, v44;
	v51 =	vld [tilespmem:s28+$0x3240]  }
0xa6: {  	v25 =	vmul.f32 v40, v38;
	v27 =	vmul.f32 v40, v40;
	v52 =	vld [tilespmem:s28+$0x5240]  }
0xa7: {  	v53 =	vmul.f32 v47, v46;
	v31 =	vmul.f32 v46, v46;
	v28 =	vadd.f32 v34, v48;
	v54 =	vld [tilespmem:s28+$0x3250]  }
0xa8: {  	v29 =	vmul.f32 v47, v47;
	v55 =	vld [tilespmem:s28+$0x5250];
	v25 =	vadd.f32 v50, v25;
	v27 =	vadd.f32 v32, v27  }
0xa9: {  	v57 =	vld [tilespmem:s28+$0x3260];
	v28 =	vadd.f32 v31, v28;
	v56 =	vmul.f32 v49, v26;
	v26 =	vmul.f32 v26, v26  }
0xaa: {  	v58 =	vld [tilespmem:s28+$0x5260];
	v25 =	vadd.f32 v53, v25  }
0xab: {  	v59 =	vmul.f32 v49, v49;
	v60 =	vld [tilespmem:s28+$0x3270];
	v27 =	vadd.f32 v29, v27;
	v26 =	vadd.f32 v26, v28  }
0xac: {  	v63 =	vld [tilespmem:s28+$0x5270];
	v25 =	vadd.f32 v56, v25;
	v61 =	vmul.f32 v52, v51  }
0xad: {  	v62 =	vmul.f32 v51, v51;
	v27 =	vadd.f32 v59, v27;
	v36 =	vmul.f32 v55, v54;
	[tilespmem:s26+$0xCC76] =	vst v26  }
0xae: {  	v32 =	vmul.f32 v55, v55;
	v26 =	vmul.f32 v54, v54;
	[tilespmem:s26+$0xCB66] =	vst v25  }
0xaf: {  	v38 =	vmul.f32 v58, v57;
	v25 =	vmul.f32 v52, v52;
	[tilespmem:s26+$0xCD86] =	vst v27;
	v27 =	vadd.f32 v36, v61  }
0xb0: {  	v40 =	vmul.f32 v57, v57;
	v42 =	vmul.f32 v58, v58;
	v39 =	vld [tilespmem:s29+$0x33C0];
	v26 =	vadd.f32 v26, v62  }
0xb1: {  	v43 =	vmul.f32 v63, v60;
	v41 =	vld [tilespmem:s29+$0x53C0];
	v25 =	vadd.f32 v32, v25;
	v27 =	vadd.f32 v38, v27  }
0xb2: {  	v30 =	vmul.f32 v60, v60;
	v44 =	vld [tilespmem:s29+$0x33D0];
	v26 =	vadd.f32 v40, v26  }
0xb3: {  	v46 =	vmul.f32 v63, v63;
	v45 =	vld [tilespmem:s29+$0x53D0];
	v25 =	vadd.f32 v42, v25;
	v27 =	vadd.f32 v43, v27  }
0xb4: {  	v47 =	vld [tilespmem:s29+$0x33E0];
	v26 =	vadd.f32 v30, v26  }
0xb5: {  	v48 =	vld [tilespmem:s29+$0x53E0];
	v25 =	vadd.f32 v46, v25;
	[tilespmem:s25+$0xCB11] =	vst v27  }
0xb6: {  	v50 =	vld [tilespmem:s29+$0x53F0];
	[tilespmem:s25+$0xCC21] =	vst v26  }
0xb7: {  	v27 =	vld [tilespmem:s29+$0x33F0];
	v49 =	vmul.f32 v39, v39;
	[tilespmem:s25+$0xCD31] =	vst v25  }
0xb8: {  	v51 =	vmul.f32 v45, v44;
	v26 =	vmul.f32 v41, v39;
	v52 =	vld [tilespmem:s28+$0x3280]  }
0xb9: {  	v34 =	vmul.f32 v44, v44;
	v32 =	vmul.f32 v45, v45;
	v53 =	vld [tilespmem:s28+$0x5280]  }
0xba: {  	v54 =	vmul.f32 v48, v47;
	v25 =	vmul.f32 v41, v41;
	v26 =	vadd.f32 v51, v26;
	v55 =	vld [tilespmem:s28+$0x3290]  }
0xbb: {  	v31 =	vmul.f32 v47, v47;
	v30 =	vmul.f32 v48, v48;
	v28 =	vadd.f32 v34, v49;
	v56 =	vld [tilespmem:s28+$0x5290]  }
0xbc: {  	v58 =	vld [tilespmem:s28+$0x32A0];
	v25 =	vadd.f32 v32, v25;
	v26 =	vadd.f32 v54, v26;
	v57 =	vmul.f32 v50, v27  }
0xbd: {  	v59 =	vld [tilespmem:s28+$0x52A0];
	v28 =	vadd.f32 v31, v28;
	v27 =	vmul.f32 v27, v27  }
0xbe: {  	v29 =	vmul.f32 v50, v50;
	v60 =	vld [tilespmem:s28+$0x32B0];
	v25 =	vadd.f32 v30, v25;
	v26 =	vadd.f32 v57, v26  }
0xbf: {  	v63 =	vld [tilespmem:s28+$0x52B0];
	v27 =	vadd.f32 v27, v28;
	v61 =	vmul.f32 v53, v52  }
0xc0: {  	v62 =	vmul.f32 v52, v52;
	v25 =	vadd.f32 v29, v25;
	v36 =	vmul.f32 v56, v55;
	[tilespmem:s26+$0xCB77] =	vst v26  }
0xc1: {  	v32 =	vmul.f32 v56, v56;
	[tilespmem:s26+$0xCC87] =	vst v27;
	v27 =	vmul.f32 v55, v55  }
0xc2: {  	v38 =	vmul.f32 v59, v58;
	v26 =	vmul.f32 v53, v53;
	[tilespmem:s26+$0xCD97] =	vst v25;
	v25 =	vadd.f32 v36, v61  }
0xc3: {  	v40 =	vmul.f32 v58, v58;
	v42 =	vmul.f32 v59, v59;
	v39 =	vld [tilespmem:s29+$0x3400];
	v27 =	vadd.f32 v27, v62  }
0xc4: {  	v43 =	vmul.f32 v63, v60;
	v26 =	vadd.f32 v32, v26;
	v41 =	vld [tilespmem:s29+$0x5400];
	v25 =	vadd.f32 v38, v25  }
0xc5: {  	v30 =	vmul.f32 v60, v60;
	v44 =	vld [tilespmem:s29+$0x3410];
	v27 =	vadd.f32 v40, v27  }
0xc6: {  	v46 =	vmul.f32 v63, v63;
	v45 =	vld [tilespmem:s29+$0x5410];
	v26 =	vadd.f32 v42, v26;
	v25 =	vadd.f32 v43, v25  }
0xc7: {  	v47 =	vld [tilespmem:s29+$0x3420];
	v27 =	vadd.f32 v30, v27  }
0xc8: {  	v48 =	vld [tilespmem:s29+$0x5420];
	v26 =	vadd.f32 v46, v26;
	[tilespmem:s25+$0xCB22] =	vst v25  }
0xc9: {  	v50 =	vld [tilespmem:s29+$0x5430];
	[tilespmem:s25+$0xCC32] =	vst v27  }
0xca: {  	v25 =	vld [tilespmem:s29+$0x3430];
	v49 =	vmul.f32 v39, v39;
	[tilespmem:s25+$0xCD42] =	vst v26  }
0xcb: {  	v51 =	vmul.f32 v45, v44;
	v27 =	vmul.f32 v41, v39;
	v52 =	vld [tilespmem:s28+$0x32C0]  }
0xcc: {  	v34 =	vmul.f32 v44, v44;
	v32 =	vmul.f32 v45, v45;
	v53 =	vld [tilespmem:s28+$0x52C0]  }
0xcd: {  	v54 =	vmul.f32 v48, v47;
	v26 =	vmul.f32 v41, v41;
	v55 =	vld [tilespmem:s28+$0x32D0];
	v27 =	vadd.f32 v51, v27  }
0xce: {  	v31 =	vmul.f32 v47, v47;
	v30 =	vmul.f32 v48, v48;
	v28 =	vadd.f32 v34, v49;
	v56 =	vld [tilespmem:s28+$0x52D0]  }
0xcf: {  	v58 =	vld [tilespmem:s28+$0x32E0];
	v26 =	vadd.f32 v32, v26;
	v27 =	vadd.f32 v54, v27;
	v57 =	vmul.f32 v50, v25  }
0xd0: {  	v59 =	vld [tilespmem:s28+$0x52E0];
	v28 =	vadd.f32 v31, v28;
	v25 =	vmul.f32 v25, v25  }
0xd1: {  	v29 =	vmul.f32 v50, v50;
	v60 =	vld [tilespmem:s28+$0x32F0];
	v26 =	vadd.f32 v30, v26;
	v27 =	vadd.f32 v57, v27  }
0xd2: {  	v63 =	vld [tilespmem:s28+$0x52F0];
	v25 =	vadd.f32 v25, v28;
	v61 =	vmul.f32 v53, v52  }
0xd3: {  	v62 =	vmul.f32 v52, v52;
	v26 =	vadd.f32 v29, v26;
	v36 =	vmul.f32 v56, v55;
	[tilespmem:s26+$0xCB88] =	vst v27  }
0xd4: {  	v32 =	vmul.f32 v56, v56;
	[tilespmem:s26+$0xCC98] =	vst v25;
	v25 =	vmul.f32 v55, v55  }
0xd5: {  	v38 =	vmul.f32 v59, v58;
	v27 =	vmul.f32 v53, v53;
	[tilespmem:s26+$0xCDA8] =	vst v26;
	v26 =	vadd.f32 v36, v61  }
0xd6: {  	v40 =	vmul.f32 v58, v58;
	v42 =	vmul.f32 v59, v59;
	v39 =	vld [tilespmem:s29+$0x3440];
	v25 =	vadd.f32 v25, v62  }
0xd7: {  	v43 =	vmul.f32 v63, v60;
	v44 =	vld [tilespmem:s29+$0x3450];
	v27 =	vadd.f32 v32, v27;
	v26 =	vadd.f32 v38, v26  }
0xd8: {  	v30 =	vmul.f32 v60, v60;
	v45 =	vld [tilespmem:s29+$0x5450];
	v25 =	vadd.f32 v40, v25  }
0xd9: {  	v46 =	vmul.f32 v63, v63;
	v41 =	vld [tilespmem:s29+$0x5440];
	v27 =	vadd.f32 v42, v27;
	v26 =	vadd.f32 v43, v26  }
0xda: {  	v47 =	vld [tilespmem:s29+$0x3460];
	v25 =	vadd.f32 v30, v25  }
0xdb: {  	v48 =	vld [tilespmem:s29+$0x5460];
	v27 =	vadd.f32 v46, v27;
	[tilespmem:s25+$0xCB33] =	vst v26  }
0xdc: {  	v50 =	vld [tilespmem:s29+$0x5470];
	[tilespmem:s25+$0xCC43] =	vst v25  }
0xdd: {  	v26 =	vld [tilespmem:s29+$0x3470];
	v49 =	vmul.f32 v39, v39;
	v51 =	vmul.f32 v45, v44;
	[tilespmem:s25+$0xCD53] =	vst v27  }
0xde: {  	v34 =	vmul.f32 v44, v44;
	v32 =	vmul.f32 v45, v45;
	v52 =	vld [tilespmem:s28+$0x3300]  }
0xdf: {  	v25 =	vmul.f32 v41, v39;
	v27 =	vmul.f32 v41, v41;
	v53 =	vld [tilespmem:s28+$0x5300]  }
0xe0: {  	v54 =	vmul.f32 v48, v47;
	v31 =	vmul.f32 v47, v47;
	v28 =	vadd.f32 v34, v49;
	v55 =	vld [tilespmem:s28+$0x3310]  }
0xe1: {  	v30 =	vmul.f32 v48, v48;
	v56 =	vld [tilespmem:s28+$0x5310];
	v25 =	vadd.f32 v51, v25;
	v27 =	vadd.f32 v32, v27  }
0xe2: {  	v58 =	vld [tilespmem:s28+$0x3320];
	v28 =	vadd.f32 v31, v28;
	v57 =	vmul.f32 v50, v26;
	v26 =	vmul.f32 v26, v26  }
0xe3: {  	v59 =	vld [tilespmem:s28+$0x5320];
	v25 =	vadd.f32 v54, v25  }
0xe4: {  	v29 =	vmul.f32 v50, v50;
	v60 =	vld [tilespmem:s28+$0x3330];
	v27 =	vadd.f32 v30, v27;
	v26 =	vadd.f32 v26, v28  }
0xe5: {  	v63 =	vld [tilespmem:s28+$0x5330];
	v25 =	vadd.f32 v57, v25;
	v61 =	vmul.f32 v53, v52  }
0xe6: {  	v62 =	vmul.f32 v52, v52;
	v27 =	vadd.f32 v29, v27;
	v36 =	vmul.f32 v56, v55;
	[tilespmem:s26+$0xCCA9] =	vst v26  }
0xe7: {  	v32 =	vmul.f32 v56, v56;
	v26 =	vmul.f32 v55, v55;
	[tilespmem:s26+$0xCB99] =	vst v25  }
0xe8: {  	v38 =	vmul.f32 v59, v58;
	v25 =	vmul.f32 v53, v53;
	[tilespmem:s26+$0xCDB9] =	vst v27;
	v27 =	vadd.f32 v36, v61  }
0xe9: {  	v40 =	vmul.f32 v58, v58;
	v42 =	vmul.f32 v59, v59;
	v39 =	vld [tilespmem:s29+$0x3480];
	v26 =	vadd.f32 v26, v62  }
0xea: {  	v43 =	vmul.f32 v63, v60;
	v41 =	vld [tilespmem:s29+$0x5480];
	v25 =	vadd.f32 v32, v25;
	v27 =	vadd.f32 v38, v27  }
0xeb: {  	v30 =	vmul.f32 v60, v60;
	v44 =	vld [tilespmem:s29+$0x3490];
	v26 =	vadd.f32 v40, v26  }
0xec: {  	v46 =	vmul.f32 v63, v63;
	v45 =	vld [tilespmem:s29+$0x5490];
	v25 =	vadd.f32 v42, v25;
	v27 =	vadd.f32 v43, v27  }
0xed: {  	v47 =	vld [tilespmem:s29+$0x34A0];
	v26 =	vadd.f32 v30, v26  }
0xee: {  	v48 =	vld [tilespmem:s29+$0x54A0];
	v25 =	vadd.f32 v46, v25;
	[tilespmem:s25+$0xCB44] =	vst v27  }
0xef: {  	v50 =	vld [tilespmem:s29+$0x54B0];
	[tilespmem:s25+$0xCC54] =	vst v26  }
0xf0: {  	v27 =	vld [tilespmem:s29+$0x34B0];
	v49 =	vmul.f32 v39, v39;
	[tilespmem:s25+$0xCD64] =	vst v25  }
0xf1: {  	v51 =	vmul.f32 v45, v44;
	v26 =	vmul.f32 v41, v39;
	v52 =	vld [tilespmem:s28+$0x3340]  }
0xf2: {  	v34 =	vmul.f32 v44, v44;
	v32 =	vmul.f32 v45, v45;
	v53 =	vld [tilespmem:s28+$0x5340]  }
0xf3: {  	v54 =	vmul.f32 v48, v47;
	v25 =	vmul.f32 v41, v41;
	v26 =	vadd.f32 v51, v26;
	v55 =	vld [tilespmem:s28+$0x3350]  }
0xf4: {  	v31 =	vmul.f32 v47, v47;
	v30 =	vmul.f32 v48, v48;
	v28 =	vadd.f32 v34, v49;
	v56 =	vld [tilespmem:s28+$0x5350]  }
0xf5: {  	v58 =	vld [tilespmem:s28+$0x3360];
	v25 =	vadd.f32 v32, v25;
	v26 =	vadd.f32 v54, v26;
	v57 =	vmul.f32 v50, v27  }
0xf6: {  	v59 =	vld [tilespmem:s28+$0x5360];
	v28 =	vadd.f32 v31, v28;
	v27 =	vmul.f32 v27, v27  }
0xf7: {  	v29 =	vmul.f32 v50, v50;
	v60 =	vld [tilespmem:s28+$0x3370];
	v25 =	vadd.f32 v30, v25;
	v26 =	vadd.f32 v57, v26  }
0xf8: {  	v63 =	vld [tilespmem:s28+$0x5370];
	v27 =	vadd.f32 v27, v28;
	v61 =	vmul.f32 v53, v52  }
0xf9: {  	v62 =	vmul.f32 v52, v52;
	v25 =	vadd.f32 v29, v25;
	v36 =	vmul.f32 v56, v55;
	[tilespmem:s26+$0xCBAA] =	vst v26  }
0xfa: {  	v32 =	vmul.f32 v56, v56;
	[tilespmem:s26+$0xCCBA] =	vst v27;
	v27 =	vmul.f32 v55, v55  }
0xfb: {  	v38 =	vmul.f32 v59, v58;
	v26 =	vmul.f32 v53, v53;
	[tilespmem:s26+$0xCDCA] =	vst v25;
	v25 =	vadd.f32 v36, v61  }
0xfc: {  	v40 =	vmul.f32 v58, v58;
	v42 =	vmul.f32 v59, v59;
	v39 =	vld [tilespmem:s29+$0x34C0];
	v27 =	vadd.f32 v27, v62  }
0xfd: {  	v43 =	vmul.f32 v63, v60;
	v26 =	vadd.f32 v32, v26;
	v41 =	vld [tilespmem:s29+$0x54C0];
	v25 =	vadd.f32 v38, v25  }
0xfe: {  	v30 =	vmul.f32 v60, v60;
	v44 =	vld [tilespmem:s29+$0x34D0];
	v27 =	vadd.f32 v40, v27  }
0xff: {  	v46 =	vmul.f32 v63, v63;
	v45 =	vld [tilespmem:s29+$0x54D0];
	v26 =	vadd.f32 v42, v26;
	v25 =	vadd.f32 v43, v25  }
0x100: {  	v47 =	vld [tilespmem:s29+$0x34E0];
	v27 =	vadd.f32 v30, v27  }
0x101: {  	v48 =	vld [tilespmem:s29+$0x54E0];
	v26 =	vadd.f32 v46, v26;
	[tilespmem:s25+$0xCB55] =	vst v25  }
0x102: {  	v50 =	vld [tilespmem:s29+$0x54F0];
	[tilespmem:s25+$0xCC65] =	vst v27  }
0x103: {  	v25 =	vld [tilespmem:s29+$0x34F0];
	v49 =	vmul.f32 v39, v39;
	[tilespmem:s25+$0xCD75] =	vst v26  }
0x104: {  	v51 =	vmul.f32 v45, v44;
	v27 =	vmul.f32 v41, v39;
	v52 =	vld [tilespmem:s28+$0x3380]  }
0x105: {  	v34 =	vmul.f32 v44, v44;
	v32 =	vmul.f32 v45, v45;
	v53 =	vld [tilespmem:s28+$0x5380]  }
0x106: {  	v54 =	vmul.f32 v48, v47;
	v26 =	vmul.f32 v41, v41;
	v55 =	vld [tilespmem:s28+$0x3390];
	v27 =	vadd.f32 v51, v27  }
0x107: {  	v31 =	vmul.f32 v47, v47;
	v30 =	vmul.f32 v48, v48;
	v28 =	vadd.f32 v34, v49;
	v56 =	vld [tilespmem:s28+$0x5390]  }
0x108: {  	v58 =	vld [tilespmem:s28+$0x33A0];
	v26 =	vadd.f32 v32, v26;
	v27 =	vadd.f32 v54, v27;
	v57 =	vmul.f32 v50, v25  }
0x109: {  	v59 =	vld [tilespmem:s28+$0x53A0];
	v28 =	vadd.f32 v31, v28;
	v25 =	vmul.f32 v25, v25  }
0x10a: {  	v29 =	vmul.f32 v50, v50;
	v60 =	vld [tilespmem:s28+$0x33B0];
	v26 =	vadd.f32 v30, v26;
	v27 =	vadd.f32 v57, v27  }
0x10b: {  	v63 =	vld [tilespmem:s28+$0x53B0];
	v25 =	vadd.f32 v25, v28;
	v61 =	vmul.f32 v53, v52  }
0x10c: {  	v62 =	vmul.f32 v52, v52;
	v26 =	vadd.f32 v29, v26;
	v36 =	vmul.f32 v56, v55;
	[tilespmem:s26+$0xCBBB] =	vst v27  }
0x10d: {  	v32 =	vmul.f32 v56, v56;
	[tilespmem:s26+$0xCCCB] =	vst v25;
	v25 =	vmul.f32 v55, v55  }
0x10e: {  	v38 =	vmul.f32 v59, v58;
	v27 =	vmul.f32 v53, v53;
	[tilespmem:s26+$0xCDDB] =	vst v26;
	v26 =	vadd.f32 v36, v61  }
0x10f: {  	v40 =	vmul.f32 v58, v58;
	v42 =	vmul.f32 v59, v59;
	v39 =	vld [tilespmem:s29+$0x3500];
	v25 =	vadd.f32 v25, v62  }
0x110: {  	v43 =	vmul.f32 v63, v60;
	v44 =	vld [tilespmem:s29+$0x3510];
	v27 =	vadd.f32 v32, v27;
	v26 =	vadd.f32 v38, v26  }
0x111: {  	v30 =	vmul.f32 v60, v60;
	v45 =	vld [tilespmem:s29+$0x5510];
	v25 =	vadd.f32 v40, v25  }
0x112: {  	v46 =	vmul.f32 v63, v63;
	v41 =	vld [tilespmem:s29+$0x5500];
	v27 =	vadd.f32 v42, v27;
	v26 =	vadd.f32 v43, v26  }
0x113: {  	v47 =	vld [tilespmem:s29+$0x3520];
	v25 =	vadd.f32 v30, v25  }
0x114: {  	v48 =	vld [tilespmem:s29+$0x5520];
	v27 =	vadd.f32 v46, v27;
	[tilespmem:s25+$0xCB66] =	vst v26  }
0x115: {  	v50 =	vld [tilespmem:s29+$0x5530];
	[tilespmem:s25+$0xCC76] =	vst v25  }
0x116: {  	v26 =	vld [tilespmem:s29+$0x3530];
	v49 =	vmul.f32 v39, v39;
	v51 =	vmul.f32 v45, v44;
	[tilespmem:s25+$0xCD86] =	vst v27  }
0x117: {  	v34 =	vmul.f32 v44, v44;
	v32 =	vmul.f32 v45, v45;
	v52 =	vld [tilespmem:s28+$0x33C0]  }
0x118: {  	v25 =	vmul.f32 v41, v39;
	v27 =	vmul.f32 v41, v41;
	v53 =	vld [tilespmem:s28+$0x53C0]  }
0x119: {  	v54 =	vmul.f32 v48, v47;
	v31 =	vmul.f32 v47, v47;
	v28 =	vadd.f32 v34, v49;
	v55 =	vld [tilespmem:s28+$0x33D0]  }
0x11a: {  	v30 =	vmul.f32 v48, v48;
	v56 =	vld [tilespmem:s28+$0x53D0];
	v25 =	vadd.f32 v51, v25;
	v27 =	vadd.f32 v32, v27  }
0x11b: {  	v58 =	vld [tilespmem:s28+$0x33E0];
	v28 =	vadd.f32 v31, v28;
	v57 =	vmul.f32 v50, v26;
	v26 =	vmul.f32 v26, v26  }
0x11c: {  	v59 =	vld [tilespmem:s28+$0x53E0];
	v25 =	vadd.f32 v54, v25  }
0x11d: {  	v29 =	vmul.f32 v50, v50;
	v60 =	vld [tilespmem:s28+$0x33F0];
	v27 =	vadd.f32 v30, v27;
	v26 =	vadd.f32 v26, v28  }
0x11e: {  	v63 =	vld [tilespmem:s28+$0x53F0];
	v25 =	vadd.f32 v57, v25;
	v61 =	vmul.f32 v53, v52  }
0x11f: {  	v62 =	vmul.f32 v52, v52;
	v27 =	vadd.f32 v29, v27;
	v36 =	vmul.f32 v56, v55;
	[tilespmem:s26+$0xCCDC] =	vst v26  }
0x120: {  	v32 =	vmul.f32 v56, v56;
	v26 =	vmul.f32 v55, v55;
	[tilespmem:s26+$0xCBCC] =	vst v25  }
0x121: {  	v38 =	vmul.f32 v59, v58;
	v25 =	vmul.f32 v53, v53;
	[tilespmem:s26+$0xCDEC] =	vst v27;
	v27 =	vadd.f32 v36, v61  }
0x122: {  	v40 =	vmul.f32 v58, v58;
	v42 =	vmul.f32 v59, v59;
	v39 =	vld [tilespmem:s29+$0x3540];
	v26 =	vadd.f32 v26, v62  }
0x123: {  	v43 =	vmul.f32 v63, v60;
	v41 =	vld [tilespmem:s29+$0x5540];
	v25 =	vadd.f32 v32, v25;
	v27 =	vadd.f32 v38, v27  }
0x124: {  	v30 =	vmul.f32 v60, v60;
	v44 =	vld [tilespmem:s29+$0x3550];
	v26 =	vadd.f32 v40, v26  }
0x125: {  	v46 =	vmul.f32 v63, v63;
	v45 =	vld [tilespmem:s29+$0x5550];
	v25 =	vadd.f32 v42, v25;
	v27 =	vadd.f32 v43, v27  }
0x126: {  	v47 =	vld [tilespmem:s29+$0x3560];
	v26 =	vadd.f32 v30, v26  }
0x127: {  	v48 =	vld [tilespmem:s29+$0x5560];
	v25 =	vadd.f32 v46, v25;
	[tilespmem:s25+$0xCB77] =	vst v27  }
0x128: {  	v50 =	vld [tilespmem:s29+$0x5570];
	[tilespmem:s25+$0xCC87] =	vst v26  }
0x129: {  	v27 =	vld [tilespmem:s29+$0x3570];
	v49 =	vmul.f32 v39, v39;
	[tilespmem:s25+$0xCD97] =	vst v25  }
0x12a: {  	v51 =	vmul.f32 v45, v44;
	v26 =	vmul.f32 v41, v39;
	v52 =	vld [tilespmem:s28+$0x3400]  }
0x12b: {  	v34 =	vmul.f32 v44, v44;
	v32 =	vmul.f32 v45, v45;
	v53 =	vld [tilespmem:s28+$0x5400]  }
0x12c: {  	v54 =	vmul.f32 v48, v47;
	v25 =	vmul.f32 v41, v41;
	v26 =	vadd.f32 v51, v26;
	v55 =	vld [tilespmem:s28+$0x3410]  }
0x12d: {  	v31 =	vmul.f32 v47, v47;
	v30 =	vmul.f32 v48, v48;
	v28 =	vadd.f32 v34, v49;
	v56 =	vld [tilespmem:s28+$0x5410]  }
0x12e: {  	v58 =	vld [tilespmem:s28+$0x3420];
	v25 =	vadd.f32 v32, v25;
	v26 =	vadd.f32 v54, v26;
	v57 =	vmul.f32 v50, v27  }
0x12f: {  	v59 =	vld [tilespmem:s28+$0x5420];
	v28 =	vadd.f32 v31, v28;
	v27 =	vmul.f32 v27, v27  }
0x130: {  	v29 =	vmul.f32 v50, v50;
	v60 =	vld [tilespmem:s28+$0x3430];
	v25 =	vadd.f32 v30, v25;
	v26 =	vadd.f32 v57, v26  }
0x131: {  	v63 =	vld [tilespmem:s28+$0x5430];
	v27 =	vadd.f32 v27, v28;
	v61 =	vmul.f32 v53, v52  }
0x132: {  	v62 =	vmul.f32 v52, v52;
	v25 =	vadd.f32 v29, v25;
	v38 =	vmul.f32 v56, v55;
	[tilespmem:s26+$0xCBDD] =	vst v26  }
0x133: {  	v32 =	vmul.f32 v56, v56;
	[tilespmem:s26+$0xCCED] =	vst v27;
	v27 =	vmul.f32 v55, v55  }
0x134: {  	v39 =	vmul.f32 v59, v58;
	v26 =	vmul.f32 v53, v53;
	[tilespmem:s26+$0xCDFD] =	vst v25;
	v25 =	vadd.f32 v38, v61  }
0x135: {  	v41 =	vmul.f32 v58, v58;
	v43 =	vmul.f32 v59, v59;
	v40 =	vld [tilespmem:s29+$0x3580];
	v27 =	vadd.f32 v27, v62  }
0x136: {  	v44 =	vmul.f32 v63, v60;
	v26 =	vadd.f32 v32, v26;
	v42 =	vld [tilespmem:s29+$0x5580];
	v25 =	vadd.f32 v39, v25  }
0x137: {  	v30 =	vmul.f32 v60, v60;
	v45 =	vld [tilespmem:s29+$0x3590];
	v27 =	vadd.f32 v41, v27  }
0x138: {  	v47 =	vmul.f32 v63, v63;
	v46 =	vld [tilespmem:s29+$0x5590];
	v26 =	vadd.f32 v43, v26;
	v25 =	vadd.f32 v44, v25  }
0x139: {  	v48 =	vld [tilespmem:s29+$0x35A0];
	v27 =	vadd.f32 v30, v27  }
0x13a: {  	v49 =	vld [tilespmem:s29+$0x55A0];
	v26 =	vadd.f32 v47, v26;
	[tilespmem:s25+$0xCB88] =	vst v25  }
0x13b: {  	v51 =	vld [tilespmem:s29+$0x55B0];
	[tilespmem:s25+$0xCC98] =	vst v27  }
0x13c: {  	v25 =	vld [tilespmem:s29+$0x35B0];
	v50 =	vmul.f32 v40, v40;
	[tilespmem:s25+$0xCDA8] =	vst v26  }
0x13d: {  	v52 =	vmul.f32 v46, v45;
	v27 =	vmul.f32 v42, v40;
	v53 =	vld [tilespmem:s28+$0x3440]  }
0x13e: {  	v34 =	vmul.f32 v45, v45;
	v32 =	vmul.f32 v46, v46;
	v54 =	vld [tilespmem:s28+$0x5440]  }
0x13f: {  	v55 =	vmul.f32 v49, v48;
	v26 =	vmul.f32 v42, v42;
	v56 =	vld [tilespmem:s28+$0x3450];
	v27 =	vadd.f32 v52, v27  }
0x140: {  	v31 =	vmul.f32 v48, v48;
	v30 =	vmul.f32 v49, v49;
	v28 =	vadd.f32 v34, v50;
	v57 =	vld [tilespmem:s28+$0x5450]  }
0x141: {  	v59 =	vld [tilespmem:s28+$0x3460];
	v26 =	vadd.f32 v32, v26;
	v27 =	vadd.f32 v55, v27;
	v58 =	vmul.f32 v51, v25  }
0x142: {  	v60 =	vld [tilespmem:s28+$0x5460];
	v28 =	vadd.f32 v31, v28;
	v25 =	vmul.f32 v25, v25  }
0x143: {  	v29 =	vmul.f32 v51, v51;
	v61 =	vld [tilespmem:s28+$0x3470];
	v26 =	vadd.f32 v30, v26;
	v27 =	vadd.f32 v58, v27  }
0x144: {  	v38 =	vld [tilespmem:s28+$0x5470];
	v25 =	vadd.f32 v25, v28;
	v62 =	vmul.f32 v54, v53  }
0x145: {  	v63 =	vmul.f32 v53, v53;
	v26 =	vadd.f32 v29, v26;
	v39 =	vmul.f32 v57, v56;
	[tilespmem:s26+$0xCBEE] =	vst v27  }
0x146: {  	v32 =	vmul.f32 v57, v57;
	[tilespmem:s26+$0xCCFE] =	vst v25;
	v25 =	vmul.f32 v56, v56  }
0x147: {  	v40 =	vmul.f32 v60, v59;
	v27 =	vmul.f32 v54, v54;
	[tilespmem:s26+$0xCE0E] =	vst v26;
	v26 =	vadd.f32 v39, v62  }
0x148: {  	v42 =	vmul.f32 v59, v59;
	v44 =	vmul.f32 v60, v60;
	v41 =	vld [tilespmem:s29+$0x35C0];
	v25 =	vadd.f32 v25, v63  }
0x149: {  	v45 =	vmul.f32 v38, v61;
	v43 =	vld [tilespmem:s29+$0x55C0];
	v27 =	vadd.f32 v32, v27;
	v26 =	vadd.f32 v40, v26  }
0x14a: {  	v30 =	vmul.f32 v61, v61;
	v46 =	vld [tilespmem:s29+$0x35D0];
	v25 =	vadd.f32 v42, v25  }
0x14b: {  	v48 =	vmul.f32 v38, v38;
	v47 =	vld [tilespmem:s29+$0x55D0];
	v27 =	vadd.f32 v44, v27;
	v26 =	vadd.f32 v45, v26  }
0x14c: {  	v49 =	vld [tilespmem:s29+$0x35E0];
	v25 =	vadd.f32 v30, v25  }
0x14d: {  	v50 =	vld [tilespmem:s29+$0x55E0];
	v27 =	vadd.f32 v48, v27;
	[tilespmem:s25+$0xCB99] =	vst v26  }
0x14e: {  	v52 =	vld [tilespmem:s29+$0x55F0];
	[tilespmem:s25+$0xCCA9] =	vst v25  }
0x14f: {  	v26 =	vld [tilespmem:s29+$0x35F0];
	[tilespmem:s25+$0xCDB9] =	vst v27  }
0x150: {  	v54 =	vld [tilespmem:s28+$0x3480]  }
0x151: {  	v55 =	vld [tilespmem:s28+$0x5480]  }
0x152: {  	v51 =	vmul.f32 v41, v41;
	v34 =	vmul.f32 v46, v46;
	v57 =	vld [tilespmem:s28+$0x3490]  }
0x153: {  	v32 =	vmul.f32 v47, v47;
	v27 =	vmul.f32 v43, v43;
	v58 =	vld [tilespmem:s28+$0x5490]  }
0x154: {  	v53 =	vmul.f32 v47, v46;
	v31 =	vmul.f32 v49, v49;
	v28 =	vadd.f32 v34, v51;
	v60 =	vld [tilespmem:s28+$0x34A0]  }
0x155: {  	v30 =	vmul.f32 v50, v50;
	v29 =	vmul.f32 v52, v52;
	v61 =	vld [tilespmem:s28+$0x54A0];
	v27 =	vadd.f32 v32, v27  }
0x156: {  	v62 =	vld [tilespmem:s28+$0x34B0];
	v28 =	vadd.f32 v31, v28;
	v59 =	vmul.f32 v52, v26;
	v26 =	vmul.f32 v26, v26  }
0x157: {  	v25 =	vmul.f32 v43, v41;
	v41 =	vld [tilespmem:s28+$0x54B0];
	v27 =	vadd.f32 v30, v27;
	v63 =	vmul.f32 v55, v54  }
0x158: {  	v26 =	vadd.f32 v26, v28;
	v40 =	vmul.f32 v54, v54;
	v43 =	vmul.f32 v58, v57  }
0x159: {  	v27 =	vadd.f32 v29, v27;
	v42 =	vmul.f32 v55, v55;
	v37 =	vmul.f32 v57, v57  }
0x15a: {  	v32 =	vmul.f32 v58, v58;
	v44 =	vmul.f32 v61, v60;
	v28 =	vadd.f32 v43, v63  }
0x15b: {  	v45 =	vmul.f32 v60, v60;
	v31 =	vmul.f32 v61, v61;
	v33 =	vadd.f32 v37, v40  }
0x15c: {  	v46 =	vmul.f32 v41, v62;
	v29 =	vadd.f32 v32, v42;
	v28 =	vadd.f32 v44, v28  }
0x15d: {  	v30 =	vmul.f32 v62, v62;
	v32 =	vadd.f32 v45, v33  }
0x15e: {  	v47 =	vmul.f32 v41, v41;
	[tilespmem:s26+$0xCD0F] =	vst v26;
	v26 =	vadd.f32 v31, v29;
	v28 =	vadd.f32 v46, v28  }
0x15f: {  	[tilespmem:s26+$0xCE1F] =	vst v27;
	v27 =	vadd.f32 v30, v32  }
0x160: {  	v26 =	vadd.f32 v47, v26;
	[tilespmem:s25+$0xCBAA] =	vst v28  }
0x161: {  	v56 =	vmul.f32 v50, v49;
	v25 =	vadd.f32 v53, v25;
	[tilespmem:s25+$0xCCBA] =	vst v27  }
0x162: {  	v27 =	vadd.s32 s26, v2;
	[tilespmem:s25+$0xCDCA] =	vst v26  }
0x163: {  	v38 =	vadd.s32 s26, v0;
	v25 =	vadd.f32 v56, v25;
	v26 =	vand.u32 $0x3FF8, v27;
	v27 =	vld [tilespmem:s28+$0x34C0]  }
0x164: {  	s30 =	sadd.s32 $0x110, s26;
	v38 =	vand.u32 $0x3FF8, v38;
	v48 =	vadd.s32 s26, v4;
	v49 =	vadd.s32 s26, v6;
	v50 =	vld [tilespmem:s28+$0x54C0]  }
0x165: {  	v51 =	vadd.s32 s30, v0;
	v25 =	vadd.f32 v59, v25;
	v54 =	vadd.s32 s30, v2;
	v52 =	vld [tilespmem:s28+$0x34D0]  }
0x166: {  	s31 =	sadd.s32 $0x220, s26;
	v55 =	vadd.s32 s30, v4;
	v57 =	vadd.s32 s30, v6;
	v34 =	vand.u32 $0x7FF8, v54;
	v53 =	vld [tilespmem:s28+$0x54D0]  }
0x167: {  	v35 =	vand.u32 $0x7FF8, v55;
	v54 =	vadd.s32 s31, v0;
	[tilespmem:s26+$0xCBFF] =	vst v25;
	v25 =	vor.u32 v1, v38;
	v56 =	vld [tilespmem:s28+$0x34E0]  }
0x168: {  	v34 =	vor.u32 v3, v34;
	v37 =	vand.u32 $0x7FF8, v57;
	v29 =	vand.u32 $0x3FF8, v49;
	v58 =	vld [tilespmem:s28+$0x54E0]  }
0x169: {  	v37 =	vor.u32 v7, v37;
	v31 =	vand.u32 $0x7FF8, v51;
	v29 =	vor.u32 v7, v29;
	v39 =	vld [tilespmem:s28+$0x34F0]  }
0x16a: {  	v31 =	vor.u32 v1, v31;
	v28 =	vand.u32 $0x3FF8, v48;
	v41 =	vld [tilespmem:s28+$0x54F0];
	v40 =	vmul.f32 v50, v27  }
0x16b: {  	v26 =	vor.u32 v3, v26;
	v27 =	vmul.f32 v27, v27;
	v43 =	vmul.f32 v53, v52  }
0x16c: {  	v28 =	vor.u32 v5, v28;
	v30 =	vmul.f32 v50, v50;
	v32 =	vmul.f32 v52, v52  }
0x16d: {  	v33 =	vmul.f32 v53, v53;
	v59 =	vmul.f32 v58, v56;
	v40 =	vadd.f32 v43, v40  }
0x16e: {  	v25 =	vld.idx.msk [tilespmem:v25+s17+$0x0], $0xffff;
	v60 =	vmul.f32 v56, v56;
	v62 =	vmul.f32 v58, v58;
	v27 =	vadd.f32 v32, v27  }
0x16f: {  	v34 =	vld.idx.msk [tilespmem:v34+s17+$0x0], $0xffff;
	v63 =	vmul.f32 v41, v39;
	v30 =	vadd.f32 v33, v30;
	v61 =	vadd.f32 v59, v40  }
0x170: {  	v35 =	vor.u32 v5, v35;
	v26 =	vld.idx.msk [tilespmem:v26+s17+$0x0], $0xffff;
	v27 =	vadd.f32 v60, v27;
	v40 =	vmul.f32 v39, v39  }
0x171: {  	v31 =	vld.idx.msk [tilespmem:v31+s17+$0x0], $0xffff;
	v41 =	vmul.f32 v41, v41;
	v30 =	vadd.f32 v62, v30;
	v33 =	vadd.f32 v63, v61  }
0x172: {  	v42 =	vadd.s32 s30, v8;
	v57 =	vadd.s32 s31, v2;
	v29 =	vld.idx.msk [tilespmem:v29+s17+$0x0], $0xffff;
	v27 =	vadd.f32 v40, v27  }
0x173: {  	v38 =	vadd.s32 s30, v20;
	v42 =	vand.u32 $0x7FF8, v42;
	v28 =	vld.idx.msk [tilespmem:v28+s17+$0x0], $0xffff;
	v30 =	vadd.f32 v41, v30;
	[tilespmem:s25+$0xCBBB] =	vst v33  }
0x174: {  	v42 =	vor.u32 v9, v42;
	v44 =	vadd.s32 s26, v8;
	v49 =	vadd.s32 s30, v10;
	v43 =	vld.idx.msk [tilespmem:v37+s17+$0x0], $0xffff;
	[tilespmem:s25+$0xCCCB] =	vst v27  }
0x175: {  	v51 =	vadd.s32 s30, v12;
	v46 =	vadd.s32 s26, v10;
	v25 =	vadd.f32 v26, v25;
	v26 =	vld.idx.msk [tilespmem:v35+s17+$0x0], $0xffff;
	[tilespmem:s25+$0xCDDB] =	vst v30  }
0x176: {  	v47 =	vadd.s32 s26, v12;
	v53 =	vadd.s32 s30, v14;
	v31 =	vadd.f32 v34, v31;
	v48 =	vld [tilespmem:s28+$0x3500]  }
0x177: {  	v36 =	vand.u32 $0x7FF8, v53;
	v53 =	vadd.s32 s26, v14;
	v32 =	vand.u32 $0x7FF8, v51;
	v33 =	vld [tilespmem:s28+$0x5500]  }
0x178: {  	v37 =	vand.u32 $0x7FF8, v54;
	v36 =	vor.u32 v15, v36;
	v54 =	vadd.s32 s30, v16;
	v50 =	vld [tilespmem:s28+$0x3510]  }
0x179: {  	v32 =	vor.u32 v13, v32;
	v37 =	vor.u32 v1, v37;
	v40 =	vand.u32 $0x7FF8, v57;
	v52 =	vld [tilespmem:s28+$0x5510]  }
0x17a: {  	v39 =	vadd.s32 s30, v21;
	v57 =	vadd.s32 s30, v18;
	v40 =	vor.u32 v3, v40;
	v55 =	vld [tilespmem:s28+$0x3520]  }
0x17b: {  	v25 =	vadd.f32 v28, v25;
	v27 =	vand.u32 $0x3FF8, v44;
	v30 =	vand.u32 $0x3FF8, v47;
	v56 =	vld [tilespmem:s28+$0x5520]  }
0x17c: {  	v28 =	vand.u32 $0x7FF8, v49;
	v27 =	vor.u32 v9, v27;
	v30 =	vor.u32 v13, v30;
	v58 =	vld [tilespmem:s28+$0x3530]  }
0x17d: {  	v28 =	vor.u32 v11, v28;
	v60 =	vld [tilespmem:s28+$0x5530];
	v25 =	vadd.f32 v29, v25;
	v59 =	vmul.f32 v33, v48  }
0x17e: {  	v45 =	vld.idx.msk [tilespmem:v42+s17+$0x0], $0xffff;
	v26 =	vadd.f32 v26, v31;
	v31 =	vmul.f32 v48, v48;
	v33 =	vmul.f32 v33, v33  }
0x17f: {  	v29 =	vand.u32 $0x3FF8, v46;
	v44 =	vmul.f32 v52, v50;
	v34 =	vmul.f32 v50, v50  }
0x180: {  	v29 =	vor.u32 v11, v29;
	v35 =	vmul.f32 v52, v52;
	v61 =	vmul.f32 v56, v55  }
0x181: {  	v26 =	vadd.f32 v43, v26;
	v62 =	vmul.f32 v55, v55;
	v46 =	vmul.f32 v56, v56  }
0x182: {  	v51 =	vld.idx.msk [tilespmem:v37+s17+$0x0], $0xffff;
	v47 =	vmul.f32 v60, v58;
	v49 =	vmul.f32 v58, v58;
	v42 =	vadd.f32 v44, v59  }
0x183: {  	v27 =	vld.idx.msk [tilespmem:v27+s17+$0x0], $0xffff;
	v26 =	vadd.f32 v45, v26;
	v45 =	vadd.s32 s31, v4;
	v31 =	vadd.f32 v34, v31  }
0x184: {  	v28 =	vld.idx.msk [tilespmem:v28+s17+$0x0], $0xffff;
	v45 =	vand.u32 $0x7FF8, v45;
	v33 =	vadd.f32 v35, v33;
	v63 =	vadd.f32 v61, v42  }
0x185: {  	v50 =	vmul.f32 v60, v60;
	v52 =	vld.idx.msk [tilespmem:v40+s17+$0x0], $0xffff;
	v48 =	vor.u32 v5, v45;
	v31 =	vadd.f32 v62, v31  }
0x186: {  	v32 =	vld.idx.msk [tilespmem:v32+s17+$0x0], $0xffff;
	v56 =	vadd.s32 s30, v17;
	v33 =	vadd.f32 v46, v33;
	v35 =	vadd.f32 v47, v63  }
0x187: {  	v58 =	vadd.s32 s30, v19;
	v40 =	vadd.s32 s30, v22;
	v29 =	vld.idx.msk [tilespmem:v29+s17+$0x0], $0xffff;
	v31 =	vadd.f32 v49, v31  }
0x188: {  	v30 =	vld.idx.msk [tilespmem:v30+s17+$0x0], $0xffff;
	v42 =	vadd.s32 s30, v23;
	v62 =	vand.u32 $0x7FF8, v56;
	v33 =	vadd.f32 v50, v33;
	[tilespmem:s25+$0xCBCC] =	vst v35  }
0x189: {  	v56 =	vadd.s32 s31, v10;
	v25 =	vadd.f32 v27, v25;
	v27 =	vld.idx.msk [tilespmem:v36+s17+$0x0], $0xffff;
	v26 =	vadd.f32 v28, v26;
	[tilespmem:s25+$0xCCDC] =	vst v31  }
0x18a: {  	v36 =	vand.u32 $0x7FF8, v58;
	v28 =	vadd.f32 v52, v51;
	v51 =	vadd.s32 s31, v6;
	v55 =	vld.idx.msk [tilespmem:v48+s17+$0x0], $0xffff;
	[tilespmem:s25+$0xCDEC] =	vst v33  }
0x18b: {  	v52 =	vadd.s32 s31, v8;
	v44 =	vand.u32 $0x7FF8, v56;
	v49 =	vadd.s32 s31, v12;
	v59 =	vld [tilespmem:s28+$0x3540]  }
0x18c: {  	v44 =	vor.u32 v11, v44;
	v50 =	vadd.s32 s26, v16;
	v25 =	vadd.f32 v29, v25;
	v60 =	vld [tilespmem:s28+$0x5540]  }
0x18d: {  	v26 =	vadd.f32 v32, v26;
	v32 =	vor.u32 v3, v62;
	v49 =	vand.u32 $0x7FF8, v49;
	v61 =	vld [tilespmem:s28+$0x3550]  }
0x18e: {  	v29 =	vor.u32 v7, v36;
	v35 =	vand.u32 $0x7FF8, v57;
	v49 =	vor.u32 v13, v49;
	v63 =	vld [tilespmem:s28+$0x5550]  }
0x18f: {  	v25 =	vadd.f32 v30, v25;
	v30 =	vand.u32 $0x3FF8, v53;
	v35 =	vor.u32 v5, v35;
	v47 =	vld [tilespmem:s28+$0x5560]  }
0x190: {  	v53 =	vand.u32 $0x7FF8, v51;
	v48 =	vld [tilespmem:s28+$0x3570];
	v51 =	vand.u32 $0x3FF8, v50;
	v50 =	vand.u32 $0x7FF8, v42  }
0x191: {  	v58 =	vld [tilespmem:s28+$0x5570];
	v26 =	vadd.f32 v27, v26;
	v27 =	vand.u32 $0x7FF8, v54;
	v54 =	vand.u32 $0x7FF8, v52  }
0x192: {  	v34 =	vor.u32 v7, v53;
	v30 =	vor.u32 v15, v30;
	v52 =	vadd.s32 s26, v17  }
0x193: {  	v27 =	vor.u32 v1, v27;
	v57 =	vmul.f32 v60, v59;
	v46 =	vmul.f32 v63, v61  }
0x194: {  	v28 =	vadd.f32 v55, v28;
	v55 =	vld [tilespmem:s28+$0x3560];
	v37 =	vmul.f32 v59, v59;
	v31 =	vmul.f32 v61, v61  }
0x195: {  	v36 =	vor.u32 v9, v54;
	v32 =	vld.idx.msk [tilespmem:v32+s17+$0x0], $0xffff;
	v41 =	vmul.f32 v60, v60;
	v33 =	vmul.f32 v63, v63  }
0x196: {  	v54 =	vor.u32 v1, v51;
	v29 =	vld.idx.msk [tilespmem:v29+s17+$0x0], $0xffff;
	v61 =	vmul.f32 v47, v47;
	v62 =	vmul.f32 v58, v48  }
0x197: {  	v53 =	vld.idx.msk [tilespmem:v49+s17+$0x0], $0xffff;
	v59 =	vadd.s32 s31, v14;
	v63 =	vmul.f32 v48, v48;
	v48 =	vmul.f32 v58, v58  }
0x198: {  	v31 =	vadd.f32 v31, v37;
	v27 =	vld.idx.msk [tilespmem:v27+s17+$0x0], $0xffff;
	v33 =	vadd.f32 v33, v41;
	v37 =	vand.u32 $0x7FF8, v59  }
0x199: {  	v35 =	vld.idx.msk [tilespmem:v35+s17+$0x0], $0xffff;
	v45 =	vadd.f32 v46, v57;
	v37 =	vor.u32 v15, v37;
	v43 =	vmul.f32 v55, v55  }
0x19a: {  	v34 =	vld.idx.msk [tilespmem:v34+s17+$0x0], $0xffff;
	v60 =	vmul.f32 v47, v55;
	v33 =	vadd.f32 v61, v33;
	v55 =	vand.u32 $0x3FF8, v52  }
0x19b: {  	v51 =	vadd.s32 s31, v16;
	v30 =	vld.idx.msk [tilespmem:v30+s17+$0x0], $0xffff;
	v57 =	vor.u32 v3, v55;
	v31 =	vadd.f32 v43, v31  }
0x19c: {  	v58 =	vadd.s32 s26, v18;
	v36 =	vld.idx.msk [tilespmem:v36+s17+$0x0], $0xffff;
	v41 =	vadd.f32 v60, v45;
	v33 =	vadd.f32 v48, v33  }
0x19d: {  	v59 =	vand.u32 $0x7FF8, v38;
	v26 =	vadd.f32 v27, v26;
	v27 =	vld.idx.msk [tilespmem:v44+s17+$0x0], $0xffff;
	v31 =	vadd.f32 v63, v31  }
0x19e: {  	v61 =	vand.u32 $0x7FF8, v39;
	v52 =	vadd.s32 s31, v17;
	v41 =	vadd.f32 v62, v41;
	v56 =	vld.idx.msk [tilespmem:v37+s17+$0x0], $0xffff;
	[tilespmem:s25+$0xCDFD] =	vst v33  }
0x19f: {  	v38 =	vor.u32 v11, v61;
	v55 =	vadd.s32 s31, v19;
	v26 =	vadd.f32 v32, v26;
	[tilespmem:s25+$0xCCED] =	vst v31;
	v31 =	vld.idx.msk [tilespmem:v54+s17+$0x0], $0xffff  }
0x1a0: {  	v61 =	vadd.s32 s31, v20;
	v28 =	vadd.f32 v34, v28;
	v34 =	vand.u32 $0x3FF8, v58;
	[tilespmem:s25+$0xCBDD] =	vst v41;
	v33 =	vld.idx.msk [tilespmem:v57+s17+$0x0], $0xffff  }
0x1a1: {  	v49 =	vand.u32 $0x7FF8, v61;
	v25 =	vadd.f32 v30, v25;
	v26 =	vadd.f32 v35, v26;
	v35 =	vld [tilespmem:s28+$0x3580]  }
0x1a2: {  	v34 =	vor.u32 v5, v34;
	v44 =	vand.u32 $0x7FF8, v55;
	v28 =	vadd.f32 v36, v28;
	v60 =	vld [tilespmem:s28+$0x3590]  }
0x1a3: {  	v49 =	vor.u32 v9, v49;
	v62 =	vand.u32 $0x7FF8, v40;
	v40 =	vor.u32 v15, v50;
	v63 =	vld [tilespmem:s28+$0x5590]  }
0x1a4: {  	v36 =	vand.u32 $0x7FF8, v51;
	v44 =	vor.u32 v7, v44;
	v27 =	vadd.f32 v27, v28;
	v28 =	vld [tilespmem:s28+$0x5580]  }
0x1a5: {  	v39 =	vor.u32 v13, v62;
	v36 =	vor.u32 v1, v36;
	v41 =	vand.u32 $0x7FF8, v52;
	v54 =	vld [tilespmem:s28+$0x35A0]  }
0x1a6: {  	v62 =	vadd.s32 s31, v21;
	v58 =	vld [tilespmem:s28+$0x55A0];
	v41 =	vor.u32 v3, v41;
	v26 =	vadd.f32 v29, v26  }
0x1a7: {  	v29 =	vor.u32 v9, v59;
	v59 =	vld [tilespmem:s28+$0x35B0];
	v27 =	vadd.f32 v53, v27;
	v53 =	vadd.s32 s31, v18  }
0x1a8: {  	v42 =	vand.u32 $0x7FF8, v53;
	v57 =	vmul.f32 v63, v60;
	v37 =	vmul.f32 v60, v60;
	v60 =	vld [tilespmem:s28+$0x55B0]  }
0x1a9: {  	v38 =	vld.idx.msk [tilespmem:v38+s17+$0x0], $0xffff;
	v27 =	vadd.f32 v56, v27;
	v32 =	vmul.f32 v63, v63;
	v56 =	vmul.f32 v28, v35  }
0x1aa: {  	v34 =	vld.idx.msk [tilespmem:v34+s17+$0x0], $0xffff;
	v42 =	vor.u32 v5, v42;
	v35 =	vmul.f32 v35, v35;
	v28 =	vmul.f32 v28, v28  }
0x1ab: {  	v40 =	vld.idx.msk [tilespmem:v40+s17+$0x0], $0xffff;
	v63 =	vmul.f32 v58, v54;
	v43 =	vmul.f32 v54, v54;
	v45 =	vadd.f32 v57, v56  }
0x1ac: {  	v36 =	vld.idx.msk [tilespmem:v36+s17+$0x0], $0xffff;
	v52 =	vmul.f32 v58, v58;
	v35 =	vadd.f32 v37, v35;
	v28 =	vadd.f32 v32, v28  }
0x1ad: {  	v39 =	vld.idx.msk [tilespmem:v39+s17+$0x0], $0xffff;
	v37 =	vand.u32 $0x7FF8, v62;
	v32 =	vadd.f32 v63, v45;
	v53 =	vmul.f32 v60, v59  }
0x1ae: {  	v41 =	vld.idx.msk [tilespmem:v41+s17+$0x0], $0xffff;
	v54 =	vmul.f32 v59, v59;
	v37 =	vor.u32 v11, v37;
	v35 =	vadd.f32 v43, v35  }
0x1af: {  	v29 =	vld.idx.msk [tilespmem:v29+s17+$0x0], $0xffff;
	v28 =	vadd.f32 v52, v28;
	v55 =	vmul.f32 v60, v60;
	v32 =	vadd.f32 v53, v32  }
0x1b0: {  	v56 =	vld.idx.msk [tilespmem:v44+s17+$0x0], $0xffff;
	v35 =	vadd.f32 v54, v35  }
0x1b1: {  	v25 =	vadd.f32 v31, v25;
	v57 =	vld.idx.msk [tilespmem:v49+s17+$0x0], $0xffff;
	v28 =	vadd.f32 v55, v28;
	[tilespmem:s25+$0xCBEE] =	vst v32  }
0x1b2: {  	v42 =	vld.idx.msk [tilespmem:v42+s17+$0x0], $0xffff;
	[tilespmem:s25+$0xCCFE] =	vst v35  }
0x1b3: {  	v25 =	vadd.f32 v33, v25;
	v58 =	vld.idx.msk [tilespmem:v37+s17+$0x0], $0xffff;
	[tilespmem:s25+$0xCE0E] =	vst v28  }
0x1b4: {  	v46 =	vadd.s32 s31, v22;
	v51 =	vadd.s32 s31, v23;
	v27 =	vadd.f32 v36, v27;
	v28 =	vld [tilespmem:s28+$0x35C0]  }
0x1b5: {  	v25 =	vadd.f32 v34, v25;
	v44 =	vadd.s32 s26, v20;
	v26 =	vadd.f32 v29, v26;
	v60 =	vld [tilespmem:s28+$0x55C0]  }
0x1b6: {  	v36 =	vadd.s32 s26, v21;
	v34 =	vand.u32 $0x3FF8, v44;
	v27 =	vadd.f32 v41, v27;
	v62 =	vld [tilespmem:s28+$0x35D0]  }
0x1b7: {  	v59 =	vadd.s32 s26, v19;
	v41 =	vand.u32 $0x7FF8, v51;
	v26 =	vadd.f32 v38, v26;
	v63 =	vld [tilespmem:s28+$0x55D0]  }
0x1b8: {  	s31 =	sadd.s32 $0x110, s25;
	v51 =	vadd.s32 s25, v2;
	v32 =	vand.u32 $0x3FF8, v59;
	v27 =	vadd.f32 v42, v27;
	v45 =	vld [tilespmem:s28+$0x35E0]  }
0x1b9: {  	v59 =	vor.u32 v15, v41;
	v47 =	vld [tilespmem:s28+$0x55E0];
	v42 =	vadd.s32 s31, v2;
	v61 =	vadd.f32 v39, v26  }
0x1ba: {  	v48 =	vld [tilespmem:s28+$0x35F0];
	v26 =	vor.u32 v7, v32;
	v37 =	vand.u32 $0x7FFFFFF8, v42;
	v27 =	vadd.f32 v56, v27  }
0x1bb: {  	v50 =	vld [tilespmem:s28+$0x55F0];
	v44 =	vor.u32 v3, v37;
	v49 =	vmul.f32 v60, v28;
	v28 =	vmul.f32 v28, v28  }
0x1bc: {  	v35 =	vadd.f32 v40, v61;
	v33 =	vmul.f32 v60, v60;
	v52 =	vmul.f32 v63, v62  }
0x1bd: {  	v27 =	vadd.f32 v57, v27;
	v30 =	vmul.f32 v62, v62;
	v32 =	vmul.f32 v63, v63  }
0x1be: {  	v35 =	vmax.f32 v35, $1.000000020e-24;
	v54 =	vmul.f32 v47, v45;
	v29 =	vmul.f32 v45, v45  }
0x1bf: {  	v57 =	vmul.f32 v47, v47;
	v62 =	vadd.s32 s31, v0;
	v63 =	vmul.f32 v48, v48  }
0x1c0: {  	v43 =	vmul.f32 v50, v50;
	v45 =	vadd.s32 s31, v4;
	v31 =	vadd.f32 v58, v27  }
0x1c1: {  	v27 =	vand.u32 $0x7FF8, v46;
	v53 =	vshra.s32 v35, $0x1;
	v58 =	vmul.f32 v50, v48  }
0x1c2: {  	v46 =	vadd.s32 s25, v0;
	v37 =	vand.u32 $0x7FFFFFF8, v45;
	v39 =	vadd.f32 v52, v49  }
0x1c3: {  	v27 =	vor.u32 v13, v27;
	v28 =	vadd.f32 v30, v28;
	v55 =	vadd.f32 v32, v33  }
0x1c4: {  	v41 =	vsub.s32 $0x5F3759DF, v53;
	v32 =	vand.u32 $0x7FFFFFF8, v62;
	v56 =	vadd.f32 v54, v39  }
0x1c5: {  	v47 =	vand.u32 $0x3FF8, v46;
	v48 =	vor.u32 v5, v37;
	v28 =	vadd.f32 v29, v28  }
0x1c6: {  	v32 =	vor.u32 v1, v32;
	v60 =	vadd.f32 v57, v55;
	v61 =	vadd.f32 v58, v56  }
0x1c7: {  	v49 =	vadd.s32 s31, v6;
	v53 =	vadd.s32 s31, v8;
	v28 =	vadd.f32 v63, v28  }
0x1c8: {  	v52 =	vand.u32 $0x7FFFFFF8, v49;
	v37 =	vand.u32 $0x7FFFFFF8, v53;
	v29 =	vadd.f32 v43, v60;
	[tilespmem:s25+$0xCBFF] =	vst v61  }
0x1c9: {  	v54 =	vadd.s32 s25, v4;
	v37 =	vor.u32 v9, v37;
	v55 =	vadd.s32 s31, v10;
	[tilespmem:s25+$0xCD0F] =	vst v28  }
0x1ca: {  	v40 =	vand.u32 $0x3FF8, v54;
	v42 =	vand.u32 $0x7FFFFFF8, v55;
	v50 =	vld.idx.msk [tilespmem:v27+s17+$0x0], $0xffff;
	v27 =	vor.u32 v1, v47;
	[tilespmem:s25+$0xCE1F] =	vst v29  }
0x1cb: {  	v54 =	vadd.s32 s26, v22;
	v28 =	vand.u32 $0x3FF8, v51;
	v29 =	vor.u32 v7, v52;
	v32 =	vld.idx.msk [tilespmem:v32+s17+$0x0], $0xffff  }
0x1cc: {  	v40 =	vor.u32 v5, v40;
	v56 =	vadd.s32 s25, v6;
	v28 =	vor.u32 v3, v28;
	v33 =	vld.idx.msk [tilespmem:v44+s17+$0x0], $0xffff  }
0x1cd: {  	v39 =	vld.idx.msk [tilespmem:v59+s17+$0x0], $0xffff;
	v42 =	vor.u32 v11, v42;
	v58 =	vadd.s32 s31, v12;
	v43 =	vand.u32 $0x3FF8, v56  }
0x1ce: {  	v47 =	vadd.s32 s31, v14;
	v59 =	vor.u32 v7, v43;
	v61 =	vand.u32 $0x7FFFFFF8, v58;
	v30 =	vld.idx.msk [tilespmem:v48+s17+$0x0], $0xffff  }
0x1cf: {  	v43 =	vadd.s32 s26, v23;
	v46 =	vor.u32 v13, v61;
	v57 =	vld.idx.msk [tilespmem:v27+s17+$0x0], $0xffff;
	v27 =	vmul.f32 $5.000000000e-01, v35  }
0x1d0: {  	v48 =	vand.u32 $0x3FF8, v36;
	v43 =	vand.u32 $0x3FF8, v43;
	v31 =	vadd.f32 v50, v31;
	v60 =	vld.idx.msk [tilespmem:v29+s17+$0x0], $0xffff  }
0x1d1: {  	v29 =	vand.u32 $0x7FFFFFF8, v47;
	v62 =	vld.idx.msk [tilespmem:v28+s17+$0x0], $0xffff;
	v63 =	vadd.f32 v33, v32;
	v49 =	vmul.f32 v41, v27  }
0x1d2: {  	v37 =	vld.idx.msk [tilespmem:v37+s17+$0x0], $0xffff;
	v51 =	vor.u32 v15, v29;
	v29 =	vor.u32 v9, v34;
	v28 =	vor.u32 v11, v48  }
0x1d3: {  	s29 =	sadd.s32 $0x220, s25;
	v50 =	vld.idx.msk [tilespmem:v40+s17+$0x0], $0xffff;
	v31 =	vadd.f32 v39, v31;
	v34 =	vand.u32 $0x3FF8, v54;
	v30 =	vadd.f32 v30, v63  }
0x1d4: {  	v53 =	vld.idx.msk [tilespmem:v42+s17+$0x0], $0xffff;
	v54 =	vadd.s32 s29, v6;
	v52 =	vmul.f32 v41, v49;
	v63 =	vadd.s32 s25, v8  }
0x1d5: {  	v35 =	vld.idx.msk [tilespmem:v59+s17+$0x0], $0xffff;
	v31 =	vmax.f32 v31, $1.000000020e-24;
	v39 =	vand.u32 $0x3FF8, v63;
	v30 =	vadd.f32 v60, v30  }
0x1d6: {  	v33 =	vsub.f32 $1.500000000e+00, v52;
	v60 =	vadd.s32 s29, v0;
	v55 =	vadd.f32 v62, v57  }
0x1d7: {  	v52 =	vadd.s32 s29, v4;
	v39 =	vor.u32 v9, v39;
	v37 =	vadd.f32 v37, v30  }
0x1d8: {  	v57 =	vshra.s32 v31, $0x1;
	v61 =	vand.u32 $0x7FFFFFF8, v60;
	v58 =	vadd.f32 v50, v55  }
0x1d9: {  	v62 =	vadd.s32 s29, v2;
	v30 =	vmul.f32 v41, v33;
	v36 =	vadd.f32 v53, v37  }
0x1da: {  	v56 =	vld.idx.msk [tilespmem:v46+s17+$0x0], $0xffff;
	v37 =	vand.u32 $0x7FFFFFF8, v62;
	v33 =	vadd.f32 v35, v58;
	v35 =	vor.u32 v1, v61  }
0x1db: {  	v40 =	vand.u32 $0x7FFFFFF8, v52;
	v60 =	vadd.s32 s29, v12;
	v37 =	vor.u32 v3, v37  }
0x1dc: {  	v31 =	vmul.f32 $5.000000000e-01, v31;
	v52 =	vadd.s32 s29, v16;
	v40 =	vor.u32 v5, v40  }
0x1dd: {  	v41 =	vand.u32 $0x7FFFFFF8, v54;
	v55 =	vadd.s32 s31, v17;
	v53 =	vadd.s32 s31, v16  }
0x1de: {  	v41 =	vor.u32 v7, v41;
	v42 =	vand.u32 $0x7FFFFFF8, v55;
	v38 =	vand.u32 $0x7FFFFFF8, v53  }
0x1df: {  	v36 =	vadd.f32 v56, v36;
	v38 =	vor.u32 v1, v38;
	v56 =	vadd.s32 s29, v8;
	v35 =	vld.idx.msk [tilespmem:v35+s17+$0x0], $0xffff  }
0x1e0: {  	v32 =	vsub.s32 $0x5F3759DF, v57;
	v42 =	vor.u32 v3, v42;
	v44 =	vand.u32 $0x7FFFFFF8, v56;
	v37 =	vld.idx.msk [tilespmem:v37+s17+$0x0], $0xffff  }
0x1e1: {  	v59 =	vld.idx.msk [tilespmem:v51+s17+$0x0], $0xffff;
	v57 =	vadd.s32 s31, v18;
	v58 =	vadd.s32 s29, v10;
	v44 =	vor.u32 v9, v44  }
0x1e2: {  	v48 =	vand.u32 $0x7FFFFFF8, v60;
	v60 =	vadd.s32 s29, v19;
	v46 =	vand.u32 $0x7FFFFFF8, v58;
	v40 =	vld.idx.msk [tilespmem:v40+s17+$0x0], $0xffff  }
0x1e3: {  	v45 =	vand.u32 $0x7FFFFFF8, v57;
	v57 =	vadd.s32 s29, v18;
	v46 =	vor.u32 v11, v46;
	v41 =	vld.idx.msk [tilespmem:v41+s17+$0x0], $0xffff  }
0x1e4: {  	v45 =	vor.u32 v5, v45;
	v62 =	vadd.s32 s29, v14;
	v55 =	vadd.s32 s29, v17;
	v38 =	vld.idx.msk [tilespmem:v38+s17+$0x0], $0xffff  }
0x1e5: {  	v61 =	vor.u32 v13, v48;
	v48 =	vand.u32 $0x7FFFFFF8, v62;
	v42 =	vld.idx.msk [tilespmem:v42+s17+$0x0], $0xffff;
	v35 =	vadd.f32 v37, v35  }
0x1e6: {  	v53 =	vadd.s32 s31, v20;
	v36 =	vadd.f32 v59, v36;
	v59 =	vadd.s32 s31, v19;
	v44 =	vld.idx.msk [tilespmem:v44+s17+$0x0], $0xffff  }
0x1e7: {  	v63 =	vor.u32 v15, v48;
	v47 =	vand.u32 $0x7FFFFFF8, v59;
	v35 =	vadd.f32 v40, v35  }
0x1e8: {  	v62 =	vadd.s32 s29, v20;
	v48 =	vand.u32 $0x7FFFFFF8, v52;
	v47 =	vor.u32 v7, v47;
	v46 =	vld.idx.msk [tilespmem:v46+s17+$0x0], $0xffff  }
0x1e9: {  	v54 =	vor.u32 v1, v48;
	v36 =	vadd.f32 v38, v36;
	v35 =	vadd.f32 v41, v35  }
0x1ea: {  	v58 =	vadd.s32 s25, v10;
	v52 =	vadd.s32 s29, v21;
	v56 =	vand.u32 $0x7FFFFFF8, v55;
	v37 =	vld.idx.msk [tilespmem:v61+s17+$0x0], $0xffff  }
0x1eb: {  	v45 =	vld.idx.msk [tilespmem:v45+s17+$0x0], $0xffff;
	v36 =	vadd.f32 v42, v36;
	v42 =	vor.u32 v3, v56;
	v35 =	vadd.f32 v44, v35  }
0x1ec: {  	v55 =	vadd.s32 s29, v23;
	v59 =	vadd.s32 s31, v21;
	v40 =	vld.idx.msk [tilespmem:v63+s17+$0x0], $0xffff;
	v44 =	vand.u32 $0x7FFFFFF8, v57  }
0x1ed: {  	v47 =	vld.idx.msk [tilespmem:v47+s17+$0x0], $0xffff;
	v38 =	vand.u32 $0x7FFFFFF8, v53;
	v44 =	vor.u32 v5, v44;
	v35 =	vadd.f32 v46, v35  }
0x1ee: {  	v61 =	vadd.s32 s31, v22;
	v53 =	vadd.s32 s29, v22;
	v38 =	vor.u32 v9, v38;
	v41 =	vld.idx.msk [tilespmem:v54+s17+$0x0], $0xffff  }
0x1ef: {  	v63 =	vadd.s32 s31, v23;
	v35 =	vadd.f32 v37, v35;
	v37 =	vand.u32 $0x7FFFFFF8, v60  }
0x1f0: {  	v36 =	vadd.f32 v45, v36;
	v46 =	vand.u32 $0x7FFFFFF8, v59;
	v42 =	vld.idx.msk [tilespmem:v42+s17+$0x0], $0xffff;
	v37 =	vor.u32 v7, v37  }
0x1f1: {  	v46 =	vor.u32 v11, v46;
	v35 =	vadd.f32 v40, v35;
	v40 =	vand.u32 $0x7FFFFFF8, v62  }
0x1f2: {  	v36 =	vadd.f32 v47, v36;
	v47 =	vand.u32 $0x7FFFFFF8, v61;
	v44 =	vld.idx.msk [tilespmem:v44+s17+$0x0], $0xffff;
	v40 =	vor.u32 v9, v40  }
0x1f3: {  	v39 =	vld.idx.msk [tilespmem:v39+s17+$0x0], $0xffff;
	v47 =	vor.u32 v13, v47;
	v35 =	vadd.f32 v41, v35;
	v41 =	vand.u32 $0x7FFFFFF8, v52  }
0x1f4: {  	v48 =	vand.u32 $0x7FFFFFF8, v63;
	v56 =	vmul.f32 v32, v31;
	v38 =	vld.idx.msk [tilespmem:v38+s17+$0x0], $0xffff;
	v41 =	vor.u32 v11, v41  }
0x1f5: {  	v54 =	vor.u32 v15, v48;
	v35 =	vadd.f32 v42, v35;
	v37 =	vld.idx.msk [tilespmem:v37+s17+$0x0], $0xffff;
	v42 =	vand.u32 $0x7FFFFFF8, v53  }
0x1f6: {  	v45 =	vand.u32 $0x3FF8, v58;
	v48 =	vmul.f32 v32, v56;
	v46 =	vld.idx.msk [tilespmem:v46+s17+$0x0], $0xffff;
	v42 =	vor.u32 v13, v42  }
0x1f7: {  	v45 =	vor.u32 v11, v45;
	v35 =	vadd.f32 v44, v35;
	v40 =	vld.idx.msk [tilespmem:v40+s17+$0x0], $0xffff;
	v44 =	vand.u32 $0x7FFFFFF8, v55  }
0x1f8: {  	v43 =	vor.u32 v15, v43;
	v47 =	vld.idx.msk [tilespmem:v47+s17+$0x0], $0xffff;
	v44 =	vor.u32 v15, v44  }
0x1f9: {  	v34 =	vor.u32 v13, v34;
	v33 =	vadd.f32 v39, v33;
	v48 =	vsub.f32 $1.500000000e+00, v48;
	v41 =	vld.idx.msk [tilespmem:v41+s17+$0x0], $0xffff  }
0x1fa: {  	v58 =	vadd.s32 s25, v12;
	v36 =	vadd.f32 v38, v36;
	v38 =	vld.idx.msk [tilespmem:v54+s17+$0x0], $0xffff;
	v35 =	vadd.f32 v37, v35  }
0x1fb: {  	v56 =	vadd.s32 s25, v21;
	v57 =	vmul.f32 v30, v27;
	v59 =	vadd.s32 s25, v14;
	v42 =	vld.idx.msk [tilespmem:v42+s17+$0x0], $0xffff  }
0x1fc: {  	v32 =	vmul.f32 v32, v48;
	v45 =	vld.idx.msk [tilespmem:v45+s17+$0x0], $0xffff;
	v36 =	vadd.f32 v46, v36;
	v35 =	vadd.f32 v40, v35  }
0x1fd: {  	v48 =	vadd.s32 s25, v18;
	v60 =	vadd.s32 s25, v16;
	v37 =	vand.u32 $0x3FF8, v58;
	v44 =	vld.idx.msk [tilespmem:v44+s17+$0x0], $0xffff  }
0x1fe: {  	v36 =	vadd.f32 v47, v36;
	v37 =	vor.u32 v13, v37;
	v35 =	vadd.f32 v41, v35  }
0x1ff: {  	v62 =	vadd.s32 s25, v17;
	v47 =	vand.u32 $0x3FF8, v60;
	v40 =	vand.u32 $0x3FF8, v59  }
0x200: {  	v36 =	vadd.f32 v38, v36;
	v40 =	vor.u32 v15, v40;
	v35 =	vadd.f32 v42, v35  }
0x201: {  	v54 =	vadd.s32 s25, v20;
	v33 =	vadd.f32 v45, v33;
	v61 =	vor.u32 v1, v47  }
0x202: {  	v41 =	vand.u32 $0x3FF8, v62;
	v36 =	vmax.f32 v36, $1.000000020e-24;
	v35 =	vadd.f32 v44, v35  }
0x203: {  	v63 =	vor.u32 v3, v41;
	v49 =	vshra.s32 v36, $0x1;
	v36 =	vmul.f32 $5.000000000e-01, v36;
	v37 =	vld.idx.msk [tilespmem:v37+s17+$0x0], $0xffff  }
0x204: {  	v41 =	vand.u32 $0x3FF8, v48;
	v42 =	vsub.s32 $0x5F3759DF, v49;
	v35 =	vmax.f32 v35, $1.000000020e-24  }
0x205: {  	v50 =	vmul.f32 v42, v36;
	v40 =	vld.idx.msk [tilespmem:v40+s17+$0x0], $0xffff;
	v51 =	vshra.s32 v35, $0x1;
	v35 =	vmul.f32 $5.000000000e-01, v35  }
0x206: {  	v46 =	vmul.f32 v57, v30;
	v41 =	vor.u32 v5, v41;
	v45 =	vsub.s32 $0x5F3759DF, v51  }
0x207: {  	v52 =	vadd.s32 s25, v19;
	v39 =	vld.idx.msk [tilespmem:v61+s17+$0x0], $0xffff;
	v44 =	vmul.f32 v42, v50;
	v53 =	vmul.f32 v45, v35  }
0x208: {  	v46 =	vsub.f32 $1.500000000e+00, v46;
	v33 =	vadd.f32 v37, v33;
	v37 =	vand.u32 $0x3FF8, v52  }
0x209: {  	v38 =	vld.idx.msk [tilespmem:v63+s17+$0x0], $0xffff;
	v44 =	vsub.f32 $1.500000000e+00, v44;
	v37 =	vor.u32 v7, v37;
	v47 =	vmul.f32 v45, v53  }
0x20a: {  	v59 =	vadd.s32 s25, v22;
	v33 =	vadd.f32 v40, v33;
	v40 =	vand.u32 $0x3FF8, v54  }
0x20b: {  	v41 =	vld.idx.msk [tilespmem:v41+s17+$0x0], $0xffff;
	v42 =	vmul.f32 v42, v44;
	v55 =	vor.u32 v9, v40;
	v57 =	vsub.f32 $1.500000000e+00, v47  }
0x20c: {  	v62 =	vadd.s32 s25, v23;
	v40 =	vand.u32 $0x3FF8, v56;
	v33 =	vadd.f32 v39, v33  }
0x20d: {  	v26 =	vld.idx.msk [tilespmem:v26+s17+$0x0], $0xffff;
	v58 =	vor.u32 v11, v40;
	v60 =	vmul.f32 v42, v36;
	v44 =	vmul.f32 v45, v57  }
0x20e: {  	v61 =	vmul.f32 v32, v31;
	v40 =	vand.u32 $0x3FF8, v59;
	v33 =	vadd.f32 v38, v33;
	v37 =	vld.idx.msk [tilespmem:v37+s17+$0x0], $0xffff  }
0x20f: {  	v29 =	vld.idx.msk [tilespmem:v29+s17+$0x0], $0xffff;
	v40 =	vor.u32 v13, v40;
	v47 =	vmul.f32 v60, v42;
	v63 =	vmul.f32 v44, v35  }
0x210: {  	v33 =	vadd.f32 v41, v33;
	v45 =	vmul.f32 v61, v32;
	v39 =	vld.idx.msk [tilespmem:v55+s17+$0x0], $0xffff;
	v41 =	vand.u32 $0x3FF8, v62  }
0x211: {  	v28 =	vld.idx.msk [tilespmem:v28+s17+$0x0], $0xffff;
	v47 =	vsub.f32 $1.500000000e+00, v47;
	v41 =	vor.u32 v15, v41;
	v48 =	vmul.f32 v63, v44  }
0x212: {  	v25 =	vadd.f32 v26, v25;
	v26 =	vmul.f32 v46, v30;
	v38 =	vld.idx.msk [tilespmem:v58+s17+$0x0], $0xffff;
	v46 =	vsub.f32 $1.500000000e+00, v45  }
0x213: {  	v34 =	vld.idx.msk [tilespmem:v34+s17+$0x0], $0xffff;
	v49 =	vmul.f32 v47, v42;
	v33 =	vadd.f32 v37, v33;
	v50 =	vsub.f32 $1.500000000e+00, v48  }
0x214: {  	v25 =	vadd.f32 v29, v25;
	v27 =	vmul.f32 v26, v27;
	v52 =	vld.idx.msk [tilespmem:v40+s17+$0x0], $0xffff;
	v51 =	vmul.f32 v46, v32  }
0x215: {  	v55 =	vld.idx.msk [tilespmem:v43+s17+$0x0], $0xffff;
	v36 =	vmul.f32 v49, v36;
	v53 =	vadd.f32 v39, v33;
	v54 =	vmul.f32 v50, v44  }
0x216: {  	v25 =	vadd.f32 v28, v25;
	v27 =	vmul.f32 v27, v26;
	v56 =	vmul.f32 v51, v31;
	v57 =	vld.idx.msk [tilespmem:v41+s17+$0x0], $0xffff  }
0x217: {  	v36 =	vmul.f32 v36, v49;
	v32 =	vadd.f32 v38, v53;
	v35 =	vmul.f32 v54, v35  }
0x218: {  	v25 =	vadd.f32 v34, v25;
	v27 =	vsub.f32 $1.500000000e+00, v27;
	v28 =	vmul.f32 v56, v51  }
0x219: {  	v58 =	vsub.f32 $1.500000000e+00, v36;
	v30 =	vadd.f32 v52, v32;
	v59 =	vmul.f32 v35, v54  }
0x21a: {  	v26 =	vmul.f32 v27, v26;
	v25 =	vadd.f32 v55, v25;
	v27 =	vsub.f32 $1.500000000e+00, v28  }
0x21b: {  	v61 =	vmul.f32 v58, v49;
	v60 =	vadd.f32 v57, v30;
	v62 =	vsub.f32 $1.500000000e+00, v59  }
0x21c: {  	p0 =	slt.u32 s23, $0x6;
	v25 =	vmul.f32 v26, v25;
	v26 =	vmul.f32 v27, v51  }
.Ltmp2:
0x21d: {  	v27 =	vmul.f32 v61, v60;
	v63 =	vmul.f32 v62, v54;
	(pc) =	sbr.rel @p0 .LBB2_3-.Ltmp2, $4  }
0x21e: {  	s30 =	sshll.u32 s23, $0x4;
	v25 =	vmul.f32 v26, v25  }
0x21f: {  	s24 =	sshll.u32 s24, $0x4;
	s25 =	sand.u32 $0x3FFFFFF0, s30;
	v26 =	vmul.f32 v63, v27  }
0x220: {  	s24 =	sand.u32 $0x3FFFFFF0, s24;
	s31 =	sadd.s32 $0x2, s23;
	[tilespmem:v24+s25+$0x0 ss:$0x1] =	vst.idx.msk $0xffff, v25  }
0x221: {  	s23 =	smov.u32 s31;
	[tilespmem:v24+s24+$0x0 ss:$0x1] =	vst.idx.msk $0xffff, v26  }
0x222: {  	p0 =	seq.s32 s21, $0x18  }
0x223: {  	s23 =	sadd.s32 @!p0 $0x100, s22;
	s24 =	simm.s32 @!p0 $0x80;
	s25 =	simm.s32 @!p0 $0x3200  }
0x224: {  	[tilespmem:s25], [sflag:$0x1] =	stream.indirect.gather @!p0 [hbm4b:s3+s24], $0x40, s23, s24, $0xb8;
	[tilespmem:$0xE480] =	vst v63  }
0x225: {  	s23 =	sadd.s32 @!p0 $0x1A00, s22;
	s25 =	simm.s32 @!p0 $0x5200  }
0x226: {  	[tilespmem:s25], [sflag:$0x1] =	stream.indirect.gather @!p0 [hbm4b:s3+s24], $0x40, s23, s24, $0xb8;
	[tilespmem:$0xE480] =	vst v63  }
0x227: {  	_ =	swait.ge [sflag:s18], $0x2000  }
0x228: {  	[sflag:s18] =	ssyncset.done $0x0  }
0x229: {  	[sflag:s18] =	ssyncadd.s32 $0xFFFFE000  }
0x22a: {  	_ =	swait.ge [sflag:s18], $0x2000  }
0x22b: {  	s31 =	sadd.s32 $0xB280, s22;
	[sflag:s18] =	ssyncset.done $0x0  }
0x22c: {  	v24 =	vmov s31;
	s23 =	simm.s32 $0x0;
	[sflag:s18] =	ssyncadd.s32 $0xFFFFE000  }
.LBB2_5:
0x22d: {  	s29 =	sshll.u32 s23, $0xA  }
0x22e: {  	v25 =	vld [tilespmem:s29+$0x7200]  }
0x22f: {  	v26 =	vld [tilespmem:s29+$0x9200]  }
0x230: {  	v27 =	vld [tilespmem:s29+$0x7210]  }
0x231: {  	v28 =	vld [tilespmem:s29+$0x9210]  }
0x232: {  	v29 =	vld [tilespmem:s29+$0x7220]  }
0x233: {  	v30 =	vld [tilespmem:s29+$0x9220]  }
0x234: {  	v31 =	vld [tilespmem:s29+$0x7230]  }
0x235: {  	v33 =	vld [tilespmem:s29+$0x9230];
	v32 =	vmul.f32 v26, v25  }
0x236: {  	v25 =	vmul.f32 v25, v25;
	v34 =	vmul.f32 v28, v27  }
0x237: {  	v26 =	vmul.f32 v26, v26;
	v27 =	vmul.f32 v27, v27  }
0x238: {  	v28 =	vmul.f32 v28, v28;
	v56 =	vmul.f32 v30, v29;
	v32 =	vadd.f32 v34, v32  }
0x239: {  	v58 =	vmul.f32 v30, v30;
	v25 =	vadd.f32 v27, v25;
	v27 =	vmul.f32 v29, v29  }
0x23a: {  	v59 =	vmul.f32 v33, v31;
	v26 =	vadd.f32 v28, v26;
	v57 =	vadd.f32 v56, v32  }
0x23b: {  	v25 =	vadd.f32 v27, v25;
	v27 =	vmul.f32 v31, v31  }
0x23c: {  	s26 =	smul.u32 $0x330, s23;
	v60 =	vmul.f32 v33, v33;
	v26 =	vadd.f32 v58, v26;
	v28 =	vadd.f32 v59, v57  }
0x23d: {  	v25 =	vadd.f32 v27, v25  }
0x23e: {  	v26 =	vadd.f32 v60, v26;
	[tilespmem:s26+$0xCB00] =	vst v28  }
0x23f: {  	[tilespmem:s26+$0xCC10] =	vst v25  }
0x240: {  	[tilespmem:s26+$0xCD20] =	vst v26  }
0x241: {  	v25 =	vld [tilespmem:s29+$0x7240]  }
0x242: {  	v26 =	vld [tilespmem:s29+$0x9240]  }
0x243: {  	v27 =	vld [tilespmem:s29+$0x7250]  }
0x244: {  	v28 =	vld [tilespmem:s29+$0x9250]  }
0x245: {  	v61 =	vld [tilespmem:s29+$0x7260]  }
0x246: {  	v62 =	vld [tilespmem:s29+$0x9260]  }
0x247: {  	v63 =	vld [tilespmem:s29+$0x7270]  }
0x248: {  	v37 =	vld [tilespmem:s29+$0x9270];
	v36 =	vmul.f32 v26, v25  }
0x249: {  	v25 =	vmul.f32 v25, v25;
	v38 =	vmul.f32 v28, v27  }
0x24a: {  	v26 =	vmul.f32 v26, v26;
	v27 =	vmul.f32 v27, v27  }
0x24b: {  	v28 =	vmul.f32 v28, v28;
	v39 =	vmul.f32 v62, v61;
	v32 =	vadd.f32 v38, v36  }
0x24c: {  	v41 =	vmul.f32 v62, v62;
	v25 =	vadd.f32 v27, v25;
	v27 =	vmul.f32 v61, v61  }
0x24d: {  	v42 =	vmul.f32 v37, v63;
	v26 =	vadd.f32 v28, v26;
	v40 =	vadd.f32 v39, v32  }
0x24e: {  	v25 =	vadd.f32 v27, v25;
	v27 =	vmul.f32 v63, v63  }
0x24f: {  	v43 =	vmul.f32 v37, v37;
	v26 =	vadd.f32 v41, v26;
	v28 =	vadd.f32 v42, v40  }
0x250: {  	v25 =	vadd.f32 v27, v25  }
0x251: {  	v26 =	vadd.f32 v43, v26;
	[tilespmem:s26+$0xCB11] =	vst v28  }
0x252: {  	[tilespmem:s26+$0xCC21] =	vst v25  }
0x253: {  	[tilespmem:s26+$0xCD31] =	vst v26  }
0x254: {  	v25 =	vld [tilespmem:s29+$0x7280]  }
0x255: {  	v26 =	vld [tilespmem:s29+$0x9280]  }
0x256: {  	v27 =	vld [tilespmem:s29+$0x7290]  }
0x257: {  	v28 =	vld [tilespmem:s29+$0x9290]  }
0x258: {  	v44 =	vld [tilespmem:s29+$0x72A0]  }
0x259: {  	v45 =	vld [tilespmem:s29+$0x92A0]  }
0x25a: {  	v46 =	vld [tilespmem:s29+$0x72B0]  }
0x25b: {  	v48 =	vld [tilespmem:s29+$0x92B0];
	v47 =	vmul.f32 v26, v25  }
0x25c: {  	v25 =	vmul.f32 v25, v25;
	v49 =	vmul.f32 v28, v27  }
0x25d: {  	v26 =	vmul.f32 v26, v26;
	v27 =	vmul.f32 v27, v27  }
0x25e: {  	v28 =	vmul.f32 v28, v28;
	v50 =	vmul.f32 v45, v44;
	v32 =	vadd.f32 v49, v47  }
0x25f: {  	v52 =	vmul.f32 v45, v45;
	v25 =	vadd.f32 v27, v25;
	v27 =	vmul.f32 v44, v44  }
0x260: {  	v53 =	vmul.f32 v48, v46;
	v26 =	vadd.f32 v28, v26;
	v51 =	vadd.f32 v50, v32  }
0x261: {  	v25 =	vadd.f32 v27, v25;
	v27 =	vmul.f32 v46, v46  }
0x262: {  	v54 =	vmul.f32 v48, v48;
	v26 =	vadd.f32 v52, v26;
	v28 =	vadd.f32 v53, v51  }
0x263: {  	v25 =	vadd.f32 v27, v25  }
0x264: {  	v26 =	vadd.f32 v54, v26;
	[tilespmem:s26+$0xCB22] =	vst v28  }
0x265: {  	[tilespmem:s26+$0xCC32] =	vst v25  }
0x266: {  	[tilespmem:s26+$0xCD42] =	vst v26  }
0x267: {  	v25 =	vld [tilespmem:s29+$0x72C0]  }
0x268: {  	v26 =	vld [tilespmem:s29+$0x92C0]  }
0x269: {  	v27 =	vld [tilespmem:s29+$0x72D0]  }
0x26a: {  	v28 =	vld [tilespmem:s29+$0x92D0]  }
0x26b: {  	v55 =	vld [tilespmem:s29+$0x72E0]  }
0x26c: {  	v56 =	vld [tilespmem:s29+$0x92E0]  }
0x26d: {  	v57 =	vld [tilespmem:s29+$0x72F0]  }
0x26e: {  	v59 =	vld [tilespmem:s29+$0x92F0];
	v58 =	vmul.f32 v26, v25  }
0x26f: {  	v25 =	vmul.f32 v25, v25;
	v60 =	vmul.f32 v28, v27  }
0x270: {  	v26 =	vmul.f32 v26, v26;
	v27 =	vmul.f32 v27, v27  }
0x271: {  	v28 =	vmul.f32 v28, v28;
	v61 =	vmul.f32 v56, v55;
	v32 =	vadd.f32 v60, v58  }
0x272: {  	v63 =	vmul.f32 v56, v56;
	v25 =	vadd.f32 v27, v25;
	v27 =	vmul.f32 v55, v55  }
0x273: {  	v34 =	vmul.f32 v59, v57;
	v26 =	vadd.f32 v28, v26;
	v62 =	vadd.f32 v61, v32  }
0x274: {  	v25 =	vadd.f32 v27, v25;
	v27 =	vmul.f32 v57, v57  }
0x275: {  	v35 =	vmul.f32 v59, v59;
	v26 =	vadd.f32 v63, v26;
	v28 =	vadd.f32 v34, v62  }
0x276: {  	v25 =	vadd.f32 v27, v25  }
0x277: {  	v26 =	vadd.f32 v35, v26;
	[tilespmem:s26+$0xCB33] =	vst v28  }
0x278: {  	[tilespmem:s26+$0xCC43] =	vst v25  }
0x279: {  	[tilespmem:s26+$0xCD53] =	vst v26  }
0x27a: {  	v25 =	vld [tilespmem:s29+$0x7300]  }
0x27b: {  	v26 =	vld [tilespmem:s29+$0x9300]  }
0x27c: {  	v27 =	vld [tilespmem:s29+$0x7310]  }
0x27d: {  	v28 =	vld [tilespmem:s29+$0x9310]  }
0x27e: {  	v36 =	vld [tilespmem:s29+$0x7320]  }
0x27f: {  	v37 =	vld [tilespmem:s29+$0x9320]  }
0x280: {  	v38 =	vld [tilespmem:s29+$0x7330]  }
0x281: {  	v40 =	vld [tilespmem:s29+$0x9330];
	v39 =	vmul.f32 v26, v25  }
0x282: {  	v25 =	vmul.f32 v25, v25;
	v41 =	vmul.f32 v28, v27  }
0x283: {  	v26 =	vmul.f32 v26, v26;
	v27 =	vmul.f32 v27, v27  }
0x284: {  	v28 =	vmul.f32 v28, v28;
	v42 =	vmul.f32 v37, v36;
	v32 =	vadd.f32 v41, v39  }
0x285: {  	v44 =	vmul.f32 v37, v37;
	v25 =	vadd.f32 v27, v25;
	v27 =	vmul.f32 v36, v36  }
0x286: {  	v45 =	vmul.f32 v40, v38;
	v26 =	vadd.f32 v28, v26;
	v43 =	vadd.f32 v42, v32  }
0x287: {  	v25 =	vadd.f32 v27, v25;
	v27 =	vmul.f32 v38, v38  }
0x288: {  	v46 =	vmul.f32 v40, v40;
	v26 =	vadd.f32 v44, v26;
	v28 =	vadd.f32 v45, v43  }
0x289: {  	v25 =	vadd.f32 v27, v25  }
0x28a: {  	s24 =	sor.u32 $0x1, s23;
	v26 =	vadd.f32 v46, v26;
	[tilespmem:s26+$0xCB44] =	vst v28  }
0x28b: {  	s28 =	sshll.u32 s24, $0xA;
	[tilespmem:s26+$0xCC54] =	vst v25  }
0x28c: {  	v54 =	vld [tilespmem:s28+$0x9210];
	[tilespmem:s26+$0xCD64] =	vst v26  }
0x28d: {  	v25 =	vld [tilespmem:s29+$0x7340]  }
0x28e: {  	v26 =	vld [tilespmem:s29+$0x9340]  }
0x28f: {  	v27 =	vld [tilespmem:s29+$0x7350]  }
0x290: {  	v28 =	vld [tilespmem:s29+$0x9350]  }
0x291: {  	v47 =	vld [tilespmem:s29+$0x7360]  }
0x292: {  	v48 =	vld [tilespmem:s29+$0x9360]  }
0x293: {  	v49 =	vld [tilespmem:s29+$0x7370]  }
0x294: {  	v51 =	vld [tilespmem:s29+$0x9370];
	v50 =	vmul.f32 v26, v25  }
0x295: {  	v58 =	vld [tilespmem:s28+$0x9220];
	v25 =	vmul.f32 v25, v25;
	v52 =	vmul.f32 v28, v27  }
0x296: {  	v35 =	vld [tilespmem:s28+$0x7200];
	v26 =	vmul.f32 v26, v26;
	v27 =	vmul.f32 v27, v27  }
0x297: {  	v36 =	vld [tilespmem:s28+$0x9200];
	v28 =	vmul.f32 v28, v28;
	v53 =	vmul.f32 v48, v47;
	v32 =	vadd.f32 v52, v50  }
0x298: {  	v37 =	vld [tilespmem:s28+$0x7210];
	v30 =	vmul.f32 v48, v48;
	v25 =	vadd.f32 v27, v25;
	v27 =	vmul.f32 v47, v47  }
0x299: {  	v60 =	vld [tilespmem:s28+$0x7230];
	v56 =	vmul.f32 v51, v49;
	v26 =	vadd.f32 v28, v26;
	v55 =	vadd.f32 v53, v32  }
0x29a: {  	v57 =	vld [tilespmem:s28+$0x7220];
	v25 =	vadd.f32 v27, v25;
	v27 =	vmul.f32 v49, v49  }
0x29b: {  	v62 =	vld [tilespmem:s28+$0x9230];
	v59 =	vmul.f32 v51, v51;
	v26 =	vadd.f32 v30, v26;
	v29 =	vadd.f32 v56, v55  }
0x29c: {  	v63 =	vmul.f32 v36, v36;
	v25 =	vadd.f32 v27, v25  }
0x29d: {  	v27 =	vmul.f32 v36, v35;
	v26 =	vadd.f32 v59, v26;
	v36 =	vmul.f32 v54, v37;
	[tilespmem:s26+$0xCB55] =	vst v29  }
0x29e: {  	v61 =	vmul.f32 v35, v35;
	[tilespmem:s26+$0xCC65] =	vst v25;
	v25 =	vmul.f32 v37, v37  }
0x29f: {  	v28 =	vmul.f32 v54, v54;
	[tilespmem:s26+$0xCD75] =	vst v26;
	v26 =	vadd.f32 v36, v27;
	v27 =	vmul.f32 v58, v57  }
0x2a0: {  	v39 =	vmul.f32 v57, v57;
	v41 =	vmul.f32 v62, v60;
	v38 =	vld [tilespmem:s29+$0x7380];
	v25 =	vadd.f32 v25, v61  }
0x2a1: {  	v28 =	vadd.f32 v28, v63;
	v42 =	vld [tilespmem:s29+$0x7390];
	v26 =	vadd.f32 v27, v26;
	v27 =	vmul.f32 v58, v58  }
0x2a2: {  	v43 =	vmul.f32 v60, v60;
	v44 =	vld [tilespmem:s29+$0x9390];
	v25 =	vadd.f32 v39, v25  }
0x2a3: {  	s25 =	smul.u32 $0x330, s24;
	v45 =	vmul.f32 v62, v62;
	v40 =	vld [tilespmem:s29+$0x9380];
	v27 =	vadd.f32 v27, v28;
	v26 =	vadd.f32 v41, v26  }
0x2a4: {  	v46 =	vld [tilespmem:s29+$0x73A0];
	v25 =	vadd.f32 v43, v25  }
0x2a5: {  	v47 =	vld [tilespmem:s29+$0x93A0];
	v27 =	vadd.f32 v45, v27;
	[tilespmem:s25+$0xCB00] =	vst v26  }
0x2a6: {  	v49 =	vld [tilespmem:s29+$0x93B0];
	[tilespmem:s25+$0xCC10] =	vst v25  }
0x2a7: {  	v26 =	vld [tilespmem:s29+$0x73B0];
	v48 =	vmul.f32 v38, v38;
	v50 =	vmul.f32 v44, v42;
	[tilespmem:s25+$0xCD20] =	vst v27  }
0x2a8: {  	v34 =	vmul.f32 v42, v42;
	v32 =	vmul.f32 v44, v44;
	v51 =	vld [tilespmem:s28+$0x7240]  }
0x2a9: {  	v25 =	vmul.f32 v40, v38;
	v27 =	vmul.f32 v40, v40;
	v52 =	vld [tilespmem:s28+$0x9240]  }
0x2aa: {  	v53 =	vmul.f32 v47, v46;
	v31 =	vmul.f32 v46, v46;
	v28 =	vadd.f32 v34, v48;
	v54 =	vld [tilespmem:s28+$0x7250]  }
0x2ab: {  	v29 =	vmul.f32 v47, v47;
	v55 =	vld [tilespmem:s28+$0x9250];
	v25 =	vadd.f32 v50, v25;
	v27 =	vadd.f32 v32, v27  }
0x2ac: {  	v57 =	vld [tilespmem:s28+$0x7260];
	v28 =	vadd.f32 v31, v28;
	v56 =	vmul.f32 v49, v26;
	v26 =	vmul.f32 v26, v26  }
0x2ad: {  	v58 =	vld [tilespmem:s28+$0x9260];
	v25 =	vadd.f32 v53, v25  }
0x2ae: {  	v59 =	vmul.f32 v49, v49;
	v60 =	vld [tilespmem:s28+$0x7270];
	v27 =	vadd.f32 v29, v27;
	v26 =	vadd.f32 v26, v28  }
0x2af: {  	v63 =	vld [tilespmem:s28+$0x9270];
	v25 =	vadd.f32 v56, v25;
	v61 =	vmul.f32 v52, v51  }
0x2b0: {  	v62 =	vmul.f32 v51, v51;
	v27 =	vadd.f32 v59, v27;
	v36 =	vmul.f32 v55, v54;
	[tilespmem:s26+$0xCC76] =	vst v26  }
0x2b1: {  	v32 =	vmul.f32 v55, v55;
	v26 =	vmul.f32 v54, v54;
	[tilespmem:s26+$0xCB66] =	vst v25  }
0x2b2: {  	v38 =	vmul.f32 v58, v57;
	v25 =	vmul.f32 v52, v52;
	[tilespmem:s26+$0xCD86] =	vst v27;
	v27 =	vadd.f32 v36, v61  }
0x2b3: {  	v40 =	vmul.f32 v57, v57;
	v42 =	vmul.f32 v58, v58;
	v39 =	vld [tilespmem:s29+$0x73C0];
	v26 =	vadd.f32 v26, v62  }
0x2b4: {  	v43 =	vmul.f32 v63, v60;
	v41 =	vld [tilespmem:s29+$0x93C0];
	v25 =	vadd.f32 v32, v25;
	v27 =	vadd.f32 v38, v27  }
0x2b5: {  	v30 =	vmul.f32 v60, v60;
	v44 =	vld [tilespmem:s29+$0x73D0];
	v26 =	vadd.f32 v40, v26  }
0x2b6: {  	v46 =	vmul.f32 v63, v63;
	v45 =	vld [tilespmem:s29+$0x93D0];
	v25 =	vadd.f32 v42, v25;
	v27 =	vadd.f32 v43, v27  }
0x2b7: {  	v47 =	vld [tilespmem:s29+$0x73E0];
	v26 =	vadd.f32 v30, v26  }
0x2b8: {  	v48 =	vld [tilespmem:s29+$0x93E0];
	v25 =	vadd.f32 v46, v25;
	[tilespmem:s25+$0xCB11] =	vst v27  }
0x2b9: {  	v50 =	vld [tilespmem:s29+$0x93F0];
	[tilespmem:s25+$0xCC21] =	vst v26  }
0x2ba: {  	v27 =	vld [tilespmem:s29+$0x73F0];
	v49 =	vmul.f32 v39, v39;
	[tilespmem:s25+$0xCD31] =	vst v25  }
0x2bb: {  	v51 =	vmul.f32 v45, v44;
	v26 =	vmul.f32 v41, v39;
	v52 =	vld [tilespmem:s28+$0x7280]  }
0x2bc: {  	v34 =	vmul.f32 v44, v44;
	v32 =	vmul.f32 v45, v45;
	v53 =	vld [tilespmem:s28+$0x9280]  }
0x2bd: {  	v54 =	vmul.f32 v48, v47;
	v25 =	vmul.f32 v41, v41;
	v26 =	vadd.f32 v51, v26;
	v55 =	vld [tilespmem:s28+$0x7290]  }
0x2be: {  	v31 =	vmul.f32 v47, v47;
	v30 =	vmul.f32 v48, v48;
	v28 =	vadd.f32 v34, v49;
	v56 =	vld [tilespmem:s28+$0x9290]  }
0x2bf: {  	v58 =	vld [tilespmem:s28+$0x72A0];
	v25 =	vadd.f32 v32, v25;
	v26 =	vadd.f32 v54, v26;
	v57 =	vmul.f32 v50, v27  }
0x2c0: {  	v59 =	vld [tilespmem:s28+$0x92A0];
	v28 =	vadd.f32 v31, v28;
	v27 =	vmul.f32 v27, v27  }
0x2c1: {  	v29 =	vmul.f32 v50, v50;
	v60 =	vld [tilespmem:s28+$0x72B0];
	v25 =	vadd.f32 v30, v25;
	v26 =	vadd.f32 v57, v26  }
0x2c2: {  	v63 =	vld [tilespmem:s28+$0x92B0];
	v27 =	vadd.f32 v27, v28;
	v61 =	vmul.f32 v53, v52  }
0x2c3: {  	v62 =	vmul.f32 v52, v52;
	v25 =	vadd.f32 v29, v25;
	v36 =	vmul.f32 v56, v55;
	[tilespmem:s26+$0xCB77] =	vst v26  }
0x2c4: {  	v32 =	vmul.f32 v56, v56;
	[tilespmem:s26+$0xCC87] =	vst v27;
	v27 =	vmul.f32 v55, v55  }
0x2c5: {  	v38 =	vmul.f32 v59, v58;
	v26 =	vmul.f32 v53, v53;
	[tilespmem:s26+$0xCD97] =	vst v25;
	v25 =	vadd.f32 v36, v61  }
0x2c6: {  	v40 =	vmul.f32 v58, v58;
	v42 =	vmul.f32 v59, v59;
	v39 =	vld [tilespmem:s29+$0x7400];
	v27 =	vadd.f32 v27, v62  }
0x2c7: {  	v43 =	vmul.f32 v63, v60;
	v26 =	vadd.f32 v32, v26;
	v41 =	vld [tilespmem:s29+$0x9400];
	v25 =	vadd.f32 v38, v25  }
0x2c8: {  	v30 =	vmul.f32 v60, v60;
	v44 =	vld [tilespmem:s29+$0x7410];
	v27 =	vadd.f32 v40, v27  }
0x2c9: {  	v46 =	vmul.f32 v63, v63;
	v45 =	vld [tilespmem:s29+$0x9410];
	v26 =	vadd.f32 v42, v26;
	v25 =	vadd.f32 v43, v25  }
0x2ca: {  	v47 =	vld [tilespmem:s29+$0x7420];
	v27 =	vadd.f32 v30, v27  }
0x2cb: {  	v48 =	vld [tilespmem:s29+$0x9420];
	v26 =	vadd.f32 v46, v26;
	[tilespmem:s25+$0xCB22] =	vst v25  }
0x2cc: {  	v50 =	vld [tilespmem:s29+$0x9430];
	[tilespmem:s25+$0xCC32] =	vst v27  }
0x2cd: {  	v25 =	vld [tilespmem:s29+$0x7430];
	v49 =	vmul.f32 v39, v39;
	[tilespmem:s25+$0xCD42] =	vst v26  }
0x2ce: {  	v51 =	vmul.f32 v45, v44;
	v27 =	vmul.f32 v41, v39;
	v52 =	vld [tilespmem:s28+$0x72C0]  }
0x2cf: {  	v34 =	vmul.f32 v44, v44;
	v32 =	vmul.f32 v45, v45;
	v53 =	vld [tilespmem:s28+$0x92C0]  }
0x2d0: {  	v54 =	vmul.f32 v48, v47;
	v26 =	vmul.f32 v41, v41;
	v55 =	vld [tilespmem:s28+$0x72D0];
	v27 =	vadd.f32 v51, v27  }
0x2d1: {  	v31 =	vmul.f32 v47, v47;
	v30 =	vmul.f32 v48, v48;
	v28 =	vadd.f32 v34, v49;
	v56 =	vld [tilespmem:s28+$0x92D0]  }
0x2d2: {  	v58 =	vld [tilespmem:s28+$0x72E0];
	v26 =	vadd.f32 v32, v26;
	v27 =	vadd.f32 v54, v27;
	v57 =	vmul.f32 v50, v25  }
0x2d3: {  	v59 =	vld [tilespmem:s28+$0x92E0];
	v28 =	vadd.f32 v31, v28;
	v25 =	vmul.f32 v25, v25  }
0x2d4: {  	v29 =	vmul.f32 v50, v50;
	v60 =	vld [tilespmem:s28+$0x72F0];
	v26 =	vadd.f32 v30, v26;
	v27 =	vadd.f32 v57, v27  }
0x2d5: {  	v63 =	vld [tilespmem:s28+$0x92F0];
	v25 =	vadd.f32 v25, v28;
	v61 =	vmul.f32 v53, v52  }
0x2d6: {  	v62 =	vmul.f32 v52, v52;
	v26 =	vadd.f32 v29, v26;
	v36 =	vmul.f32 v56, v55;
	[tilespmem:s26+$0xCB88] =	vst v27  }
0x2d7: {  	v32 =	vmul.f32 v56, v56;
	[tilespmem:s26+$0xCC98] =	vst v25;
	v25 =	vmul.f32 v55, v55  }
0x2d8: {  	v38 =	vmul.f32 v59, v58;
	v27 =	vmul.f32 v53, v53;
	[tilespmem:s26+$0xCDA8] =	vst v26;
	v26 =	vadd.f32 v36, v61  }
0x2d9: {  	v40 =	vmul.f32 v58, v58;
	v42 =	vmul.f32 v59, v59;
	v39 =	vld [tilespmem:s29+$0x7440];
	v25 =	vadd.f32 v25, v62  }
0x2da: {  	v43 =	vmul.f32 v63, v60;
	v44 =	vld [tilespmem:s29+$0x7450];
	v27 =	vadd.f32 v32, v27;
	v26 =	vadd.f32 v38, v26  }
0x2db: {  	v30 =	vmul.f32 v60, v60;
	v45 =	vld [tilespmem:s29+$0x9450];
	v25 =	vadd.f32 v40, v25  }
0x2dc: {  	v46 =	vmul.f32 v63, v63;
	v41 =	vld [tilespmem:s29+$0x9440];
	v27 =	vadd.f32 v42, v27;
	v26 =	vadd.f32 v43, v26  }
0x2dd: {  	v47 =	vld [tilespmem:s29+$0x7460];
	v25 =	vadd.f32 v30, v25  }
0x2de: {  	v48 =	vld [tilespmem:s29+$0x9460];
	v27 =	vadd.f32 v46, v27;
	[tilespmem:s25+$0xCB33] =	vst v26  }
0x2df: {  	v50 =	vld [tilespmem:s29+$0x9470];
	[tilespmem:s25+$0xCC43] =	vst v25  }
0x2e0: {  	v26 =	vld [tilespmem:s29+$0x7470];
	v49 =	vmul.f32 v39, v39;
	v51 =	vmul.f32 v45, v44;
	[tilespmem:s25+$0xCD53] =	vst v27  }
0x2e1: {  	v34 =	vmul.f32 v44, v44;
	v32 =	vmul.f32 v45, v45;
	v52 =	vld [tilespmem:s28+$0x7300]  }
0x2e2: {  	v25 =	vmul.f32 v41, v39;
	v27 =	vmul.f32 v41, v41;
	v53 =	vld [tilespmem:s28+$0x9300]  }
0x2e3: {  	v54 =	vmul.f32 v48, v47;
	v31 =	vmul.f32 v47, v47;
	v28 =	vadd.f32 v34, v49;
	v55 =	vld [tilespmem:s28+$0x7310]  }
0x2e4: {  	v30 =	vmul.f32 v48, v48;
	v56 =	vld [tilespmem:s28+$0x9310];
	v25 =	vadd.f32 v51, v25;
	v27 =	vadd.f32 v32, v27  }
0x2e5: {  	v58 =	vld [tilespmem:s28+$0x7320];
	v28 =	vadd.f32 v31, v28;
	v57 =	vmul.f32 v50, v26;
	v26 =	vmul.f32 v26, v26  }
0x2e6: {  	v59 =	vld [tilespmem:s28+$0x9320];
	v25 =	vadd.f32 v54, v25  }
0x2e7: {  	v29 =	vmul.f32 v50, v50;
	v60 =	vld [tilespmem:s28+$0x7330];
	v27 =	vadd.f32 v30, v27;
	v26 =	vadd.f32 v26, v28  }
0x2e8: {  	v63 =	vld [tilespmem:s28+$0x9330];
	v25 =	vadd.f32 v57, v25;
	v61 =	vmul.f32 v53, v52  }
0x2e9: {  	v62 =	vmul.f32 v52, v52;
	v27 =	vadd.f32 v29, v27;
	v36 =	vmul.f32 v56, v55;
	[tilespmem:s26+$0xCCA9] =	vst v26  }
0x2ea: {  	v32 =	vmul.f32 v56, v56;
	v26 =	vmul.f32 v55, v55;
	[tilespmem:s26+$0xCB99] =	vst v25  }
0x2eb: {  	v38 =	vmul.f32 v59, v58;
	v25 =	vmul.f32 v53, v53;
	[tilespmem:s26+$0xCDB9] =	vst v27;
	v27 =	vadd.f32 v36, v61  }
0x2ec: {  	v40 =	vmul.f32 v58, v58;
	v42 =	vmul.f32 v59, v59;
	v39 =	vld [tilespmem:s29+$0x7480];
	v26 =	vadd.f32 v26, v62  }
0x2ed: {  	v43 =	vmul.f32 v63, v60;
	v41 =	vld [tilespmem:s29+$0x9480];
	v25 =	vadd.f32 v32, v25;
	v27 =	vadd.f32 v38, v27  }
0x2ee: {  	v30 =	vmul.f32 v60, v60;
	v44 =	vld [tilespmem:s29+$0x7490];
	v26 =	vadd.f32 v40, v26  }
0x2ef: {  	v46 =	vmul.f32 v63, v63;
	v45 =	vld [tilespmem:s29+$0x9490];
	v25 =	vadd.f32 v42, v25;
	v27 =	vadd.f32 v43, v27  }
0x2f0: {  	v47 =	vld [tilespmem:s29+$0x74A0];
	v26 =	vadd.f32 v30, v26  }
0x2f1: {  	v48 =	vld [tilespmem:s29+$0x94A0];
	v25 =	vadd.f32 v46, v25;
	[tilespmem:s25+$0xCB44] =	vst v27  }
0x2f2: {  	v50 =	vld [tilespmem:s29+$0x94B0];
	[tilespmem:s25+$0xCC54] =	vst v26  }
0x2f3: {  	v27 =	vld [tilespmem:s29+$0x74B0];
	v49 =	vmul.f32 v39, v39;
	[tilespmem:s25+$0xCD64] =	vst v25  }
0x2f4: {  	v51 =	vmul.f32 v45, v44;
	v26 =	vmul.f32 v41, v39;
	v52 =	vld [tilespmem:s28+$0x7340]  }
0x2f5: {  	v34 =	vmul.f32 v44, v44;
	v32 =	vmul.f32 v45, v45;
	v53 =	vld [tilespmem:s28+$0x9340]  }
0x2f6: {  	v54 =	vmul.f32 v48, v47;
	v25 =	vmul.f32 v41, v41;
	v26 =	vadd.f32 v51, v26;
	v55 =	vld [tilespmem:s28+$0x7350]  }
0x2f7: {  	v31 =	vmul.f32 v47, v47;
	v30 =	vmul.f32 v48, v48;
	v28 =	vadd.f32 v34, v49;
	v56 =	vld [tilespmem:s28+$0x9350]  }
0x2f8: {  	v58 =	vld [tilespmem:s28+$0x7360];
	v25 =	vadd.f32 v32, v25;
	v26 =	vadd.f32 v54, v26;
	v57 =	vmul.f32 v50, v27  }
0x2f9: {  	v59 =	vld [tilespmem:s28+$0x9360];
	v28 =	vadd.f32 v31, v28;
	v27 =	vmul.f32 v27, v27  }
0x2fa: {  	v29 =	vmul.f32 v50, v50;
	v60 =	vld [tilespmem:s28+$0x7370];
	v25 =	vadd.f32 v30, v25;
	v26 =	vadd.f32 v57, v26  }
0x2fb: {  	v63 =	vld [tilespmem:s28+$0x9370];
	v27 =	vadd.f32 v27, v28;
	v61 =	vmul.f32 v53, v52  }
0x2fc: {  	v62 =	vmul.f32 v52, v52;
	v25 =	vadd.f32 v29, v25;
	v36 =	vmul.f32 v56, v55;
	[tilespmem:s26+$0xCBAA] =	vst v26  }
0x2fd: {  	v32 =	vmul.f32 v56, v56;
	[tilespmem:s26+$0xCCBA] =	vst v27;
	v27 =	vmul.f32 v55, v55  }
0x2fe: {  	v38 =	vmul.f32 v59, v58;
	v26 =	vmul.f32 v53, v53;
	[tilespmem:s26+$0xCDCA] =	vst v25;
	v25 =	vadd.f32 v36, v61  }
0x2ff: {  	v40 =	vmul.f32 v58, v58;
	v42 =	vmul.f32 v59, v59;
	v39 =	vld [tilespmem:s29+$0x74C0];
	v27 =	vadd.f32 v27, v62  }
0x300: {  	v43 =	vmul.f32 v63, v60;
	v26 =	vadd.f32 v32, v26;
	v41 =	vld [tilespmem:s29+$0x94C0];
	v25 =	vadd.f32 v38, v25  }
0x301: {  	v30 =	vmul.f32 v60, v60;
	v44 =	vld [tilespmem:s29+$0x74D0];
	v27 =	vadd.f32 v40, v27  }
0x302: {  	v46 =	vmul.f32 v63, v63;
	v45 =	vld [tilespmem:s29+$0x94D0];
	v26 =	vadd.f32 v42, v26;
	v25 =	vadd.f32 v43, v25  }
0x303: {  	v47 =	vld [tilespmem:s29+$0x74E0];
	v27 =	vadd.f32 v30, v27  }
0x304: {  	v48 =	vld [tilespmem:s29+$0x94E0];
	v26 =	vadd.f32 v46, v26;
	[tilespmem:s25+$0xCB55] =	vst v25  }
0x305: {  	v50 =	vld [tilespmem:s29+$0x94F0];
	[tilespmem:s25+$0xCC65] =	vst v27  }
0x306: {  	v25 =	vld [tilespmem:s29+$0x74F0];
	v49 =	vmul.f32 v39, v39;
	[tilespmem:s25+$0xCD75] =	vst v26  }
0x307: {  	v51 =	vmul.f32 v45, v44;
	v27 =	vmul.f32 v41, v39;
	v52 =	vld [tilespmem:s28+$0x7380]  }
0x308: {  	v34 =	vmul.f32 v44, v44;
	v32 =	vmul.f32 v45, v45;
	v53 =	vld [tilespmem:s28+$0x9380]  }
0x309: {  	v54 =	vmul.f32 v48, v47;
	v26 =	vmul.f32 v41, v41;
	v55 =	vld [tilespmem:s28+$0x7390];
	v27 =	vadd.f32 v51, v27  }
0x30a: {  	v31 =	vmul.f32 v47, v47;
	v30 =	vmul.f32 v48, v48;
	v28 =	vadd.f32 v34, v49;
	v56 =	vld [tilespmem:s28+$0x9390]  }
0x30b: {  	v58 =	vld [tilespmem:s28+$0x73A0];
	v26 =	vadd.f32 v32, v26;
	v27 =	vadd.f32 v54, v27;
	v57 =	vmul.f32 v50, v25  }
0x30c: {  	v59 =	vld [tilespmem:s28+$0x93A0];
	v28 =	vadd.f32 v31, v28;
	v25 =	vmul.f32 v25, v25  }
0x30d: {  	v29 =	vmul.f32 v50, v50;
	v60 =	vld [tilespmem:s28+$0x73B0];
	v26 =	vadd.f32 v30, v26;
	v27 =	vadd.f32 v57, v27  }
0x30e: {  	v63 =	vld [tilespmem:s28+$0x93B0];
	v25 =	vadd.f32 v25, v28;
	v61 =	vmul.f32 v53, v52  }
0x30f: {  	v62 =	vmul.f32 v52, v52;
	v26 =	vadd.f32 v29, v26;
	v36 =	vmul.f32 v56, v55;
	[tilespmem:s26+$0xCBBB] =	vst v27  }
0x310: {  	v32 =	vmul.f32 v56, v56;
	[tilespmem:s26+$0xCCCB] =	vst v25;
	v25 =	vmul.f32 v55, v55  }
0x311: {  	v38 =	vmul.f32 v59, v58;
	v27 =	vmul.f32 v53, v53;
	[tilespmem:s26+$0xCDDB] =	vst v26;
	v26 =	vadd.f32 v36, v61  }
0x312: {  	v40 =	vmul.f32 v58, v58;
	v42 =	vmul.f32 v59, v59;
	v39 =	vld [tilespmem:s29+$0x7500];
	v25 =	vadd.f32 v25, v62  }
0x313: {  	v43 =	vmul.f32 v63, v60;
	v44 =	vld [tilespmem:s29+$0x7510];
	v27 =	vadd.f32 v32, v27;
	v26 =	vadd.f32 v38, v26  }
0x314: {  	v30 =	vmul.f32 v60, v60;
	v45 =	vld [tilespmem:s29+$0x9510];
	v25 =	vadd.f32 v40, v25  }
0x315: {  	v46 =	vmul.f32 v63, v63;
	v41 =	vld [tilespmem:s29+$0x9500];
	v27 =	vadd.f32 v42, v27;
	v26 =	vadd.f32 v43, v26  }
0x316: {  	v47 =	vld [tilespmem:s29+$0x7520];
	v25 =	vadd.f32 v30, v25  }
0x317: {  	v48 =	vld [tilespmem:s29+$0x9520];
	v27 =	vadd.f32 v46, v27;
	[tilespmem:s25+$0xCB66] =	vst v26  }
0x318: {  	v50 =	vld [tilespmem:s29+$0x9530];
	[tilespmem:s25+$0xCC76] =	vst v25  }
0x319: {  	v26 =	vld [tilespmem:s29+$0x7530];
	v49 =	vmul.f32 v39, v39;
	v51 =	vmul.f32 v45, v44;
	[tilespmem:s25+$0xCD86] =	vst v27  }
0x31a: {  	v34 =	vmul.f32 v44, v44;
	v32 =	vmul.f32 v45, v45;
	v52 =	vld [tilespmem:s28+$0x73C0]  }
0x31b: {  	v25 =	vmul.f32 v41, v39;
	v27 =	vmul.f32 v41, v41;
	v53 =	vld [tilespmem:s28+$0x93C0]  }
0x31c: {  	v54 =	vmul.f32 v48, v47;
	v31 =	vmul.f32 v47, v47;
	v28 =	vadd.f32 v34, v49;
	v55 =	vld [tilespmem:s28+$0x73D0]  }
0x31d: {  	v30 =	vmul.f32 v48, v48;
	v56 =	vld [tilespmem:s28+$0x93D0];
	v25 =	vadd.f32 v51, v25;
	v27 =	vadd.f32 v32, v27  }
0x31e: {  	v58 =	vld [tilespmem:s28+$0x73E0];
	v28 =	vadd.f32 v31, v28;
	v57 =	vmul.f32 v50, v26;
	v26 =	vmul.f32 v26, v26  }
0x31f: {  	v59 =	vld [tilespmem:s28+$0x93E0];
	v25 =	vadd.f32 v54, v25  }
0x320: {  	v29 =	vmul.f32 v50, v50;
	v60 =	vld [tilespmem:s28+$0x73F0];
	v27 =	vadd.f32 v30, v27;
	v26 =	vadd.f32 v26, v28  }
0x321: {  	v63 =	vld [tilespmem:s28+$0x93F0];
	v25 =	vadd.f32 v57, v25;
	v61 =	vmul.f32 v53, v52  }
0x322: {  	v62 =	vmul.f32 v52, v52;
	v27 =	vadd.f32 v29, v27;
	v36 =	vmul.f32 v56, v55;
	[tilespmem:s26+$0xCCDC] =	vst v26  }
0x323: {  	v32 =	vmul.f32 v56, v56;
	v26 =	vmul.f32 v55, v55;
	[tilespmem:s26+$0xCBCC] =	vst v25  }
0x324: {  	v38 =	vmul.f32 v59, v58;
	v25 =	vmul.f32 v53, v53;
	[tilespmem:s26+$0xCDEC] =	vst v27;
	v27 =	vadd.f32 v36, v61  }
0x325: {  	v40 =	vmul.f32 v58, v58;
	v42 =	vmul.f32 v59, v59;
	v39 =	vld [tilespmem:s29+$0x7540];
	v26 =	vadd.f32 v26, v62  }
0x326: {  	v43 =	vmul.f32 v63, v60;
	v41 =	vld [tilespmem:s29+$0x9540];
	v25 =	vadd.f32 v32, v25;
	v27 =	vadd.f32 v38, v27  }
0x327: {  	v30 =	vmul.f32 v60, v60;
	v44 =	vld [tilespmem:s29+$0x7550];
	v26 =	vadd.f32 v40, v26  }
0x328: {  	v46 =	vmul.f32 v63, v63;
	v45 =	vld [tilespmem:s29+$0x9550];
	v25 =	vadd.f32 v42, v25;
	v27 =	vadd.f32 v43, v27  }
0x329: {  	v47 =	vld [tilespmem:s29+$0x7560];
	v26 =	vadd.f32 v30, v26  }
0x32a: {  	v48 =	vld [tilespmem:s29+$0x9560];
	v25 =	vadd.f32 v46, v25;
	[tilespmem:s25+$0xCB77] =	vst v27  }
0x32b: {  	v50 =	vld [tilespmem:s29+$0x9570];
	[tilespmem:s25+$0xCC87] =	vst v26  }
0x32c: {  	v27 =	vld [tilespmem:s29+$0x7570];
	v49 =	vmul.f32 v39, v39;
	[tilespmem:s25+$0xCD97] =	vst v25  }
0x32d: {  	v51 =	vmul.f32 v45, v44;
	v26 =	vmul.f32 v41, v39;
	v52 =	vld [tilespmem:s28+$0x7400]  }
0x32e: {  	v34 =	vmul.f32 v44, v44;
	v32 =	vmul.f32 v45, v45;
	v53 =	vld [tilespmem:s28+$0x9400]  }
0x32f: {  	v54 =	vmul.f32 v48, v47;
	v25 =	vmul.f32 v41, v41;
	v26 =	vadd.f32 v51, v26;
	v55 =	vld [tilespmem:s28+$0x7410]  }
0x330: {  	v31 =	vmul.f32 v47, v47;
	v30 =	vmul.f32 v48, v48;
	v28 =	vadd.f32 v34, v49;
	v56 =	vld [tilespmem:s28+$0x9410]  }
0x331: {  	v58 =	vld [tilespmem:s28+$0x7420];
	v25 =	vadd.f32 v32, v25;
	v26 =	vadd.f32 v54, v26;
	v57 =	vmul.f32 v50, v27  }
0x332: {  	v59 =	vld [tilespmem:s28+$0x9420];
	v28 =	vadd.f32 v31, v28;
	v27 =	vmul.f32 v27, v27  }
0x333: {  	v29 =	vmul.f32 v50, v50;
	v60 =	vld [tilespmem:s28+$0x7430];
	v25 =	vadd.f32 v30, v25;
	v26 =	vadd.f32 v57, v26  }
0x334: {  	v63 =	vld [tilespmem:s28+$0x9430];
	v27 =	vadd.f32 v27, v28;
	v61 =	vmul.f32 v53, v52  }
0x335: {  	v62 =	vmul.f32 v52, v52;
	v25 =	vadd.f32 v29, v25;
	v38 =	vmul.f32 v56, v55;
	[tilespmem:s26+$0xCBDD] =	vst v26  }
0x336: {  	v32 =	vmul.f32 v56, v56;
	[tilespmem:s26+$0xCCED] =	vst v27;
	v27 =	vmul.f32 v55, v55  }
0x337: {  	v39 =	vmul.f32 v59, v58;
	v26 =	vmul.f32 v53, v53;
	[tilespmem:s26+$0xCDFD] =	vst v25;
	v25 =	vadd.f32 v38, v61  }
0x338: {  	v41 =	vmul.f32 v58, v58;
	v43 =	vmul.f32 v59, v59;
	v40 =	vld [tilespmem:s29+$0x7580];
	v27 =	vadd.f32 v27, v62  }
0x339: {  	v44 =	vmul.f32 v63, v60;
	v26 =	vadd.f32 v32, v26;
	v42 =	vld [tilespmem:s29+$0x9580];
	v25 =	vadd.f32 v39, v25  }
0x33a: {  	v30 =	vmul.f32 v60, v60;
	v45 =	vld [tilespmem:s29+$0x7590];
	v27 =	vadd.f32 v41, v27  }
0x33b: {  	v47 =	vmul.f32 v63, v63;
	v46 =	vld [tilespmem:s29+$0x9590];
	v26 =	vadd.f32 v43, v26;
	v25 =	vadd.f32 v44, v25  }
0x33c: {  	v48 =	vld [tilespmem:s29+$0x75A0];
	v27 =	vadd.f32 v30, v27  }
0x33d: {  	v49 =	vld [tilespmem:s29+$0x95A0];
	v26 =	vadd.f32 v47, v26;
	[tilespmem:s25+$0xCB88] =	vst v25  }
0x33e: {  	v51 =	vld [tilespmem:s29+$0x95B0];
	[tilespmem:s25+$0xCC98] =	vst v27  }
0x33f: {  	v25 =	vld [tilespmem:s29+$0x75B0];
	v50 =	vmul.f32 v40, v40;
	[tilespmem:s25+$0xCDA8] =	vst v26  }
0x340: {  	v52 =	vmul.f32 v46, v45;
	v27 =	vmul.f32 v42, v40;
	v53 =	vld [tilespmem:s28+$0x7440]  }
0x341: {  	v34 =	vmul.f32 v45, v45;
	v32 =	vmul.f32 v46, v46;
	v54 =	vld [tilespmem:s28+$0x9440]  }
0x342: {  	v55 =	vmul.f32 v49, v48;
	v26 =	vmul.f32 v42, v42;
	v56 =	vld [tilespmem:s28+$0x7450];
	v27 =	vadd.f32 v52, v27  }
0x343: {  	v31 =	vmul.f32 v48, v48;
	v30 =	vmul.f32 v49, v49;
	v28 =	vadd.f32 v34, v50;
	v57 =	vld [tilespmem:s28+$0x9450]  }
0x344: {  	v59 =	vld [tilespmem:s28+$0x7460];
	v26 =	vadd.f32 v32, v26;
	v27 =	vadd.f32 v55, v27;
	v58 =	vmul.f32 v51, v25  }
0x345: {  	v60 =	vld [tilespmem:s28+$0x9460];
	v28 =	vadd.f32 v31, v28;
	v25 =	vmul.f32 v25, v25  }
0x346: {  	v29 =	vmul.f32 v51, v51;
	v61 =	vld [tilespmem:s28+$0x7470];
	v26 =	vadd.f32 v30, v26;
	v27 =	vadd.f32 v58, v27  }
0x347: {  	v38 =	vld [tilespmem:s28+$0x9470];
	v25 =	vadd.f32 v25, v28;
	v62 =	vmul.f32 v54, v53  }
0x348: {  	v63 =	vmul.f32 v53, v53;
	v26 =	vadd.f32 v29, v26;
	v39 =	vmul.f32 v57, v56;
	[tilespmem:s26+$0xCBEE] =	vst v27  }
0x349: {  	v32 =	vmul.f32 v57, v57;
	[tilespmem:s26+$0xCCFE] =	vst v25;
	v25 =	vmul.f32 v56, v56  }
0x34a: {  	v40 =	vmul.f32 v60, v59;
	v27 =	vmul.f32 v54, v54;
	[tilespmem:s26+$0xCE0E] =	vst v26;
	v26 =	vadd.f32 v39, v62  }
0x34b: {  	v42 =	vmul.f32 v59, v59;
	v44 =	vmul.f32 v60, v60;
	v41 =	vld [tilespmem:s29+$0x75C0];
	v25 =	vadd.f32 v25, v63  }
0x34c: {  	v45 =	vmul.f32 v38, v61;
	v43 =	vld [tilespmem:s29+$0x95C0];
	v27 =	vadd.f32 v32, v27;
	v26 =	vadd.f32 v40, v26  }
0x34d: {  	v30 =	vmul.f32 v61, v61;
	v46 =	vld [tilespmem:s29+$0x75D0];
	v25 =	vadd.f32 v42, v25  }
0x34e: {  	v48 =	vmul.f32 v38, v38;
	v47 =	vld [tilespmem:s29+$0x95D0];
	v27 =	vadd.f32 v44, v27;
	v26 =	vadd.f32 v45, v26  }
0x34f: {  	v49 =	vld [tilespmem:s29+$0x75E0];
	v25 =	vadd.f32 v30, v25  }
0x350: {  	v50 =	vld [tilespmem:s29+$0x95E0];
	v27 =	vadd.f32 v48, v27;
	[tilespmem:s25+$0xCB99] =	vst v26  }
0x351: {  	v52 =	vld [tilespmem:s29+$0x95F0];
	[tilespmem:s25+$0xCCA9] =	vst v25  }
0x352: {  	v26 =	vld [tilespmem:s29+$0x75F0];
	[tilespmem:s25+$0xCDB9] =	vst v27  }
0x353: {  	v54 =	vld [tilespmem:s28+$0x7480]  }
0x354: {  	v55 =	vld [tilespmem:s28+$0x9480]  }
0x355: {  	v51 =	vmul.f32 v41, v41;
	v34 =	vmul.f32 v46, v46;
	v57 =	vld [tilespmem:s28+$0x7490]  }
0x356: {  	v32 =	vmul.f32 v47, v47;
	v27 =	vmul.f32 v43, v43;
	v58 =	vld [tilespmem:s28+$0x9490]  }
0x357: {  	v53 =	vmul.f32 v47, v46;
	v31 =	vmul.f32 v49, v49;
	v28 =	vadd.f32 v34, v51;
	v60 =	vld [tilespmem:s28+$0x74A0]  }
0x358: {  	v30 =	vmul.f32 v50, v50;
	v29 =	vmul.f32 v52, v52;
	v61 =	vld [tilespmem:s28+$0x94A0];
	v27 =	vadd.f32 v32, v27  }
0x359: {  	v62 =	vld [tilespmem:s28+$0x74B0];
	v28 =	vadd.f32 v31, v28;
	v59 =	vmul.f32 v52, v26;
	v26 =	vmul.f32 v26, v26  }
0x35a: {  	v25 =	vmul.f32 v43, v41;
	v41 =	vld [tilespmem:s28+$0x94B0];
	v27 =	vadd.f32 v30, v27;
	v63 =	vmul.f32 v55, v54  }
0x35b: {  	v26 =	vadd.f32 v26, v28;
	v40 =	vmul.f32 v54, v54;
	v43 =	vmul.f32 v58, v57  }
0x35c: {  	v27 =	vadd.f32 v29, v27;
	v42 =	vmul.f32 v55, v55;
	v37 =	vmul.f32 v57, v57  }
0x35d: {  	v32 =	vmul.f32 v58, v58;
	v44 =	vmul.f32 v61, v60;
	v28 =	vadd.f32 v43, v63  }
0x35e: {  	v45 =	vmul.f32 v60, v60;
	v31 =	vmul.f32 v61, v61;
	v33 =	vadd.f32 v37, v40  }
0x35f: {  	v46 =	vmul.f32 v41, v62;
	v29 =	vadd.f32 v32, v42;
	v28 =	vadd.f32 v44, v28  }
0x360: {  	v30 =	vmul.f32 v62, v62;
	v32 =	vadd.f32 v45, v33  }
0x361: {  	v47 =	vmul.f32 v41, v41;
	[tilespmem:s26+$0xCD0F] =	vst v26;
	v26 =	vadd.f32 v31, v29;
	v28 =	vadd.f32 v46, v28  }
0x362: {  	[tilespmem:s26+$0xCE1F] =	vst v27;
	v27 =	vadd.f32 v30, v32  }
0x363: {  	v26 =	vadd.f32 v47, v26;
	[tilespmem:s25+$0xCBAA] =	vst v28  }
0x364: {  	v56 =	vmul.f32 v50, v49;
	v25 =	vadd.f32 v53, v25;
	[tilespmem:s25+$0xCCBA] =	vst v27  }
0x365: {  	v27 =	vadd.s32 s26, v2;
	[tilespmem:s25+$0xCDCA] =	vst v26  }
0x366: {  	v38 =	vadd.s32 s26, v0;
	v25 =	vadd.f32 v56, v25;
	v26 =	vand.u32 $0x3FF8, v27;
	v27 =	vld [tilespmem:s28+$0x74C0]  }
0x367: {  	s30 =	sadd.s32 $0x110, s26;
	v38 =	vand.u32 $0x3FF8, v38;
	v48 =	vadd.s32 s26, v4;
	v49 =	vadd.s32 s26, v6;
	v50 =	vld [tilespmem:s28+$0x94C0]  }
0x368: {  	v51 =	vadd.s32 s30, v0;
	v25 =	vadd.f32 v59, v25;
	v54 =	vadd.s32 s30, v2;
	v52 =	vld [tilespmem:s28+$0x74D0]  }
0x369: {  	s31 =	sadd.s32 $0x220, s26;
	v55 =	vadd.s32 s30, v4;
	v57 =	vadd.s32 s30, v6;
	v34 =	vand.u32 $0x7FF8, v54;
	v53 =	vld [tilespmem:s28+$0x94D0]  }
0x36a: {  	v35 =	vand.u32 $0x7FF8, v55;
	v54 =	vadd.s32 s31, v0;
	[tilespmem:s26+$0xCBFF] =	vst v25;
	v25 =	vor.u32 v1, v38;
	v56 =	vld [tilespmem:s28+$0x74E0]  }
0x36b: {  	v34 =	vor.u32 v3, v34;
	v37 =	vand.u32 $0x7FF8, v57;
	v29 =	vand.u32 $0x3FF8, v49;
	v58 =	vld [tilespmem:s28+$0x94E0]  }
0x36c: {  	v37 =	vor.u32 v7, v37;
	v31 =	vand.u32 $0x7FF8, v51;
	v29 =	vor.u32 v7, v29;
	v39 =	vld [tilespmem:s28+$0x74F0]  }
0x36d: {  	v31 =	vor.u32 v1, v31;
	v28 =	vand.u32 $0x3FF8, v48;
	v41 =	vld [tilespmem:s28+$0x94F0];
	v40 =	vmul.f32 v50, v27  }
0x36e: {  	v26 =	vor.u32 v3, v26;
	v27 =	vmul.f32 v27, v27;
	v43 =	vmul.f32 v53, v52  }
0x36f: {  	v28 =	vor.u32 v5, v28;
	v30 =	vmul.f32 v50, v50;
	v32 =	vmul.f32 v52, v52  }
0x370: {  	v33 =	vmul.f32 v53, v53;
	v59 =	vmul.f32 v58, v56;
	v40 =	vadd.f32 v43, v40  }
0x371: {  	v25 =	vld.idx.msk [tilespmem:v25+s17+$0x0], $0xffff;
	v60 =	vmul.f32 v56, v56;
	v62 =	vmul.f32 v58, v58;
	v27 =	vadd.f32 v32, v27  }
0x372: {  	v34 =	vld.idx.msk [tilespmem:v34+s17+$0x0], $0xffff;
	v63 =	vmul.f32 v41, v39;
	v30 =	vadd.f32 v33, v30;
	v61 =	vadd.f32 v59, v40  }
0x373: {  	v35 =	vor.u32 v5, v35;
	v26 =	vld.idx.msk [tilespmem:v26+s17+$0x0], $0xffff;
	v27 =	vadd.f32 v60, v27;
	v40 =	vmul.f32 v39, v39  }
0x374: {  	v31 =	vld.idx.msk [tilespmem:v31+s17+$0x0], $0xffff;
	v41 =	vmul.f32 v41, v41;
	v30 =	vadd.f32 v62, v30;
	v33 =	vadd.f32 v63, v61  }
0x375: {  	v42 =	vadd.s32 s30, v8;
	v57 =	vadd.s32 s31, v2;
	v29 =	vld.idx.msk [tilespmem:v29+s17+$0x0], $0xffff;
	v27 =	vadd.f32 v40, v27  }
0x376: {  	v38 =	vadd.s32 s30, v20;
	v42 =	vand.u32 $0x7FF8, v42;
	v28 =	vld.idx.msk [tilespmem:v28+s17+$0x0], $0xffff;
	v30 =	vadd.f32 v41, v30;
	[tilespmem:s25+$0xCBBB] =	vst v33  }
0x377: {  	v42 =	vor.u32 v9, v42;
	v44 =	vadd.s32 s26, v8;
	v49 =	vadd.s32 s30, v10;
	v43 =	vld.idx.msk [tilespmem:v37+s17+$0x0], $0xffff;
	[tilespmem:s25+$0xCCCB] =	vst v27  }
0x378: {  	v51 =	vadd.s32 s30, v12;
	v46 =	vadd.s32 s26, v10;
	v25 =	vadd.f32 v26, v25;
	v26 =	vld.idx.msk [tilespmem:v35+s17+$0x0], $0xffff;
	[tilespmem:s25+$0xCDDB] =	vst v30  }
0x379: {  	v47 =	vadd.s32 s26, v12;
	v53 =	vadd.s32 s30, v14;
	v31 =	vadd.f32 v34, v31;
	v48 =	vld [tilespmem:s28+$0x7500]  }
0x37a: {  	v36 =	vand.u32 $0x7FF8, v53;
	v53 =	vadd.s32 s26, v14;
	v32 =	vand.u32 $0x7FF8, v51;
	v33 =	vld [tilespmem:s28+$0x9500]  }
0x37b: {  	v37 =	vand.u32 $0x7FF8, v54;
	v36 =	vor.u32 v15, v36;
	v54 =	vadd.s32 s30, v16;
	v50 =	vld [tilespmem:s28+$0x7510]  }
0x37c: {  	v32 =	vor.u32 v13, v32;
	v37 =	vor.u32 v1, v37;
	v40 =	vand.u32 $0x7FF8, v57;
	v52 =	vld [tilespmem:s28+$0x9510]  }
0x37d: {  	v39 =	vadd.s32 s30, v21;
	v57 =	vadd.s32 s30, v18;
	v40 =	vor.u32 v3, v40;
	v55 =	vld [tilespmem:s28+$0x7520]  }
0x37e: {  	v25 =	vadd.f32 v28, v25;
	v27 =	vand.u32 $0x3FF8, v44;
	v30 =	vand.u32 $0x3FF8, v47;
	v56 =	vld [tilespmem:s28+$0x9520]  }
0x37f: {  	v28 =	vand.u32 $0x7FF8, v49;
	v27 =	vor.u32 v9, v27;
	v30 =	vor.u32 v13, v30;
	v58 =	vld [tilespmem:s28+$0x7530]  }
0x380: {  	v28 =	vor.u32 v11, v28;
	v60 =	vld [tilespmem:s28+$0x9530];
	v25 =	vadd.f32 v29, v25;
	v59 =	vmul.f32 v33, v48  }
0x381: {  	v45 =	vld.idx.msk [tilespmem:v42+s17+$0x0], $0xffff;
	v26 =	vadd.f32 v26, v31;
	v31 =	vmul.f32 v48, v48;
	v33 =	vmul.f32 v33, v33  }
0x382: {  	v29 =	vand.u32 $0x3FF8, v46;
	v44 =	vmul.f32 v52, v50;
	v34 =	vmul.f32 v50, v50  }
0x383: {  	v29 =	vor.u32 v11, v29;
	v35 =	vmul.f32 v52, v52;
	v61 =	vmul.f32 v56, v55  }
0x384: {  	v26 =	vadd.f32 v43, v26;
	v62 =	vmul.f32 v55, v55;
	v46 =	vmul.f32 v56, v56  }
0x385: {  	v51 =	vld.idx.msk [tilespmem:v37+s17+$0x0], $0xffff;
	v47 =	vmul.f32 v60, v58;
	v49 =	vmul.f32 v58, v58;
	v42 =	vadd.f32 v44, v59  }
0x386: {  	v27 =	vld.idx.msk [tilespmem:v27+s17+$0x0], $0xffff;
	v26 =	vadd.f32 v45, v26;
	v45 =	vadd.s32 s31, v4;
	v31 =	vadd.f32 v34, v31  }
0x387: {  	v28 =	vld.idx.msk [tilespmem:v28+s17+$0x0], $0xffff;
	v45 =	vand.u32 $0x7FF8, v45;
	v33 =	vadd.f32 v35, v33;
	v63 =	vadd.f32 v61, v42  }
0x388: {  	v50 =	vmul.f32 v60, v60;
	v52 =	vld.idx.msk [tilespmem:v40+s17+$0x0], $0xffff;
	v48 =	vor.u32 v5, v45;
	v31 =	vadd.f32 v62, v31  }
0x389: {  	v32 =	vld.idx.msk [tilespmem:v32+s17+$0x0], $0xffff;
	v56 =	vadd.s32 s30, v17;
	v33 =	vadd.f32 v46, v33;
	v35 =	vadd.f32 v47, v63  }
0x38a: {  	v58 =	vadd.s32 s30, v19;
	v40 =	vadd.s32 s30, v22;
	v29 =	vld.idx.msk [tilespmem:v29+s17+$0x0], $0xffff;
	v31 =	vadd.f32 v49, v31  }
0x38b: {  	v30 =	vld.idx.msk [tilespmem:v30+s17+$0x0], $0xffff;
	v42 =	vadd.s32 s30, v23;
	v62 =	vand.u32 $0x7FF8, v56;
	v33 =	vadd.f32 v50, v33;
	[tilespmem:s25+$0xCBCC] =	vst v35  }
0x38c: {  	v56 =	vadd.s32 s31, v10;
	v25 =	vadd.f32 v27, v25;
	v27 =	vld.idx.msk [tilespmem:v36+s17+$0x0], $0xffff;
	v26 =	vadd.f32 v28, v26;
	[tilespmem:s25+$0xCCDC] =	vst v31  }
0x38d: {  	v36 =	vand.u32 $0x7FF8, v58;
	v28 =	vadd.f32 v52, v51;
	v51 =	vadd.s32 s31, v6;
	v55 =	vld.idx.msk [tilespmem:v48+s17+$0x0], $0xffff;
	[tilespmem:s25+$0xCDEC] =	vst v33  }
0x38e: {  	v52 =	vadd.s32 s31, v8;
	v44 =	vand.u32 $0x7FF8, v56;
	v49 =	vadd.s32 s31, v12;
	v59 =	vld [tilespmem:s28+$0x7540]  }
0x38f: {  	v44 =	vor.u32 v11, v44;
	v50 =	vadd.s32 s26, v16;
	v25 =	vadd.f32 v29, v25;
	v60 =	vld [tilespmem:s28+$0x9540]  }
0x390: {  	v26 =	vadd.f32 v32, v26;
	v32 =	vor.u32 v3, v62;
	v49 =	vand.u32 $0x7FF8, v49;
	v61 =	vld [tilespmem:s28+$0x7550]  }
0x391: {  	v29 =	vor.u32 v7, v36;
	v35 =	vand.u32 $0x7FF8, v57;
	v49 =	vor.u32 v13, v49;
	v63 =	vld [tilespmem:s28+$0x9550]  }
0x392: {  	v25 =	vadd.f32 v30, v25;
	v30 =	vand.u32 $0x3FF8, v53;
	v35 =	vor.u32 v5, v35;
	v47 =	vld [tilespmem:s28+$0x9560]  }
0x393: {  	v53 =	vand.u32 $0x7FF8, v51;
	v48 =	vld [tilespmem:s28+$0x7570];
	v51 =	vand.u32 $0x3FF8, v50;
	v50 =	vand.u32 $0x7FF8, v42  }
0x394: {  	v58 =	vld [tilespmem:s28+$0x9570];
	v26 =	vadd.f32 v27, v26;
	v27 =	vand.u32 $0x7FF8, v54;
	v54 =	vand.u32 $0x7FF8, v52  }
0x395: {  	v34 =	vor.u32 v7, v53;
	v30 =	vor.u32 v15, v30;
	v52 =	vadd.s32 s26, v17  }
0x396: {  	v27 =	vor.u32 v1, v27;
	v57 =	vmul.f32 v60, v59;
	v46 =	vmul.f32 v63, v61  }
0x397: {  	v28 =	vadd.f32 v55, v28;
	v55 =	vld [tilespmem:s28+$0x7560];
	v37 =	vmul.f32 v59, v59;
	v31 =	vmul.f32 v61, v61  }
0x398: {  	v36 =	vor.u32 v9, v54;
	v32 =	vld.idx.msk [tilespmem:v32+s17+$0x0], $0xffff;
	v41 =	vmul.f32 v60, v60;
	v33 =	vmul.f32 v63, v63  }
0x399: {  	v54 =	vor.u32 v1, v51;
	v29 =	vld.idx.msk [tilespmem:v29+s17+$0x0], $0xffff;
	v61 =	vmul.f32 v47, v47;
	v62 =	vmul.f32 v58, v48  }
0x39a: {  	v53 =	vld.idx.msk [tilespmem:v49+s17+$0x0], $0xffff;
	v59 =	vadd.s32 s31, v14;
	v63 =	vmul.f32 v48, v48;
	v48 =	vmul.f32 v58, v58  }
0x39b: {  	v31 =	vadd.f32 v31, v37;
	v27 =	vld.idx.msk [tilespmem:v27+s17+$0x0], $0xffff;
	v33 =	vadd.f32 v33, v41;
	v37 =	vand.u32 $0x7FF8, v59  }
0x39c: {  	v35 =	vld.idx.msk [tilespmem:v35+s17+$0x0], $0xffff;
	v45 =	vadd.f32 v46, v57;
	v37 =	vor.u32 v15, v37;
	v43 =	vmul.f32 v55, v55  }
0x39d: {  	v34 =	vld.idx.msk [tilespmem:v34+s17+$0x0], $0xffff;
	v60 =	vmul.f32 v47, v55;
	v33 =	vadd.f32 v61, v33;
	v55 =	vand.u32 $0x3FF8, v52  }
0x39e: {  	v51 =	vadd.s32 s31, v16;
	v30 =	vld.idx.msk [tilespmem:v30+s17+$0x0], $0xffff;
	v57 =	vor.u32 v3, v55;
	v31 =	vadd.f32 v43, v31  }
0x39f: {  	v58 =	vadd.s32 s26, v18;
	v36 =	vld.idx.msk [tilespmem:v36+s17+$0x0], $0xffff;
	v41 =	vadd.f32 v60, v45;
	v33 =	vadd.f32 v48, v33  }
0x3a0: {  	v59 =	vand.u32 $0x7FF8, v38;
	v26 =	vadd.f32 v27, v26;
	v27 =	vld.idx.msk [tilespmem:v44+s17+$0x0], $0xffff;
	v31 =	vadd.f32 v63, v31  }
0x3a1: {  	v61 =	vand.u32 $0x7FF8, v39;
	v52 =	vadd.s32 s31, v17;
	v41 =	vadd.f32 v62, v41;
	v56 =	vld.idx.msk [tilespmem:v37+s17+$0x0], $0xffff;
	[tilespmem:s25+$0xCDFD] =	vst v33  }
0x3a2: {  	v38 =	vor.u32 v11, v61;
	v55 =	vadd.s32 s31, v19;
	v26 =	vadd.f32 v32, v26;
	[tilespmem:s25+$0xCCED] =	vst v31;
	v31 =	vld.idx.msk [tilespmem:v54+s17+$0x0], $0xffff  }
0x3a3: {  	v61 =	vadd.s32 s31, v20;
	v28 =	vadd.f32 v34, v28;
	v34 =	vand.u32 $0x3FF8, v58;
	[tilespmem:s25+$0xCBDD] =	vst v41;
	v33 =	vld.idx.msk [tilespmem:v57+s17+$0x0], $0xffff  }
0x3a4: {  	v49 =	vand.u32 $0x7FF8, v61;
	v25 =	vadd.f32 v30, v25;
	v26 =	vadd.f32 v35, v26;
	v35 =	vld [tilespmem:s28+$0x7580]  }
0x3a5: {  	v34 =	vor.u32 v5, v34;
	v44 =	vand.u32 $0x7FF8, v55;
	v28 =	vadd.f32 v36, v28;
	v60 =	vld [tilespmem:s28+$0x7590]  }
0x3a6: {  	v49 =	vor.u32 v9, v49;
	v62 =	vand.u32 $0x7FF8, v40;
	v40 =	vor.u32 v15, v50;
	v63 =	vld [tilespmem:s28+$0x9590]  }
0x3a7: {  	v36 =	vand.u32 $0x7FF8, v51;
	v44 =	vor.u32 v7, v44;
	v27 =	vadd.f32 v27, v28;
	v28 =	vld [tilespmem:s28+$0x9580]  }
0x3a8: {  	v39 =	vor.u32 v13, v62;
	v36 =	vor.u32 v1, v36;
	v41 =	vand.u32 $0x7FF8, v52;
	v54 =	vld [tilespmem:s28+$0x75A0]  }
0x3a9: {  	v62 =	vadd.s32 s31, v21;
	v58 =	vld [tilespmem:s28+$0x95A0];
	v41 =	vor.u32 v3, v41;
	v26 =	vadd.f32 v29, v26  }
0x3aa: {  	v29 =	vor.u32 v9, v59;
	v59 =	vld [tilespmem:s28+$0x75B0];
	v27 =	vadd.f32 v53, v27;
	v53 =	vadd.s32 s31, v18  }
0x3ab: {  	v42 =	vand.u32 $0x7FF8, v53;
	v57 =	vmul.f32 v63, v60;
	v37 =	vmul.f32 v60, v60;
	v60 =	vld [tilespmem:s28+$0x95B0]  }
0x3ac: {  	v38 =	vld.idx.msk [tilespmem:v38+s17+$0x0], $0xffff;
	v27 =	vadd.f32 v56, v27;
	v32 =	vmul.f32 v63, v63;
	v56 =	vmul.f32 v28, v35  }
0x3ad: {  	v34 =	vld.idx.msk [tilespmem:v34+s17+$0x0], $0xffff;
	v42 =	vor.u32 v5, v42;
	v35 =	vmul.f32 v35, v35;
	v28 =	vmul.f32 v28, v28  }
0x3ae: {  	v40 =	vld.idx.msk [tilespmem:v40+s17+$0x0], $0xffff;
	v63 =	vmul.f32 v58, v54;
	v43 =	vmul.f32 v54, v54;
	v45 =	vadd.f32 v57, v56  }
0x3af: {  	v36 =	vld.idx.msk [tilespmem:v36+s17+$0x0], $0xffff;
	v52 =	vmul.f32 v58, v58;
	v35 =	vadd.f32 v37, v35;
	v28 =	vadd.f32 v32, v28  }
0x3b0: {  	v39 =	vld.idx.msk [tilespmem:v39+s17+$0x0], $0xffff;
	v37 =	vand.u32 $0x7FF8, v62;
	v32 =	vadd.f32 v63, v45;
	v53 =	vmul.f32 v60, v59  }
0x3b1: {  	v41 =	vld.idx.msk [tilespmem:v41+s17+$0x0], $0xffff;
	v54 =	vmul.f32 v59, v59;
	v37 =	vor.u32 v11, v37;
	v35 =	vadd.f32 v43, v35  }
0x3b2: {  	v29 =	vld.idx.msk [tilespmem:v29+s17+$0x0], $0xffff;
	v28 =	vadd.f32 v52, v28;
	v55 =	vmul.f32 v60, v60;
	v32 =	vadd.f32 v53, v32  }
0x3b3: {  	v56 =	vld.idx.msk [tilespmem:v44+s17+$0x0], $0xffff;
	v35 =	vadd.f32 v54, v35  }
0x3b4: {  	v25 =	vadd.f32 v31, v25;
	v57 =	vld.idx.msk [tilespmem:v49+s17+$0x0], $0xffff;
	v28 =	vadd.f32 v55, v28;
	[tilespmem:s25+$0xCBEE] =	vst v32  }
0x3b5: {  	v42 =	vld.idx.msk [tilespmem:v42+s17+$0x0], $0xffff;
	[tilespmem:s25+$0xCCFE] =	vst v35  }
0x3b6: {  	v25 =	vadd.f32 v33, v25;
	v58 =	vld.idx.msk [tilespmem:v37+s17+$0x0], $0xffff;
	[tilespmem:s25+$0xCE0E] =	vst v28  }
0x3b7: {  	v46 =	vadd.s32 s31, v22;
	v51 =	vadd.s32 s31, v23;
	v27 =	vadd.f32 v36, v27;
	v28 =	vld [tilespmem:s28+$0x75C0]  }
0x3b8: {  	v25 =	vadd.f32 v34, v25;
	v44 =	vadd.s32 s26, v20;
	v26 =	vadd.f32 v29, v26;
	v60 =	vld [tilespmem:s28+$0x95C0]  }
0x3b9: {  	v36 =	vadd.s32 s26, v21;
	v34 =	vand.u32 $0x3FF8, v44;
	v27 =	vadd.f32 v41, v27;
	v62 =	vld [tilespmem:s28+$0x75D0]  }
0x3ba: {  	v59 =	vadd.s32 s26, v19;
	v41 =	vand.u32 $0x7FF8, v51;
	v26 =	vadd.f32 v38, v26;
	v63 =	vld [tilespmem:s28+$0x95D0]  }
0x3bb: {  	s31 =	sadd.s32 $0x110, s25;
	v51 =	vadd.s32 s25, v2;
	v32 =	vand.u32 $0x3FF8, v59;
	v27 =	vadd.f32 v42, v27;
	v45 =	vld [tilespmem:s28+$0x75E0]  }
0x3bc: {  	v59 =	vor.u32 v15, v41;
	v47 =	vld [tilespmem:s28+$0x95E0];
	v42 =	vadd.s32 s31, v2;
	v61 =	vadd.f32 v39, v26  }
0x3bd: {  	v48 =	vld [tilespmem:s28+$0x75F0];
	v26 =	vor.u32 v7, v32;
	v37 =	vand.u32 $0x7FFFFFF8, v42;
	v27 =	vadd.f32 v56, v27  }
0x3be: {  	v50 =	vld [tilespmem:s28+$0x95F0];
	v44 =	vor.u32 v3, v37;
	v49 =	vmul.f32 v60, v28;
	v28 =	vmul.f32 v28, v28  }
0x3bf: {  	v35 =	vadd.f32 v40, v61;
	v33 =	vmul.f32 v60, v60;
	v52 =	vmul.f32 v63, v62  }
0x3c0: {  	v27 =	vadd.f32 v57, v27;
	v30 =	vmul.f32 v62, v62;
	v32 =	vmul.f32 v63, v63  }
0x3c1: {  	v35 =	vmax.f32 v35, $1.000000020e-24;
	v54 =	vmul.f32 v47, v45;
	v29 =	vmul.f32 v45, v45  }
0x3c2: {  	v57 =	vmul.f32 v47, v47;
	v62 =	vadd.s32 s31, v0;
	v63 =	vmul.f32 v48, v48  }
0x3c3: {  	v43 =	vmul.f32 v50, v50;
	v45 =	vadd.s32 s31, v4;
	v31 =	vadd.f32 v58, v27  }
0x3c4: {  	v27 =	vand.u32 $0x7FF8, v46;
	v53 =	vshra.s32 v35, $0x1;
	v58 =	vmul.f32 v50, v48  }
0x3c5: {  	v46 =	vadd.s32 s25, v0;
	v37 =	vand.u32 $0x7FFFFFF8, v45;
	v39 =	vadd.f32 v52, v49  }
0x3c6: {  	v27 =	vor.u32 v13, v27;
	v28 =	vadd.f32 v30, v28;
	v55 =	vadd.f32 v32, v33  }
0x3c7: {  	v41 =	vsub.s32 $0x5F3759DF, v53;
	v32 =	vand.u32 $0x7FFFFFF8, v62;
	v56 =	vadd.f32 v54, v39  }
0x3c8: {  	v47 =	vand.u32 $0x3FF8, v46;
	v48 =	vor.u32 v5, v37;
	v28 =	vadd.f32 v29, v28  }
0x3c9: {  	v32 =	vor.u32 v1, v32;
	v60 =	vadd.f32 v57, v55;
	v61 =	vadd.f32 v58, v56  }
0x3ca: {  	v49 =	vadd.s32 s31, v6;
	v53 =	vadd.s32 s31, v8;
	v28 =	vadd.f32 v63, v28  }
0x3cb: {  	v52 =	vand.u32 $0x7FFFFFF8, v49;
	v37 =	vand.u32 $0x7FFFFFF8, v53;
	v29 =	vadd.f32 v43, v60;
	[tilespmem:s25+$0xCBFF] =	vst v61  }
0x3cc: {  	v54 =	vadd.s32 s25, v4;
	v37 =	vor.u32 v9, v37;
	v55 =	vadd.s32 s31, v10;
	[tilespmem:s25+$0xCD0F] =	vst v28  }
0x3cd: {  	v40 =	vand.u32 $0x3FF8, v54;
	v42 =	vand.u32 $0x7FFFFFF8, v55;
	v50 =	vld.idx.msk [tilespmem:v27+s17+$0x0], $0xffff;
	v27 =	vor.u32 v1, v47;
	[tilespmem:s25+$0xCE1F] =	vst v29  }
0x3ce: {  	v54 =	vadd.s32 s26, v22;
	v28 =	vand.u32 $0x3FF8, v51;
	v29 =	vor.u32 v7, v52;
	v32 =	vld.idx.msk [tilespmem:v32+s17+$0x0], $0xffff  }
0x3cf: {  	v40 =	vor.u32 v5, v40;
	v56 =	vadd.s32 s25, v6;
	v28 =	vor.u32 v3, v28;
	v33 =	vld.idx.msk [tilespmem:v44+s17+$0x0], $0xffff  }
0x3d0: {  	v39 =	vld.idx.msk [tilespmem:v59+s17+$0x0], $0xffff;
	v42 =	vor.u32 v11, v42;
	v58 =	vadd.s32 s31, v12;
	v43 =	vand.u32 $0x3FF8, v56  }
0x3d1: {  	v47 =	vadd.s32 s31, v14;
	v59 =	vor.u32 v7, v43;
	v61 =	vand.u32 $0x7FFFFFF8, v58;
	v30 =	vld.idx.msk [tilespmem:v48+s17+$0x0], $0xffff  }
0x3d2: {  	v43 =	vadd.s32 s26, v23;
	v46 =	vor.u32 v13, v61;
	v57 =	vld.idx.msk [tilespmem:v27+s17+$0x0], $0xffff;
	v27 =	vmul.f32 $5.000000000e-01, v35  }
0x3d3: {  	v48 =	vand.u32 $0x3FF8, v36;
	v43 =	vand.u32 $0x3FF8, v43;
	v31 =	vadd.f32 v50, v31;
	v60 =	vld.idx.msk [tilespmem:v29+s17+$0x0], $0xffff  }
0x3d4: {  	v29 =	vand.u32 $0x7FFFFFF8, v47;
	v62 =	vld.idx.msk [tilespmem:v28+s17+$0x0], $0xffff;
	v63 =	vadd.f32 v33, v32;
	v49 =	vmul.f32 v41, v27  }
0x3d5: {  	v37 =	vld.idx.msk [tilespmem:v37+s17+$0x0], $0xffff;
	v51 =	vor.u32 v15, v29;
	v29 =	vor.u32 v9, v34;
	v28 =	vor.u32 v11, v48  }
0x3d6: {  	s29 =	sadd.s32 $0x220, s25;
	v50 =	vld.idx.msk [tilespmem:v40+s17+$0x0], $0xffff;
	v31 =	vadd.f32 v39, v31;
	v34 =	vand.u32 $0x3FF8, v54;
	v30 =	vadd.f32 v30, v63  }
0x3d7: {  	v53 =	vld.idx.msk [tilespmem:v42+s17+$0x0], $0xffff;
	v54 =	vadd.s32 s29, v6;
	v52 =	vmul.f32 v41, v49;
	v63 =	vadd.s32 s25, v8  }
0x3d8: {  	v35 =	vld.idx.msk [tilespmem:v59+s17+$0x0], $0xffff;
	v31 =	vmax.f32 v31, $1.000000020e-24;
	v39 =	vand.u32 $0x3FF8, v63;
	v30 =	vadd.f32 v60, v30  }
0x3d9: {  	v33 =	vsub.f32 $1.500000000e+00, v52;
	v60 =	vadd.s32 s29, v0;
	v55 =	vadd.f32 v62, v57  }
0x3da: {  	v52 =	vadd.s32 s29, v4;
	v39 =	vor.u32 v9, v39;
	v37 =	vadd.f32 v37, v30  }
0x3db: {  	v57 =	vshra.s32 v31, $0x1;
	v61 =	vand.u32 $0x7FFFFFF8, v60;
	v58 =	vadd.f32 v50, v55  }
0x3dc: {  	v62 =	vadd.s32 s29, v2;
	v30 =	vmul.f32 v41, v33;
	v36 =	vadd.f32 v53, v37  }
0x3dd: {  	v56 =	vld.idx.msk [tilespmem:v46+s17+$0x0], $0xffff;
	v37 =	vand.u32 $0x7FFFFFF8, v62;
	v33 =	vadd.f32 v35, v58;
	v35 =	vor.u32 v1, v61  }
0x3de: {  	v40 =	vand.u32 $0x7FFFFFF8, v52;
	v60 =	vadd.s32 s29, v12;
	v37 =	vor.u32 v3, v37  }
0x3df: {  	v31 =	vmul.f32 $5.000000000e-01, v31;
	v52 =	vadd.s32 s29, v16;
	v40 =	vor.u32 v5, v40  }
0x3e0: {  	v41 =	vand.u32 $0x7FFFFFF8, v54;
	v55 =	vadd.s32 s31, v17;
	v53 =	vadd.s32 s31, v16  }
0x3e1: {  	v41 =	vor.u32 v7, v41;
	v42 =	vand.u32 $0x7FFFFFF8, v55;
	v38 =	vand.u32 $0x7FFFFFF8, v53  }
0x3e2: {  	v36 =	vadd.f32 v56, v36;
	v38 =	vor.u32 v1, v38;
	v56 =	vadd.s32 s29, v8;
	v35 =	vld.idx.msk [tilespmem:v35+s17+$0x0], $0xffff  }
0x3e3: {  	v32 =	vsub.s32 $0x5F3759DF, v57;
	v42 =	vor.u32 v3, v42;
	v44 =	vand.u32 $0x7FFFFFF8, v56;
	v37 =	vld.idx.msk [tilespmem:v37+s17+$0x0], $0xffff  }
0x3e4: {  	v59 =	vld.idx.msk [tilespmem:v51+s17+$0x0], $0xffff;
	v57 =	vadd.s32 s31, v18;
	v58 =	vadd.s32 s29, v10;
	v44 =	vor.u32 v9, v44  }
0x3e5: {  	v48 =	vand.u32 $0x7FFFFFF8, v60;
	v60 =	vadd.s32 s29, v19;
	v46 =	vand.u32 $0x7FFFFFF8, v58;
	v40 =	vld.idx.msk [tilespmem:v40+s17+$0x0], $0xffff  }
0x3e6: {  	v45 =	vand.u32 $0x7FFFFFF8, v57;
	v57 =	vadd.s32 s29, v18;
	v46 =	vor.u32 v11, v46;
	v41 =	vld.idx.msk [tilespmem:v41+s17+$0x0], $0xffff  }
0x3e7: {  	v45 =	vor.u32 v5, v45;
	v62 =	vadd.s32 s29, v14;
	v55 =	vadd.s32 s29, v17;
	v38 =	vld.idx.msk [tilespmem:v38+s17+$0x0], $0xffff  }
0x3e8: {  	v61 =	vor.u32 v13, v48;
	v48 =	vand.u32 $0x7FFFFFF8, v62;
	v42 =	vld.idx.msk [tilespmem:v42+s17+$0x0], $0xffff;
	v35 =	vadd.f32 v37, v35  }
0x3e9: {  	v53 =	vadd.s32 s31, v20;
	v36 =	vadd.f32 v59, v36;
	v59 =	vadd.s32 s31, v19;
	v44 =	vld.idx.msk [tilespmem:v44+s17+$0x0], $0xffff  }
0x3ea: {  	v63 =	vor.u32 v15, v48;
	v47 =	vand.u32 $0x7FFFFFF8, v59;
	v35 =	vadd.f32 v40, v35  }
0x3eb: {  	v62 =	vadd.s32 s29, v20;
	v48 =	vand.u32 $0x7FFFFFF8, v52;
	v47 =	vor.u32 v7, v47;
	v46 =	vld.idx.msk [tilespmem:v46+s17+$0x0], $0xffff  }
0x3ec: {  	v54 =	vor.u32 v1, v48;
	v36 =	vadd.f32 v38, v36;
	v35 =	vadd.f32 v41, v35  }
0x3ed: {  	v58 =	vadd.s32 s25, v10;
	v52 =	vadd.s32 s29, v21;
	v56 =	vand.u32 $0x7FFFFFF8, v55;
	v37 =	vld.idx.msk [tilespmem:v61+s17+$0x0], $0xffff  }
0x3ee: {  	v45 =	vld.idx.msk [tilespmem:v45+s17+$0x0], $0xffff;
	v36 =	vadd.f32 v42, v36;
	v42 =	vor.u32 v3, v56;
	v35 =	vadd.f32 v44, v35  }
0x3ef: {  	v55 =	vadd.s32 s29, v23;
	v59 =	vadd.s32 s31, v21;
	v40 =	vld.idx.msk [tilespmem:v63+s17+$0x0], $0xffff;
	v44 =	vand.u32 $0x7FFFFFF8, v57  }
0x3f0: {  	v47 =	vld.idx.msk [tilespmem:v47+s17+$0x0], $0xffff;
	v38 =	vand.u32 $0x7FFFFFF8, v53;
	v44 =	vor.u32 v5, v44;
	v35 =	vadd.f32 v46, v35  }
0x3f1: {  	v61 =	vadd.s32 s31, v22;
	v53 =	vadd.s32 s29, v22;
	v38 =	vor.u32 v9, v38;
	v41 =	vld.idx.msk [tilespmem:v54+s17+$0x0], $0xffff  }
0x3f2: {  	v63 =	vadd.s32 s31, v23;
	v35 =	vadd.f32 v37, v35;
	v37 =	vand.u32 $0x7FFFFFF8, v60  }
0x3f3: {  	v36 =	vadd.f32 v45, v36;
	v46 =	vand.u32 $0x7FFFFFF8, v59;
	v42 =	vld.idx.msk [tilespmem:v42+s17+$0x0], $0xffff;
	v37 =	vor.u32 v7, v37  }
0x3f4: {  	v46 =	vor.u32 v11, v46;
	v35 =	vadd.f32 v40, v35;
	v40 =	vand.u32 $0x7FFFFFF8, v62  }
0x3f5: {  	v36 =	vadd.f32 v47, v36;
	v47 =	vand.u32 $0x7FFFFFF8, v61;
	v44 =	vld.idx.msk [tilespmem:v44+s17+$0x0], $0xffff;
	v40 =	vor.u32 v9, v40  }
0x3f6: {  	v39 =	vld.idx.msk [tilespmem:v39+s17+$0x0], $0xffff;
	v47 =	vor.u32 v13, v47;
	v35 =	vadd.f32 v41, v35;
	v41 =	vand.u32 $0x7FFFFFF8, v52  }
0x3f7: {  	v48 =	vand.u32 $0x7FFFFFF8, v63;
	v56 =	vmul.f32 v32, v31;
	v38 =	vld.idx.msk [tilespmem:v38+s17+$0x0], $0xffff;
	v41 =	vor.u32 v11, v41  }
0x3f8: {  	v54 =	vor.u32 v15, v48;
	v35 =	vadd.f32 v42, v35;
	v37 =	vld.idx.msk [tilespmem:v37+s17+$0x0], $0xffff;
	v42 =	vand.u32 $0x7FFFFFF8, v53  }
0x3f9: {  	v45 =	vand.u32 $0x3FF8, v58;
	v48 =	vmul.f32 v32, v56;
	v46 =	vld.idx.msk [tilespmem:v46+s17+$0x0], $0xffff;
	v42 =	vor.u32 v13, v42  }
0x3fa: {  	v45 =	vor.u32 v11, v45;
	v35 =	vadd.f32 v44, v35;
	v40 =	vld.idx.msk [tilespmem:v40+s17+$0x0], $0xffff;
	v44 =	vand.u32 $0x7FFFFFF8, v55  }
0x3fb: {  	v43 =	vor.u32 v15, v43;
	v47 =	vld.idx.msk [tilespmem:v47+s17+$0x0], $0xffff;
	v44 =	vor.u32 v15, v44  }
0x3fc: {  	v34 =	vor.u32 v13, v34;
	v33 =	vadd.f32 v39, v33;
	v48 =	vsub.f32 $1.500000000e+00, v48;
	v41 =	vld.idx.msk [tilespmem:v41+s17+$0x0], $0xffff  }
0x3fd: {  	v58 =	vadd.s32 s25, v12;
	v36 =	vadd.f32 v38, v36;
	v38 =	vld.idx.msk [tilespmem:v54+s17+$0x0], $0xffff;
	v35 =	vadd.f32 v37, v35  }
0x3fe: {  	v56 =	vadd.s32 s25, v21;
	v57 =	vmul.f32 v30, v27;
	v59 =	vadd.s32 s25, v14;
	v42 =	vld.idx.msk [tilespmem:v42+s17+$0x0], $0xffff  }
0x3ff: {  	v32 =	vmul.f32 v32, v48;
	v45 =	vld.idx.msk [tilespmem:v45+s17+$0x0], $0xffff;
	v36 =	vadd.f32 v46, v36;
	v35 =	vadd.f32 v40, v35  }
0x400: {  	v48 =	vadd.s32 s25, v18;
	v60 =	vadd.s32 s25, v16;
	v37 =	vand.u32 $0x3FF8, v58;
	v44 =	vld.idx.msk [tilespmem:v44+s17+$0x0], $0xffff  }
0x401: {  	v36 =	vadd.f32 v47, v36;
	v37 =	vor.u32 v13, v37;
	v35 =	vadd.f32 v41, v35  }
0x402: {  	v62 =	vadd.s32 s25, v17;
	v47 =	vand.u32 $0x3FF8, v60;
	v40 =	vand.u32 $0x3FF8, v59  }
0x403: {  	v36 =	vadd.f32 v38, v36;
	v40 =	vor.u32 v15, v40;
	v35 =	vadd.f32 v42, v35  }
0x404: {  	v54 =	vadd.s32 s25, v20;
	v33 =	vadd.f32 v45, v33;
	v61 =	vor.u32 v1, v47  }
0x405: {  	v41 =	vand.u32 $0x3FF8, v62;
	v36 =	vmax.f32 v36, $1.000000020e-24;
	v35 =	vadd.f32 v44, v35  }
0x406: {  	v63 =	vor.u32 v3, v41;
	v49 =	vshra.s32 v36, $0x1;
	v36 =	vmul.f32 $5.000000000e-01, v36;
	v37 =	vld.idx.msk [tilespmem:v37+s17+$0x0], $0xffff  }
0x407: {  	v41 =	vand.u32 $0x3FF8, v48;
	v42 =	vsub.s32 $0x5F3759DF, v49;
	v35 =	vmax.f32 v35, $1.000000020e-24  }
0x408: {  	v50 =	vmul.f32 v42, v36;
	v40 =	vld.idx.msk [tilespmem:v40+s17+$0x0], $0xffff;
	v51 =	vshra.s32 v35, $0x1;
	v35 =	vmul.f32 $5.000000000e-01, v35  }
0x409: {  	v46 =	vmul.f32 v57, v30;
	v41 =	vor.u32 v5, v41;
	v45 =	vsub.s32 $0x5F3759DF, v51  }
0x40a: {  	v52 =	vadd.s32 s25, v19;
	v39 =	vld.idx.msk [tilespmem:v61+s17+$0x0], $0xffff;
	v44 =	vmul.f32 v42, v50;
	v53 =	vmul.f32 v45, v35  }
0x40b: {  	v46 =	vsub.f32 $1.500000000e+00, v46;
	v33 =	vadd.f32 v37, v33;
	v37 =	vand.u32 $0x3FF8, v52  }
0x40c: {  	v38 =	vld.idx.msk [tilespmem:v63+s17+$0x0], $0xffff;
	v44 =	vsub.f32 $1.500000000e+00, v44;
	v37 =	vor.u32 v7, v37;
	v47 =	vmul.f32 v45, v53  }
0x40d: {  	v59 =	vadd.s32 s25, v22;
	v33 =	vadd.f32 v40, v33;
	v40 =	vand.u32 $0x3FF8, v54  }
0x40e: {  	v41 =	vld.idx.msk [tilespmem:v41+s17+$0x0], $0xffff;
	v42 =	vmul.f32 v42, v44;
	v55 =	vor.u32 v9, v40;
	v57 =	vsub.f32 $1.500000000e+00, v47  }
0x40f: {  	v62 =	vadd.s32 s25, v23;
	v40 =	vand.u32 $0x3FF8, v56;
	v33 =	vadd.f32 v39, v33  }
0x410: {  	v26 =	vld.idx.msk [tilespmem:v26+s17+$0x0], $0xffff;
	v58 =	vor.u32 v11, v40;
	v60 =	vmul.f32 v42, v36;
	v44 =	vmul.f32 v45, v57  }
0x411: {  	v61 =	vmul.f32 v32, v31;
	v40 =	vand.u32 $0x3FF8, v59;
	v33 =	vadd.f32 v38, v33;
	v37 =	vld.idx.msk [tilespmem:v37+s17+$0x0], $0xffff  }
0x412: {  	v29 =	vld.idx.msk [tilespmem:v29+s17+$0x0], $0xffff;
	v40 =	vor.u32 v13, v40;
	v47 =	vmul.f32 v60, v42;
	v63 =	vmul.f32 v44, v35  }
0x413: {  	v33 =	vadd.f32 v41, v33;
	v45 =	vmul.f32 v61, v32;
	v39 =	vld.idx.msk [tilespmem:v55+s17+$0x0], $0xffff;
	v41 =	vand.u32 $0x3FF8, v62  }
0x414: {  	v28 =	vld.idx.msk [tilespmem:v28+s17+$0x0], $0xffff;
	v47 =	vsub.f32 $1.500000000e+00, v47;
	v41 =	vor.u32 v15, v41;
	v48 =	vmul.f32 v63, v44  }
0x415: {  	v25 =	vadd.f32 v26, v25;
	v26 =	vmul.f32 v46, v30;
	v38 =	vld.idx.msk [tilespmem:v58+s17+$0x0], $0xffff;
	v46 =	vsub.f32 $1.500000000e+00, v45  }
0x416: {  	v34 =	vld.idx.msk [tilespmem:v34+s17+$0x0], $0xffff;
	v49 =	vmul.f32 v47, v42;
	v33 =	vadd.f32 v37, v33;
	v50 =	vsub.f32 $1.500000000e+00, v48  }
0x417: {  	v25 =	vadd.f32 v29, v25;
	v27 =	vmul.f32 v26, v27;
	v52 =	vld.idx.msk [tilespmem:v40+s17+$0x0], $0xffff;
	v51 =	vmul.f32 v46, v32  }
0x418: {  	v55 =	vld.idx.msk [tilespmem:v43+s17+$0x0], $0xffff;
	v36 =	vmul.f32 v49, v36;
	v53 =	vadd.f32 v39, v33;
	v54 =	vmul.f32 v50, v44  }
0x419: {  	v25 =	vadd.f32 v28, v25;
	v27 =	vmul.f32 v27, v26;
	v56 =	vmul.f32 v51, v31;
	v57 =	vld.idx.msk [tilespmem:v41+s17+$0x0], $0xffff  }
0x41a: {  	v36 =	vmul.f32 v36, v49;
	v32 =	vadd.f32 v38, v53;
	v35 =	vmul.f32 v54, v35  }
0x41b: {  	v25 =	vadd.f32 v34, v25;
	v27 =	vsub.f32 $1.500000000e+00, v27;
	v28 =	vmul.f32 v56, v51  }
0x41c: {  	v58 =	vsub.f32 $1.500000000e+00, v36;
	v30 =	vadd.f32 v52, v32;
	v59 =	vmul.f32 v35, v54  }
0x41d: {  	v26 =	vmul.f32 v27, v26;
	v25 =	vadd.f32 v55, v25;
	v27 =	vsub.f32 $1.500000000e+00, v28  }
0x41e: {  	v61 =	vmul.f32 v58, v49;
	v60 =	vadd.f32 v57, v30;
	v62 =	vsub.f32 $1.500000000e+00, v59  }
0x41f: {  	p1 =	slt.u32 s23, $0x6;
	v25 =	vmul.f32 v26, v25;
	v26 =	vmul.f32 v27, v51  }
.Ltmp3:
0x420: {  	v27 =	vmul.f32 v61, v60;
	v63 =	vmul.f32 v62, v54;
	(pc) =	sbr.rel @p1 .LBB2_5-.Ltmp3, $4  }
0x421: {  	s30 =	sshll.u32 s23, $0x4;
	v25 =	vmul.f32 v26, v25  }
0x422: {  	s24 =	sshll.u32 s24, $0x4;
	s25 =	sand.u32 $0x3FFFFFF0, s30;
	v26 =	vmul.f32 v63, v27  }
0x423: {  	s24 =	sand.u32 $0x3FFFFFF0, s24;
	s31 =	sadd.s32 $0x2, s23;
	[tilespmem:v24+s25+$0x0 ss:$0x1] =	vst.idx.msk $0xffff, v25  }
0x424: {  	s23 =	smov.u32 s31;
	[tilespmem:v24+s24+$0x0 ss:$0x1] =	vst.idx.msk $0xffff, v26  }
.Ltmp4:
0x425: {  	(pc) =	sbr.rel @p0 .LBB2_8-.Ltmp4, $1  }
0x426: {  	_ =	sdelay $0x3  }
.Ltmp5:
0x427: {  	(pc) =	sbr.rel .LBB2_2-.Ltmp5, $4  }
0x428: {  	s23 =	sadd.s32 $0x180, s22  }
0x429: {  	[tilespmem:s13], [sflag:$0x2] =	stream.indirect.gather [hbm4b:s3+s10], $0x40, s23, s10, $0xb8;
	[tilespmem:$0xE480] =	vst v63  }
0x42a: {  	s31 =	sadd.s32 $0x1A80, s22;
	s21 =	sadd.s32 $0x1, s21  }
0x42b: {  	[tilespmem:s15], [sflag:$0x2] =	stream.indirect.gather [hbm4b:s3+s10], $0x40, s31, s10, $0xb8;
	[tilespmem:$0xE480] =	vst v63  }
.LBB2_9:
0x42c: {  	_ =	sfence.sel $0x180000  }
0x42d: {  	[bflag:$0x0] =	sbarrier.arrive $0xFFFF  }
0x42e: {  	p0 =	sne.s32 s0, $0x0;
	_ =	strace $0x90000047  }
0x42f: {  	s0 =	sadd.s32 @!p0 $0x100000, s1;
	[bflag:$0x2] =	sbarrier.arrive $0xFFFF  }
0x430: {  	[sflag:s0] =	ssyncadd.tile.s32 @!p0 $0x1;
	_ =	shalt  }
.Lfunc_end2:
_tile_overlayer_lowered:
.L_overlay_start_2:
0x431: {  	(tag) =	ssettag $0x2  }
0x432: {  	s0 =	rddreg [dreg:$0x0];
	s2 =	stileid.u32  }
0x433: {  	s1 =	rddreg [dreg:$0x1];
	p0 =	sne.s32 s2, $0x0  }
0x434: {  	s3 =	rddreg [dreg:$0x2];
	[bflag:$0x3] =	sbarrier.arrive $0xFFFF;
	s2 =	simm.s32 @!p0 $0x1C03  }
0x435: {  	[timem:s3], [sflag:s2] =	dma.local @!p0 [hbm:s0], s1  }
0x436: {  	s0 =	simm.s32 @!p0 $0x3  }
0x437: {  	_ =	swait.ge @!p0 [sflag:s0], s1  }
0x438: {  	s1 =	ssub.s32 @!p0 $0x0, s1;
	[sflag:s0] =	ssyncset.done @!p0 $0x0  }
0x439: {  	[sflag:s0] =	ssyncadd.s32 @!p0 s1  }
0x43a: {  	[bflag:$0x3] =	sbarrier.arrive $0xFFFF  }
0x43b: {  	_ =	shalt  }

</sc_bundles>
